<compile_context>
chip_gen: v7x
topology: tpu7x:2x2x1
jax: 0.10.2.dev20260603
libtpu: 0.0.44.dev20260713+nightly
codegen_flags: <defaults>
</compile_context>

<pallas_src>
import functools

import jax
import jax.numpy as jnp
from jax import lax
from jax.experimental import pallas as pl
from jax.experimental.pallas import tpu as pltpu
from jax.experimental.pallas import tpu_sc as plsc

_G = 64
_SC_PARAMS = pltpu.CompilerParams(needs_layout_passes=False)
_C = 2000
_CA = 8000
_CPT = 4
_NTILES = 32
_NC = 2


def _wid():
    return lax.axis_index("s") * _NC + lax.axis_index("c")


def _sc_deg_body(sd_hbm, ew_hbm, degp_hbm, acc, dv0, wv0, dv1, wv1,
                 sem0, sem1, *, N, E):
    wid = _wid()
    epp = E // _NTILES
    zero = jnp.zeros((16,), jnp.float32)
    bufs = [[dv0, wv0], [dv1, wv1]]

    def process(slot):
        sdv, ewv = bufs[slot]

        @plsc.parallel_loop(0, _C // 16, unroll=4)
        def ib(i):
            v16 = sdv[pl.ds(i * 16, 16)]
            d16 = lax.shift_right_logical(v16, 16)
            w16 = ewv[pl.ds(i * 16, 16)]
            plsc.addupdate_scatter(acc, [d16], w16)

    off0 = wid * epp
    pltpu.async_copy(sd_hbm.at[pl.ds(off0, _C)], dv0, sem0)
    pltpu.async_copy(ew_hbm.at[pl.ds(off0, _C)], wv0, sem0)

    @plsc.parallel_loop(0, N // 16, unroll=4)
    def zbody(i):
        acc[pl.ds(i * 16, 16)] = zero

    nch = epp // _C

    def fire(slot, cidx):
        off = off0 + cidx * _C
        d, w, s = (dv0, wv0, sem0) if slot == 0 else (dv1, wv1, sem1)
        pltpu.async_copy(sd_hbm.at[pl.ds(off, _C)], d, s)
        pltpu.async_copy(ew_hbm.at[pl.ds(off, _C)], w, s)

    def wait(slot):
        d, w, s = (dv0, wv0, sem0) if slot == 0 else (dv1, wv1, sem1)
        pltpu.make_async_copy(sd_hbm.at[pl.ds(0, _C)], d, s).wait()
        pltpu.make_async_copy(ew_hbm.at[pl.ds(0, _C)], w, s).wait()

    def pairbody(i, c):
        c0 = 2 * i
        fire(1, c0 + 1)
        wait(0)
        process(0)

        @pl.when(c0 + 2 < nch)
        def _():
            fire(0, c0 + 2)

        wait(1)
        process(1)
        return c

    lax.fori_loop(0, nch // 2, pairbody, 0)
    if nch % 2 == 1:
        wait(0)
        process(0)
    pltpu.sync_copy(acc, degp_hbm.at[wid])


def _sc_deg(sd, ew, N, E):
    mesh = plsc.VectorSubcoreMesh(core_axis_name="c", subcore_axis_name="s")
    body = functools.partial(_sc_deg_body, N=N, E=E)
    f = pl.kernel(
        body,
        out_type=jax.ShapeDtypeStruct((_NTILES, N), jnp.float32),
        mesh=mesh,
        compiler_params=_SC_PARAMS,
        scratch_types=[
            pltpu.VMEM((N,), jnp.float32),
            pltpu.VMEM((_C,), jnp.int32),
            pltpu.VMEM((_C,), jnp.float32),
            pltpu.VMEM((_C,), jnp.int32),
            pltpu.VMEM((_C,), jnp.float32),
            pltpu.SemaphoreType.DMA,
            pltpu.SemaphoreType.DMA,
        ],
    )
    return f(sd, ew)


def _sc_agg_body(u_hbm, sd_hbm, ew_hbm, y_hbm, scratches, *, N, E, d):
    ucols = scratches[:_CPT]
    accs = scratches[_CPT:2 * _CPT]
    ebufs = [scratches[2 * _CPT:2 * _CPT + 2],
             scratches[2 * _CPT + 2:2 * _CPT + 4]]
    usem, sem0, sem1 = scratches[2 * _CPT + 4:]
    sems = [sem0, sem1]
    ncg = d // _CPT
    P = _NTILES // ncg
    epp = E // P
    nch = epp // _CA
    wid = _wid()
    p = wid // ncg
    cg = wid % ncg
    ebase = p * epp
    hbms = [sd_hbm, ew_hbm]

    def fire(slot, cidx):
        off = ebase + cidx * _CA
        for h, b in zip(hbms, ebufs[slot]):
            pltpu.async_copy(h.at[pl.ds(off, _CA)], b, sems[slot])

    def wait(slot):
        for h, b in zip(hbms, ebufs[slot]):
            pltpu.make_async_copy(h.at[pl.ds(0, _CA)], b, sems[slot]).wait()

    def process(slot):
        sdv, ewv = ebufs[slot]

        @plsc.parallel_loop(0, _CA // 16, unroll=5)
        def ib(i):
            v16 = sdv[pl.ds(i * 16, 16)]
            s16 = lax.bitwise_and(v16, 0xFFFF)
            d16 = lax.shift_right_logical(v16, 16)
            w16 = ewv[pl.ds(i * 16, 16)]
            for r in range(_CPT):
                g = plsc.load_gather(ucols[r], [s16])
                plsc.addupdate_scatter(accs[r], [d16], g * w16)

    fire(0, 0)
    for r in range(_CPT):
        pltpu.async_copy(u_hbm.at[cg * _CPT + r], ucols[r], usem)

    zero = jnp.zeros((16,), jnp.float32)

    @plsc.parallel_loop(0, N // 16, unroll=4)
    def zbody(i):
        for r in range(_CPT):
            accs[r][pl.ds(i * 16, 16)] = zero

    for r in range(_CPT):
        pltpu.make_async_copy(u_hbm.at[cg * _CPT + r], ucols[r], usem).wait()

    def pairbody(i, c):
        c0 = 2 * i
        fire(1, c0 + 1)
        wait(0)
        process(0)

        @pl.when(c0 + 2 < nch)
        def _():
            fire(0, c0 + 2)

        wait(1)
        process(1)
        return c

    lax.fori_loop(0, nch // 2, pairbody, 0)
    if nch % 2 == 1:
        wait(0)
        process(0)

    for r in range(_CPT):
        pltpu.async_copy(accs[r], y_hbm.at[p, cg * _CPT + r], usem)
    for r in range(_CPT):
        pltpu.make_async_copy(accs[r], y_hbm.at[p, cg * _CPT + r], usem).wait()


def _sc_agg(u, sd, ew, N, E):
    d = u.shape[0]
    ncg = d // _CPT
    P = _NTILES // ncg
    mesh = plsc.VectorSubcoreMesh(core_axis_name="c", subcore_axis_name="s")

    def body(u_hbm, sd_hbm, ew_hbm, y_hbm, *scratches):
        _sc_agg_body(u_hbm, sd_hbm, ew_hbm, y_hbm, scratches,
                     N=N, E=E, d=d)

    f = pl.kernel(
        body,
        out_type=jax.ShapeDtypeStruct((P, d, N), jnp.float32),
        mesh=mesh,
        compiler_params=_SC_PARAMS,
        scratch_types=(
            [pltpu.VMEM((N,), jnp.float32) for _ in range(2 * _CPT)]
            + [pltpu.VMEM((_CA,), jnp.int32),
               pltpu.VMEM((_CA,), jnp.float32)] * 2
            + [pltpu.SemaphoreType.DMA] * 3
        ),
    )
    return f(u, sd, ew)


def _tc_h1_body(x_ref, w_ref, h_ref):
    h_ref[...] = lax.dot_general(w_ref[...], x_ref[...], (((0,), (1,)), ((), ())),
                                 preferred_element_type=jnp.float32)


def _tc_dis_body(degp_ref, h_ref, dis_ref, u_ref):
    deg = 1.0 + jnp.sum(degp_ref[...], axis=0, keepdims=True)
    dis = lax.rsqrt(deg)
    dis_ref[...] = dis
    u_ref[...] = dis * h_ref[...]


def _tc_combine_body(y_ref, u_ref, dis_ref, b_ref, out_ref):
    ysum = jnp.sum(y_ref[...], axis=0)
    a = dis_ref[...] * (ysum + u_ref[...])
    out_ref[...] = dis_ref[...] * jnp.maximum(a + b_ref[...], 0.0)


def _tc_layer_body(y_ref, u_ref, dis_ref, w_ref, b_ref, out_ref):
    ysum = jnp.sum(y_ref[...], axis=0)
    a = dis_ref[...] * (ysum + u_ref[...])
    h = lax.dot_general(w_ref[...], a, (((0,), (0,)), ((), ())),
                        preferred_element_type=jnp.float32)
    out_ref[...] = dis_ref[...] * jnp.maximum(h + b_ref[...], 0.0)


def _tc_final_body(y_ref, u_ref, dis_ref, w_ref, b_ref, batch_ref, out_ref):
    N = u_ref.shape[1]
    ysum = jnp.sum(y_ref[...], axis=0)
    a = dis_ref[...] * (ysum + u_ref[...])
    h = lax.dot_general(w_ref[...], a, (((0,), (0,)), ((), ())),
                        preferred_element_type=jnp.float32) + b_ref[...]
    gids = lax.broadcasted_iota(jnp.int32, (_G, N), 0)
    oh = (gids == batch_ref[...]).astype(jnp.float32)
    pooled = lax.dot_general(oh, h, (((1,), (1,)), ((), ())),
                             preferred_element_type=jnp.float32)
    out_ref[...] = jnp.maximum(pooled, 0.0)


def _tc_call(body, out_shape, *args):
    return pl.pallas_call(body, out_shape=out_shape)(*args)


def kernel(x, edge_index, edge_weight, batch, W1, b1, W2, b2, W3, b3,
           W4, b4, W5, b5):
    N = x.shape[0]
    E = edge_index.shape[1]
    f32 = jnp.float32
    src = edge_index[0]
    dst = edge_index[1]
    sd = jnp.bitwise_or(src, jnp.left_shift(dst, 16))
    b1c = jnp.reshape(b1, (-1, 1))
    b2c = jnp.reshape(b2, (-1, 1))
    b3c = jnp.reshape(b3, (-1, 1))
    b4c = jnp.reshape(b4, (-1, 1))
    b5c = jnp.reshape(b5, (-1, 1))
    batch2 = jnp.reshape(batch, (1, N))

    degp = _sc_deg(sd, edge_weight, N, E)
    h1 = _tc_call(_tc_h1_body, jax.ShapeDtypeStruct((16, N), f32), x, W1)
    dis, u1 = _tc_call(_tc_dis_body,
                       (jax.ShapeDtypeStruct((1, N), f32),
                        jax.ShapeDtypeStruct((16, N), f32)), degp, h1)

    y1 = _sc_agg(u1, sd, edge_weight, N, E)
    u2 = _tc_call(_tc_combine_body, jax.ShapeDtypeStruct((16, N), f32),
                  y1, u1, dis, b1c)

    y2 = _sc_agg(u2, sd, edge_weight, N, E)
    u3 = _tc_call(_tc_layer_body, jax.ShapeDtypeStruct((32, N), f32),
                  y2, u2, dis, W2, b2c)

    y3 = _sc_agg(u3, sd, edge_weight, N, E)
    u4 = _tc_call(_tc_layer_body, jax.ShapeDtypeStruct((64, N), f32),
                  y3, u3, dis, W3, b3c)

    y4 = _sc_agg(u4, sd, edge_weight, N, E)
    u5 = _tc_call(_tc_layer_body, jax.ShapeDtypeStruct((64, N), f32),
                  y4, u4, dis, W4, b4c)

    y5 = _sc_agg(u5, sd, edge_weight, N, E)
    out = _tc_call(_tc_final_body, jax.ShapeDtypeStruct((_G, 128), f32),
                   y5, u5, dis, W5, b5c, batch2)
    return out

# --- scband reference (transcript-rebuilt; emitter-appended) ---
"""Pipeline reference for scband-gnn-40329742909897 (READ-ONLY COPY).

The authoritative reference and input builder live on the scoring server;
editing this copy changes nothing except your own understanding.
"""

import jax, jax.numpy as jnp
import numpy as np

N = 10000
E = 320000
G = 64


def _gcn(x, src, dst, ew, W, b):
    # Faithful PyG GCNConv with edge_weight: add self-loops (weight 1),
    # symmetric normalization deg^-1/2 (A+I) deg^-1/2, then X W + b.
    n = x.shape[0]
    loop = jnp.arange(n, dtype=src.dtype)
    s = jnp.concatenate([src, loop])
    d = jnp.concatenate([dst, loop])
    w = jnp.concatenate([ew, jnp.ones((n,), x.dtype)])
    deg = jnp.zeros((n,), x.dtype).at[d].add(w)
    dis = jnp.where(deg > 0, jax.lax.rsqrt(deg), 0.0)
    norm = dis[s] * w * dis[d]
    h = x @ W
    msg = h[s] * norm[:, None]
    out = jnp.zeros((n, W.shape[1]), x.dtype).at[d].add(msg)
    return out + b


def setup_inputs(seed: int = 0):
    key = jax.random.key(seed)
    ks = jax.random.split(key, 16)
    x = jax.random.normal(ks[0], (N, 128), jnp.float32)
    edge_index = jax.random.randint(ks[1], (2, E), 0, N, dtype=jnp.int32)
    edge_weight = jax.random.uniform(ks[2], (E,), jnp.float32)
    batch = jnp.sort(jax.random.randint(ks[3], (N,), 0, G, dtype=jnp.int32))
    dims = [(128, 16), (16, 32), (32, 64), (64, 64), (64, 128)]
    params = {}
    for i, (fi, fo) in enumerate(dims):
        params['W%d' % (i + 1)] = jax.random.normal(ks[4 + 2 * i], (fi, fo), jnp.float32) / np.sqrt(fi)
        params['b%d' % (i + 1)] = jnp.zeros((fo,), jnp.float32)
    return dict(x=x, edge_index=edge_index, edge_weight=edge_weight, batch=batch, **params)


def reference(x, edge_index, edge_weight, batch, W1, b1, W2, b2, W3, b3, W4, b4, W5, b5):
    src, dst = edge_index[0], edge_index[1]
    h = jax.nn.relu(_gcn(x, src, dst, edge_weight, W1, b1))
    h = jax.nn.relu(_gcn(h, src, dst, edge_weight, W2, b2))
    h = jax.nn.relu(_gcn(h, src, dst, edge_weight, W3, b3))
    h = jax.nn.relu(_gcn(h, src, dst, edge_weight, W4, b4))
    h = _gcn(h, src, dst, edge_weight, W5, b5)
    pooled = jax.ops.segment_sum(h, batch, num_segments=G)
    return jax.nn.relu(pooled)

if __name__ == "__main__":
    import jax
    _d = setup_inputs()
    print(jax.jit(kernel)(*tuple(_d.values())))

</pallas_src>

<mosaic_0001>
#map = affine_map<(d0, d1) -> (0)>
#map1 = affine_map<(d0, d1) -> (0, 0)>
module attributes {stable_mosaic.version = 14 : i64} {
  func.func @_sc_deg_body(%arg0: i32, %arg1: i32, %arg2: memref<320000xi32, #tpu.memory_space<hbm>>, %arg3: memref<320000xf32, #tpu.memory_space<hbm>>, %arg4: memref<32x10000xf32, #tpu.memory_space<hbm>>, %arg5: memref<10000xf32, #tpu.memory_space<vmem>>, %arg6: memref<2000xi32, #tpu.memory_space<vmem>>, %arg7: memref<2000xf32, #tpu.memory_space<vmem>>, %arg8: memref<2000xi32, #tpu.memory_space<vmem>>, %arg9: memref<2000xf32, #tpu.memory_space<vmem>>, %arg10: memref<!tpu.dma_semaphore, #tpu.memory_space<semaphore_mem>>, %arg11: memref<!tpu.dma_semaphore, #tpu.memory_space<semaphore_mem>>) attributes {dimension_semantics = [#tpu.dimension_semantics<core_parallel>, #tpu.dimension_semantics<subcore_parallel>], iteration_bounds = array<i64: 2, 16>, scalar_prefetch = 0 : i64, scratch_operands = 7 : i64, tpu.core_type = #tpu.core_type<sc_vector_subcore>, window_params = [{transform_indices = #map}, {transform_indices = #map}, {transform_indices = #map1}]} {
    %mul3A = arith.constant 2 : i32
    %mul3A_0 = arith.muli %arg1, %mul3A : i32
    %add3A = arith.addi %mul3A_0, %arg0 : i32
    %broadcast_in_dim3A = arith.constant 0.000000e+00 : f32
    %broadcast_in_dim3A_1 = vector.broadcast %broadcast_in_dim3A : f32 to vector<16xf32>
    %mul3A_2 = arith.constant 10000 : i32
    %mul3A_3 = arith.muli %add3A, %mul3A_2 : i32
    %dma_start3A = tpu.memref_slice %arg2[%mul3A_3] : memref<320000xi32, #tpu.memory_space<hbm>> -> memref<2000xi32, #tpu.memory_space<hbm>>
    %dma_start3A_4 = tpu.memref_slice %arg2[%mul3A_3] : memref<320000xi32, #tpu.memory_space<hbm>> -> memref<2000xi32, #tpu.memory_space<hbm>>
    tpu.enqueue_dma source(%dma_start3A_4 : memref<2000xi32, #tpu.memory_space<hbm>>) target(%arg6 : memref<2000xi32, #tpu.memory_space<vmem>>) target_semaphore(%arg10 : memref<!tpu.dma_semaphore, #tpu.memory_space<semaphore_mem>>)
    %dma_start3A_5 = tpu.memref_slice %arg3[%mul3A_3] : memref<320000xf32, #tpu.memory_space<hbm>> -> memref<2000xf32, #tpu.memory_space<hbm>>
    %dma_start3A_6 = tpu.memref_slice %arg3[%mul3A_3] : memref<320000xf32, #tpu.memory_space<hbm>> -> memref<2000xf32, #tpu.memory_space<hbm>>
    tpu.enqueue_dma source(%dma_start3A_6 : memref<2000xf32, #tpu.memory_space<hbm>>) target(%arg7 : memref<2000xf32, #tpu.memory_space<vmem>>) target_semaphore(%arg10 : memref<!tpu.dma_semaphore, #tpu.memory_space<semaphore_mem>>)
    %parallel_loop3A = arith.constant 0 : i32
    %parallel_loop3A_7 = arith.constant 625 : i32
    %parallel_loop3A_8 = arith.constant 1 : i32
    scf.for %parallel_loop3A_24 = %parallel_loop3A to %parallel_loop3A_7 step %parallel_loop3A_8  : i32 {
      %parallel_loop3A_25 = arith.constant 16 : i32
      %parallel_loop3A_26 = arith.muli %parallel_loop3A_24, %parallel_loop3A_25 : i32
      %parallel_loop3A_27 = arith.index_cast %parallel_loop3A_26 : i32 to index
      %parallel_loop3A_28 = tpu.vector_load %arg5[%parallel_loop3A_27] {strides = array<i32>} : memref<10000xf32, #tpu.memory_space<vmem>>, vector<16xf32>,
      tpu.vector_store %arg5[%parallel_loop3A_27], %broadcast_in_dim3A_1 {strides = array<i32>} : memref<10000xf32, #tpu.memory_space<vmem>>, vector<16xf32>,
    } {sc.loop_unroll_factor = 4 : i64, sc.parallel_access}
    %scan3A = arith.constant 0 : i32
    %scan3A_9 = arith.constant 0 : i32
    %scan3A_10 = arith.constant 2 : i32
    %scan3A_11 = arith.addi %scan3A_9, %scan3A_10 : i32
    %scan3A_12 = arith.constant 1 : i32
    scf.for %scan3A_24 = %scan3A_9 to %scan3A_11 step %scan3A_12  : i32 {
      %mul3A_25 = arith.constant 2 : i32
      %mul3A_26 = arith.muli %mul3A_25, %scan3A_24 : i32
      %add3A_27 = arith.constant 1 : i32
      %add3A_28 = arith.addi %mul3A_26, %add3A_27 : i32
      %mul3A_29 = arith.constant 2000 : i32
      %mul3A_30 = arith.muli %add3A_28, %mul3A_29 : i32
      %add3A_31 = arith.addi %mul3A_3, %mul3A_30 : i32
      %dma_start3A_32 = tpu.memref_slice %arg2[%add3A_31] : memref<320000xi32, #tpu.memory_space<hbm>> -> memref<2000xi32, #tpu.memory_space<hbm>>
      %dma_start3A_33 = tpu.memref_slice %arg2[%add3A_31] : memref<320000xi32, #tpu.memory_space<hbm>> -> memref<2000xi32, #tpu.memory_space<hbm>>
      tpu.enqueue_dma source(%dma_start3A_33 : memref<2000xi32, #tpu.memory_space<hbm>>) target(%arg8 : memref<2000xi32, #tpu.memory_space<vmem>>) target_semaphore(%arg11 : memref<!tpu.dma_semaphore, #tpu.memory_space<semaphore_mem>>)
      %dma_start3A_34 = tpu.memref_slice %arg3[%add3A_31] : memref<320000xf32, #tpu.memory_space<hbm>> -> memref<2000xf32, #tpu.memory_space<hbm>>
      %dma_start3A_35 = tpu.memref_slice %arg3[%add3A_31] : memref<320000xf32, #tpu.memory_space<hbm>> -> memref<2000xf32, #tpu.memory_space<hbm>>
      tpu.enqueue_dma source(%dma_start3A_35 : memref<2000xf32, #tpu.memory_space<hbm>>) target(%arg9 : memref<2000xf32, #tpu.memory_space<vmem>>) target_semaphore(%arg11 : memref<!tpu.dma_semaphore, #tpu.memory_space<semaphore_mem>>)
      %dma_wait3A_36 = arith.constant 0 : i32
      %dma_wait3A_37 = tpu.memref_slice %arg2[%dma_wait3A_36] : memref<320000xi32, #tpu.memory_space<hbm>> -> memref<2000xi32, #tpu.memory_space<hbm>>
      %dma_wait3A_38 = arith.constant 0 : i32
      %dma_wait3A_39 = tpu.memref_slice %arg2[%dma_wait3A_38] : memref<320000xi32, #tpu.memory_space<hbm>> -> memref<2000xi32, #tpu.memory_space<hbm>>
      tpu.wait_dma2 semaphore(%arg10 : memref<!tpu.dma_semaphore, #tpu.memory_space<semaphore_mem>>) src(%dma_wait3A_39 : memref<2000xi32, #tpu.memory_space<hbm>>) dst(%arg6 : memref<2000xi32, #tpu.memory_space<vmem>>)
      %dma_wait3A_40 = arith.constant 0 : i32
      %dma_wait3A_41 = tpu.memref_slice %arg3[%dma_wait3A_40] : memref<320000xf32, #tpu.memory_space<hbm>> -> memref<2000xf32, #tpu.memory_space<hbm>>
      %dma_wait3A_42 = arith.constant 0 : i32
      %dma_wait3A_43 = tpu.memref_slice %arg3[%dma_wait3A_42] : memref<320000xf32, #tpu.memory_space<hbm>> -> memref<2000xf32, #tpu.memory_space<hbm>>
      tpu.wait_dma2 semaphore(%arg10 : memref<!tpu.dma_semaphore, #tpu.memory_space<semaphore_mem>>) src(%dma_wait3A_43 : memref<2000xf32, #tpu.memory_space<hbm>>) dst(%arg7 : memref<2000xf32, #tpu.memory_space<vmem>>)
      %parallel_loop3A_44 = arith.constant 0 : i32
      %parallel_loop3A_45 = arith.constant 125 : i32
      %parallel_loop3A_46 = arith.constant 1 : i32
      scf.for %parallel_loop3A_62 = %parallel_loop3A_44 to %parallel_loop3A_45 step %parallel_loop3A_46  : i32 {
        %parallel_loop3A_63 = arith.constant 16 : i32
        %parallel_loop3A_64 = arith.muli %parallel_loop3A_62, %parallel_loop3A_63 : i32
        %parallel_loop3A_65 = arith.index_cast %parallel_loop3A_64 : i32 to index
        %parallel_loop3A_66 = tpu.vector_load %arg6[%parallel_loop3A_65] {strides = array<i32>} : memref<2000xi32, #tpu.memory_space<vmem>>, vector<16xi32>,
        %parallel_loop3A_67 = arith.constant 16 : i32
        %parallel_loop3A_68 = vector.broadcast %parallel_loop3A_67 : i32 to vector<16xi32>
        %parallel_loop3A_69 = arith.shrui %parallel_loop3A_66, %parallel_loop3A_68 : vector<16xi32>
        %parallel_loop3A_70 = arith.constant 16 : i32
        %parallel_loop3A_71 = arith.muli %parallel_loop3A_62, %parallel_loop3A_70 : i32
        %parallel_loop3A_72 = arith.index_cast %parallel_loop3A_71 : i32 to index
        %parallel_loop3A_73 = tpu.vector_load %arg7[%parallel_loop3A_72] {strides = array<i32>} : memref<2000xf32, #tpu.memory_space<vmem>>, vector<16xf32>,
        tpu.vector_store_idx %arg5[%parallel_loop3A_69], %parallel_loop3A_73 {add = true} : memref<10000xf32, #tpu.memory_space<vmem>>[vector<16xi32>], vector<16xf32>,
      } {sc.loop_unroll_factor = 4 : i64, sc.parallel_access}
      %add3A_47 = arith.constant 2 : i32
      %add3A_48 = arith.addi %mul3A_26, %add3A_47 : i32
      %lt3A = arith.constant 5 : i32
      %lt3A_49 = arith.cmpi slt, %add3A_48, %lt3A : i32
      %convert_element_type3A = arith.extui %lt3A_49 : i1 to i32
      %cond3A = arith.constant 0 : i32
      %cond3A_50 = arith.cmpi ne, %convert_element_type3A, %cond3A : i32
      scf.if %cond3A_50 {
        %add3A_62 = arith.constant 2 : i32
        %add3A_63 = arith.addi %mul3A_26, %add3A_62 : i32
        %mul3A_64 = arith.constant 2000 : i32
        %mul3A_65 = arith.muli %add3A_63, %mul3A_64 : i32
        %add3A_66 = arith.addi %mul3A_3, %mul3A_65 : i32
        %dma_start3A_67 = tpu.memref_slice %arg2[%add3A_66] : memref<320000xi32, #tpu.memory_space<hbm>> -> memref<2000xi32, #tpu.memory_space<hbm>>
        %dma_start3A_68 = tpu.memref_slice %arg2[%add3A_66] : memref<320000xi32, #tpu.memory_space<hbm>> -> memref<2000xi32, #tpu.memory_space<hbm>>
        tpu.enqueue_dma source(%dma_start3A_68 : memref<2000xi32, #tpu.memory_space<hbm>>) target(%arg6 : memref<2000xi32, #tpu.memory_space<vmem>>) target_semaphore(%arg10 : memref<!tpu.dma_semaphore, #tpu.memory_space<semaphore_mem>>)
        %dma_start3A_69 = tpu.memref_slice %arg3[%add3A_66] : memref<320000xf32, #tpu.memory_space<hbm>> -> memref<2000xf32, #tpu.memory_space<hbm>>
        %dma_start3A_70 = tpu.memref_slice %arg3[%add3A_66] : memref<320000xf32, #tpu.memory_space<hbm>> -> memref<2000xf32, #tpu.memory_space<hbm>>
        tpu.enqueue_dma source(%dma_start3A_70 : memref<2000xf32, #tpu.memory_space<hbm>>) target(%arg7 : memref<2000xf32, #tpu.memory_space<vmem>>) target_semaphore(%arg10 : memref<!tpu.dma_semaphore, #tpu.memory_space<semaphore_mem>>)
      } else {
      }
      %dma_wait3A_51 = arith.constant 0 : i32
      %dma_wait3A_52 = tpu.memref_slice %arg2[%dma_wait3A_51] : memref<320000xi32, #tpu.memory_space<hbm>> -> memref<2000xi32, #tpu.memory_space<hbm>>
      %dma_wait3A_53 = arith.constant 0 : i32
      %dma_wait3A_54 = tpu.memref_slice %arg2[%dma_wait3A_53] : memref<320000xi32, #tpu.memory_space<hbm>> -> memref<2000xi32, #tpu.memory_space<hbm>>
      tpu.wait_dma2 semaphore(%arg11 : memref<!tpu.dma_semaphore, #tpu.memory_space<semaphore_mem>>) src(%dma_wait3A_54 : memref<2000xi32, #tpu.memory_space<hbm>>) dst(%arg8 : memref<2000xi32, #tpu.memory_space<vmem>>)
      %dma_wait3A_55 = arith.constant 0 : i32
      %dma_wait3A_56 = tpu.memref_slice %arg3[%dma_wait3A_55] : memref<320000xf32, #tpu.memory_space<hbm>> -> memref<2000xf32, #tpu.memory_space<hbm>>
      %dma_wait3A_57 = arith.constant 0 : i32
      %dma_wait3A_58 = tpu.memref_slice %arg3[%dma_wait3A_57] : memref<320000xf32, #tpu.memory_space<hbm>> -> memref<2000xf32, #tpu.memory_space<hbm>>
      tpu.wait_dma2 semaphore(%arg11 : memref<!tpu.dma_semaphore, #tpu.memory_space<semaphore_mem>>) src(%dma_wait3A_58 : memref<2000xf32, #tpu.memory_space<hbm>>) dst(%arg9 : memref<2000xf32, #tpu.memory_space<vmem>>)
      %parallel_loop3A_59 = arith.constant 0 : i32
      %parallel_loop3A_60 = arith.constant 125 : i32
      %parallel_loop3A_61 = arith.constant 1 : i32
      scf.for %parallel_loop3A_62 = %parallel_loop3A_59 to %parallel_loop3A_60 step %parallel_loop3A_61  : i32 {
        %parallel_loop3A_63 = arith.constant 16 : i32
        %parallel_loop3A_64 = arith.muli %parallel_loop3A_62, %parallel_loop3A_63 : i32
        %parallel_loop3A_65 = arith.index_cast %parallel_loop3A_64 : i32 to index
        %parallel_loop3A_66 = tpu.vector_load %arg8[%parallel_loop3A_65] {strides = array<i32>} : memref<2000xi32, #tpu.memory_space<vmem>>, vector<16xi32>,
        %parallel_loop3A_67 = arith.constant 16 : i32
        %parallel_loop3A_68 = vector.broadcast %parallel_loop3A_67 : i32 to vector<16xi32>
        %parallel_loop3A_69 = arith.shrui %parallel_loop3A_66, %parallel_loop3A_68 : vector<16xi32>
        %parallel_loop3A_70 = arith.constant 16 : i32
        %parallel_loop3A_71 = arith.muli %parallel_loop3A_62, %parallel_loop3A_70 : i32
        %parallel_loop3A_72 = arith.index_cast %parallel_loop3A_71 : i32 to index
        %parallel_loop3A_73 = tpu.vector_load %arg9[%parallel_loop3A_72] {strides = array<i32>} : memref<2000xf32, #tpu.memory_space<vmem>>, vector<16xf32>,
        tpu.vector_store_idx %arg5[%parallel_loop3A_69], %parallel_loop3A_73 {add = true} : memref<10000xf32, #tpu.memory_space<vmem>>[vector<16xi32>], vector<16xf32>,
      } {sc.loop_unroll_factor = 4 : i64, sc.parallel_access}
    }
    %scan3A_13 = arith.constant 2 : i32
    %dma_wait3A = arith.constant 0 : i32
    %dma_wait3A_14 = tpu.memref_slice %arg2[%dma_wait3A] : memref<320000xi32, #tpu.memory_space<hbm>> -> memref<2000xi32, #tpu.memory_space<hbm>>
    %dma_wait3A_15 = arith.constant 0 : i32
    %dma_wait3A_16 = tpu.memref_slice %arg2[%dma_wait3A_15] : memref<320000xi32, #tpu.memory_space<hbm>> -> memref<2000xi32, #tpu.memory_space<hbm>>
    tpu.wait_dma2 semaphore(%arg10 : memref<!tpu.dma_semaphore, #tpu.memory_space<semaphore_mem>>) src(%dma_wait3A_16 : memref<2000xi32, #tpu.memory_space<hbm>>) dst(%arg6 : memref<2000xi32, #tpu.memory_space<vmem>>)
    %dma_wait3A_17 = arith.constant 0 : i32
    %dma_wait3A_18 = tpu.memref_slice %arg3[%dma_wait3A_17] : memref<320000xf32, #tpu.memory_space<hbm>> -> memref<2000xf32, #tpu.memory_space<hbm>>
    %dma_wait3A_19 = arith.constant 0 : i32
    %dma_wait3A_20 = tpu.memref_slice %arg3[%dma_wait3A_19] : memref<320000xf32, #tpu.memory_space<hbm>> -> memref<2000xf32, #tpu.memory_space<hbm>>
    tpu.wait_dma2 semaphore(%arg10 : memref<!tpu.dma_semaphore, #tpu.memory_space<semaphore_mem>>) src(%dma_wait3A_20 : memref<2000xf32, #tpu.memory_space<hbm>>) dst(%arg7 : memref<2000xf32, #tpu.memory_space<vmem>>)
    %parallel_loop3A_21 = arith.constant 0 : i32
    %parallel_loop3A_22 = arith.constant 125 : i32
    %parallel_loop3A_23 = arith.constant 1 : i32
    scf.for %parallel_loop3A_24 = %parallel_loop3A_21 to %parallel_loop3A_22 step %parallel_loop3A_23  : i32 {
      %parallel_loop3A_25 = arith.constant 16 : i32
      %parallel_loop3A_26 = arith.muli %parallel_loop3A_24, %parallel_loop3A_25 : i32
      %parallel_loop3A_27 = arith.index_cast %parallel_loop3A_26 : i32 to index
      %parallel_loop3A_28 = tpu.vector_load %arg6[%parallel_loop3A_27] {strides = array<i32>} : memref<2000xi32, #tpu.memory_space<vmem>>, vector<16xi32>,
      %parallel_loop3A_29 = arith.constant 16 : i32
      %parallel_loop3A_30 = vector.broadcast %parallel_loop3A_29 : i32 to vector<16xi32>
      %parallel_loop3A_31 = arith.shrui %parallel_loop3A_28, %parallel_loop3A_30 : vector<16xi32>
      %parallel_loop3A_32 = arith.constant 16 : i32
      %parallel_loop3A_33 = arith.muli %parallel_loop3A_24, %parallel_loop3A_32 : i32
      %parallel_loop3A_34 = arith.index_cast %parallel_loop3A_33 : i32 to index
      %parallel_loop3A_35 = tpu.vector_load %arg7[%parallel_loop3A_34] {strides = array<i32>} : memref<2000xf32, #tpu.memory_space<vmem>>, vector<16xf32>,
      tpu.vector_store_idx %arg5[%parallel_loop3A_31], %parallel_loop3A_35 {add = true} : memref<10000xf32, #tpu.memory_space<vmem>>[vector<16xi32>], vector<16xf32>,
    } {sc.loop_unroll_factor = 4 : i64, sc.parallel_access}
    "tpu.region"() ({
      %run_scoped3A = tpu.sem_alloc : memref<!tpu.dma_semaphore, #tpu.memory_space<semaphore_mem>>
      %dma_start3A_24 = arith.constant 0 : i32
      %dma_start3A_25 = tpu.memref_slice %arg4[%add3A, %dma_start3A_24] : memref<32x10000xf32, #tpu.memory_space<hbm>> -> memref<1x10000xf32, #tpu.memory_space<hbm>>
      %dma_start3A_26 = tpu.memref_squeeze %dma_start3A_25 : memref<1x10000xf32, #tpu.memory_space<hbm>> -> memref<10000xf32, #tpu.memory_space<hbm>>
      %dma_start3A_27 = arith.constant 0 : i32
      %dma_start3A_28 = tpu.memref_slice %arg4[%add3A, %dma_start3A_27] : memref<32x10000xf32, #tpu.memory_space<hbm>> -> memref<1x10000xf32, #tpu.memory_space<hbm>>
      %dma_start3A_29 = tpu.memref_squeeze %dma_start3A_28 : memref<1x10000xf32, #tpu.memory_space<hbm>> -> memref<10000xf32, #tpu.memory_space<hbm>>
      tpu.enqueue_dma source(%arg5 : memref<10000xf32, #tpu.memory_space<vmem>>) target(%dma_start3A_29 : memref<10000xf32, #tpu.memory_space<hbm>>) target_semaphore(%run_scoped3A : memref<!tpu.dma_semaphore, #tpu.memory_space<semaphore_mem>>)
      %dma_wait3A_30 = arith.constant 0 : i32
      %dma_wait3A_31 = tpu.memref_slice %arg4[%add3A, %dma_wait3A_30] : memref<32x10000xf32, #tpu.memory_space<hbm>> -> memref<1x10000xf32, #tpu.memory_space<hbm>>
      %dma_wait3A_32 = tpu.memref_squeeze %dma_wait3A_31 : memref<1x10000xf32, #tpu.memory_space<hbm>> -> memref<10000xf32, #tpu.memory_space<hbm>>
      %dma_wait3A_33 = arith.constant 0 : i32
      %dma_wait3A_34 = tpu.memref_slice %arg4[%add3A, %dma_wait3A_33] : memref<32x10000xf32, #tpu.memory_space<hbm>> -> memref<1x10000xf32, #tpu.memory_space<hbm>>
      %dma_wait3A_35 = tpu.memref_squeeze %dma_wait3A_34 : memref<1x10000xf32, #tpu.memory_space<hbm>> -> memref<10000xf32, #tpu.memory_space<hbm>>
      tpu.wait_dma2 semaphore(%run_scoped3A : memref<!tpu.dma_semaphore, #tpu.memory_space<semaphore_mem>>) src(%arg5 : memref<10000xf32, #tpu.memory_space<vmem>>) dst(%dma_wait3A_35 : memref<10000xf32, #tpu.memory_space<hbm>>)
      tpu.yield
    }) : () -> ()
    return
  }
}

#map = affine_map<(d0, d1) -> (0, 0)>
#map1 = affine_map<(d0, d1) -> (0)>
#map2 = affine_map<(d0, d1) -> (0, 0, 0)>
module attributes {stable_mosaic.version = 14 : i64} {
  func.func @body(%arg0: i32, %arg1: i32, %arg2: memref<16x10000xf32, #tpu.memory_space<hbm>>, %arg3: memref<320000xi32, #tpu.memory_space<hbm>>, %arg4: memref<320000xf32, #tpu.memory_space<hbm>>, %arg5: memref<8x16x10000xf32, #tpu.memory_space<hbm>>, %arg6: memref<10000xf32, #tpu.memory_space<vmem>>, %arg7: memref<10000xf32, #tpu.memory_space<vmem>>, %arg8: memref<10000xf32, #tpu.memory_space<vmem>>, %arg9: memref<10000xf32, #tpu.memory_space<vmem>>, %arg10: memref<10000xf32, #tpu.memory_space<vmem>>, %arg11: memref<10000xf32, #tpu.memory_space<vmem>>, %arg12: memref<10000xf32, #tpu.memory_space<vmem>>, %arg13: memref<10000xf32, #tpu.memory_space<vmem>>, %arg14: memref<8000xi32, #tpu.memory_space<vmem>>, %arg15: memref<8000xf32, #tpu.memory_space<vmem>>, %arg16: memref<8000xi32, #tpu.memory_space<vmem>>, %arg17: memref<8000xf32, #tpu.memory_space<vmem>>, %arg18: memref<!tpu.dma_semaphore, #tpu.memory_space<semaphore_mem>>, %arg19: memref<!tpu.dma_semaphore, #tpu.memory_space<semaphore_mem>>, %arg20: memref<!tpu.dma_semaphore, #tpu.memory_space<semaphore_mem>>) attributes {dimension_semantics = [#tpu.dimension_semantics<core_parallel>, #tpu.dimension_semantics<subcore_parallel>], iteration_bounds = array<i64: 2, 16>, scalar_prefetch = 0 : i64, scratch_operands = 15 : i64, tpu.core_type = #tpu.core_type<sc_vector_subcore>, window_params = [{transform_indices = #map}, {transform_indices = #map1}, {transform_indices = #map1}, {transform_indices = #map2}]} {
    %mul3A = arith.constant 2 : i32
    %mul3A_0 = arith.muli %arg1, %mul3A : i32
    %add3A = arith.addi %mul3A_0, %arg0 : i32
    %jit3A = arith.constant 4 : i32
    %div3A = arith.divsi %add3A, %jit3A : i32
    %sign3A = arith.constant 0 : i32
    %sign3A_1 = arith.cmpi sgt, %add3A, %sign3A : i32
    %sign3A_2 = arith.extui %sign3A_1 : i1 to i32
    %sign3A_3 = arith.constant 0 : i32
    %sign3A_4 = arith.cmpi slt, %add3A, %sign3A_3 : i32
    %sign3A_5 = arith.extui %sign3A_4 : i1 to i32
    %sign3A_6 = arith.subi %sign3A_2, %sign3A_5 : i32
    %sign3A_7 = arith.constant 0 : i32
    %sign3A_8 = arith.cmpi sgt, %jit3A, %sign3A_7 : i32
    %sign3A_9 = arith.extui %sign3A_8 : i1 to i32
    %sign3A_10 = arith.constant 0 : i32
    %sign3A_11 = arith.cmpi slt, %jit3A, %sign3A_10 : i32
    %sign3A_12 = arith.extui %sign3A_11 : i1 to i32
    %sign3A_13 = arith.subi %sign3A_9, %sign3A_12 : i32
    %ne3A = arith.cmpi ne, %sign3A_6, %sign3A_13 : i32
    %rem3A = arith.remsi %add3A, %jit3A : i32
    %ne3A_14 = arith.constant 0 : i32
    %ne3A_15 = arith.cmpi ne, %rem3A, %ne3A_14 : i32
    %and3A = arith.andi %ne3A, %ne3A_15 : i1
    %sub3A = arith.constant 1 : i32
    %sub3A_16 = arith.subi %div3A, %sub3A : i32
    %select_n3A = arith.select %and3A, %sub3A_16, %div3A : i32
    %jit3A_17 = arith.constant 4 : i32
    %eq3A = arith.constant 0 : i32
    %eq3A_18 = arith.cmpi eq, %jit3A_17, %eq3A : i32
    %jit3A_19 = arith.constant 1 : i32
    %select_n3A_20 = arith.select %eq3A_18, %jit3A_19, %jit3A_17 : i32
    %rem3A_21 = arith.remsi %add3A, %select_n3A_20 : i32
    %ne3A_22 = arith.constant 0 : i32
    %ne3A_23 = arith.cmpi ne, %rem3A_21, %ne3A_22 : i32
    %lt3A = arith.constant 0 : i32
    %lt3A_24 = arith.cmpi slt, %rem3A_21, %lt3A : i32
    %lt3A_25 = arith.constant 0 : i32
    %lt3A_26 = arith.cmpi slt, %select_n3A_20, %lt3A_25 : i32
    %ne3A_27 = arith.xori %lt3A_24, %lt3A_26 : i1
    %and3A_28 = arith.andi %ne3A_27, %ne3A_23 : i1
    %add3A_29 = arith.addi %rem3A_21, %select_n3A_20 : i32
    %select_n3A_30 = arith.select %and3A_28, %add3A_29, %rem3A_21 : i32
    %mul3A_31 = arith.constant 40000 : i32
    %mul3A_32 = arith.muli %select_n3A, %mul3A_31 : i32
    %add3A_33 = arith.constant 0 : i32
    %add3A_34 = arith.addi %mul3A_32, %add3A_33 : i32
    %dma_start3A = tpu.memref_slice %arg3[%add3A_34] : memref<320000xi32, #tpu.memory_space<hbm>> -> memref<8000xi32, #tpu.memory_space<hbm>>
    %dma_start3A_35 = tpu.memref_slice %arg3[%add3A_34] : memref<320000xi32, #tpu.memory_space<hbm>> -> memref<8000xi32, #tpu.memory_space<hbm>>
    tpu.enqueue_dma source(%dma_start3A_35 : memref<8000xi32, #tpu.memory_space<hbm>>) target(%arg14 : memref<8000xi32, #tpu.memory_space<vmem>>) target_semaphore(%arg19 : memref<!tpu.dma_semaphore, #tpu.memory_space<semaphore_mem>>)
    %dma_start3A_36 = tpu.memref_slice %arg4[%add3A_34] : memref<320000xf32, #tpu.memory_space<hbm>> -> memref<8000xf32, #tpu.memory_space<hbm>>
    %dma_start3A_37 = tpu.memref_slice %arg4[%add3A_34] : memref<320000xf32, #tpu.memory_space<hbm>> -> memref<8000xf32, #tpu.memory_space<hbm>>
    tpu.enqueue_dma source(%dma_start3A_37 : memref<8000xf32, #tpu.memory_space<hbm>>) target(%arg15 : memref<8000xf32, #tpu.memory_space<vmem>>) target_semaphore(%arg19 : memref<!tpu.dma_semaphore, #tpu.memory_space<semaphore_mem>>)
    %mul3A_38 = arith.constant 4 : i32
    %mul3A_39 = arith.muli %select_n3A_30, %mul3A_38 : i32
    %add3A_40 = arith.constant 0 : i32
    %add3A_41 = arith.addi %mul3A_39, %add3A_40 : i32
    %dma_start3A_42 = arith.constant 0 : i32
    %dma_start3A_43 = tpu.memref_slice %arg2[%add3A_41, %dma_start3A_42] : memref<16x10000xf32, #tpu.memory_space<hbm>> -> memref<1x10000xf32, #tpu.memory_space<hbm>>
    %dma_start3A_44 = tpu.memref_squeeze %dma_start3A_43 : memref<1x10000xf32, #tpu.memory_space<hbm>> -> memref<10000xf32, #tpu.memory_space<hbm>>
    %dma_start3A_45 = arith.constant 0 : i32
    %dma_start3A_46 = tpu.memref_slice %arg2[%add3A_41, %dma_start3A_45] : memref<16x10000xf32, #tpu.memory_space<hbm>> -> memref<1x10000xf32, #tpu.memory_space<hbm>>
    %dma_start3A_47 = tpu.memref_squeeze %dma_start3A_46 : memref<1x10000xf32, #tpu.memory_space<hbm>> -> memref<10000xf32, #tpu.memory_space<hbm>>
    tpu.enqueue_dma source(%dma_start3A_47 : memref<10000xf32, #tpu.memory_space<hbm>>) target(%arg6 : memref<10000xf32, #tpu.memory_space<vmem>>) target_semaphore(%arg18 : memref<!tpu.dma_semaphore, #tpu.memory_space<semaphore_mem>>)
    %mul3A_48 = arith.constant 4 : i32
    %mul3A_49 = arith.muli %select_n3A_30, %mul3A_48 : i32
    %add3A_50 = arith.constant 1 : i32
    %add3A_51 = arith.addi %mul3A_49, %add3A_50 : i32
    %dma_start3A_52 = arith.constant 0 : i32
    %dma_start3A_53 = tpu.memref_slice %arg2[%add3A_51, %dma_start3A_52] : memref<16x10000xf32, #tpu.memory_space<hbm>> -> memref<1x10000xf32, #tpu.memory_space<hbm>>
    %dma_start3A_54 = tpu.memref_squeeze %dma_start3A_53 : memref<1x10000xf32, #tpu.memory_space<hbm>> -> memref<10000xf32, #tpu.memory_space<hbm>>
    %dma_start3A_55 = arith.constant 0 : i32
    %dma_start3A_56 = tpu.memref_slice %arg2[%add3A_51, %dma_start3A_55] : memref<16x10000xf32, #tpu.memory_space<hbm>> -> memref<1x10000xf32, #tpu.memory_space<hbm>>
    %dma_start3A_57 = tpu.memref_squeeze %dma_start3A_56 : memref<1x10000xf32, #tpu.memory_space<hbm>> -> memref<10000xf32, #tpu.memory_space<hbm>>
    tpu.enqueue_dma source(%dma_start3A_57 : memref<10000xf32, #tpu.memory_space<hbm>>) target(%arg7 : memref<10000xf32, #tpu.memory_space<vmem>>) target_semaphore(%arg18 : memref<!tpu.dma_semaphore, #tpu.memory_space<semaphore_mem>>)
    %mul3A_58 = arith.constant 4 : i32
    %mul3A_59 = arith.muli %select_n3A_30, %mul3A_58 : i32
    %add3A_60 = arith.constant 2 : i32
    %add3A_61 = arith.addi %mul3A_59, %add3A_60 : i32
    %dma_start3A_62 = arith.constant 0 : i32
    %dma_start3A_63 = tpu.memref_slice %arg2[%add3A_61, %dma_start3A_62] : memref<16x10000xf32, #tpu.memory_space<hbm>> -> memref<1x10000xf32, #tpu.memory_space<hbm>>
    %dma_start3A_64 = tpu.memref_squeeze %dma_start3A_63 : memref<1x10000xf32, #tpu.memory_space<hbm>> -> memref<10000xf32, #tpu.memory_space<hbm>>
    %dma_start3A_65 = arith.constant 0 : i32
    %dma_start3A_66 = tpu.memref_slice %arg2[%add3A_61, %dma_start3A_65] : memref<16x10000xf32, #tpu.memory_space<hbm>> -> memref<1x10000xf32, #tpu.memory_space<hbm>>
    %dma_start3A_67 = tpu.memref_squeeze %dma_start3A_66 : memref<1x10000xf32, #tpu.memory_space<hbm>> -> memref<10000xf32, #tpu.memory_space<hbm>>
    tpu.enqueue_dma source(%dma_start3A_67 : memref<10000xf32, #tpu.memory_space<hbm>>) target(%arg8 : memref<10000xf32, #tpu.memory_space<vmem>>) target_semaphore(%arg18 : memref<!tpu.dma_semaphore, #tpu.memory_space<semaphore_mem>>)
    %mul3A_68 = arith.constant 4 : i32
    %mul3A_69 = arith.muli %select_n3A_30, %mul3A_68 : i32
    %add3A_70 = arith.constant 3 : i32
    %add3A_71 = arith.addi %mul3A_69, %add3A_70 : i32
    %dma_start3A_72 = arith.constant 0 : i32
    %dma_start3A_73 = tpu.memref_slice %arg2[%add3A_71, %dma_start3A_72] : memref<16x10000xf32, #tpu.memory_space<hbm>> -> memref<1x10000xf32, #tpu.memory_space<hbm>>
    %dma_start3A_74 = tpu.memref_squeeze %dma_start3A_73 : memref<1x10000xf32, #tpu.memory_space<hbm>> -> memref<10000xf32, #tpu.memory_space<hbm>>
    %dma_start3A_75 = arith.constant 0 : i32
    %dma_start3A_76 = tpu.memref_slice %arg2[%add3A_71, %dma_start3A_75] : memref<16x10000xf32, #tpu.memory_space<hbm>> -> memref<1x10000xf32, #tpu.memory_space<hbm>>
    %dma_start3A_77 = tpu.memref_squeeze %dma_start3A_76 : memref<1x10000xf32, #tpu.memory_space<hbm>> -> memref<10000xf32, #tpu.memory_space<hbm>>
    tpu.enqueue_dma source(%dma_start3A_77 : memref<10000xf32, #tpu.memory_space<hbm>>) target(%arg9 : memref<10000xf32, #tpu.memory_space<vmem>>) target_semaphore(%arg18 : memref<!tpu.dma_semaphore, #tpu.memory_space<semaphore_mem>>)
    %broadcast_in_dim3A = arith.constant 0.000000e+00 : f32
    %broadcast_in_dim3A_78 = vector.broadcast %broadcast_in_dim3A : f32 to vector<16xf32>
    %parallel_loop3A = arith.constant 0 : i32
    %parallel_loop3A_79 = arith.constant 625 : i32
    %parallel_loop3A_80 = arith.constant 1 : i32
    scf.for %parallel_loop3A_216 = %parallel_loop3A to %parallel_loop3A_79 step %parallel_loop3A_80  : i32 {
      %parallel_loop3A_217 = arith.constant 16 : i32
      %parallel_loop3A_218 = arith.muli %parallel_loop3A_216, %parallel_loop3A_217 : i32
      %parallel_loop3A_219 = arith.index_cast %parallel_loop3A_218 : i32 to index
      %parallel_loop3A_220 = tpu.vector_load %arg10[%parallel_loop3A_219] {strides = array<i32>} : memref<10000xf32, #tpu.memory_space<vmem>>, vector<16xf32>,
      tpu.vector_store %arg10[%parallel_loop3A_219], %broadcast_in_dim3A_78 {strides = array<i32>} : memref<10000xf32, #tpu.memory_space<vmem>>, vector<16xf32>,
      %parallel_loop3A_221 = arith.constant 16 : i32
      %parallel_loop3A_222 = arith.muli %parallel_loop3A_216, %parallel_loop3A_221 : i32
      %parallel_loop3A_223 = arith.index_cast %parallel_loop3A_222 : i32 to index
      %parallel_loop3A_224 = tpu.vector_load %arg11[%parallel_loop3A_223] {strides = array<i32>} : memref<10000xf32, #tpu.memory_space<vmem>>, vector<16xf32>,
      tpu.vector_store %arg11[%parallel_loop3A_223], %broadcast_in_dim3A_78 {strides = array<i32>} : memref<10000xf32, #tpu.memory_space<vmem>>, vector<16xf32>,
      %parallel_loop3A_225 = arith.constant 16 : i32
      %parallel_loop3A_226 = arith.muli %parallel_loop3A_216, %parallel_loop3A_225 : i32
      %parallel_loop3A_227 = arith.index_cast %parallel_loop3A_226 : i32 to index
      %parallel_loop3A_228 = tpu.vector_load %arg12[%parallel_loop3A_227] {strides = array<i32>} : memref<10000xf32, #tpu.memory_space<vmem>>, vector<16xf32>,
      tpu.vector_store %arg12[%parallel_loop3A_227], %broadcast_in_dim3A_78 {strides = array<i32>} : memref<10000xf32, #tpu.memory_space<vmem>>, vector<16xf32>,
      %parallel_loop3A_229 = arith.constant 16 : i32
      %parallel_loop3A_230 = arith.muli %parallel_loop3A_216, %parallel_loop3A_229 : i32
      %parallel_loop3A_231 = arith.index_cast %parallel_loop3A_230 : i32 to index
      %parallel_loop3A_232 = tpu.vector_load %arg13[%parallel_loop3A_231] {strides = array<i32>} : memref<10000xf32, #tpu.memory_space<vmem>>, vector<16xf32>,
      tpu.vector_store %arg13[%parallel_loop3A_231], %broadcast_in_dim3A_78 {strides = array<i32>} : memref<10000xf32, #tpu.memory_space<vmem>>, vector<16xf32>,
    } {sc.loop_unroll_factor = 4 : i64, sc.parallel_access}
    %mul3A_81 = arith.constant 4 : i32
    %mul3A_82 = arith.muli %select_n3A_30, %mul3A_81 : i32
    %add3A_83 = arith.constant 0 : i32
    %add3A_84 = arith.addi %mul3A_82, %add3A_83 : i32
    %dma_wait3A = arith.constant 0 : i32
    %dma_wait3A_85 = tpu.memref_slice %arg2[%add3A_84, %dma_wait3A] : memref<16x10000xf32, #tpu.memory_space<hbm>> -> memref<1x10000xf32, #tpu.memory_space<hbm>>
    %dma_wait3A_86 = tpu.memref_squeeze %dma_wait3A_85 : memref<1x10000xf32, #tpu.memory_space<hbm>> -> memref<10000xf32, #tpu.memory_space<hbm>>
    %dma_wait3A_87 = arith.constant 0 : i32
    %dma_wait3A_88 = tpu.memref_slice %arg2[%add3A_84, %dma_wait3A_87] : memref<16x10000xf32, #tpu.memory_space<hbm>> -> memref<1x10000xf32, #tpu.memory_space<hbm>>
    %dma_wait3A_89 = tpu.memref_squeeze %dma_wait3A_88 : memref<1x10000xf32, #tpu.memory_space<hbm>> -> memref<10000xf32, #tpu.memory_space<hbm>>
    tpu.wait_dma2 semaphore(%arg18 : memref<!tpu.dma_semaphore, #tpu.memory_space<semaphore_mem>>) src(%dma_wait3A_89 : memref<10000xf32, #tpu.memory_space<hbm>>) dst(%arg6 : memref<10000xf32, #tpu.memory_space<vmem>>)
    %mul3A_90 = arith.constant 4 : i32
    %mul3A_91 = arith.muli %select_n3A_30, %mul3A_90 : i32
    %add3A_92 = arith.constant 1 : i32
    %add3A_93 = arith.addi %mul3A_91, %add3A_92 : i32
    %dma_wait3A_94 = arith.constant 0 : i32
    %dma_wait3A_95 = tpu.memref_slice %arg2[%add3A_93, %dma_wait3A_94] : memref<16x10000xf32, #tpu.memory_space<hbm>> -> memref<1x10000xf32, #tpu.memory_space<hbm>>
    %dma_wait3A_96 = tpu.memref_squeeze %dma_wait3A_95 : memref<1x10000xf32, #tpu.memory_space<hbm>> -> memref<10000xf32, #tpu.memory_space<hbm>>
    %dma_wait3A_97 = arith.constant 0 : i32
    %dma_wait3A_98 = tpu.memref_slice %arg2[%add3A_93, %dma_wait3A_97] : memref<16x10000xf32, #tpu.memory_space<hbm>> -> memref<1x10000xf32, #tpu.memory_space<hbm>>
    %dma_wait3A_99 = tpu.memref_squeeze %dma_wait3A_98 : memref<1x10000xf32, #tpu.memory_space<hbm>> -> memref<10000xf32, #tpu.memory_space<hbm>>
    tpu.wait_dma2 semaphore(%arg18 : memref<!tpu.dma_semaphore, #tpu.memory_space<semaphore_mem>>) src(%dma_wait3A_99 : memref<10000xf32, #tpu.memory_space<hbm>>) dst(%arg7 : memref<10000xf32, #tpu.memory_space<vmem>>)
    %mul3A_100 = arith.constant 4 : i32
    %mul3A_101 = arith.muli %select_n3A_30, %mul3A_100 : i32
    %add3A_102 = arith.constant 2 : i32
    %add3A_103 = arith.addi %mul3A_101, %add3A_102 : i32
    %dma_wait3A_104 = arith.constant 0 : i32
    %dma_wait3A_105 = tpu.memref_slice %arg2[%add3A_103, %dma_wait3A_104] : memref<16x10000xf32, #tpu.memory_space<hbm>> -> memref<1x10000xf32, #tpu.memory_space<hbm>>
    %dma_wait3A_106 = tpu.memref_squeeze %dma_wait3A_105 : memref<1x10000xf32, #tpu.memory_space<hbm>> -> memref<10000xf32, #tpu.memory_space<hbm>>
    %dma_wait3A_107 = arith.constant 0 : i32
    %dma_wait3A_108 = tpu.memref_slice %arg2[%add3A_103, %dma_wait3A_107] : memref<16x10000xf32, #tpu.memory_space<hbm>> -> memref<1x10000xf32, #tpu.memory_space<hbm>>
    %dma_wait3A_109 = tpu.memref_squeeze %dma_wait3A_108 : memref<1x10000xf32, #tpu.memory_space<hbm>> -> memref<10000xf32, #tpu.memory_space<hbm>>
    tpu.wait_dma2 semaphore(%arg18 : memref<!tpu.dma_semaphore, #tpu.memory_space<semaphore_mem>>) src(%dma_wait3A_109 : memref<10000xf32, #tpu.memory_space<hbm>>) dst(%arg8 : memref<10000xf32, #tpu.memory_space<vmem>>)
    %mul3A_110 = arith.constant 4 : i32
    %mul3A_111 = arith.muli %select_n3A_30, %mul3A_110 : i32
    %add3A_112 = arith.constant 3 : i32
    %add3A_113 = arith.addi %mul3A_111, %add3A_112 : i32
    %dma_wait3A_114 = arith.constant 0 : i32
    %dma_wait3A_115 = tpu.memref_slice %arg2[%add3A_113, %dma_wait3A_114] : memref<16x10000xf32, #tpu.memory_space<hbm>> -> memref<1x10000xf32, #tpu.memory_space<hbm>>
    %dma_wait3A_116 = tpu.memref_squeeze %dma_wait3A_115 : memref<1x10000xf32, #tpu.memory_space<hbm>> -> memref<10000xf32, #tpu.memory_space<hbm>>
    %dma_wait3A_117 = arith.constant 0 : i32
    %dma_wait3A_118 = tpu.memref_slice %arg2[%add3A_113, %dma_wait3A_117] : memref<16x10000xf32, #tpu.memory_space<hbm>> -> memref<1x10000xf32, #tpu.memory_space<hbm>>
    %dma_wait3A_119 = tpu.memref_squeeze %dma_wait3A_118 : memref<1x10000xf32, #tpu.memory_space<hbm>> -> memref<10000xf32, #tpu.memory_space<hbm>>
    tpu.wait_dma2 semaphore(%arg18 : memref<!tpu.dma_semaphore, #tpu.memory_space<semaphore_mem>>) src(%dma_wait3A_119 : memref<10000xf32, #tpu.memory_space<hbm>>) dst(%arg9 : memref<10000xf32, #tpu.memory_space<vmem>>)
    %scan3A = arith.constant 0 : i32
    %scan3A_120 = arith.constant 0 : i32
    %scan3A_121 = arith.constant 2 : i32
    %scan3A_122 = arith.addi %scan3A_120, %scan3A_121 : i32
    %scan3A_123 = arith.constant 1 : i32
    scf.for %scan3A_216 = %scan3A_120 to %scan3A_122 step %scan3A_123  : i32 {
      %mul3A_217 = arith.constant 2 : i32
      %mul3A_218 = arith.muli %mul3A_217, %scan3A_216 : i32
      %add3A_219 = arith.constant 1 : i32
      %add3A_220 = arith.addi %mul3A_218, %add3A_219 : i32
      %mul3A_221 = arith.constant 8000 : i32
      %mul3A_222 = arith.muli %add3A_220, %mul3A_221 : i32
      %add3A_223 = arith.addi %mul3A_32, %mul3A_222 : i32
      %dma_start3A_224 = tpu.memref_slice %arg3[%add3A_223] : memref<320000xi32, #tpu.memory_space<hbm>> -> memref<8000xi32, #tpu.memory_space<hbm>>
      %dma_start3A_225 = tpu.memref_slice %arg3[%add3A_223] : memref<320000xi32, #tpu.memory_space<hbm>> -> memref<8000xi32, #tpu.memory_space<hbm>>
      tpu.enqueue_dma source(%dma_start3A_225 : memref<8000xi32, #tpu.memory_space<hbm>>) target(%arg16 : memref<8000xi32, #tpu.memory_space<vmem>>) target_semaphore(%arg20 : memref<!tpu.dma_semaphore, #tpu.memory_space<semaphore_mem>>)
      %dma_start3A_226 = tpu.memref_slice %arg4[%add3A_223] : memref<320000xf32, #tpu.memory_space<hbm>> -> memref<8000xf32, #tpu.memory_space<hbm>>
      %dma_start3A_227 = tpu.memref_slice %arg4[%add3A_223] : memref<320000xf32, #tpu.memory_space<hbm>> -> memref<8000xf32, #tpu.memory_space<hbm>>
      tpu.enqueue_dma source(%dma_start3A_227 : memref<8000xf32, #tpu.memory_space<hbm>>) target(%arg17 : memref<8000xf32, #tpu.memory_space<vmem>>) target_semaphore(%arg20 : memref<!tpu.dma_semaphore, #tpu.memory_space<semaphore_mem>>)
      %dma_wait3A_228 = arith.constant 0 : i32
      %dma_wait3A_229 = tpu.memref_slice %arg3[%dma_wait3A_228] : memref<320000xi32, #tpu.memory_space<hbm>> -> memref<8000xi32, #tpu.memory_space<hbm>>
      %dma_wait3A_230 = arith.constant 0 : i32
      %dma_wait3A_231 = tpu.memref_slice %arg3[%dma_wait3A_230] : memref<320000xi32, #tpu.memory_space<hbm>> -> memref<8000xi32, #tpu.memory_space<hbm>>
      tpu.wait_dma2 semaphore(%arg19 : memref<!tpu.dma_semaphore, #tpu.memory_space<semaphore_mem>>) src(%dma_wait3A_231 : memref<8000xi32, #tpu.memory_space<hbm>>) dst(%arg14 : memref<8000xi32, #tpu.memory_space<vmem>>)
      %dma_wait3A_232 = arith.constant 0 : i32
      %dma_wait3A_233 = tpu.memref_slice %arg4[%dma_wait3A_232] : memref<320000xf32, #tpu.memory_space<hbm>> -> memref<8000xf32, #tpu.memory_space<hbm>>
      %dma_wait3A_234 = arith.constant 0 : i32
      %dma_wait3A_235 = tpu.memref_slice %arg4[%dma_wait3A_234] : memref<320000xf32, #tpu.memory_space<hbm>> -> memref<8000xf32, #tpu.memory_space<hbm>>
      tpu.wait_dma2 semaphore(%arg19 : memref<!tpu.dma_semaphore, #tpu.memory_space<semaphore_mem>>) src(%dma_wait3A_235 : memref<8000xf32, #tpu.memory_space<hbm>>) dst(%arg15 : memref<8000xf32, #tpu.memory_space<vmem>>)
      %parallel_loop3A_236 = arith.constant 0 : i32
      %parallel_loop3A_237 = arith.constant 500 : i32
      %parallel_loop3A_238 = arith.constant 1 : i32
      scf.for %parallel_loop3A_255 = %parallel_loop3A_236 to %parallel_loop3A_237 step %parallel_loop3A_238  : i32 {
        %parallel_loop3A_256 = arith.constant 16 : i32
        %parallel_loop3A_257 = arith.muli %parallel_loop3A_255, %parallel_loop3A_256 : i32
        %parallel_loop3A_258 = arith.index_cast %parallel_loop3A_257 : i32 to index
        %parallel_loop3A_259 = tpu.vector_load %arg14[%parallel_loop3A_258] {strides = array<i32>} : memref<8000xi32, #tpu.memory_space<vmem>>, vector<16xi32>,
        %parallel_loop3A_260 = arith.constant 65535 : i32
        %parallel_loop3A_261 = vector.broadcast %parallel_loop3A_260 : i32 to vector<16xi32>
        %parallel_loop3A_262 = arith.andi %parallel_loop3A_259, %parallel_loop3A_261 : vector<16xi32>
        %parallel_loop3A_263 = arith.constant 16 : i32
        %parallel_loop3A_264 = vector.broadcast %parallel_loop3A_263 : i32 to vector<16xi32>
        %parallel_loop3A_265 = arith.shrui %parallel_loop3A_259, %parallel_loop3A_264 : vector<16xi32>
        %parallel_loop3A_266 = arith.constant 16 : i32
        %parallel_loop3A_267 = arith.muli %parallel_loop3A_255, %parallel_loop3A_266 : i32
        %parallel_loop3A_268 = arith.index_cast %parallel_loop3A_267 : i32 to index
        %parallel_loop3A_269 = tpu.vector_load %arg15[%parallel_loop3A_268] {strides = array<i32>} : memref<8000xf32, #tpu.memory_space<vmem>>, vector<16xf32>,
        %parallel_loop3A_270 = tpu.vector_load_idx %arg6[%parallel_loop3A_262] : memref<10000xf32, #tpu.memory_space<vmem>>[vector<16xi32>], vector<16xf32>,
        %parallel_loop3A_271 = arith.mulf %parallel_loop3A_270, %parallel_loop3A_269 : vector<16xf32>
        tpu.vector_store_idx %arg10[%parallel_loop3A_265], %parallel_loop3A_271 {add = true} : memref<10000xf32, #tpu.memory_space<vmem>>[vector<16xi32>], vector<16xf32>,
        %parallel_loop3A_272 = tpu.vector_load_idx %arg7[%parallel_loop3A_262] : memref<10000xf32, #tpu.memory_space<vmem>>[vector<16xi32>], vector<16xf32>,
        %parallel_loop3A_273 = arith.mulf %parallel_loop3A_272, %parallel_loop3A_269 : vector<16xf32>
        tpu.vector_store_idx %arg11[%parallel_loop3A_265], %parallel_loop3A_273 {add = true} : memref<10000xf32, #tpu.memory_space<vmem>>[vector<16xi32>], vector<16xf32>,
        %parallel_loop3A_274 = tpu.vector_load_idx %arg8[%parallel_loop3A_262] : memref<10000xf32, #tpu.memory_space<vmem>>[vector<16xi32>], vector<16xf32>,
        %parallel_loop3A_275 = arith.mulf %parallel_loop3A_274, %parallel_loop3A_269 : vector<16xf32>
        tpu.vector_store_idx %arg12[%parallel_loop3A_265], %parallel_loop3A_275 {add = true} : memref<10000xf32, #tpu.memory_space<vmem>>[vector<16xi32>], vector<16xf32>,
        %parallel_loop3A_276 = tpu.vector_load_idx %arg9[%parallel_loop3A_262] : memref<10000xf32, #tpu.memory_space<vmem>>[vector<16xi32>], vector<16xf32>,
        %parallel_loop3A_277 = arith.mulf %parallel_loop3A_276, %parallel_loop3A_269 : vector<16xf32>
        tpu.vector_store_idx %arg13[%parallel_loop3A_265], %parallel_loop3A_277 {add = true} : memref<10000xf32, #tpu.memory_space<vmem>>[vector<16xi32>], vector<16xf32>,
      } {sc.loop_unroll_factor = 5 : i64, sc.parallel_access}
      %add3A_239 = arith.constant 2 : i32
      %add3A_240 = arith.addi %mul3A_218, %add3A_239 : i32
      %lt3A_241 = arith.constant 5 : i32
      %lt3A_242 = arith.cmpi slt, %add3A_240, %lt3A_241 : i32
      %convert_element_type3A = arith.extui %lt3A_242 : i1 to i32
      %cond3A = arith.constant 0 : i32
      %cond3A_243 = arith.cmpi ne, %convert_element_type3A, %cond3A : i32
      scf.if %cond3A_243 {
        %add3A_255 = arith.constant 2 : i32
        %add3A_256 = arith.addi %mul3A_218, %add3A_255 : i32
        %mul3A_257 = arith.constant 8000 : i32
        %mul3A_258 = arith.muli %add3A_256, %mul3A_257 : i32
        %add3A_259 = arith.addi %mul3A_32, %mul3A_258 : i32
        %dma_start3A_260 = tpu.memref_slice %arg3[%add3A_259] : memref<320000xi32, #tpu.memory_space<hbm>> -> memref<8000xi32, #tpu.memory_space<hbm>>
        %dma_start3A_261 = tpu.memref_slice %arg3[%add3A_259] : memref<320000xi32, #tpu.memory_space<hbm>> -> memref<8000xi32, #tpu.memory_space<hbm>>
        tpu.enqueue_dma source(%dma_start3A_261 : memref<8000xi32, #tpu.memory_space<hbm>>) target(%arg14 : memref<8000xi32, #tpu.memory_space<vmem>>) target_semaphore(%arg19 : memref<!tpu.dma_semaphore, #tpu.memory_space<semaphore_mem>>)
        %dma_start3A_262 = tpu.memref_slice %arg4[%add3A_259] : memref<320000xf32, #tpu.memory_space<hbm>> -> memref<8000xf32, #tpu.memory_space<hbm>>
        %dma_start3A_263 = tpu.memref_slice %arg4[%add3A_259] : memref<320000xf32, #tpu.memory_space<hbm>> -> memref<8000xf32, #tpu.memory_space<hbm>>
        tpu.enqueue_dma source(%dma_start3A_263 : memref<8000xf32, #tpu.memory_space<hbm>>) target(%arg15 : memref<8000xf32, #tpu.memory_space<vmem>>) target_semaphore(%arg19 : memref<!tpu.dma_semaphore, #tpu.memory_space<semaphore_mem>>)
      } else {
      }
      %dma_wait3A_244 = arith.constant 0 : i32
      %dma_wait3A_245 = tpu.memref_slice %arg3[%dma_wait3A_244] : memref<320000xi32, #tpu.memory_space<hbm>> -> memref<8000xi32, #tpu.memory_space<hbm>>
      %dma_wait3A_246 = arith.constant 0 : i32
      %dma_wait3A_247 = tpu.memref_slice %arg3[%dma_wait3A_246] : memref<320000xi32, #tpu.memory_space<hbm>> -> memref<8000xi32, #tpu.memory_space<hbm>>
      tpu.wait_dma2 semaphore(%arg20 : memref<!tpu.dma_semaphore, #tpu.memory_space<semaphore_mem>>) src(%dma_wait3A_247 : memref<8000xi32, #tpu.memory_space<hbm>>) dst(%arg16 : memref<8000xi32, #tpu.memory_space<vmem>>)
      %dma_wait3A_248 = arith.constant 0 : i32
      %dma_wait3A_249 = tpu.memref_slice %arg4[%dma_wait3A_248] : memref<320000xf32, #tpu.memory_space<hbm>> -> memref<8000xf32, #tpu.memory_space<hbm>>
      %dma_wait3A_250 = arith.constant 0 : i32
      %dma_wait3A_251 = tpu.memref_slice %arg4[%dma_wait3A_250] : memref<320000xf32, #tpu.memory_space<hbm>> -> memref<8000xf32, #tpu.memory_space<hbm>>
      tpu.wait_dma2 semaphore(%arg20 : memref<!tpu.dma_semaphore, #tpu.memory_space<semaphore_mem>>) src(%dma_wait3A_251 : memref<8000xf32, #tpu.memory_space<hbm>>) dst(%arg17 : memref<8000xf32, #tpu.memory_space<vmem>>)
      %parallel_loop3A_252 = arith.constant 0 : i32
      %parallel_loop3A_253 = arith.constant 500 : i32
      %parallel_loop3A_254 = arith.constant 1 : i32
      scf.for %parallel_loop3A_255 = %parallel_loop3A_252 to %parallel_loop3A_253 step %parallel_loop3A_254  : i32 {
        %parallel_loop3A_256 = arith.constant 16 : i32
        %parallel_loop3A_257 = arith.muli %parallel_loop3A_255, %parallel_loop3A_256 : i32
        %parallel_loop3A_258 = arith.index_cast %parallel_loop3A_257 : i32 to index
        %parallel_loop3A_259 = tpu.vector_load %arg16[%parallel_loop3A_258] {strides = array<i32>} : memref<8000xi32, #tpu.memory_space<vmem>>, vector<16xi32>,
        %parallel_loop3A_260 = arith.constant 65535 : i32
        %parallel_loop3A_261 = vector.broadcast %parallel_loop3A_260 : i32 to vector<16xi32>
        %parallel_loop3A_262 = arith.andi %parallel_loop3A_259, %parallel_loop3A_261 : vector<16xi32>
        %parallel_loop3A_263 = arith.constant 16 : i32
        %parallel_loop3A_264 = vector.broadcast %parallel_loop3A_263 : i32 to vector<16xi32>
        %parallel_loop3A_265 = arith.shrui %parallel_loop3A_259, %parallel_loop3A_264 : vector<16xi32>
        %parallel_loop3A_266 = arith.constant 16 : i32
        %parallel_loop3A_267 = arith.muli %parallel_loop3A_255, %parallel_loop3A_266 : i32
        %parallel_loop3A_268 = arith.index_cast %parallel_loop3A_267 : i32 to index
        %parallel_loop3A_269 = tpu.vector_load %arg17[%parallel_loop3A_268] {strides = array<i32>} : memref<8000xf32, #tpu.memory_space<vmem>>, vector<16xf32>,
        %parallel_loop3A_270 = tpu.vector_load_idx %arg6[%parallel_loop3A_262] : memref<10000xf32, #tpu.memory_space<vmem>>[vector<16xi32>], vector<16xf32>,
        %parallel_loop3A_271 = arith.mulf %parallel_loop3A_270, %parallel_loop3A_269 : vector<16xf32>
        tpu.vector_store_idx %arg10[%parallel_loop3A_265], %parallel_loop3A_271 {add = true} : memref<10000xf32, #tpu.memory_space<vmem>>[vector<16xi32>], vector<16xf32>,
        %parallel_loop3A_272 = tpu.vector_load_idx %arg7[%parallel_loop3A_262] : memref<10000xf32, #tpu.memory_space<vmem>>[vector<16xi32>], vector<16xf32>,
        %parallel_loop3A_273 = arith.mulf %parallel_loop3A_272, %parallel_loop3A_269 : vector<16xf32>
        tpu.vector_store_idx %arg11[%parallel_loop3A_265], %parallel_loop3A_273 {add = true} : memref<10000xf32, #tpu.memory_space<vmem>>[vector<16xi32>], vector<16xf32>,
        %parallel_loop3A_274 = tpu.vector_load_idx %arg8[%parallel_loop3A_262] : memref<10000xf32, #tpu.memory_space<vmem>>[vector<16xi32>], vector<16xf32>,
        %parallel_loop3A_275 = arith.mulf %parallel_loop3A_274, %parallel_loop3A_269 : vector<16xf32>
        tpu.vector_store_idx %arg12[%parallel_loop3A_265], %parallel_loop3A_275 {add = true} : memref<10000xf32, #tpu.memory_space<vmem>>[vector<16xi32>], vector<16xf32>,
        %parallel_loop3A_276 = tpu.vector_load_idx %arg9[%parallel_loop3A_262] : memref<10000xf32, #tpu.memory_space<vmem>>[vector<16xi32>], vector<16xf32>,
        %parallel_loop3A_277 = arith.mulf %parallel_loop3A_276, %parallel_loop3A_269 : vector<16xf32>
        tpu.vector_store_idx %arg13[%parallel_loop3A_265], %parallel_loop3A_277 {add = true} : memref<10000xf32, #tpu.memory_space<vmem>>[vector<16xi32>], vector<16xf32>,
      } {sc.loop_unroll_factor = 5 : i64, sc.parallel_access}
    }
    %scan3A_124 = arith.constant 2 : i32
    %dma_wait3A_125 = arith.constant 0 : i32
    %dma_wait3A_126 = tpu.memref_slice %arg3[%dma_wait3A_125] : memref<320000xi32, #tpu.memory_space<hbm>> -> memref<8000xi32, #tpu.memory_space<hbm>>
    %dma_wait3A_127 = arith.constant 0 : i32
    %dma_wait3A_128 = tpu.memref_slice %arg3[%dma_wait3A_127] : memref<320000xi32, #tpu.memory_space<hbm>> -> memref<8000xi32, #tpu.memory_space<hbm>>
    tpu.wait_dma2 semaphore(%arg19 : memref<!tpu.dma_semaphore, #tpu.memory_space<semaphore_mem>>) src(%dma_wait3A_128 : memref<8000xi32, #tpu.memory_space<hbm>>) dst(%arg14 : memref<8000xi32, #tpu.memory_space<vmem>>)
    %dma_wait3A_129 = arith.constant 0 : i32
    %dma_wait3A_130 = tpu.memref_slice %arg4[%dma_wait3A_129] : memref<320000xf32, #tpu.memory_space<hbm>> -> memref<8000xf32, #tpu.memory_space<hbm>>
    %dma_wait3A_131 = arith.constant 0 : i32
    %dma_wait3A_132 = tpu.memref_slice %arg4[%dma_wait3A_131] : memref<320000xf32, #tpu.memory_space<hbm>> -> memref<8000xf32, #tpu.memory_space<hbm>>
    tpu.wait_dma2 semaphore(%arg19 : memref<!tpu.dma_semaphore, #tpu.memory_space<semaphore_mem>>) src(%dma_wait3A_132 : memref<8000xf32, #tpu.memory_space<hbm>>) dst(%arg15 : memref<8000xf32, #tpu.memory_space<vmem>>)
    %parallel_loop3A_133 = arith.constant 0 : i32
    %parallel_loop3A_134 = arith.constant 500 : i32
    %parallel_loop3A_135 = arith.constant 1 : i32
    scf.for %parallel_loop3A_216 = %parallel_loop3A_133 to %parallel_loop3A_134 step %parallel_loop3A_135  : i32 {
      %parallel_loop3A_217 = arith.constant 16 : i32
      %parallel_loop3A_218 = arith.muli %parallel_loop3A_216, %parallel_loop3A_217 : i32
      %parallel_loop3A_219 = arith.index_cast %parallel_loop3A_218 : i32 to index
      %parallel_loop3A_220 = tpu.vector_load %arg14[%parallel_loop3A_219] {strides = array<i32>} : memref<8000xi32, #tpu.memory_space<vmem>>, vector<16xi32>,
      %parallel_loop3A_221 = arith.constant 65535 : i32
      %parallel_loop3A_222 = vector.broadcast %parallel_loop3A_221 : i32 to vector<16xi32>
      %parallel_loop3A_223 = arith.andi %parallel_loop3A_220, %parallel_loop3A_222 : vector<16xi32>
      %parallel_loop3A_224 = arith.constant 16 : i32
      %parallel_loop3A_225 = vector.broadcast %parallel_loop3A_224 : i32 to vector<16xi32>
      %parallel_loop3A_226 = arith.shrui %parallel_loop3A_220, %parallel_loop3A_225 : vector<16xi32>
      %parallel_loop3A_227 = arith.constant 16 : i32
      %parallel_loop3A_228 = arith.muli %parallel_loop3A_216, %parallel_loop3A_227 : i32
      %parallel_loop3A_229 = arith.index_cast %parallel_loop3A_228 : i32 to index
      %parallel_loop3A_230 = tpu.vector_load %arg15[%parallel_loop3A_229] {strides = array<i32>} : memref<8000xf32, #tpu.memory_space<vmem>>, vector<16xf32>,
      %parallel_loop3A_231 = tpu.vector_load_idx %arg6[%parallel_loop3A_223] : memref<10000xf32, #tpu.memory_space<vmem>>[vector<16xi32>], vector<16xf32>,
      %parallel_loop3A_232 = arith.mulf %parallel_loop3A_231, %parallel_loop3A_230 : vector<16xf32>
      tpu.vector_store_idx %arg10[%parallel_loop3A_226], %parallel_loop3A_232 {add = true} : memref<10000xf32, #tpu.memory_space<vmem>>[vector<16xi32>], vector<16xf32>,
      %parallel_loop3A_233 = tpu.vector_load_idx %arg7[%parallel_loop3A_223] : memref<10000xf32, #tpu.memory_space<vmem>>[vector<16xi32>], vector<16xf32>,
      %parallel_loop3A_234 = arith.mulf %parallel_loop3A_233, %parallel_loop3A_230 : vector<16xf32>
      tpu.vector_store_idx %arg11[%parallel_loop3A_226], %parallel_loop3A_234 {add = true} : memref<10000xf32, #tpu.memory_space<vmem>>[vector<16xi32>], vector<16xf32>,
      %parallel_loop3A_235 = tpu.vector_load_idx %arg8[%parallel_loop3A_223] : memref<10000xf32, #tpu.memory_space<vmem>>[vector<16xi32>], vector<16xf32>,
      %parallel_loop3A_236 = arith.mulf %parallel_loop3A_235, %parallel_loop3A_230 : vector<16xf32>
      tpu.vector_store_idx %arg12[%parallel_loop3A_226], %parallel_loop3A_236 {add = true} : memref<10000xf32, #tpu.memory_space<vmem>>[vector<16xi32>], vector<16xf32>,
      %parallel_loop3A_237 = tpu.vector_load_idx %arg9[%parallel_loop3A_223] : memref<10000xf32, #tpu.memory_space<vmem>>[vector<16xi32>], vector<16xf32>,
      %parallel_loop3A_238 = arith.mulf %parallel_loop3A_237, %parallel_loop3A_230 : vector<16xf32>
      tpu.vector_store_idx %arg13[%parallel_loop3A_226], %parallel_loop3A_238 {add = true} : memref<10000xf32, #tpu.memory_space<vmem>>[vector<16xi32>], vector<16xf32>,
    } {sc.loop_unroll_factor = 5 : i64, sc.parallel_access}
    %mul3A_136 = arith.constant 4 : i32
    %mul3A_137 = arith.muli %select_n3A_30, %mul3A_136 : i32
    %add3A_138 = arith.constant 0 : i32
    %add3A_139 = arith.addi %mul3A_137, %add3A_138 : i32
    %dma_start3A_140 = arith.constant 0 : i32
    %dma_start3A_141 = tpu.memref_slice %arg5[%select_n3A, %add3A_139, %dma_start3A_140] : memref<8x16x10000xf32, #tpu.memory_space<hbm>> -> memref<1x1x10000xf32, #tpu.memory_space<hbm>>
    %dma_start3A_142 = tpu.memref_squeeze %dma_start3A_141 : memref<1x1x10000xf32, #tpu.memory_space<hbm>> -> memref<10000xf32, #tpu.memory_space<hbm>>
    %dma_start3A_143 = arith.constant 0 : i32
    %dma_start3A_144 = tpu.memref_slice %arg5[%select_n3A, %add3A_139, %dma_start3A_143] : memref<8x16x10000xf32, #tpu.memory_space<hbm>> -> memref<1x1x10000xf32, #tpu.memory_space<hbm>>
    %dma_start3A_145 = tpu.memref_squeeze %dma_start3A_144 : memref<1x1x10000xf32, #tpu.memory_space<hbm>> -> memref<10000xf32, #tpu.memory_space<hbm>>
    tpu.enqueue_dma source(%arg10 : memref<10000xf32, #tpu.memory_space<vmem>>) target(%dma_start3A_145 : memref<10000xf32, #tpu.memory_space<hbm>>) target_semaphore(%arg18 : memref<!tpu.dma_semaphore, #tpu.memory_space<semaphore_mem>>)
    %mul3A_146 = arith.constant 4 : i32
    %mul3A_147 = arith.muli %select_n3A_30, %mul3A_146 : i32
    %add3A_148 = arith.constant 1 : i32
    %add3A_149 = arith.addi %mul3A_147, %add3A_148 : i32
    %dma_start3A_150 = arith.constant 0 : i32
    %dma_start3A_151 = tpu.memref_slice %arg5[%select_n3A, %add3A_149, %dma_start3A_150] : memref<8x16x10000xf32, #tpu.memory_space<hbm>> -> memref<1x1x10000xf32, #tpu.memory_space<hbm>>
    %dma_start3A_152 = tpu.memref_squeeze %dma_start3A_151 : memref<1x1x10000xf32, #tpu.memory_space<hbm>> -> memref<10000xf32, #tpu.memory_space<hbm>>
    %dma_start3A_153 = arith.constant 0 : i32
    %dma_start3A_154 = tpu.memref_slice %arg5[%select_n3A, %add3A_149, %dma_start3A_153] : memref<8x16x10000xf32, #tpu.memory_space<hbm>> -> memref<1x1x10000xf32, #tpu.memory_space<hbm>>
    %dma_start3A_155 = tpu.memref_squeeze %dma_start3A_154 : memref<1x1x10000xf32, #tpu.memory_space<hbm>> -> memref<10000xf32, #tpu.memory_space<hbm>>
    tpu.enqueue_dma source(%arg11 : memref<10000xf32, #tpu.memory_space<vmem>>) target(%dma_start3A_155 : memref<10000xf32, #tpu.memory_space<hbm>>) target_semaphore(%arg18 : memref<!tpu.dma_semaphore, #tpu.memory_space<semaphore_mem>>)
    %mul3A_156 = arith.constant 4 : i32
    %mul3A_157 = arith.muli %select_n3A_30, %mul3A_156 : i32
    %add3A_158 = arith.constant 2 : i32
    %add3A_159 = arith.addi %mul3A_157, %add3A_158 : i32
    %dma_start3A_160 = arith.constant 0 : i32
    %dma_start3A_161 = tpu.memref_slice %arg5[%select_n3A, %add3A_159, %dma_start3A_160] : memref<8x16x10000xf32, #tpu.memory_space<hbm>> -> memref<1x1x10000xf32, #tpu.memory_space<hbm>>
    %dma_start3A_162 = tpu.memref_squeeze %dma_start3A_161 : memref<1x1x10000xf32, #tpu.memory_space<hbm>> -> memref<10000xf32, #tpu.memory_space<hbm>>
    %dma_start3A_163 = arith.constant 0 : i32
    %dma_start3A_164 = tpu.memref_slice %arg5[%select_n3A, %add3A_159, %dma_start3A_163] : memref<8x16x10000xf32, #tpu.memory_space<hbm>> -> memref<1x1x10000xf32, #tpu.memory_space<hbm>>
    %dma_start3A_165 = tpu.memref_squeeze %dma_start3A_164 : memref<1x1x10000xf32, #tpu.memory_space<hbm>> -> memref<10000xf32, #tpu.memory_space<hbm>>
    tpu.enqueue_dma source(%arg12 : memref<10000xf32, #tpu.memory_space<vmem>>) target(%dma_start3A_165 : memref<10000xf32, #tpu.memory_space<hbm>>) target_semaphore(%arg18 : memref<!tpu.dma_semaphore, #tpu.memory_space<semaphore_mem>>)
    %mul3A_166 = arith.constant 4 : i32
    %mul3A_167 = arith.muli %select_n3A_30, %mul3A_166 : i32
    %add3A_168 = arith.constant 3 : i32
    %add3A_169 = arith.addi %mul3A_167, %add3A_168 : i32
    %dma_start3A_170 = arith.constant 0 : i32
    %dma_start3A_171 = tpu.memref_slice %arg5[%select_n3A, %add3A_169, %dma_start3A_170] : memref<8x16x10000xf32, #tpu.memory_space<hbm>> -> memref<1x1x10000xf32, #tpu.memory_space<hbm>>
    %dma_start3A_172 = tpu.memref_squeeze %dma_start3A_171 : memref<1x1x10000xf32, #tpu.memory_space<hbm>> -> memref<10000xf32, #tpu.memory_space<hbm>>
    %dma_start3A_173 = arith.constant 0 : i32
    %dma_start3A_174 = tpu.memref_slice %arg5[%select_n3A, %add3A_169, %dma_start3A_173] : memref<8x16x10000xf32, #tpu.memory_space<hbm>> -> memref<1x1x10000xf32, #tpu.memory_space<hbm>>
    %dma_start3A_175 = tpu.memref_squeeze %dma_start3A_174 : memref<1x1x10000xf32, #tpu.memory_space<hbm>> -> memref<10000xf32, #tpu.memory_space<hbm>>
    tpu.enqueue_dma source(%arg13 : memref<10000xf32, #tpu.memory_space<vmem>>) target(%dma_start3A_175 : memref<10000xf32, #tpu.memory_space<hbm>>) target_semaphore(%arg18 : memref<!tpu.dma_semaphore, #tpu.memory_space<semaphore_mem>>)
    %mul3A_176 = arith.constant 4 : i32
    %mul3A_177 = arith.muli %select_n3A_30, %mul3A_176 : i32
    %add3A_178 = arith.constant 0 : i32
    %add3A_179 = arith.addi %mul3A_177, %add3A_178 : i32
    %dma_wait3A_180 = arith.constant 0 : i32
    %dma_wait3A_181 = tpu.memref_slice %arg5[%select_n3A, %add3A_179, %dma_wait3A_180] : memref<8x16x10000xf32, #tpu.memory_space<hbm>> -> memref<1x1x10000xf32, #tpu.memory_space<hbm>>
    %dma_wait3A_182 = tpu.memref_squeeze %dma_wait3A_181 : memref<1x1x10000xf32, #tpu.memory_space<hbm>> -> memref<10000xf32, #tpu.memory_space<hbm>>
    %dma_wait3A_183 = arith.constant 0 : i32
    %dma_wait3A_184 = tpu.memref_slice %arg5[%select_n3A, %add3A_179, %dma_wait3A_183] : memref<8x16x10000xf32, #tpu.memory_space<hbm>> -> memref<1x1x10000xf32, #tpu.memory_space<hbm>>
    %dma_wait3A_185 = tpu.memref_squeeze %dma_wait3A_184 : memref<1x1x10000xf32, #tpu.memory_space<hbm>> -> memref<10000xf32, #tpu.memory_space<hbm>>
    tpu.wait_dma2 semaphore(%arg18 : memref<!tpu.dma_semaphore, #tpu.memory_space<semaphore_mem>>) src(%arg10 : memref<10000xf32, #tpu.memory_space<vmem>>) dst(%dma_wait3A_185 : memref<10000xf32, #tpu.memory_space<hbm>>)
    %mul3A_186 = arith.constant 4 : i32
    %mul3A_187 = arith.muli %select_n3A_30, %mul3A_186 : i32
    %add3A_188 = arith.constant 1 : i32
    %add3A_189 = arith.addi %mul3A_187, %add3A_188 : i32
    %dma_wait3A_190 = arith.constant 0 : i32
    %dma_wait3A_191 = tpu.memref_slice %arg5[%select_n3A, %add3A_189, %dma_wait3A_190] : memref<8x16x10000xf32, #tpu.memory_space<hbm>> -> memref<1x1x10000xf32, #tpu.memory_space<hbm>>
    %dma_wait3A_192 = tpu.memref_squeeze %dma_wait3A_191 : memref<1x1x10000xf32, #tpu.memory_space<hbm>> -> memref<10000xf32, #tpu.memory_space<hbm>>
    %dma_wait3A_193 = arith.constant 0 : i32
    %dma_wait3A_194 = tpu.memref_slice %arg5[%select_n3A, %add3A_189, %dma_wait3A_193] : memref<8x16x10000xf32, #tpu.memory_space<hbm>> -> memref<1x1x10000xf32, #tpu.memory_space<hbm>>
    %dma_wait3A_195 = tpu.memref_squeeze %dma_wait3A_194 : memref<1x1x10000xf32, #tpu.memory_space<hbm>> -> memref<10000xf32, #tpu.memory_space<hbm>>
    tpu.wait_dma2 semaphore(%arg18 : memref<!tpu.dma_semaphore, #tpu.memory_space<semaphore_mem>>) src(%arg11 : memref<10000xf32, #tpu.memory_space<vmem>>) dst(%dma_wait3A_195 : memref<10000xf32, #tpu.memory_space<hbm>>)
    %mul3A_196 = arith.constant 4 : i32
    %mul3A_197 = arith.muli %select_n3A_30, %mul3A_196 : i32
    %add3A_198 = arith.constant 2 : i32
    %add3A_199 = arith.addi %mul3A_197, %add3A_198 : i32
    %dma_wait3A_200 = arith.constant 0 : i32
    %dma_wait3A_201 = tpu.memref_slice %arg5[%select_n3A, %add3A_199, %dma_wait3A_200] : memref<8x16x10000xf32, #tpu.memory_space<hbm>> -> memref<1x1x10000xf32, #tpu.memory_space<hbm>>
    %dma_wait3A_202 = tpu.memref_squeeze %dma_wait3A_201 : memref<1x1x10000xf32, #tpu.memory_space<hbm>> -> memref<10000xf32, #tpu.memory_space<hbm>>
    %dma_wait3A_203 = arith.constant 0 : i32
    %dma_wait3A_204 = tpu.memref_slice %arg5[%select_n3A, %add3A_199, %dma_wait3A_203] : memref<8x16x10000xf32, #tpu.memory_space<hbm>> -> memref<1x1x10000xf32, #tpu.memory_space<hbm>>
    %dma_wait3A_205 = tpu.memref_squeeze %dma_wait3A_204 : memref<1x1x10000xf32, #tpu.memory_space<hbm>> -> memref<10000xf32, #tpu.memory_space<hbm>>
    tpu.wait_dma2 semaphore(%arg18 : memref<!tpu.dma_semaphore, #tpu.memory_space<semaphore_mem>>) src(%arg12 : memref<10000xf32, #tpu.memory_space<vmem>>) dst(%dma_wait3A_205 : memref<10000xf32, #tpu.memory_space<hbm>>)
    %mul3A_206 = arith.constant 4 : i32
    %mul3A_207 = arith.muli %select_n3A_30, %mul3A_206 : i32
    %add3A_208 = arith.constant 3 : i32
    %add3A_209 = arith.addi %mul3A_207, %add3A_208 : i32
    %dma_wait3A_210 = arith.constant 0 : i32
    %dma_wait3A_211 = tpu.memref_slice %arg5[%select_n3A, %add3A_209, %dma_wait3A_210] : memref<8x16x10000xf32, #tpu.memory_space<hbm>> -> memref<1x1x10000xf32, #tpu.memory_space<hbm>>
    %dma_wait3A_212 = tpu.memref_squeeze %dma_wait3A_211 : memref<1x1x10000xf32, #tpu.memory_space<hbm>> -> memref<10000xf32, #tpu.memory_space<hbm>>
    %dma_wait3A_213 = arith.constant 0 : i32
    %dma_wait3A_214 = tpu.memref_slice %arg5[%select_n3A, %add3A_209, %dma_wait3A_213] : memref<8x16x10000xf32, #tpu.memory_space<hbm>> -> memref<1x1x10000xf32, #tpu.memory_space<hbm>>
    %dma_wait3A_215 = tpu.memref_squeeze %dma_wait3A_214 : memref<1x1x10000xf32, #tpu.memory_space<hbm>> -> memref<10000xf32, #tpu.memory_space<hbm>>
    tpu.wait_dma2 semaphore(%arg18 : memref<!tpu.dma_semaphore, #tpu.memory_space<semaphore_mem>>) src(%arg13 : memref<10000xf32, #tpu.memory_space<vmem>>) dst(%dma_wait3A_215 : memref<10000xf32, #tpu.memory_space<hbm>>)
    return
  }
}

#map = affine_map<(d0, d1) -> (0, 0)>
#map1 = affine_map<(d0, d1) -> (0)>
#map2 = affine_map<(d0, d1) -> (0, 0, 0)>
module attributes {stable_mosaic.version = 14 : i64} {
  func.func @body(%arg0: i32, %arg1: i32, %arg2: memref<32x10000xf32, #tpu.memory_space<hbm>>, %arg3: memref<320000xi32, #tpu.memory_space<hbm>>, %arg4: memref<320000xf32, #tpu.memory_space<hbm>>, %arg5: memref<4x32x10000xf32, #tpu.memory_space<hbm>>, %arg6: memref<10000xf32, #tpu.memory_space<vmem>>, %arg7: memref<10000xf32, #tpu.memory_space<vmem>>, %arg8: memref<10000xf32, #tpu.memory_space<vmem>>, %arg9: memref<10000xf32, #tpu.memory_space<vmem>>, %arg10: memref<10000xf32, #tpu.memory_space<vmem>>, %arg11: memref<10000xf32, #tpu.memory_space<vmem>>, %arg12: memref<10000xf32, #tpu.memory_space<vmem>>, %arg13: memref<10000xf32, #tpu.memory_space<vmem>>, %arg14: memref<8000xi32, #tpu.memory_space<vmem>>, %arg15: memref<8000xf32, #tpu.memory_space<vmem>>, %arg16: memref<8000xi32, #tpu.memory_space<vmem>>, %arg17: memref<8000xf32, #tpu.memory_space<vmem>>, %arg18: memref<!tpu.dma_semaphore, #tpu.memory_space<semaphore_mem>>, %arg19: memref<!tpu.dma_semaphore, #tpu.memory_space<semaphore_mem>>, %arg20: memref<!tpu.dma_semaphore, #tpu.memory_space<semaphore_mem>>) attributes {dimension_semantics = [#tpu.dimension_semantics<core_parallel>, #tpu.dimension_semantics<subcore_parallel>], iteration_bounds = array<i64: 2, 16>, scalar_prefetch = 0 : i64, scratch_operands = 15 : i64, tpu.core_type = #tpu.core_type<sc_vector_subcore>, window_params = [{transform_indices = #map}, {transform_indices = #map1}, {transform_indices = #map1}, {transform_indices = #map2}]} {
    %mul3A = arith.constant 2 : i32
    %mul3A_0 = arith.muli %arg1, %mul3A : i32
    %add3A = arith.addi %mul3A_0, %arg0 : i32
    %jit3A = arith.constant 8 : i32
    %div3A = arith.divsi %add3A, %jit3A : i32
    %sign3A = arith.constant 0 : i32
    %sign3A_1 = arith.cmpi sgt, %add3A, %sign3A : i32
    %sign3A_2 = arith.extui %sign3A_1 : i1 to i32
    %sign3A_3 = arith.constant 0 : i32
    %sign3A_4 = arith.cmpi slt, %add3A, %sign3A_3 : i32
    %sign3A_5 = arith.extui %sign3A_4 : i1 to i32
    %sign3A_6 = arith.subi %sign3A_2, %sign3A_5 : i32
    %sign3A_7 = arith.constant 0 : i32
    %sign3A_8 = arith.cmpi sgt, %jit3A, %sign3A_7 : i32
    %sign3A_9 = arith.extui %sign3A_8 : i1 to i32
    %sign3A_10 = arith.constant 0 : i32
    %sign3A_11 = arith.cmpi slt, %jit3A, %sign3A_10 : i32
    %sign3A_12 = arith.extui %sign3A_11 : i1 to i32
    %sign3A_13 = arith.subi %sign3A_9, %sign3A_12 : i32
    %ne3A = arith.cmpi ne, %sign3A_6, %sign3A_13 : i32
    %rem3A = arith.remsi %add3A, %jit3A : i32
    %ne3A_14 = arith.constant 0 : i32
    %ne3A_15 = arith.cmpi ne, %rem3A, %ne3A_14 : i32
    %and3A = arith.andi %ne3A, %ne3A_15 : i1
    %sub3A = arith.constant 1 : i32
    %sub3A_16 = arith.subi %div3A, %sub3A : i32
    %select_n3A = arith.select %and3A, %sub3A_16, %div3A : i32
    %jit3A_17 = arith.constant 8 : i32
    %eq3A = arith.constant 0 : i32
    %eq3A_18 = arith.cmpi eq, %jit3A_17, %eq3A : i32
    %jit3A_19 = arith.constant 1 : i32
    %select_n3A_20 = arith.select %eq3A_18, %jit3A_19, %jit3A_17 : i32
    %rem3A_21 = arith.remsi %add3A, %select_n3A_20 : i32
    %ne3A_22 = arith.constant 0 : i32
    %ne3A_23 = arith.cmpi ne, %rem3A_21, %ne3A_22 : i32
    %lt3A = arith.constant 0 : i32
    %lt3A_24 = arith.cmpi slt, %rem3A_21, %lt3A : i32
    %lt3A_25 = arith.constant 0 : i32
    %lt3A_26 = arith.cmpi slt, %select_n3A_20, %lt3A_25 : i32
    %ne3A_27 = arith.xori %lt3A_24, %lt3A_26 : i1
    %and3A_28 = arith.andi %ne3A_27, %ne3A_23 : i1
    %add3A_29 = arith.addi %rem3A_21, %select_n3A_20 : i32
    %select_n3A_30 = arith.select %and3A_28, %add3A_29, %rem3A_21 : i32
    %mul3A_31 = arith.constant 80000 : i32
    %mul3A_32 = arith.muli %select_n3A, %mul3A_31 : i32
    %add3A_33 = arith.constant 0 : i32
    %add3A_34 = arith.addi %mul3A_32, %add3A_33 : i32
    %dma_start3A = tpu.memref_slice %arg3[%add3A_34] : memref<320000xi32, #tpu.memory_space<hbm>> -> memref<8000xi32, #tpu.memory_space<hbm>>
    %dma_start3A_35 = tpu.memref_slice %arg3[%add3A_34] : memref<320000xi32, #tpu.memory_space<hbm>> -> memref<8000xi32, #tpu.memory_space<hbm>>
    tpu.enqueue_dma source(%dma_start3A_35 : memref<8000xi32, #tpu.memory_space<hbm>>) target(%arg14 : memref<8000xi32, #tpu.memory_space<vmem>>) target_semaphore(%arg19 : memref<!tpu.dma_semaphore, #tpu.memory_space<semaphore_mem>>)
    %dma_start3A_36 = tpu.memref_slice %arg4[%add3A_34] : memref<320000xf32, #tpu.memory_space<hbm>> -> memref<8000xf32, #tpu.memory_space<hbm>>
    %dma_start3A_37 = tpu.memref_slice %arg4[%add3A_34] : memref<320000xf32, #tpu.memory_space<hbm>> -> memref<8000xf32, #tpu.memory_space<hbm>>
    tpu.enqueue_dma source(%dma_start3A_37 : memref<8000xf32, #tpu.memory_space<hbm>>) target(%arg15 : memref<8000xf32, #tpu.memory_space<vmem>>) target_semaphore(%arg19 : memref<!tpu.dma_semaphore, #tpu.memory_space<semaphore_mem>>)
    %mul3A_38 = arith.constant 4 : i32
    %mul3A_39 = arith.muli %select_n3A_30, %mul3A_38 : i32
    %add3A_40 = arith.constant 0 : i32
    %add3A_41 = arith.addi %mul3A_39, %add3A_40 : i32
    %dma_start3A_42 = arith.constant 0 : i32
    %dma_start3A_43 = tpu.memref_slice %arg2[%add3A_41, %dma_start3A_42] : memref<32x10000xf32, #tpu.memory_space<hbm>> -> memref<1x10000xf32, #tpu.memory_space<hbm>>
    %dma_start3A_44 = tpu.memref_squeeze %dma_start3A_43 : memref<1x10000xf32, #tpu.memory_space<hbm>> -> memref<10000xf32, #tpu.memory_space<hbm>>
    %dma_start3A_45 = arith.constant 0 : i32
    %dma_start3A_46 = tpu.memref_slice %arg2[%add3A_41, %dma_start3A_45] : memref<32x10000xf32, #tpu.memory_space<hbm>> -> memref<1x10000xf32, #tpu.memory_space<hbm>>
    %dma_start3A_47 = tpu.memref_squeeze %dma_start3A_46 : memref<1x10000xf32, #tpu.memory_space<hbm>> -> memref<10000xf32, #tpu.memory_space<hbm>>
    tpu.enqueue_dma source(%dma_start3A_47 : memref<10000xf32, #tpu.memory_space<hbm>>) target(%arg6 : memref<10000xf32, #tpu.memory_space<vmem>>) target_semaphore(%arg18 : memref<!tpu.dma_semaphore, #tpu.memory_space<semaphore_mem>>)
    %mul3A_48 = arith.constant 4 : i32
    %mul3A_49 = arith.muli %select_n3A_30, %mul3A_48 : i32
    %add3A_50 = arith.constant 1 : i32
    %add3A_51 = arith.addi %mul3A_49, %add3A_50 : i32
    %dma_start3A_52 = arith.constant 0 : i32
    %dma_start3A_53 = tpu.memref_slice %arg2[%add3A_51, %dma_start3A_52] : memref<32x10000xf32, #tpu.memory_space<hbm>> -> memref<1x10000xf32, #tpu.memory_space<hbm>>
    %dma_start3A_54 = tpu.memref_squeeze %dma_start3A_53 : memref<1x10000xf32, #tpu.memory_space<hbm>> -> memref<10000xf32, #tpu.memory_space<hbm>>
    %dma_start3A_55 = arith.constant 0 : i32
    %dma_start3A_56 = tpu.memref_slice %arg2[%add3A_51, %dma_start3A_55] : memref<32x10000xf32, #tpu.memory_space<hbm>> -> memref<1x10000xf32, #tpu.memory_space<hbm>>
    %dma_start3A_57 = tpu.memref_squeeze %dma_start3A_56 : memref<1x10000xf32, #tpu.memory_space<hbm>> -> memref<10000xf32, #tpu.memory_space<hbm>>
    tpu.enqueue_dma source(%dma_start3A_57 : memref<10000xf32, #tpu.memory_space<hbm>>) target(%arg7 : memref<10000xf32, #tpu.memory_space<vmem>>) target_semaphore(%arg18 : memref<!tpu.dma_semaphore, #tpu.memory_space<semaphore_mem>>)
    %mul3A_58 = arith.constant 4 : i32
    %mul3A_59 = arith.muli %select_n3A_30, %mul3A_58 : i32
    %add3A_60 = arith.constant 2 : i32
    %add3A_61 = arith.addi %mul3A_59, %add3A_60 : i32
    %dma_start3A_62 = arith.constant 0 : i32
    %dma_start3A_63 = tpu.memref_slice %arg2[%add3A_61, %dma_start3A_62] : memref<32x10000xf32, #tpu.memory_space<hbm>> -> memref<1x10000xf32, #tpu.memory_space<hbm>>
    %dma_start3A_64 = tpu.memref_squeeze %dma_start3A_63 : memref<1x10000xf32, #tpu.memory_space<hbm>> -> memref<10000xf32, #tpu.memory_space<hbm>>
    %dma_start3A_65 = arith.constant 0 : i32
    %dma_start3A_66 = tpu.memref_slice %arg2[%add3A_61, %dma_start3A_65] : memref<32x10000xf32, #tpu.memory_space<hbm>> -> memref<1x10000xf32, #tpu.memory_space<hbm>>
    %dma_start3A_67 = tpu.memref_squeeze %dma_start3A_66 : memref<1x10000xf32, #tpu.memory_space<hbm>> -> memref<10000xf32, #tpu.memory_space<hbm>>
    tpu.enqueue_dma source(%dma_start3A_67 : memref<10000xf32, #tpu.memory_space<hbm>>) target(%arg8 : memref<10000xf32, #tpu.memory_space<vmem>>) target_semaphore(%arg18 : memref<!tpu.dma_semaphore, #tpu.memory_space<semaphore_mem>>)
    %mul3A_68 = arith.constant 4 : i32
    %mul3A_69 = arith.muli %select_n3A_30, %mul3A_68 : i32
    %add3A_70 = arith.constant 3 : i32
    %add3A_71 = arith.addi %mul3A_69, %add3A_70 : i32
    %dma_start3A_72 = arith.constant 0 : i32
    %dma_start3A_73 = tpu.memref_slice %arg2[%add3A_71, %dma_start3A_72] : memref<32x10000xf32, #tpu.memory_space<hbm>> -> memref<1x10000xf32, #tpu.memory_space<hbm>>
    %dma_start3A_74 = tpu.memref_squeeze %dma_start3A_73 : memref<1x10000xf32, #tpu.memory_space<hbm>> -> memref<10000xf32, #tpu.memory_space<hbm>>
    %dma_start3A_75 = arith.constant 0 : i32
    %dma_start3A_76 = tpu.memref_slice %arg2[%add3A_71, %dma_start3A_75] : memref<32x10000xf32, #tpu.memory_space<hbm>> -> memref<1x10000xf32, #tpu.memory_space<hbm>>
    %dma_start3A_77 = tpu.memref_squeeze %dma_start3A_76 : memref<1x10000xf32, #tpu.memory_space<hbm>> -> memref<10000xf32, #tpu.memory_space<hbm>>
    tpu.enqueue_dma source(%dma_start3A_77 : memref<10000xf32, #tpu.memory_space<hbm>>) target(%arg9 : memref<10000xf32, #tpu.memory_space<vmem>>) target_semaphore(%arg18 : memref<!tpu.dma_semaphore, #tpu.memory_space<semaphore_mem>>)
    %broadcast_in_dim3A = arith.constant 0.000000e+00 : f32
    %broadcast_in_dim3A_78 = vector.broadcast %broadcast_in_dim3A : f32 to vector<16xf32>
    %parallel_loop3A = arith.constant 0 : i32
    %parallel_loop3A_79 = arith.constant 625 : i32
    %parallel_loop3A_80 = arith.constant 1 : i32
    scf.for %parallel_loop3A_205 = %parallel_loop3A to %parallel_loop3A_79 step %parallel_loop3A_80  : i32 {
      %parallel_loop3A_206 = arith.constant 16 : i32
      %parallel_loop3A_207 = arith.muli %parallel_loop3A_205, %parallel_loop3A_206 : i32
      %parallel_loop3A_208 = arith.index_cast %parallel_loop3A_207 : i32 to index
      %parallel_loop3A_209 = tpu.vector_load %arg10[%parallel_loop3A_208] {strides = array<i32>} : memref<10000xf32, #tpu.memory_space<vmem>>, vector<16xf32>,
      tpu.vector_store %arg10[%parallel_loop3A_208], %broadcast_in_dim3A_78 {strides = array<i32>} : memref<10000xf32, #tpu.memory_space<vmem>>, vector<16xf32>,
      %parallel_loop3A_210 = arith.constant 16 : i32
      %parallel_loop3A_211 = arith.muli %parallel_loop3A_205, %parallel_loop3A_210 : i32
      %parallel_loop3A_212 = arith.index_cast %parallel_loop3A_211 : i32 to index
      %parallel_loop3A_213 = tpu.vector_load %arg11[%parallel_loop3A_212] {strides = array<i32>} : memref<10000xf32, #tpu.memory_space<vmem>>, vector<16xf32>,
      tpu.vector_store %arg11[%parallel_loop3A_212], %broadcast_in_dim3A_78 {strides = array<i32>} : memref<10000xf32, #tpu.memory_space<vmem>>, vector<16xf32>,
      %parallel_loop3A_214 = arith.constant 16 : i32
      %parallel_loop3A_215 = arith.muli %parallel_loop3A_205, %parallel_loop3A_214 : i32
      %parallel_loop3A_216 = arith.index_cast %parallel_loop3A_215 : i32 to index
      %parallel_loop3A_217 = tpu.vector_load %arg12[%parallel_loop3A_216] {strides = array<i32>} : memref<10000xf32, #tpu.memory_space<vmem>>, vector<16xf32>,
      tpu.vector_store %arg12[%parallel_loop3A_216], %broadcast_in_dim3A_78 {strides = array<i32>} : memref<10000xf32, #tpu.memory_space<vmem>>, vector<16xf32>,
      %parallel_loop3A_218 = arith.constant 16 : i32
      %parallel_loop3A_219 = arith.muli %parallel_loop3A_205, %parallel_loop3A_218 : i32
      %parallel_loop3A_220 = arith.index_cast %parallel_loop3A_219 : i32 to index
      %parallel_loop3A_221 = tpu.vector_load %arg13[%parallel_loop3A_220] {strides = array<i32>} : memref<10000xf32, #tpu.memory_space<vmem>>, vector<16xf32>,
      tpu.vector_store %arg13[%parallel_loop3A_220], %broadcast_in_dim3A_78 {strides = array<i32>} : memref<10000xf32, #tpu.memory_space<vmem>>, vector<16xf32>,
    } {sc.loop_unroll_factor = 4 : i64, sc.parallel_access}
    %mul3A_81 = arith.constant 4 : i32
    %mul3A_82 = arith.muli %select_n3A_30, %mul3A_81 : i32
    %add3A_83 = arith.constant 0 : i32
    %add3A_84 = arith.addi %mul3A_82, %add3A_83 : i32
    %dma_wait3A = arith.constant 0 : i32
    %dma_wait3A_85 = tpu.memref_slice %arg2[%add3A_84, %dma_wait3A] : memref<32x10000xf32, #tpu.memory_space<hbm>> -> memref<1x10000xf32, #tpu.memory_space<hbm>>
    %dma_wait3A_86 = tpu.memref_squeeze %dma_wait3A_85 : memref<1x10000xf32, #tpu.memory_space<hbm>> -> memref<10000xf32, #tpu.memory_space<hbm>>
    %dma_wait3A_87 = arith.constant 0 : i32
    %dma_wait3A_88 = tpu.memref_slice %arg2[%add3A_84, %dma_wait3A_87] : memref<32x10000xf32, #tpu.memory_space<hbm>> -> memref<1x10000xf32, #tpu.memory_space<hbm>>
    %dma_wait3A_89 = tpu.memref_squeeze %dma_wait3A_88 : memref<1x10000xf32, #tpu.memory_space<hbm>> -> memref<10000xf32, #tpu.memory_space<hbm>>
    tpu.wait_dma2 semaphore(%arg18 : memref<!tpu.dma_semaphore, #tpu.memory_space<semaphore_mem>>) src(%dma_wait3A_89 : memref<10000xf32, #tpu.memory_space<hbm>>) dst(%arg6 : memref<10000xf32, #tpu.memory_space<vmem>>)
    %mul3A_90 = arith.constant 4 : i32
    %mul3A_91 = arith.muli %select_n3A_30, %mul3A_90 : i32
    %add3A_92 = arith.constant 1 : i32
    %add3A_93 = arith.addi %mul3A_91, %add3A_92 : i32
    %dma_wait3A_94 = arith.constant 0 : i32
    %dma_wait3A_95 = tpu.memref_slice %arg2[%add3A_93, %dma_wait3A_94] : memref<32x10000xf32, #tpu.memory_space<hbm>> -> memref<1x10000xf32, #tpu.memory_space<hbm>>
    %dma_wait3A_96 = tpu.memref_squeeze %dma_wait3A_95 : memref<1x10000xf32, #tpu.memory_space<hbm>> -> memref<10000xf32, #tpu.memory_space<hbm>>
    %dma_wait3A_97 = arith.constant 0 : i32
    %dma_wait3A_98 = tpu.memref_slice %arg2[%add3A_93, %dma_wait3A_97] : memref<32x10000xf32, #tpu.memory_space<hbm>> -> memref<1x10000xf32, #tpu.memory_space<hbm>>
    %dma_wait3A_99 = tpu.memref_squeeze %dma_wait3A_98 : memref<1x10000xf32, #tpu.memory_space<hbm>> -> memref<10000xf32, #tpu.memory_space<hbm>>
    tpu.wait_dma2 semaphore(%arg18 : memref<!tpu.dma_semaphore, #tpu.memory_space<semaphore_mem>>) src(%dma_wait3A_99 : memref<10000xf32, #tpu.memory_space<hbm>>) dst(%arg7 : memref<10000xf32, #tpu.memory_space<vmem>>)
    %mul3A_100 = arith.constant 4 : i32
    %mul3A_101 = arith.muli %select_n3A_30, %mul3A_100 : i32
    %add3A_102 = arith.constant 2 : i32
    %add3A_103 = arith.addi %mul3A_101, %add3A_102 : i32
    %dma_wait3A_104 = arith.constant 0 : i32
    %dma_wait3A_105 = tpu.memref_slice %arg2[%add3A_103, %dma_wait3A_104] : memref<32x10000xf32, #tpu.memory_space<hbm>> -> memref<1x10000xf32, #tpu.memory_space<hbm>>
    %dma_wait3A_106 = tpu.memref_squeeze %dma_wait3A_105 : memref<1x10000xf32, #tpu.memory_space<hbm>> -> memref<10000xf32, #tpu.memory_space<hbm>>
    %dma_wait3A_107 = arith.constant 0 : i32
    %dma_wait3A_108 = tpu.memref_slice %arg2[%add3A_103, %dma_wait3A_107] : memref<32x10000xf32, #tpu.memory_space<hbm>> -> memref<1x10000xf32, #tpu.memory_space<hbm>>
    %dma_wait3A_109 = tpu.memref_squeeze %dma_wait3A_108 : memref<1x10000xf32, #tpu.memory_space<hbm>> -> memref<10000xf32, #tpu.memory_space<hbm>>
    tpu.wait_dma2 semaphore(%arg18 : memref<!tpu.dma_semaphore, #tpu.memory_space<semaphore_mem>>) src(%dma_wait3A_109 : memref<10000xf32, #tpu.memory_space<hbm>>) dst(%arg8 : memref<10000xf32, #tpu.memory_space<vmem>>)
    %mul3A_110 = arith.constant 4 : i32
    %mul3A_111 = arith.muli %select_n3A_30, %mul3A_110 : i32
    %add3A_112 = arith.constant 3 : i32
    %add3A_113 = arith.addi %mul3A_111, %add3A_112 : i32
    %dma_wait3A_114 = arith.constant 0 : i32
    %dma_wait3A_115 = tpu.memref_slice %arg2[%add3A_113, %dma_wait3A_114] : memref<32x10000xf32, #tpu.memory_space<hbm>> -> memref<1x10000xf32, #tpu.memory_space<hbm>>
    %dma_wait3A_116 = tpu.memref_squeeze %dma_wait3A_115 : memref<1x10000xf32, #tpu.memory_space<hbm>> -> memref<10000xf32, #tpu.memory_space<hbm>>
    %dma_wait3A_117 = arith.constant 0 : i32
    %dma_wait3A_118 = tpu.memref_slice %arg2[%add3A_113, %dma_wait3A_117] : memref<32x10000xf32, #tpu.memory_space<hbm>> -> memref<1x10000xf32, #tpu.memory_space<hbm>>
    %dma_wait3A_119 = tpu.memref_squeeze %dma_wait3A_118 : memref<1x10000xf32, #tpu.memory_space<hbm>> -> memref<10000xf32, #tpu.memory_space<hbm>>
    tpu.wait_dma2 semaphore(%arg18 : memref<!tpu.dma_semaphore, #tpu.memory_space<semaphore_mem>>) src(%dma_wait3A_119 : memref<10000xf32, #tpu.memory_space<hbm>>) dst(%arg9 : memref<10000xf32, #tpu.memory_space<vmem>>)
    %scan3A = arith.constant 0 : i32
    %scan3A_120 = arith.constant 0 : i32
    %scan3A_121 = arith.constant 5 : i32
    %scan3A_122 = arith.addi %scan3A_120, %scan3A_121 : i32
    %scan3A_123 = arith.constant 1 : i32
    scf.for %scan3A_205 = %scan3A_120 to %scan3A_122 step %scan3A_123  : i32 {
      %mul3A_206 = arith.constant 2 : i32
      %mul3A_207 = arith.muli %mul3A_206, %scan3A_205 : i32
      %add3A_208 = arith.constant 1 : i32
      %add3A_209 = arith.addi %mul3A_207, %add3A_208 : i32
      %mul3A_210 = arith.constant 8000 : i32
      %mul3A_211 = arith.muli %add3A_209, %mul3A_210 : i32
      %add3A_212 = arith.addi %mul3A_32, %mul3A_211 : i32
      %dma_start3A_213 = tpu.memref_slice %arg3[%add3A_212] : memref<320000xi32, #tpu.memory_space<hbm>> -> memref<8000xi32, #tpu.memory_space<hbm>>
      %dma_start3A_214 = tpu.memref_slice %arg3[%add3A_212] : memref<320000xi32, #tpu.memory_space<hbm>> -> memref<8000xi32, #tpu.memory_space<hbm>>
      tpu.enqueue_dma source(%dma_start3A_214 : memref<8000xi32, #tpu.memory_space<hbm>>) target(%arg16 : memref<8000xi32, #tpu.memory_space<vmem>>) target_semaphore(%arg20 : memref<!tpu.dma_semaphore, #tpu.memory_space<semaphore_mem>>)
      %dma_start3A_215 = tpu.memref_slice %arg4[%add3A_212] : memref<320000xf32, #tpu.memory_space<hbm>> -> memref<8000xf32, #tpu.memory_space<hbm>>
      %dma_start3A_216 = tpu.memref_slice %arg4[%add3A_212] : memref<320000xf32, #tpu.memory_space<hbm>> -> memref<8000xf32, #tpu.memory_space<hbm>>
      tpu.enqueue_dma source(%dma_start3A_216 : memref<8000xf32, #tpu.memory_space<hbm>>) target(%arg17 : memref<8000xf32, #tpu.memory_space<vmem>>) target_semaphore(%arg20 : memref<!tpu.dma_semaphore, #tpu.memory_space<semaphore_mem>>)
      %dma_wait3A_217 = arith.constant 0 : i32
      %dma_wait3A_218 = tpu.memref_slice %arg3[%dma_wait3A_217] : memref<320000xi32, #tpu.memory_space<hbm>> -> memref<8000xi32, #tpu.memory_space<hbm>>
      %dma_wait3A_219 = arith.constant 0 : i32
      %dma_wait3A_220 = tpu.memref_slice %arg3[%dma_wait3A_219] : memref<320000xi32, #tpu.memory_space<hbm>> -> memref<8000xi32, #tpu.memory_space<hbm>>
      tpu.wait_dma2 semaphore(%arg19 : memref<!tpu.dma_semaphore, #tpu.memory_space<semaphore_mem>>) src(%dma_wait3A_220 : memref<8000xi32, #tpu.memory_space<hbm>>) dst(%arg14 : memref<8000xi32, #tpu.memory_space<vmem>>)
      %dma_wait3A_221 = arith.constant 0 : i32
      %dma_wait3A_222 = tpu.memref_slice %arg4[%dma_wait3A_221] : memref<320000xf32, #tpu.memory_space<hbm>> -> memref<8000xf32, #tpu.memory_space<hbm>>
      %dma_wait3A_223 = arith.constant 0 : i32
      %dma_wait3A_224 = tpu.memref_slice %arg4[%dma_wait3A_223] : memref<320000xf32, #tpu.memory_space<hbm>> -> memref<8000xf32, #tpu.memory_space<hbm>>
      tpu.wait_dma2 semaphore(%arg19 : memref<!tpu.dma_semaphore, #tpu.memory_space<semaphore_mem>>) src(%dma_wait3A_224 : memref<8000xf32, #tpu.memory_space<hbm>>) dst(%arg15 : memref<8000xf32, #tpu.memory_space<vmem>>)
      %parallel_loop3A_225 = arith.constant 0 : i32
      %parallel_loop3A_226 = arith.constant 500 : i32
      %parallel_loop3A_227 = arith.constant 1 : i32
      scf.for %parallel_loop3A_244 = %parallel_loop3A_225 to %parallel_loop3A_226 step %parallel_loop3A_227  : i32 {
        %parallel_loop3A_245 = arith.constant 16 : i32
        %parallel_loop3A_246 = arith.muli %parallel_loop3A_244, %parallel_loop3A_245 : i32
        %parallel_loop3A_247 = arith.index_cast %parallel_loop3A_246 : i32 to index
        %parallel_loop3A_248 = tpu.vector_load %arg14[%parallel_loop3A_247] {strides = array<i32>} : memref<8000xi32, #tpu.memory_space<vmem>>, vector<16xi32>,
        %parallel_loop3A_249 = arith.constant 65535 : i32
        %parallel_loop3A_250 = vector.broadcast %parallel_loop3A_249 : i32 to vector<16xi32>
        %parallel_loop3A_251 = arith.andi %parallel_loop3A_248, %parallel_loop3A_250 : vector<16xi32>
        %parallel_loop3A_252 = arith.constant 16 : i32
        %parallel_loop3A_253 = vector.broadcast %parallel_loop3A_252 : i32 to vector<16xi32>
        %parallel_loop3A_254 = arith.shrui %parallel_loop3A_248, %parallel_loop3A_253 : vector<16xi32>
        %parallel_loop3A_255 = arith.constant 16 : i32
        %parallel_loop3A_256 = arith.muli %parallel_loop3A_244, %parallel_loop3A_255 : i32
        %parallel_loop3A_257 = arith.index_cast %parallel_loop3A_256 : i32 to index
        %parallel_loop3A_258 = tpu.vector_load %arg15[%parallel_loop3A_257] {strides = array<i32>} : memref<8000xf32, #tpu.memory_space<vmem>>, vector<16xf32>,
        %parallel_loop3A_259 = tpu.vector_load_idx %arg6[%parallel_loop3A_251] : memref<10000xf32, #tpu.memory_space<vmem>>[vector<16xi32>], vector<16xf32>,
        %parallel_loop3A_260 = arith.mulf %parallel_loop3A_259, %parallel_loop3A_258 : vector<16xf32>
        tpu.vector_store_idx %arg10[%parallel_loop3A_254], %parallel_loop3A_260 {add = true} : memref<10000xf32, #tpu.memory_space<vmem>>[vector<16xi32>], vector<16xf32>,
        %parallel_loop3A_261 = tpu.vector_load_idx %arg7[%parallel_loop3A_251] : memref<10000xf32, #tpu.memory_space<vmem>>[vector<16xi32>], vector<16xf32>,
        %parallel_loop3A_262 = arith.mulf %parallel_loop3A_261, %parallel_loop3A_258 : vector<16xf32>
        tpu.vector_store_idx %arg11[%parallel_loop3A_254], %parallel_loop3A_262 {add = true} : memref<10000xf32, #tpu.memory_space<vmem>>[vector<16xi32>], vector<16xf32>,
        %parallel_loop3A_263 = tpu.vector_load_idx %arg8[%parallel_loop3A_251] : memref<10000xf32, #tpu.memory_space<vmem>>[vector<16xi32>], vector<16xf32>,
        %parallel_loop3A_264 = arith.mulf %parallel_loop3A_263, %parallel_loop3A_258 : vector<16xf32>
        tpu.vector_store_idx %arg12[%parallel_loop3A_254], %parallel_loop3A_264 {add = true} : memref<10000xf32, #tpu.memory_space<vmem>>[vector<16xi32>], vector<16xf32>,
        %parallel_loop3A_265 = tpu.vector_load_idx %arg9[%parallel_loop3A_251] : memref<10000xf32, #tpu.memory_space<vmem>>[vector<16xi32>], vector<16xf32>,
        %parallel_loop3A_266 = arith.mulf %parallel_loop3A_265, %parallel_loop3A_258 : vector<16xf32>
        tpu.vector_store_idx %arg13[%parallel_loop3A_254], %parallel_loop3A_266 {add = true} : memref<10000xf32, #tpu.memory_space<vmem>>[vector<16xi32>], vector<16xf32>,
      } {sc.loop_unroll_factor = 5 : i64, sc.parallel_access}
      %add3A_228 = arith.constant 2 : i32
      %add3A_229 = arith.addi %mul3A_207, %add3A_228 : i32
      %lt3A_230 = arith.constant 10 : i32
      %lt3A_231 = arith.cmpi slt, %add3A_229, %lt3A_230 : i32
      %convert_element_type3A = arith.extui %lt3A_231 : i1 to i32
      %cond3A = arith.constant 0 : i32
      %cond3A_232 = arith.cmpi ne, %convert_element_type3A, %cond3A : i32
      scf.if %cond3A_232 {
        %add3A_244 = arith.constant 2 : i32
        %add3A_245 = arith.addi %mul3A_207, %add3A_244 : i32
        %mul3A_246 = arith.constant 8000 : i32
        %mul3A_247 = arith.muli %add3A_245, %mul3A_246 : i32
        %add3A_248 = arith.addi %mul3A_32, %mul3A_247 : i32
        %dma_start3A_249 = tpu.memref_slice %arg3[%add3A_248] : memref<320000xi32, #tpu.memory_space<hbm>> -> memref<8000xi32, #tpu.memory_space<hbm>>
        %dma_start3A_250 = tpu.memref_slice %arg3[%add3A_248] : memref<320000xi32, #tpu.memory_space<hbm>> -> memref<8000xi32, #tpu.memory_space<hbm>>
        tpu.enqueue_dma source(%dma_start3A_250 : memref<8000xi32, #tpu.memory_space<hbm>>) target(%arg14 : memref<8000xi32, #tpu.memory_space<vmem>>) target_semaphore(%arg19 : memref<!tpu.dma_semaphore, #tpu.memory_space<semaphore_mem>>)
        %dma_start3A_251 = tpu.memref_slice %arg4[%add3A_248] : memref<320000xf32, #tpu.memory_space<hbm>> -> memref<8000xf32, #tpu.memory_space<hbm>>
        %dma_start3A_252 = tpu.memref_slice %arg4[%add3A_248] : memref<320000xf32, #tpu.memory_space<hbm>> -> memref<8000xf32, #tpu.memory_space<hbm>>
        tpu.enqueue_dma source(%dma_start3A_252 : memref<8000xf32, #tpu.memory_space<hbm>>) target(%arg15 : memref<8000xf32, #tpu.memory_space<vmem>>) target_semaphore(%arg19 : memref<!tpu.dma_semaphore, #tpu.memory_space<semaphore_mem>>)
      } else {
      }
      %dma_wait3A_233 = arith.constant 0 : i32
      %dma_wait3A_234 = tpu.memref_slice %arg3[%dma_wait3A_233] : memref<320000xi32, #tpu.memory_space<hbm>> -> memref<8000xi32, #tpu.memory_space<hbm>>
      %dma_wait3A_235 = arith.constant 0 : i32
      %dma_wait3A_236 = tpu.memref_slice %arg3[%dma_wait3A_235] : memref<320000xi32, #tpu.memory_space<hbm>> -> memref<8000xi32, #tpu.memory_space<hbm>>
      tpu.wait_dma2 semaphore(%arg20 : memref<!tpu.dma_semaphore, #tpu.memory_space<semaphore_mem>>) src(%dma_wait3A_236 : memref<8000xi32, #tpu.memory_space<hbm>>) dst(%arg16 : memref<8000xi32, #tpu.memory_space<vmem>>)
      %dma_wait3A_237 = arith.constant 0 : i32
      %dma_wait3A_238 = tpu.memref_slice %arg4[%dma_wait3A_237] : memref<320000xf32, #tpu.memory_space<hbm>> -> memref<8000xf32, #tpu.memory_space<hbm>>
      %dma_wait3A_239 = arith.constant 0 : i32
      %dma_wait3A_240 = tpu.memref_slice %arg4[%dma_wait3A_239] : memref<320000xf32, #tpu.memory_space<hbm>> -> memref<8000xf32, #tpu.memory_space<hbm>>
      tpu.wait_dma2 semaphore(%arg20 : memref<!tpu.dma_semaphore, #tpu.memory_space<semaphore_mem>>) src(%dma_wait3A_240 : memref<8000xf32, #tpu.memory_space<hbm>>) dst(%arg17 : memref<8000xf32, #tpu.memory_space<vmem>>)
      %parallel_loop3A_241 = arith.constant 0 : i32
      %parallel_loop3A_242 = arith.constant 500 : i32
      %parallel_loop3A_243 = arith.constant 1 : i32
      scf.for %parallel_loop3A_244 = %parallel_loop3A_241 to %parallel_loop3A_242 step %parallel_loop3A_243  : i32 {
        %parallel_loop3A_245 = arith.constant 16 : i32
        %parallel_loop3A_246 = arith.muli %parallel_loop3A_244, %parallel_loop3A_245 : i32
        %parallel_loop3A_247 = arith.index_cast %parallel_loop3A_246 : i32 to index
        %parallel_loop3A_248 = tpu.vector_load %arg16[%parallel_loop3A_247] {strides = array<i32>} : memref<8000xi32, #tpu.memory_space<vmem>>, vector<16xi32>,
        %parallel_loop3A_249 = arith.constant 65535 : i32
        %parallel_loop3A_250 = vector.broadcast %parallel_loop3A_249 : i32 to vector<16xi32>
        %parallel_loop3A_251 = arith.andi %parallel_loop3A_248, %parallel_loop3A_250 : vector<16xi32>
        %parallel_loop3A_252 = arith.constant 16 : i32
        %parallel_loop3A_253 = vector.broadcast %parallel_loop3A_252 : i32 to vector<16xi32>
        %parallel_loop3A_254 = arith.shrui %parallel_loop3A_248, %parallel_loop3A_253 : vector<16xi32>
        %parallel_loop3A_255 = arith.constant 16 : i32
        %parallel_loop3A_256 = arith.muli %parallel_loop3A_244, %parallel_loop3A_255 : i32
        %parallel_loop3A_257 = arith.index_cast %parallel_loop3A_256 : i32 to index
        %parallel_loop3A_258 = tpu.vector_load %arg17[%parallel_loop3A_257] {strides = array<i32>} : memref<8000xf32, #tpu.memory_space<vmem>>, vector<16xf32>,
        %parallel_loop3A_259 = tpu.vector_load_idx %arg6[%parallel_loop3A_251] : memref<10000xf32, #tpu.memory_space<vmem>>[vector<16xi32>], vector<16xf32>,
        %parallel_loop3A_260 = arith.mulf %parallel_loop3A_259, %parallel_loop3A_258 : vector<16xf32>
        tpu.vector_store_idx %arg10[%parallel_loop3A_254], %parallel_loop3A_260 {add = true} : memref<10000xf32, #tpu.memory_space<vmem>>[vector<16xi32>], vector<16xf32>,
        %parallel_loop3A_261 = tpu.vector_load_idx %arg7[%parallel_loop3A_251] : memref<10000xf32, #tpu.memory_space<vmem>>[vector<16xi32>], vector<16xf32>,
        %parallel_loop3A_262 = arith.mulf %parallel_loop3A_261, %parallel_loop3A_258 : vector<16xf32>
        tpu.vector_store_idx %arg11[%parallel_loop3A_254], %parallel_loop3A_262 {add = true} : memref<10000xf32, #tpu.memory_space<vmem>>[vector<16xi32>], vector<16xf32>,
        %parallel_loop3A_263 = tpu.vector_load_idx %arg8[%parallel_loop3A_251] : memref<10000xf32, #tpu.memory_space<vmem>>[vector<16xi32>], vector<16xf32>,
        %parallel_loop3A_264 = arith.mulf %parallel_loop3A_263, %parallel_loop3A_258 : vector<16xf32>
        tpu.vector_store_idx %arg12[%parallel_loop3A_254], %parallel_loop3A_264 {add = true} : memref<10000xf32, #tpu.memory_space<vmem>>[vector<16xi32>], vector<16xf32>,
        %parallel_loop3A_265 = tpu.vector_load_idx %arg9[%parallel_loop3A_251] : memref<10000xf32, #tpu.memory_space<vmem>>[vector<16xi32>], vector<16xf32>,
        %parallel_loop3A_266 = arith.mulf %parallel_loop3A_265, %parallel_loop3A_258 : vector<16xf32>
        tpu.vector_store_idx %arg13[%parallel_loop3A_254], %parallel_loop3A_266 {add = true} : memref<10000xf32, #tpu.memory_space<vmem>>[vector<16xi32>], vector<16xf32>,
      } {sc.loop_unroll_factor = 5 : i64, sc.parallel_access}
    }
    %scan3A_124 = arith.constant 5 : i32
    %mul3A_125 = arith.constant 4 : i32
    %mul3A_126 = arith.muli %select_n3A_30, %mul3A_125 : i32
    %add3A_127 = arith.constant 0 : i32
    %add3A_128 = arith.addi %mul3A_126, %add3A_127 : i32
    %dma_start3A_129 = arith.constant 0 : i32
    %dma_start3A_130 = tpu.memref_slice %arg5[%select_n3A, %add3A_128, %dma_start3A_129] : memref<4x32x10000xf32, #tpu.memory_space<hbm>> -> memref<1x1x10000xf32, #tpu.memory_space<hbm>>
    %dma_start3A_131 = tpu.memref_squeeze %dma_start3A_130 : memref<1x1x10000xf32, #tpu.memory_space<hbm>> -> memref<10000xf32, #tpu.memory_space<hbm>>
    %dma_start3A_132 = arith.constant 0 : i32
    %dma_start3A_133 = tpu.memref_slice %arg5[%select_n3A, %add3A_128, %dma_start3A_132] : memref<4x32x10000xf32, #tpu.memory_space<hbm>> -> memref<1x1x10000xf32, #tpu.memory_space<hbm>>
    %dma_start3A_134 = tpu.memref_squeeze %dma_start3A_133 : memref<1x1x10000xf32, #tpu.memory_space<hbm>> -> memref<10000xf32, #tpu.memory_space<hbm>>
    tpu.enqueue_dma source(%arg10 : memref<10000xf32, #tpu.memory_space<vmem>>) target(%dma_start3A_134 : memref<10000xf32, #tpu.memory_space<hbm>>) target_semaphore(%arg18 : memref<!tpu.dma_semaphore, #tpu.memory_space<semaphore_mem>>)
    %mul3A_135 = arith.constant 4 : i32
    %mul3A_136 = arith.muli %select_n3A_30, %mul3A_135 : i32
    %add3A_137 = arith.constant 1 : i32
    %add3A_138 = arith.addi %mul3A_136, %add3A_137 : i32
    %dma_start3A_139 = arith.constant 0 : i32
    %dma_start3A_140 = tpu.memref_slice %arg5[%select_n3A, %add3A_138, %dma_start3A_139] : memref<4x32x10000xf32, #tpu.memory_space<hbm>> -> memref<1x1x10000xf32, #tpu.memory_space<hbm>>
    %dma_start3A_141 = tpu.memref_squeeze %dma_start3A_140 : memref<1x1x10000xf32, #tpu.memory_space<hbm>> -> memref<10000xf32, #tpu.memory_space<hbm>>
    %dma_start3A_142 = arith.constant 0 : i32
    %dma_start3A_143 = tpu.memref_slice %arg5[%select_n3A, %add3A_138, %dma_start3A_142] : memref<4x32x10000xf32, #tpu.memory_space<hbm>> -> memref<1x1x10000xf32, #tpu.memory_space<hbm>>
    %dma_start3A_144 = tpu.memref_squeeze %dma_start3A_143 : memref<1x1x10000xf32, #tpu.memory_space<hbm>> -> memref<10000xf32, #tpu.memory_space<hbm>>
    tpu.enqueue_dma source(%arg11 : memref<10000xf32, #tpu.memory_space<vmem>>) target(%dma_start3A_144 : memref<10000xf32, #tpu.memory_space<hbm>>) target_semaphore(%arg18 : memref<!tpu.dma_semaphore, #tpu.memory_space<semaphore_mem>>)
    %mul3A_145 = arith.constant 4 : i32
    %mul3A_146 = arith.muli %select_n3A_30, %mul3A_145 : i32
    %add3A_147 = arith.constant 2 : i32
    %add3A_148 = arith.addi %mul3A_146, %add3A_147 : i32
    %dma_start3A_149 = arith.constant 0 : i32
    %dma_start3A_150 = tpu.memref_slice %arg5[%select_n3A, %add3A_148, %dma_start3A_149] : memref<4x32x10000xf32, #tpu.memory_space<hbm>> -> memref<1x1x10000xf32, #tpu.memory_space<hbm>>
    %dma_start3A_151 = tpu.memref_squeeze %dma_start3A_150 : memref<1x1x10000xf32, #tpu.memory_space<hbm>> -> memref<10000xf32, #tpu.memory_space<hbm>>
    %dma_start3A_152 = arith.constant 0 : i32
    %dma_start3A_153 = tpu.memref_slice %arg5[%select_n3A, %add3A_148, %dma_start3A_152] : memref<4x32x10000xf32, #tpu.memory_space<hbm>> -> memref<1x1x10000xf32, #tpu.memory_space<hbm>>
    %dma_start3A_154 = tpu.memref_squeeze %dma_start3A_153 : memref<1x1x10000xf32, #tpu.memory_space<hbm>> -> memref<10000xf32, #tpu.memory_space<hbm>>
    tpu.enqueue_dma source(%arg12 : memref<10000xf32, #tpu.memory_space<vmem>>) target(%dma_start3A_154 : memref<10000xf32, #tpu.memory_space<hbm>>) target_semaphore(%arg18 : memref<!tpu.dma_semaphore, #tpu.memory_space<semaphore_mem>>)
    %mul3A_155 = arith.constant 4 : i32
    %mul3A_156 = arith.muli %select_n3A_30, %mul3A_155 : i32
    %add3A_157 = arith.constant 3 : i32
    %add3A_158 = arith.addi %mul3A_156, %add3A_157 : i32
    %dma_start3A_159 = arith.constant 0 : i32
    %dma_start3A_160 = tpu.memref_slice %arg5[%select_n3A, %add3A_158, %dma_start3A_159] : memref<4x32x10000xf32, #tpu.memory_space<hbm>> -> memref<1x1x10000xf32, #tpu.memory_space<hbm>>
    %dma_start3A_161 = tpu.memref_squeeze %dma_start3A_160 : memref<1x1x10000xf32, #tpu.memory_space<hbm>> -> memref<10000xf32, #tpu.memory_space<hbm>>
    %dma_start3A_162 = arith.constant 0 : i32
    %dma_start3A_163 = tpu.memref_slice %arg5[%select_n3A, %add3A_158, %dma_start3A_162] : memref<4x32x10000xf32, #tpu.memory_space<hbm>> -> memref<1x1x10000xf32, #tpu.memory_space<hbm>>
    %dma_start3A_164 = tpu.memref_squeeze %dma_start3A_163 : memref<1x1x10000xf32, #tpu.memory_space<hbm>> -> memref<10000xf32, #tpu.memory_space<hbm>>
    tpu.enqueue_dma source(%arg13 : memref<10000xf32, #tpu.memory_space<vmem>>) target(%dma_start3A_164 : memref<10000xf32, #tpu.memory_space<hbm>>) target_semaphore(%arg18 : memref<!tpu.dma_semaphore, #tpu.memory_space<semaphore_mem>>)
    %mul3A_165 = arith.constant 4 : i32
    %mul3A_166 = arith.muli %select_n3A_30, %mul3A_165 : i32
    %add3A_167 = arith.constant 0 : i32
    %add3A_168 = arith.addi %mul3A_166, %add3A_167 : i32
    %dma_wait3A_169 = arith.constant 0 : i32
    %dma_wait3A_170 = tpu.memref_slice %arg5[%select_n3A, %add3A_168, %dma_wait3A_169] : memref<4x32x10000xf32, #tpu.memory_space<hbm>> -> memref<1x1x10000xf32, #tpu.memory_space<hbm>>
    %dma_wait3A_171 = tpu.memref_squeeze %dma_wait3A_170 : memref<1x1x10000xf32, #tpu.memory_space<hbm>> -> memref<10000xf32, #tpu.memory_space<hbm>>
    %dma_wait3A_172 = arith.constant 0 : i32
    %dma_wait3A_173 = tpu.memref_slice %arg5[%select_n3A, %add3A_168, %dma_wait3A_172] : memref<4x32x10000xf32, #tpu.memory_space<hbm>> -> memref<1x1x10000xf32, #tpu.memory_space<hbm>>
    %dma_wait3A_174 = tpu.memref_squeeze %dma_wait3A_173 : memref<1x1x10000xf32, #tpu.memory_space<hbm>> -> memref<10000xf32, #tpu.memory_space<hbm>>
    tpu.wait_dma2 semaphore(%arg18 : memref<!tpu.dma_semaphore, #tpu.memory_space<semaphore_mem>>) src(%arg10 : memref<10000xf32, #tpu.memory_space<vmem>>) dst(%dma_wait3A_174 : memref<10000xf32, #tpu.memory_space<hbm>>)
    %mul3A_175 = arith.constant 4 : i32
    %mul3A_176 = arith.muli %select_n3A_30, %mul3A_175 : i32
    %add3A_177 = arith.constant 1 : i32
    %add3A_178 = arith.addi %mul3A_176, %add3A_177 : i32
    %dma_wait3A_179 = arith.constant 0 : i32
    %dma_wait3A_180 = tpu.memref_slice %arg5[%select_n3A, %add3A_178, %dma_wait3A_179] : memref<4x32x10000xf32, #tpu.memory_space<hbm>> -> memref<1x1x10000xf32, #tpu.memory_space<hbm>>
    %dma_wait3A_181 = tpu.memref_squeeze %dma_wait3A_180 : memref<1x1x10000xf32, #tpu.memory_space<hbm>> -> memref<10000xf32, #tpu.memory_space<hbm>>
    %dma_wait3A_182 = arith.constant 0 : i32
    %dma_wait3A_183 = tpu.memref_slice %arg5[%select_n3A, %add3A_178, %dma_wait3A_182] : memref<4x32x10000xf32, #tpu.memory_space<hbm>> -> memref<1x1x10000xf32, #tpu.memory_space<hbm>>
    %dma_wait3A_184 = tpu.memref_squeeze %dma_wait3A_183 : memref<1x1x10000xf32, #tpu.memory_space<hbm>> -> memref<10000xf32, #tpu.memory_space<hbm>>
    tpu.wait_dma2 semaphore(%arg18 : memref<!tpu.dma_semaphore, #tpu.memory_space<semaphore_mem>>) src(%arg11 : memref<10000xf32, #tpu.memory_space<vmem>>) dst(%dma_wait3A_184 : memref<10000xf32, #tpu.memory_space<hbm>>)
    %mul3A_185 = arith.constant 4 : i32
    %mul3A_186 = arith.muli %select_n3A_30, %mul3A_185 : i32
    %add3A_187 = arith.constant 2 : i32
    %add3A_188 = arith.addi %mul3A_186, %add3A_187 : i32
    %dma_wait3A_189 = arith.constant 0 : i32
    %dma_wait3A_190 = tpu.memref_slice %arg5[%select_n3A, %add3A_188, %dma_wait3A_189] : memref<4x32x10000xf32, #tpu.memory_space<hbm>> -> memref<1x1x10000xf32, #tpu.memory_space<hbm>>
    %dma_wait3A_191 = tpu.memref_squeeze %dma_wait3A_190 : memref<1x1x10000xf32, #tpu.memory_space<hbm>> -> memref<10000xf32, #tpu.memory_space<hbm>>
    %dma_wait3A_192 = arith.constant 0 : i32
    %dma_wait3A_193 = tpu.memref_slice %arg5[%select_n3A, %add3A_188, %dma_wait3A_192] : memref<4x32x10000xf32, #tpu.memory_space<hbm>> -> memref<1x1x10000xf32, #tpu.memory_space<hbm>>
    %dma_wait3A_194 = tpu.memref_squeeze %dma_wait3A_193 : memref<1x1x10000xf32, #tpu.memory_space<hbm>> -> memref<10000xf32, #tpu.memory_space<hbm>>
    tpu.wait_dma2 semaphore(%arg18 : memref<!tpu.dma_semaphore, #tpu.memory_space<semaphore_mem>>) src(%arg12 : memref<10000xf32, #tpu.memory_space<vmem>>) dst(%dma_wait3A_194 : memref<10000xf32, #tpu.memory_space<hbm>>)
    %mul3A_195 = arith.constant 4 : i32
    %mul3A_196 = arith.muli %select_n3A_30, %mul3A_195 : i32
    %add3A_197 = arith.constant 3 : i32
    %add3A_198 = arith.addi %mul3A_196, %add3A_197 : i32
    %dma_wait3A_199 = arith.constant 0 : i32
    %dma_wait3A_200 = tpu.memref_slice %arg5[%select_n3A, %add3A_198, %dma_wait3A_199] : memref<4x32x10000xf32, #tpu.memory_space<hbm>> -> memref<1x1x10000xf32, #tpu.memory_space<hbm>>
    %dma_wait3A_201 = tpu.memref_squeeze %dma_wait3A_200 : memref<1x1x10000xf32, #tpu.memory_space<hbm>> -> memref<10000xf32, #tpu.memory_space<hbm>>
    %dma_wait3A_202 = arith.constant 0 : i32
    %dma_wait3A_203 = tpu.memref_slice %arg5[%select_n3A, %add3A_198, %dma_wait3A_202] : memref<4x32x10000xf32, #tpu.memory_space<hbm>> -> memref<1x1x10000xf32, #tpu.memory_space<hbm>>
    %dma_wait3A_204 = tpu.memref_squeeze %dma_wait3A_203 : memref<1x1x10000xf32, #tpu.memory_space<hbm>> -> memref<10000xf32, #tpu.memory_space<hbm>>
    tpu.wait_dma2 semaphore(%arg18 : memref<!tpu.dma_semaphore, #tpu.memory_space<semaphore_mem>>) src(%arg13 : memref<10000xf32, #tpu.memory_space<vmem>>) dst(%dma_wait3A_204 : memref<10000xf32, #tpu.memory_space<hbm>>)
    return
  }
}

#map = affine_map<(d0, d1) -> (0, 0)>
#map1 = affine_map<(d0, d1) -> (0)>
#map2 = affine_map<(d0, d1) -> (0, 0, 0)>
module attributes {stable_mosaic.version = 14 : i64} {
  func.func @body(%arg0: i32, %arg1: i32, %arg2: memref<16x10000xf32, #tpu.memory_space<hbm>>, %arg3: memref<320000xi32, #tpu.memory_space<hbm>>, %arg4: memref<320000xf32, #tpu.memory_space<hbm>>, %arg5: memref<8x16x10000xf32, #tpu.memory_space<hbm>>, %arg6: memref<10000xf32, #tpu.memory_space<vmem>>, %arg7: memref<10000xf32, #tpu.memory_space<vmem>>, %arg8: memref<10000xf32, #tpu.memory_space<vmem>>, %arg9: memref<10000xf32, #tpu.memory_space<vmem>>, %arg10: memref<10000xf32, #tpu.memory_space<vmem>>, %arg11: memref<10000xf32, #tpu.memory_space<vmem>>, %arg12: memref<10000xf32, #tpu.memory_space<vmem>>, %arg13: memref<10000xf32, #tpu.memory_space<vmem>>, %arg14: memref<8000xi32, #tpu.memory_space<vmem>>, %arg15: memref<8000xf32, #tpu.memory_space<vmem>>, %arg16: memref<8000xi32, #tpu.memory_space<vmem>>, %arg17: memref<8000xf32, #tpu.memory_space<vmem>>, %arg18: memref<!tpu.dma_semaphore, #tpu.memory_space<semaphore_mem>>, %arg19: memref<!tpu.dma_semaphore, #tpu.memory_space<semaphore_mem>>, %arg20: memref<!tpu.dma_semaphore, #tpu.memory_space<semaphore_mem>>) attributes {dimension_semantics = [#tpu.dimension_semantics<core_parallel>, #tpu.dimension_semantics<subcore_parallel>], iteration_bounds = array<i64: 2, 16>, scalar_prefetch = 0 : i64, scratch_operands = 15 : i64, tpu.core_type = #tpu.core_type<sc_vector_subcore>, window_params = [{transform_indices = #map}, {transform_indices = #map1}, {transform_indices = #map1}, {transform_indices = #map2}]} {
    %mul3A = arith.constant 2 : i32
    %mul3A_0 = arith.muli %arg1, %mul3A : i32
    %add3A = arith.addi %mul3A_0, %arg0 : i32
    %jit3A = arith.constant 4 : i32
    %div3A = arith.divsi %add3A, %jit3A : i32
    %sign3A = arith.constant 0 : i32
    %sign3A_1 = arith.cmpi sgt, %add3A, %sign3A : i32
    %sign3A_2 = arith.extui %sign3A_1 : i1 to i32
    %sign3A_3 = arith.constant 0 : i32
    %sign3A_4 = arith.cmpi slt, %add3A, %sign3A_3 : i32
    %sign3A_5 = arith.extui %sign3A_4 : i1 to i32
    %sign3A_6 = arith.subi %sign3A_2, %sign3A_5 : i32
    %sign3A_7 = arith.constant 0 : i32
    %sign3A_8 = arith.cmpi sgt, %jit3A, %sign3A_7 : i32
    %sign3A_9 = arith.extui %sign3A_8 : i1 to i32
    %sign3A_10 = arith.constant 0 : i32
    %sign3A_11 = arith.cmpi slt, %jit3A, %sign3A_10 : i32
    %sign3A_12 = arith.extui %sign3A_11 : i1 to i32
    %sign3A_13 = arith.subi %sign3A_9, %sign3A_12 : i32
    %ne3A = arith.cmpi ne, %sign3A_6, %sign3A_13 : i32
    %rem3A = arith.remsi %add3A, %jit3A : i32
    %ne3A_14 = arith.constant 0 : i32
    %ne3A_15 = arith.cmpi ne, %rem3A, %ne3A_14 : i32
    %and3A = arith.andi %ne3A, %ne3A_15 : i1
    %sub3A = arith.constant 1 : i32
    %sub3A_16 = arith.subi %div3A, %sub3A : i32
    %select_n3A = arith.select %and3A, %sub3A_16, %div3A : i32
    %jit3A_17 = arith.constant 4 : i32
    %eq3A = arith.constant 0 : i32
    %eq3A_18 = arith.cmpi eq, %jit3A_17, %eq3A : i32
    %jit3A_19 = arith.constant 1 : i32
    %select_n3A_20 = arith.select %eq3A_18, %jit3A_19, %jit3A_17 : i32
    %rem3A_21 = arith.remsi %add3A, %select_n3A_20 : i32
    %ne3A_22 = arith.constant 0 : i32
    %ne3A_23 = arith.cmpi ne, %rem3A_21, %ne3A_22 : i32
    %lt3A = arith.constant 0 : i32
    %lt3A_24 = arith.cmpi slt, %rem3A_21, %lt3A : i32
    %lt3A_25 = arith.constant 0 : i32
    %lt3A_26 = arith.cmpi slt, %select_n3A_20, %lt3A_25 : i32
    %ne3A_27 = arith.xori %lt3A_24, %lt3A_26 : i1
    %and3A_28 = arith.andi %ne3A_27, %ne3A_23 : i1
    %add3A_29 = arith.addi %rem3A_21, %select_n3A_20 : i32
    %select_n3A_30 = arith.select %and3A_28, %add3A_29, %rem3A_21 : i32
    %mul3A_31 = arith.constant 40000 : i32
    %mul3A_32 = arith.muli %select_n3A, %mul3A_31 : i32
    %add3A_33 = arith.constant 0 : i32
    %add3A_34 = arith.addi %mul3A_32, %add3A_33 : i32
    %dma_start3A = tpu.memref_slice %arg3[%add3A_34] : memref<320000xi32, #tpu.memory_space<hbm>> -> memref<8000xi32, #tpu.memory_space<hbm>>
    %dma_start3A_35 = tpu.memref_slice %arg3[%add3A_34] : memref<320000xi32, #tpu.memory_space<hbm>> -> memref<8000xi32, #tpu.memory_space<hbm>>
    tpu.enqueue_dma source(%dma_start3A_35 : memref<8000xi32, #tpu.memory_space<hbm>>) target(%arg14 : memref<8000xi32, #tpu.memory_space<vmem>>) target_semaphore(%arg19 : memref<!tpu.dma_semaphore, #tpu.memory_space<semaphore_mem>>)
    %dma_start3A_36 = tpu.memref_slice %arg4[%add3A_34] : memref<320000xf32, #tpu.memory_space<hbm>> -> memref<8000xf32, #tpu.memory_space<hbm>>
    %dma_start3A_37 = tpu.memref_slice %arg4[%add3A_34] : memref<320000xf32, #tpu.memory_space<hbm>> -> memref<8000xf32, #tpu.memory_space<hbm>>
    tpu.enqueue_dma source(%dma_start3A_37 : memref<8000xf32, #tpu.memory_space<hbm>>) target(%arg15 : memref<8000xf32, #tpu.memory_space<vmem>>) target_semaphore(%arg19 : memref<!tpu.dma_semaphore, #tpu.memory_space<semaphore_mem>>)
    %mul3A_38 = arith.constant 4 : i32
    %mul3A_39 = arith.muli %select_n3A_30, %mul3A_38 : i32
    %add3A_40 = arith.constant 0 : i32
    %add3A_41 = arith.addi %mul3A_39, %add3A_40 : i32
    %dma_start3A_42 = arith.constant 0 : i32
    %dma_start3A_43 = tpu.memref_slice %arg2[%add3A_41, %dma_start3A_42] : memref<16x10000xf32, #tpu.memory_space<hbm>> -> memref<1x10000xf32, #tpu.memory_space<hbm>>
    %dma_start3A_44 = tpu.memref_squeeze %dma_start3A_43 : memref<1x10000xf32, #tpu.memory_space<hbm>> -> memref<10000xf32, #tpu.memory_space<hbm>>
    %dma_start3A_45 = arith.constant 0 : i32
    %dma_start3A_46 = tpu.memref_slice %arg2[%add3A_41, %dma_start3A_45] : memref<16x10000xf32, #tpu.memory_space<hbm>> -> memref<1x10000xf32, #tpu.memory_space<hbm>>
    %dma_start3A_47 = tpu.memref_squeeze %dma_start3A_46 : memref<1x10000xf32, #tpu.memory_space<hbm>> -> memref<10000xf32, #tpu.memory_space<hbm>>
    tpu.enqueue_dma source(%dma_start3A_47 : memref<10000xf32, #tpu.memory_space<hbm>>) target(%arg6 : memref<10000xf32, #tpu.memory_space<vmem>>) target_semaphore(%arg18 : memref<!tpu.dma_semaphore, #tpu.memory_space<semaphore_mem>>)
    %mul3A_48 = arith.constant 4 : i32
    %mul3A_49 = arith.muli %select_n3A_30, %mul3A_48 : i32
    %add3A_50 = arith.constant 1 : i32
    %add3A_51 = arith.addi %mul3A_49, %add3A_50 : i32
    %dma_start3A_52 = arith.constant 0 : i32
    %dma_start3A_53 = tpu.memref_slice %arg2[%add3A_51, %dma_start3A_52] : memref<16x10000xf32, #tpu.memory_space<hbm>> -> memref<1x10000xf32, #tpu.memory_space<hbm>>
    %dma_start3A_54 = tpu.memref_squeeze %dma_start3A_53 : memref<1x10000xf32, #tpu.memory_space<hbm>> -> memref<10000xf32, #tpu.memory_space<hbm>>
    %dma_start3A_55 = arith.constant 0 : i32
    %dma_start3A_56 = tpu.memref_slice %arg2[%add3A_51, %dma_start3A_55] : memref<16x10000xf32, #tpu.memory_space<hbm>> -> memref<1x10000xf32, #tpu.memory_space<hbm>>
    %dma_start3A_57 = tpu.memref_squeeze %dma_start3A_56 : memref<1x10000xf32, #tpu.memory_space<hbm>> -> memref<10000xf32, #tpu.memory_space<hbm>>
    tpu.enqueue_dma source(%dma_start3A_57 : memref<10000xf32, #tpu.memory_space<hbm>>) target(%arg7 : memref<10000xf32, #tpu.memory_space<vmem>>) target_semaphore(%arg18 : memref<!tpu.dma_semaphore, #tpu.memory_space<semaphore_mem>>)
    %mul3A_58 = arith.constant 4 : i32
    %mul3A_59 = arith.muli %select_n3A_30, %mul3A_58 : i32
    %add3A_60 = arith.constant 2 : i32
    %add3A_61 = arith.addi %mul3A_59, %add3A_60 : i32
    %dma_start3A_62 = arith.constant 0 : i32
    %dma_start3A_63 = tpu.memref_slice %arg2[%add3A_61, %dma_start3A_62] : memref<16x10000xf32, #tpu.memory_space<hbm>> -> memref<1x10000xf32, #tpu.memory_space<hbm>>
    %dma_start3A_64 = tpu.memref_squeeze %dma_start3A_63 : memref<1x10000xf32, #tpu.memory_space<hbm>> -> memref<10000xf32, #tpu.memory_space<hbm>>
    %dma_start3A_65 = arith.constant 0 : i32
    %dma_start3A_66 = tpu.memref_slice %arg2[%add3A_61, %dma_start3A_65] : memref<16x10000xf32, #tpu.memory_space<hbm>> -> memref<1x10000xf32, #tpu.memory_space<hbm>>
    %dma_start3A_67 = tpu.memref_squeeze %dma_start3A_66 : memref<1x10000xf32, #tpu.memory_space<hbm>> -> memref<10000xf32, #tpu.memory_space<hbm>>
    tpu.enqueue_dma source(%dma_start3A_67 : memref<10000xf32, #tpu.memory_space<hbm>>) target(%arg8 : memref<10000xf32, #tpu.memory_space<vmem>>) target_semaphore(%arg18 : memref<!tpu.dma_semaphore, #tpu.memory_space<semaphore_mem>>)
    %mul3A_68 = arith.constant 4 : i32
    %mul3A_69 = arith.muli %select_n3A_30, %mul3A_68 : i32
    %add3A_70 = arith.constant 3 : i32
    %add3A_71 = arith.addi %mul3A_69, %add3A_70 : i32
    %dma_start3A_72 = arith.constant 0 : i32
    %dma_start3A_73 = tpu.memref_slice %arg2[%add3A_71, %dma_start3A_72] : memref<16x10000xf32, #tpu.memory_space<hbm>> -> memref<1x10000xf32, #tpu.memory_space<hbm>>
    %dma_start3A_74 = tpu.memref_squeeze %dma_start3A_73 : memref<1x10000xf32, #tpu.memory_space<hbm>> -> memref<10000xf32, #tpu.memory_space<hbm>>
    %dma_start3A_75 = arith.constant 0 : i32
    %dma_start3A_76 = tpu.memref_slice %arg2[%add3A_71, %dma_start3A_75] : memref<16x10000xf32, #tpu.memory_space<hbm>> -> memref<1x10000xf32, #tpu.memory_space<hbm>>
    %dma_start3A_77 = tpu.memref_squeeze %dma_start3A_76 : memref<1x10000xf32, #tpu.memory_space<hbm>> -> memref<10000xf32, #tpu.memory_space<hbm>>
    tpu.enqueue_dma source(%dma_start3A_77 : memref<10000xf32, #tpu.memory_space<hbm>>) target(%arg9 : memref<10000xf32, #tpu.memory_space<vmem>>) target_semaphore(%arg18 : memref<!tpu.dma_semaphore, #tpu.memory_space<semaphore_mem>>)
    %broadcast_in_dim3A = arith.constant 0.000000e+00 : f32
    %broadcast_in_dim3A_78 = vector.broadcast %broadcast_in_dim3A : f32 to vector<16xf32>
    %parallel_loop3A = arith.constant 0 : i32
    %parallel_loop3A_79 = arith.constant 625 : i32
    %parallel_loop3A_80 = arith.constant 1 : i32
    scf.for %parallel_loop3A_216 = %parallel_loop3A to %parallel_loop3A_79 step %parallel_loop3A_80  : i32 {
      %parallel_loop3A_217 = arith.constant 16 : i32
      %parallel_loop3A_218 = arith.muli %parallel_loop3A_216, %parallel_loop3A_217 : i32
      %parallel_loop3A_219 = arith.index_cast %parallel_loop3A_218 : i32 to index
      %parallel_loop3A_220 = tpu.vector_load %arg10[%parallel_loop3A_219] {strides = array<i32>} : memref<10000xf32, #tpu.memory_space<vmem>>, vector<16xf32>,
      tpu.vector_store %arg10[%parallel_loop3A_219], %broadcast_in_dim3A_78 {strides = array<i32>} : memref<10000xf32, #tpu.memory_space<vmem>>, vector<16xf32>,
      %parallel_loop3A_221 = arith.constant 16 : i32
      %parallel_loop3A_222 = arith.muli %parallel_loop3A_216, %parallel_loop3A_221 : i32
      %parallel_loop3A_223 = arith.index_cast %parallel_loop3A_222 : i32 to index
      %parallel_loop3A_224 = tpu.vector_load %arg11[%parallel_loop3A_223] {strides = array<i32>} : memref<10000xf32, #tpu.memory_space<vmem>>, vector<16xf32>,
      tpu.vector_store %arg11[%parallel_loop3A_223], %broadcast_in_dim3A_78 {strides = array<i32>} : memref<10000xf32, #tpu.memory_space<vmem>>, vector<16xf32>,
      %parallel_loop3A_225 = arith.constant 16 : i32
      %parallel_loop3A_226 = arith.muli %parallel_loop3A_216, %parallel_loop3A_225 : i32
      %parallel_loop3A_227 = arith.index_cast %parallel_loop3A_226 : i32 to index
      %parallel_loop3A_228 = tpu.vector_load %arg12[%parallel_loop3A_227] {strides = array<i32>} : memref<10000xf32, #tpu.memory_space<vmem>>, vector<16xf32>,
      tpu.vector_store %arg12[%parallel_loop3A_227], %broadcast_in_dim3A_78 {strides = array<i32>} : memref<10000xf32, #tpu.memory_space<vmem>>, vector<16xf32>,
      %parallel_loop3A_229 = arith.constant 16 : i32
      %parallel_loop3A_230 = arith.muli %parallel_loop3A_216, %parallel_loop3A_229 : i32
      %parallel_loop3A_231 = arith.index_cast %parallel_loop3A_230 : i32 to index
      %parallel_loop3A_232 = tpu.vector_load %arg13[%parallel_loop3A_231] {strides = array<i32>} : memref<10000xf32, #tpu.memory_space<vmem>>, vector<16xf32>,
      tpu.vector_store %arg13[%parallel_loop3A_231], %broadcast_in_dim3A_78 {strides = array<i32>} : memref<10000xf32, #tpu.memory_space<vmem>>, vector<16xf32>,
    } {sc.loop_unroll_factor = 4 : i64, sc.parallel_access}
    %mul3A_81 = arith.constant 4 : i32
    %mul3A_82 = arith.muli %select_n3A_30, %mul3A_81 : i32
    %add3A_83 = arith.constant 0 : i32
    %add3A_84 = arith.addi %mul3A_82, %add3A_83 : i32
    %dma_wait3A = arith.constant 0 : i32
    %dma_wait3A_85 = tpu.memref_slice %arg2[%add3A_84, %dma_wait3A] : memref<16x10000xf32, #tpu.memory_space<hbm>> -> memref<1x10000xf32, #tpu.memory_space<hbm>>
    %dma_wait3A_86 = tpu.memref_squeeze %dma_wait3A_85 : memref<1x10000xf32, #tpu.memory_space<hbm>> -> memref<10000xf32, #tpu.memory_space<hbm>>
    %dma_wait3A_87 = arith.constant 0 : i32
    %dma_wait3A_88 = tpu.memref_slice %arg2[%add3A_84, %dma_wait3A_87] : memref<16x10000xf32, #tpu.memory_space<hbm>> -> memref<1x10000xf32, #tpu.memory_space<hbm>>
    %dma_wait3A_89 = tpu.memref_squeeze %dma_wait3A_88 : memref<1x10000xf32, #tpu.memory_space<hbm>> -> memref<10000xf32, #tpu.memory_space<hbm>>
    tpu.wait_dma2 semaphore(%arg18 : memref<!tpu.dma_semaphore, #tpu.memory_space<semaphore_mem>>) src(%dma_wait3A_89 : memref<10000xf32, #tpu.memory_space<hbm>>) dst(%arg6 : memref<10000xf32, #tpu.memory_space<vmem>>)
    %mul3A_90 = arith.constant 4 : i32
    %mul3A_91 = arith.muli %select_n3A_30, %mul3A_90 : i32
    %add3A_92 = arith.constant 1 : i32
    %add3A_93 = arith.addi %mul3A_91, %add3A_92 : i32
    %dma_wait3A_94 = arith.constant 0 : i32
    %dma_wait3A_95 = tpu.memref_slice %arg2[%add3A_93, %dma_wait3A_94] : memref<16x10000xf32, #tpu.memory_space<hbm>> -> memref<1x10000xf32, #tpu.memory_space<hbm>>
    %dma_wait3A_96 = tpu.memref_squeeze %dma_wait3A_95 : memref<1x10000xf32, #tpu.memory_space<hbm>> -> memref<10000xf32, #tpu.memory_space<hbm>>
    %dma_wait3A_97 = arith.constant 0 : i32
    %dma_wait3A_98 = tpu.memref_slice %arg2[%add3A_93, %dma_wait3A_97] : memref<16x10000xf32, #tpu.memory_space<hbm>> -> memref<1x10000xf32, #tpu.memory_space<hbm>>
    %dma_wait3A_99 = tpu.memref_squeeze %dma_wait3A_98 : memref<1x10000xf32, #tpu.memory_space<hbm>> -> memref<10000xf32, #tpu.memory_space<hbm>>
    tpu.wait_dma2 semaphore(%arg18 : memref<!tpu.dma_semaphore, #tpu.memory_space<semaphore_mem>>) src(%dma_wait3A_99 : memref<10000xf32, #tpu.memory_space<hbm>>) dst(%arg7 : memref<10000xf32, #tpu.memory_space<vmem>>)
    %mul3A_100 = arith.constant 4 : i32
    %mul3A_101 = arith.muli %select_n3A_30, %mul3A_100 : i32
    %add3A_102 = arith.constant 2 : i32
    %add3A_103 = arith.addi %mul3A_101, %add3A_102 : i32
    %dma_wait3A_104 = arith.constant 0 : i32
    %dma_wait3A_105 = tpu.memref_slice %arg2[%add3A_103, %dma_wait3A_104] : memref<16x10000xf32, #tpu.memory_space<hbm>> -> memref<1x10000xf32, #tpu.memory_space<hbm>>
    %dma_wait3A_106 = tpu.memref_squeeze %dma_wait3A_105 : memref<1x10000xf32, #tpu.memory_space<hbm>> -> memref<10000xf32, #tpu.memory_space<hbm>>
    %dma_wait3A_107 = arith.constant 0 : i32
    %dma_wait3A_108 = tpu.memref_slice %arg2[%add3A_103, %dma_wait3A_107] : memref<16x10000xf32, #tpu.memory_space<hbm>> -> memref<1x10000xf32, #tpu.memory_space<hbm>>
    %dma_wait3A_109 = tpu.memref_squeeze %dma_wait3A_108 : memref<1x10000xf32, #tpu.memory_space<hbm>> -> memref<10000xf32, #tpu.memory_space<hbm>>
    tpu.wait_dma2 semaphore(%arg18 : memref<!tpu.dma_semaphore, #tpu.memory_space<semaphore_mem>>) src(%dma_wait3A_109 : memref<10000xf32, #tpu.memory_space<hbm>>) dst(%arg8 : memref<10000xf32, #tpu.memory_space<vmem>>)
    %mul3A_110 = arith.constant 4 : i32
    %mul3A_111 = arith.muli %select_n3A_30, %mul3A_110 : i32
    %add3A_112 = arith.constant 3 : i32
    %add3A_113 = arith.addi %mul3A_111, %add3A_112 : i32
    %dma_wait3A_114 = arith.constant 0 : i32
    %dma_wait3A_115 = tpu.memref_slice %arg2[%add3A_113, %dma_wait3A_114] : memref<16x10000xf32, #tpu.memory_space<hbm>> -> memref<1x10000xf32, #tpu.memory_space<hbm>>
    %dma_wait3A_116 = tpu.memref_squeeze %dma_wait3A_115 : memref<1x10000xf32, #tpu.memory_space<hbm>> -> memref<10000xf32, #tpu.memory_space<hbm>>
    %dma_wait3A_117 = arith.constant 0 : i32
    %dma_wait3A_118 = tpu.memref_slice %arg2[%add3A_113, %dma_wait3A_117] : memref<16x10000xf32, #tpu.memory_space<hbm>> -> memref<1x10000xf32, #tpu.memory_space<hbm>>
    %dma_wait3A_119 = tpu.memref_squeeze %dma_wait3A_118 : memref<1x10000xf32, #tpu.memory_space<hbm>> -> memref<10000xf32, #tpu.memory_space<hbm>>
    tpu.wait_dma2 semaphore(%arg18 : memref<!tpu.dma_semaphore, #tpu.memory_space<semaphore_mem>>) src(%dma_wait3A_119 : memref<10000xf32, #tpu.memory_space<hbm>>) dst(%arg9 : memref<10000xf32, #tpu.memory_space<vmem>>)
    %scan3A = arith.constant 0 : i32
    %scan3A_120 = arith.constant 0 : i32
    %scan3A_121 = arith.constant 2 : i32
    %scan3A_122 = arith.addi %scan3A_120, %scan3A_121 : i32
    %scan3A_123 = arith.constant 1 : i32
    scf.for %scan3A_216 = %scan3A_120 to %scan3A_122 step %scan3A_123  : i32 {
      %mul3A_217 = arith.constant 2 : i32
      %mul3A_218 = arith.muli %mul3A_217, %scan3A_216 : i32
      %add3A_219 = arith.constant 1 : i32
      %add3A_220 = arith.addi %mul3A_218, %add3A_219 : i32
      %mul3A_221 = arith.constant 8000 : i32
      %mul3A_222 = arith.muli %add3A_220, %mul3A_221 : i32
      %add3A_223 = arith.addi %mul3A_32, %mul3A_222 : i32
      %dma_start3A_224 = tpu.memref_slice %arg3[%add3A_223] : memref<320000xi32, #tpu.memory_space<hbm>> -> memref<8000xi32, #tpu.memory_space<hbm>>
      %dma_start3A_225 = tpu.memref_slice %arg3[%add3A_223] : memref<320000xi32, #tpu.memory_space<hbm>> -> memref<8000xi32, #tpu.memory_space<hbm>>
      tpu.enqueue_dma source(%dma_start3A_225 : memref<8000xi32, #tpu.memory_space<hbm>>) target(%arg16 : memref<8000xi32, #tpu.memory_space<vmem>>) target_semaphore(%arg20 : memref<!tpu.dma_semaphore, #tpu.memory_space<semaphore_mem>>)
      %dma_start3A_226 = tpu.memref_slice %arg4[%add3A_223] : memref<320000xf32, #tpu.memory_space<hbm>> -> memref<8000xf32, #tpu.memory_space<hbm>>
      %dma_start3A_227 = tpu.memref_slice %arg4[%add3A_223] : memref<320000xf32, #tpu.memory_space<hbm>> -> memref<8000xf32, #tpu.memory_space<hbm>>
      tpu.enqueue_dma source(%dma_start3A_227 : memref<8000xf32, #tpu.memory_space<hbm>>) target(%arg17 : memref<8000xf32, #tpu.memory_space<vmem>>) target_semaphore(%arg20 : memref<!tpu.dma_semaphore, #tpu.memory_space<semaphore_mem>>)
      %dma_wait3A_228 = arith.constant 0 : i32
      %dma_wait3A_229 = tpu.memref_slice %arg3[%dma_wait3A_228] : memref<320000xi32, #tpu.memory_space<hbm>> -> memref<8000xi32, #tpu.memory_space<hbm>>
      %dma_wait3A_230 = arith.constant 0 : i32
      %dma_wait3A_231 = tpu.memref_slice %arg3[%dma_wait3A_230] : memref<320000xi32, #tpu.memory_space<hbm>> -> memref<8000xi32, #tpu.memory_space<hbm>>
      tpu.wait_dma2 semaphore(%arg19 : memref<!tpu.dma_semaphore, #tpu.memory_space<semaphore_mem>>) src(%dma_wait3A_231 : memref<8000xi32, #tpu.memory_space<hbm>>) dst(%arg14 : memref<8000xi32, #tpu.memory_space<vmem>>)
      %dma_wait3A_232 = arith.constant 0 : i32
      %dma_wait3A_233 = tpu.memref_slice %arg4[%dma_wait3A_232] : memref<320000xf32, #tpu.memory_space<hbm>> -> memref<8000xf32, #tpu.memory_space<hbm>>
      %dma_wait3A_234 = arith.constant 0 : i32
      %dma_wait3A_235 = tpu.memref_slice %arg4[%dma_wait3A_234] : memref<320000xf32, #tpu.memory_space<hbm>> -> memref<8000xf32, #tpu.memory_space<hbm>>
      tpu.wait_dma2 semaphore(%arg19 : memref<!tpu.dma_semaphore, #tpu.memory_space<semaphore_mem>>) src(%dma_wait3A_235 : memref<8000xf32, #tpu.memory_space<hbm>>) dst(%arg15 : memref<8000xf32, #tpu.memory_space<vmem>>)
      %parallel_loop3A_236 = arith.constant 0 : i32
      %parallel_loop3A_237 = arith.constant 500 : i32
      %parallel_loop3A_238 = arith.constant 1 : i32
      scf.for %parallel_loop3A_255 = %parallel_loop3A_236 to %parallel_loop3A_237 step %parallel_loop3A_238  : i32 {
        %parallel_loop3A_256 = arith.constant 16 : i32
        %parallel_loop3A_257 = arith.muli %parallel_loop3A_255, %parallel_loop3A_256 : i32
        %parallel_loop3A_258 = arith.index_cast %parallel_loop3A_257 : i32 to index
        %parallel_loop3A_259 = tpu.vector_load %arg14[%parallel_loop3A_258] {strides = array<i32>} : memref<8000xi32, #tpu.memory_space<vmem>>, vector<16xi32>,
        %parallel_loop3A_260 = arith.constant 65535 : i32
        %parallel_loop3A_261 = vector.broadcast %parallel_loop3A_260 : i32 to vector<16xi32>
        %parallel_loop3A_262 = arith.andi %parallel_loop3A_259, %parallel_loop3A_261 : vector<16xi32>
        %parallel_loop3A_263 = arith.constant 16 : i32
        %parallel_loop3A_264 = vector.broadcast %parallel_loop3A_263 : i32 to vector<16xi32>
        %parallel_loop3A_265 = arith.shrui %parallel_loop3A_259, %parallel_loop3A_264 : vector<16xi32>
        %parallel_loop3A_266 = arith.constant 16 : i32
        %parallel_loop3A_267 = arith.muli %parallel_loop3A_255, %parallel_loop3A_266 : i32
        %parallel_loop3A_268 = arith.index_cast %parallel_loop3A_267 : i32 to index
        %parallel_loop3A_269 = tpu.vector_load %arg15[%parallel_loop3A_268] {strides = array<i32>} : memref<8000xf32, #tpu.memory_space<vmem>>, vector<16xf32>,
        %parallel_loop3A_270 = tpu.vector_load_idx %arg6[%parallel_loop3A_262] : memref<10000xf32, #tpu.memory_space<vmem>>[vector<16xi32>], vector<16xf32>,
        %parallel_loop3A_271 = arith.mulf %parallel_loop3A_270, %parallel_loop3A_269 : vector<16xf32>
        tpu.vector_store_idx %arg10[%parallel_loop3A_265], %parallel_loop3A_271 {add = true} : memref<10000xf32, #tpu.memory_space<vmem>>[vector<16xi32>], vector<16xf32>,
        %parallel_loop3A_272 = tpu.vector_load_idx %arg7[%parallel_loop3A_262] : memref<10000xf32, #tpu.memory_space<vmem>>[vector<16xi32>], vector<16xf32>,
        %parallel_loop3A_273 = arith.mulf %parallel_loop3A_272, %parallel_loop3A_269 : vector<16xf32>
        tpu.vector_store_idx %arg11[%parallel_loop3A_265], %parallel_loop3A_273 {add = true} : memref<10000xf32, #tpu.memory_space<vmem>>[vector<16xi32>], vector<16xf32>,
        %parallel_loop3A_274 = tpu.vector_load_idx %arg8[%parallel_loop3A_262] : memref<10000xf32, #tpu.memory_space<vmem>>[vector<16xi32>], vector<16xf32>,
        %parallel_loop3A_275 = arith.mulf %parallel_loop3A_274, %parallel_loop3A_269 : vector<16xf32>
        tpu.vector_store_idx %arg12[%parallel_loop3A_265], %parallel_loop3A_275 {add = true} : memref<10000xf32, #tpu.memory_space<vmem>>[vector<16xi32>], vector<16xf32>,
        %parallel_loop3A_276 = tpu.vector_load_idx %arg9[%parallel_loop3A_262] : memref<10000xf32, #tpu.memory_space<vmem>>[vector<16xi32>], vector<16xf32>,
        %parallel_loop3A_277 = arith.mulf %parallel_loop3A_276, %parallel_loop3A_269 : vector<16xf32>
        tpu.vector_store_idx %arg13[%parallel_loop3A_265], %parallel_loop3A_277 {add = true} : memref<10000xf32, #tpu.memory_space<vmem>>[vector<16xi32>], vector<16xf32>,
      } {sc.loop_unroll_factor = 5 : i64, sc.parallel_access}
      %add3A_239 = arith.constant 2 : i32
      %add3A_240 = arith.addi %mul3A_218, %add3A_239 : i32
      %lt3A_241 = arith.constant 5 : i32
      %lt3A_242 = arith.cmpi slt, %add3A_240, %lt3A_241 : i32
      %convert_element_type3A = arith.extui %lt3A_242 : i1 to i32
      %cond3A = arith.constant 0 : i32
      %cond3A_243 = arith.cmpi ne, %convert_element_type3A, %cond3A : i32
      scf.if %cond3A_243 {
        %add3A_255 = arith.constant 2 : i32
        %add3A_256 = arith.addi %mul3A_218, %add3A_255 : i32
        %mul3A_257 = arith.constant 8000 : i32
        %mul3A_258 = arith.muli %add3A_256, %mul3A_257 : i32
        %add3A_259 = arith.addi %mul3A_32, %mul3A_258 : i32
        %dma_start3A_260 = tpu.memref_slice %arg3[%add3A_259] : memref<320000xi32, #tpu.memory_space<hbm>> -> memref<8000xi32, #tpu.memory_space<hbm>>
        %dma_start3A_261 = tpu.memref_slice %arg3[%add3A_259] : memref<320000xi32, #tpu.memory_space<hbm>> -> memref<8000xi32, #tpu.memory_space<hbm>>
        tpu.enqueue_dma source(%dma_start3A_261 : memref<8000xi32, #tpu.memory_space<hbm>>) target(%arg14 : memref<8000xi32, #tpu.memory_space<vmem>>) target_semaphore(%arg19 : memref<!tpu.dma_semaphore, #tpu.memory_space<semaphore_mem>>)
        %dma_start3A_262 = tpu.memref_slice %arg4[%add3A_259] : memref<320000xf32, #tpu.memory_space<hbm>> -> memref<8000xf32, #tpu.memory_space<hbm>>
        %dma_start3A_263 = tpu.memref_slice %arg4[%add3A_259] : memref<320000xf32, #tpu.memory_space<hbm>> -> memref<8000xf32, #tpu.memory_space<hbm>>
        tpu.enqueue_dma source(%dma_start3A_263 : memref<8000xf32, #tpu.memory_space<hbm>>) target(%arg15 : memref<8000xf32, #tpu.memory_space<vmem>>) target_semaphore(%arg19 : memref<!tpu.dma_semaphore, #tpu.memory_space<semaphore_mem>>)
      } else {
      }
      %dma_wait3A_244 = arith.constant 0 : i32
      %dma_wait3A_245 = tpu.memref_slice %arg3[%dma_wait3A_244] : memref<320000xi32, #tpu.memory_space<hbm>> -> memref<8000xi32, #tpu.memory_space<hbm>>
      %dma_wait3A_246 = arith.constant 0 : i32
      %dma_wait3A_247 = tpu.memref_slice %arg3[%dma_wait3A_246] : memref<320000xi32, #tpu.memory_space<hbm>> -> memref<8000xi32, #tpu.memory_space<hbm>>
      tpu.wait_dma2 semaphore(%arg20 : memref<!tpu.dma_semaphore, #tpu.memory_space<semaphore_mem>>) src(%dma_wait3A_247 : memref<8000xi32, #tpu.memory_space<hbm>>) dst(%arg16 : memref<8000xi32, #tpu.memory_space<vmem>>)
      %dma_wait3A_248 = arith.constant 0 : i32
      %dma_wait3A_249 = tpu.memref_slice %arg4[%dma_wait3A_248] : memref<320000xf32, #tpu.memory_space<hbm>> -> memref<8000xf32, #tpu.memory_space<hbm>>
      %dma_wait3A_250 = arith.constant 0 : i32
      %dma_wait3A_251 = tpu.memref_slice %arg4[%dma_wait3A_250] : memref<320000xf32, #tpu.memory_space<hbm>> -> memref<8000xf32, #tpu.memory_space<hbm>>
      tpu.wait_dma2 semaphore(%arg20 : memref<!tpu.dma_semaphore, #tpu.memory_space<semaphore_mem>>) src(%dma_wait3A_251 : memref<8000xf32, #tpu.memory_space<hbm>>) dst(%arg17 : memref<8000xf32, #tpu.memory_space<vmem>>)
      %parallel_loop3A_252 = arith.constant 0 : i32
      %parallel_loop3A_253 = arith.constant 500 : i32
      %parallel_loop3A_254 = arith.constant 1 : i32
      scf.for %parallel_loop3A_255 = %parallel_loop3A_252 to %parallel_loop3A_253 step %parallel_loop3A_254  : i32 {
        %parallel_loop3A_256 = arith.constant 16 : i32
        %parallel_loop3A_257 = arith.muli %parallel_loop3A_255, %parallel_loop3A_256 : i32
        %parallel_loop3A_258 = arith.index_cast %parallel_loop3A_257 : i32 to index
        %parallel_loop3A_259 = tpu.vector_load %arg16[%parallel_loop3A_258] {strides = array<i32>} : memref<8000xi32, #tpu.memory_space<vmem>>, vector<16xi32>,
        %parallel_loop3A_260 = arith.constant 65535 : i32
        %parallel_loop3A_261 = vector.broadcast %parallel_loop3A_260 : i32 to vector<16xi32>
        %parallel_loop3A_262 = arith.andi %parallel_loop3A_259, %parallel_loop3A_261 : vector<16xi32>
        %parallel_loop3A_263 = arith.constant 16 : i32
        %parallel_loop3A_264 = vector.broadcast %parallel_loop3A_263 : i32 to vector<16xi32>
        %parallel_loop3A_265 = arith.shrui %parallel_loop3A_259, %parallel_loop3A_264 : vector<16xi32>
        %parallel_loop3A_266 = arith.constant 16 : i32
        %parallel_loop3A_267 = arith.muli %parallel_loop3A_255, %parallel_loop3A_266 : i32
        %parallel_loop3A_268 = arith.index_cast %parallel_loop3A_267 : i32 to index
        %parallel_loop3A_269 = tpu.vector_load %arg17[%parallel_loop3A_268] {strides = array<i32>} : memref<8000xf32, #tpu.memory_space<vmem>>, vector<16xf32>,
        %parallel_loop3A_270 = tpu.vector_load_idx %arg6[%parallel_loop3A_262] : memref<10000xf32, #tpu.memory_space<vmem>>[vector<16xi32>], vector<16xf32>,
        %parallel_loop3A_271 = arith.mulf %parallel_loop3A_270, %parallel_loop3A_269 : vector<16xf32>
        tpu.vector_store_idx %arg10[%parallel_loop3A_265], %parallel_loop3A_271 {add = true} : memref<10000xf32, #tpu.memory_space<vmem>>[vector<16xi32>], vector<16xf32>,
        %parallel_loop3A_272 = tpu.vector_load_idx %arg7[%parallel_loop3A_262] : memref<10000xf32, #tpu.memory_space<vmem>>[vector<16xi32>], vector<16xf32>,
        %parallel_loop3A_273 = arith.mulf %parallel_loop3A_272, %parallel_loop3A_269 : vector<16xf32>
        tpu.vector_store_idx %arg11[%parallel_loop3A_265], %parallel_loop3A_273 {add = true} : memref<10000xf32, #tpu.memory_space<vmem>>[vector<16xi32>], vector<16xf32>,
        %parallel_loop3A_274 = tpu.vector_load_idx %arg8[%parallel_loop3A_262] : memref<10000xf32, #tpu.memory_space<vmem>>[vector<16xi32>], vector<16xf32>,
        %parallel_loop3A_275 = arith.mulf %parallel_loop3A_274, %parallel_loop3A_269 : vector<16xf32>
        tpu.vector_store_idx %arg12[%parallel_loop3A_265], %parallel_loop3A_275 {add = true} : memref<10000xf32, #tpu.memory_space<vmem>>[vector<16xi32>], vector<16xf32>,
        %parallel_loop3A_276 = tpu.vector_load_idx %arg9[%parallel_loop3A_262] : memref<10000xf32, #tpu.memory_space<vmem>>[vector<16xi32>], vector<16xf32>,
        %parallel_loop3A_277 = arith.mulf %parallel_loop3A_276, %parallel_loop3A_269 : vector<16xf32>
        tpu.vector_store_idx %arg13[%parallel_loop3A_265], %parallel_loop3A_277 {add = true} : memref<10000xf32, #tpu.memory_space<vmem>>[vector<16xi32>], vector<16xf32>,
      } {sc.loop_unroll_factor = 5 : i64, sc.parallel_access}
    }
    %scan3A_124 = arith.constant 2 : i32
    %dma_wait3A_125 = arith.constant 0 : i32
    %dma_wait3A_126 = tpu.memref_slice %arg3[%dma_wait3A_125] : memref<320000xi32, #tpu.memory_space<hbm>> -> memref<8000xi32, #tpu.memory_space<hbm>>
    %dma_wait3A_127 = arith.constant 0 : i32
    %dma_wait3A_128 = tpu.memref_slice %arg3[%dma_wait3A_127] : memref<320000xi32, #tpu.memory_space<hbm>> -> memref<8000xi32, #tpu.memory_space<hbm>>
    tpu.wait_dma2 semaphore(%arg19 : memref<!tpu.dma_semaphore, #tpu.memory_space<semaphore_mem>>) src(%dma_wait3A_128 : memref<8000xi32, #tpu.memory_space<hbm>>) dst(%arg14 : memref<8000xi32, #tpu.memory_space<vmem>>)
    %dma_wait3A_129 = arith.constant 0 : i32
    %dma_wait3A_130 = tpu.memref_slice %arg4[%dma_wait3A_129] : memref<320000xf32, #tpu.memory_space<hbm>> -> memref<8000xf32, #tpu.memory_space<hbm>>
    %dma_wait3A_131 = arith.constant 0 : i32
    %dma_wait3A_132 = tpu.memref_slice %arg4[%dma_wait3A_131] : memref<320000xf32, #tpu.memory_space<hbm>> -> memref<8000xf32, #tpu.memory_space<hbm>>
    tpu.wait_dma2 semaphore(%arg19 : memref<!tpu.dma_semaphore, #tpu.memory_space<semaphore_mem>>) src(%dma_wait3A_132 : memref<8000xf32, #tpu.memory_space<hbm>>) dst(%arg15 : memref<8000xf32, #tpu.memory_space<vmem>>)
    %parallel_loop3A_133 = arith.constant 0 : i32
    %parallel_loop3A_134 = arith.constant 500 : i32
    %parallel_loop3A_135 = arith.constant 1 : i32
    scf.for %parallel_loop3A_216 = %parallel_loop3A_133 to %parallel_loop3A_134 step %parallel_loop3A_135  : i32 {
      %parallel_loop3A_217 = arith.constant 16 : i32
      %parallel_loop3A_218 = arith.muli %parallel_loop3A_216, %parallel_loop3A_217 : i32
      %parallel_loop3A_219 = arith.index_cast %parallel_loop3A_218 : i32 to index
      %parallel_loop3A_220 = tpu.vector_load %arg14[%parallel_loop3A_219] {strides = array<i32>} : memref<8000xi32, #tpu.memory_space<vmem>>, vector<16xi32>,
      %parallel_loop3A_221 = arith.constant 65535 : i32
      %parallel_loop3A_222 = vector.broadcast %parallel_loop3A_221 : i32 to vector<16xi32>
      %parallel_loop3A_223 = arith.andi %parallel_loop3A_220, %parallel_loop3A_222 : vector<16xi32>
      %parallel_loop3A_224 = arith.constant 16 : i32
      %parallel_loop3A_225 = vector.broadcast %parallel_loop3A_224 : i32 to vector<16xi32>
      %parallel_loop3A_226 = arith.shrui %parallel_loop3A_220, %parallel_loop3A_225 : vector<16xi32>
      %parallel_loop3A_227 = arith.constant 16 : i32
      %parallel_loop3A_228 = arith.muli %parallel_loop3A_216, %parallel_loop3A_227 : i32
      %parallel_loop3A_229 = arith.index_cast %parallel_loop3A_228 : i32 to index
      %parallel_loop3A_230 = tpu.vector_load %arg15[%parallel_loop3A_229] {strides = array<i32>} : memref<8000xf32, #tpu.memory_space<vmem>>, vector<16xf32>,
      %parallel_loop3A_231 = tpu.vector_load_idx %arg6[%parallel_loop3A_223] : memref<10000xf32, #tpu.memory_space<vmem>>[vector<16xi32>], vector<16xf32>,
      %parallel_loop3A_232 = arith.mulf %parallel_loop3A_231, %parallel_loop3A_230 : vector<16xf32>
      tpu.vector_store_idx %arg10[%parallel_loop3A_226], %parallel_loop3A_232 {add = true} : memref<10000xf32, #tpu.memory_space<vmem>>[vector<16xi32>], vector<16xf32>,
      %parallel_loop3A_233 = tpu.vector_load_idx %arg7[%parallel_loop3A_223] : memref<10000xf32, #tpu.memory_space<vmem>>[vector<16xi32>], vector<16xf32>,
      %parallel_loop3A_234 = arith.mulf %parallel_loop3A_233, %parallel_loop3A_230 : vector<16xf32>
      tpu.vector_store_idx %arg11[%parallel_loop3A_226], %parallel_loop3A_234 {add = true} : memref<10000xf32, #tpu.memory_space<vmem>>[vector<16xi32>], vector<16xf32>,
      %parallel_loop3A_235 = tpu.vector_load_idx %arg8[%parallel_loop3A_223] : memref<10000xf32, #tpu.memory_space<vmem>>[vector<16xi32>], vector<16xf32>,
      %parallel_loop3A_236 = arith.mulf %parallel_loop3A_235, %parallel_loop3A_230 : vector<16xf32>
      tpu.vector_store_idx %arg12[%parallel_loop3A_226], %parallel_loop3A_236 {add = true} : memref<10000xf32, #tpu.memory_space<vmem>>[vector<16xi32>], vector<16xf32>,
      %parallel_loop3A_237 = tpu.vector_load_idx %arg9[%parallel_loop3A_223] : memref<10000xf32, #tpu.memory_space<vmem>>[vector<16xi32>], vector<16xf32>,
      %parallel_loop3A_238 = arith.mulf %parallel_loop3A_237, %parallel_loop3A_230 : vector<16xf32>
      tpu.vector_store_idx %arg13[%parallel_loop3A_226], %parallel_loop3A_238 {add = true} : memref<10000xf32, #tpu.memory_space<vmem>>[vector<16xi32>], vector<16xf32>,
    } {sc.loop_unroll_factor = 5 : i64, sc.parallel_access}
    %mul3A_136 = arith.constant 4 : i32
    %mul3A_137 = arith.muli %select_n3A_30, %mul3A_136 : i32
    %add3A_138 = arith.constant 0 : i32
    %add3A_139 = arith.addi %mul3A_137, %add3A_138 : i32
    %dma_start3A_140 = arith.constant 0 : i32
    %dma_start3A_141 = tpu.memref_slice %arg5[%select_n3A, %add3A_139, %dma_start3A_140] : memref<8x16x10000xf32, #tpu.memory_space<hbm>> -> memref<1x1x10000xf32, #tpu.memory_space<hbm>>
    %dma_start3A_142 = tpu.memref_squeeze %dma_start3A_141 : memref<1x1x10000xf32, #tpu.memory_space<hbm>> -> memref<10000xf32, #tpu.memory_space<hbm>>
    %dma_start3A_143 = arith.constant 0 : i32
    %dma_start3A_144 = tpu.memref_slice %arg5[%select_n3A, %add3A_139, %dma_start3A_143] : memref<8x16x10000xf32, #tpu.memory_space<hbm>> -> memref<1x1x10000xf32, #tpu.memory_space<hbm>>
    %dma_start3A_145 = tpu.memref_squeeze %dma_start3A_144 : memref<1x1x10000xf32, #tpu.memory_space<hbm>> -> memref<10000xf32, #tpu.memory_space<hbm>>
    tpu.enqueue_dma source(%arg10 : memref<10000xf32, #tpu.memory_space<vmem>>) target(%dma_start3A_145 : memref<10000xf32, #tpu.memory_space<hbm>>) target_semaphore(%arg18 : memref<!tpu.dma_semaphore, #tpu.memory_space<semaphore_mem>>)
    %mul3A_146 = arith.constant 4 : i32
    %mul3A_147 = arith.muli %select_n3A_30, %mul3A_146 : i32
    %add3A_148 = arith.constant 1 : i32
    %add3A_149 = arith.addi %mul3A_147, %add3A_148 : i32
    %dma_start3A_150 = arith.constant 0 : i32
    %dma_start3A_151 = tpu.memref_slice %arg5[%select_n3A, %add3A_149, %dma_start3A_150] : memref<8x16x10000xf32, #tpu.memory_space<hbm>> -> memref<1x1x10000xf32, #tpu.memory_space<hbm>>
    %dma_start3A_152 = tpu.memref_squeeze %dma_start3A_151 : memref<1x1x10000xf32, #tpu.memory_space<hbm>> -> memref<10000xf32, #tpu.memory_space<hbm>>
    %dma_start3A_153 = arith.constant 0 : i32
    %dma_start3A_154 = tpu.memref_slice %arg5[%select_n3A, %add3A_149, %dma_start3A_153] : memref<8x16x10000xf32, #tpu.memory_space<hbm>> -> memref<1x1x10000xf32, #tpu.memory_space<hbm>>
    %dma_start3A_155 = tpu.memref_squeeze %dma_start3A_154 : memref<1x1x10000xf32, #tpu.memory_space<hbm>> -> memref<10000xf32, #tpu.memory_space<hbm>>
    tpu.enqueue_dma source(%arg11 : memref<10000xf32, #tpu.memory_space<vmem>>) target(%dma_start3A_155 : memref<10000xf32, #tpu.memory_space<hbm>>) target_semaphore(%arg18 : memref<!tpu.dma_semaphore, #tpu.memory_space<semaphore_mem>>)
    %mul3A_156 = arith.constant 4 : i32
    %mul3A_157 = arith.muli %select_n3A_30, %mul3A_156 : i32
    %add3A_158 = arith.constant 2 : i32
    %add3A_159 = arith.addi %mul3A_157, %add3A_158 : i32
    %dma_start3A_160 = arith.constant 0 : i32
    %dma_start3A_161 = tpu.memref_slice %arg5[%select_n3A, %add3A_159, %dma_start3A_160] : memref<8x16x10000xf32, #tpu.memory_space<hbm>> -> memref<1x1x10000xf32, #tpu.memory_space<hbm>>
    %dma_start3A_162 = tpu.memref_squeeze %dma_start3A_161 : memref<1x1x10000xf32, #tpu.memory_space<hbm>> -> memref<10000xf32, #tpu.memory_space<hbm>>
    %dma_start3A_163 = arith.constant 0 : i32
    %dma_start3A_164 = tpu.memref_slice %arg5[%select_n3A, %add3A_159, %dma_start3A_163] : memref<8x16x10000xf32, #tpu.memory_space<hbm>> -> memref<1x1x10000xf32, #tpu.memory_space<hbm>>
    %dma_start3A_165 = tpu.memref_squeeze %dma_start3A_164 : memref<1x1x10000xf32, #tpu.memory_space<hbm>> -> memref<10000xf32, #tpu.memory_space<hbm>>
    tpu.enqueue_dma source(%arg12 : memref<10000xf32, #tpu.memory_space<vmem>>) target(%dma_start3A_165 : memref<10000xf32, #tpu.memory_space<hbm>>) target_semaphore(%arg18 : memref<!tpu.dma_semaphore, #tpu.memory_space<semaphore_mem>>)
    %mul3A_166 = arith.constant 4 : i32
    %mul3A_167 = arith.muli %select_n3A_30, %mul3A_166 : i32
    %add3A_168 = arith.constant 3 : i32
    %add3A_169 = arith.addi %mul3A_167, %add3A_168 : i32
    %dma_start3A_170 = arith.constant 0 : i32
    %dma_start3A_171 = tpu.memref_slice %arg5[%select_n3A, %add3A_169, %dma_start3A_170] : memref<8x16x10000xf32, #tpu.memory_space<hbm>> -> memref<1x1x10000xf32, #tpu.memory_space<hbm>>
    %dma_start3A_172 = tpu.memref_squeeze %dma_start3A_171 : memref<1x1x10000xf32, #tpu.memory_space<hbm>> -> memref<10000xf32, #tpu.memory_space<hbm>>
    %dma_start3A_173 = arith.constant 0 : i32
    %dma_start3A_174 = tpu.memref_slice %arg5[%select_n3A, %add3A_169, %dma_start3A_173] : memref<8x16x10000xf32, #tpu.memory_space<hbm>> -> memref<1x1x10000xf32, #tpu.memory_space<hbm>>
    %dma_start3A_175 = tpu.memref_squeeze %dma_start3A_174 : memref<1x1x10000xf32, #tpu.memory_space<hbm>> -> memref<10000xf32, #tpu.memory_space<hbm>>
    tpu.enqueue_dma source(%arg13 : memref<10000xf32, #tpu.memory_space<vmem>>) target(%dma_start3A_175 : memref<10000xf32, #tpu.memory_space<hbm>>) target_semaphore(%arg18 : memref<!tpu.dma_semaphore, #tpu.memory_space<semaphore_mem>>)
    %mul3A_176 = arith.constant 4 : i32
    %mul3A_177 = arith.muli %select_n3A_30, %mul3A_176 : i32
    %add3A_178 = arith.constant 0 : i32
    %add3A_179 = arith.addi %mul3A_177, %add3A_178 : i32
    %dma_wait3A_180 = arith.constant 0 : i32
    %dma_wait3A_181 = tpu.memref_slice %arg5[%select_n3A, %add3A_179, %dma_wait3A_180] : memref<8x16x10000xf32, #tpu.memory_space<hbm>> -> memref<1x1x10000xf32, #tpu.memory_space<hbm>>
    %dma_wait3A_182 = tpu.memref_squeeze %dma_wait3A_181 : memref<1x1x10000xf32, #tpu.memory_space<hbm>> -> memref<10000xf32, #tpu.memory_space<hbm>>
    %dma_wait3A_183 = arith.constant 0 : i32
    %dma_wait3A_184 = tpu.memref_slice %arg5[%select_n3A, %add3A_179, %dma_wait3A_183] : memref<8x16x10000xf32, #tpu.memory_space<hbm>> -> memref<1x1x10000xf32, #tpu.memory_space<hbm>>
    %dma_wait3A_185 = tpu.memref_squeeze %dma_wait3A_184 : memref<1x1x10000xf32, #tpu.memory_space<hbm>> -> memref<10000xf32, #tpu.memory_space<hbm>>
    tpu.wait_dma2 semaphore(%arg18 : memref<!tpu.dma_semaphore, #tpu.memory_space<semaphore_mem>>) src(%arg10 : memref<10000xf32, #tpu.memory_space<vmem>>) dst(%dma_wait3A_185 : memref<10000xf32, #tpu.memory_space<hbm>>)
    %mul3A_186 = arith.constant 4 : i32
    %mul3A_187 = arith.muli %select_n3A_30, %mul3A_186 : i32
    %add3A_188 = arith.constant 1 : i32
    %add3A_189 = arith.addi %mul3A_187, %add3A_188 : i32
    %dma_wait3A_190 = arith.constant 0 : i32
    %dma_wait3A_191 = tpu.memref_slice %arg5[%select_n3A, %add3A_189, %dma_wait3A_190] : memref<8x16x10000xf32, #tpu.memory_space<hbm>> -> memref<1x1x10000xf32, #tpu.memory_space<hbm>>
    %dma_wait3A_192 = tpu.memref_squeeze %dma_wait3A_191 : memref<1x1x10000xf32, #tpu.memory_space<hbm>> -> memref<10000xf32, #tpu.memory_space<hbm>>
    %dma_wait3A_193 = arith.constant 0 : i32
    %dma_wait3A_194 = tpu.memref_slice %arg5[%select_n3A, %add3A_189, %dma_wait3A_193] : memref<8x16x10000xf32, #tpu.memory_space<hbm>> -> memref<1x1x10000xf32, #tpu.memory_space<hbm>>
    %dma_wait3A_195 = tpu.memref_squeeze %dma_wait3A_194 : memref<1x1x10000xf32, #tpu.memory_space<hbm>> -> memref<10000xf32, #tpu.memory_space<hbm>>
    tpu.wait_dma2 semaphore(%arg18 : memref<!tpu.dma_semaphore, #tpu.memory_space<semaphore_mem>>) src(%arg11 : memref<10000xf32, #tpu.memory_space<vmem>>) dst(%dma_wait3A_195 : memref<10000xf32, #tpu.memory_space<hbm>>)
    %mul3A_196 = arith.constant 4 : i32
    %mul3A_197 = arith.muli %select_n3A_30, %mul3A_196 : i32
    %add3A_198 = arith.constant 2 : i32
    %add3A_199 = arith.addi %mul3A_197, %add3A_198 : i32
    %dma_wait3A_200 = arith.constant 0 : i32
    %dma_wait3A_201 = tpu.memref_slice %arg5[%select_n3A, %add3A_199, %dma_wait3A_200] : memref<8x16x10000xf32, #tpu.memory_space<hbm>> -> memref<1x1x10000xf32, #tpu.memory_space<hbm>>
    %dma_wait3A_202 = tpu.memref_squeeze %dma_wait3A_201 : memref<1x1x10000xf32, #tpu.memory_space<hbm>> -> memref<10000xf32, #tpu.memory_space<hbm>>
    %dma_wait3A_203 = arith.constant 0 : i32
    %dma_wait3A_204 = tpu.memref_slice %arg5[%select_n3A, %add3A_199, %dma_wait3A_203] : memref<8x16x10000xf32, #tpu.memory_space<hbm>> -> memref<1x1x10000xf32, #tpu.memory_space<hbm>>
    %dma_wait3A_205 = tpu.memref_squeeze %dma_wait3A_204 : memref<1x1x10000xf32, #tpu.memory_space<hbm>> -> memref<10000xf32, #tpu.memory_space<hbm>>
    tpu.wait_dma2 semaphore(%arg18 : memref<!tpu.dma_semaphore, #tpu.memory_space<semaphore_mem>>) src(%arg12 : memref<10000xf32, #tpu.memory_space<vmem>>) dst(%dma_wait3A_205 : memref<10000xf32, #tpu.memory_space<hbm>>)
    %mul3A_206 = arith.constant 4 : i32
    %mul3A_207 = arith.muli %select_n3A_30, %mul3A_206 : i32
    %add3A_208 = arith.constant 3 : i32
    %add3A_209 = arith.addi %mul3A_207, %add3A_208 : i32
    %dma_wait3A_210 = arith.constant 0 : i32
    %dma_wait3A_211 = tpu.memref_slice %arg5[%select_n3A, %add3A_209, %dma_wait3A_210] : memref<8x16x10000xf32, #tpu.memory_space<hbm>> -> memref<1x1x10000xf32, #tpu.memory_space<hbm>>
    %dma_wait3A_212 = tpu.memref_squeeze %dma_wait3A_211 : memref<1x1x10000xf32, #tpu.memory_space<hbm>> -> memref<10000xf32, #tpu.memory_space<hbm>>
    %dma_wait3A_213 = arith.constant 0 : i32
    %dma_wait3A_214 = tpu.memref_slice %arg5[%select_n3A, %add3A_209, %dma_wait3A_213] : memref<8x16x10000xf32, #tpu.memory_space<hbm>> -> memref<1x1x10000xf32, #tpu.memory_space<hbm>>
    %dma_wait3A_215 = tpu.memref_squeeze %dma_wait3A_214 : memref<1x1x10000xf32, #tpu.memory_space<hbm>> -> memref<10000xf32, #tpu.memory_space<hbm>>
    tpu.wait_dma2 semaphore(%arg18 : memref<!tpu.dma_semaphore, #tpu.memory_space<semaphore_mem>>) src(%arg13 : memref<10000xf32, #tpu.memory_space<vmem>>) dst(%dma_wait3A_215 : memref<10000xf32, #tpu.memory_space<hbm>>)
    return
  }
}

#map = affine_map<(d0, d1) -> (0, 0)>
#map1 = affine_map<(d0, d1) -> (0)>
#map2 = affine_map<(d0, d1) -> (0, 0, 0)>
module attributes {stable_mosaic.version = 14 : i64} {
  func.func @body(%arg0: i32, %arg1: i32, %arg2: memref<64x10000xf32, #tpu.memory_space<hbm>>, %arg3: memref<320000xi32, #tpu.memory_space<hbm>>, %arg4: memref<320000xf32, #tpu.memory_space<hbm>>, %arg5: memref<2x64x10000xf32, #tpu.memory_space<hbm>>, %arg6: memref<10000xf32, #tpu.memory_space<vmem>>, %arg7: memref<10000xf32, #tpu.memory_space<vmem>>, %arg8: memref<10000xf32, #tpu.memory_space<vmem>>, %arg9: memref<10000xf32, #tpu.memory_space<vmem>>, %arg10: memref<10000xf32, #tpu.memory_space<vmem>>, %arg11: memref<10000xf32, #tpu.memory_space<vmem>>, %arg12: memref<10000xf32, #tpu.memory_space<vmem>>, %arg13: memref<10000xf32, #tpu.memory_space<vmem>>, %arg14: memref<8000xi32, #tpu.memory_space<vmem>>, %arg15: memref<8000xf32, #tpu.memory_space<vmem>>, %arg16: memref<8000xi32, #tpu.memory_space<vmem>>, %arg17: memref<8000xf32, #tpu.memory_space<vmem>>, %arg18: memref<!tpu.dma_semaphore, #tpu.memory_space<semaphore_mem>>, %arg19: memref<!tpu.dma_semaphore, #tpu.memory_space<semaphore_mem>>, %arg20: memref<!tpu.dma_semaphore, #tpu.memory_space<semaphore_mem>>) attributes {dimension_semantics = [#tpu.dimension_semantics<core_parallel>, #tpu.dimension_semantics<subcore_parallel>], iteration_bounds = array<i64: 2, 16>, scalar_prefetch = 0 : i64, scratch_operands = 15 : i64, tpu.core_type = #tpu.core_type<sc_vector_subcore>, window_params = [{transform_indices = #map}, {transform_indices = #map1}, {transform_indices = #map1}, {transform_indices = #map2}]} {
    %mul3A = arith.constant 2 : i32
    %mul3A_0 = arith.muli %arg1, %mul3A : i32
    %add3A = arith.addi %mul3A_0, %arg0 : i32
    %jit3A = arith.constant 16 : i32
    %div3A = arith.divsi %add3A, %jit3A : i32
    %sign3A = arith.constant 0 : i32
    %sign3A_1 = arith.cmpi sgt, %add3A, %sign3A : i32
    %sign3A_2 = arith.extui %sign3A_1 : i1 to i32
    %sign3A_3 = arith.constant 0 : i32
    %sign3A_4 = arith.cmpi slt, %add3A, %sign3A_3 : i32
    %sign3A_5 = arith.extui %sign3A_4 : i1 to i32
    %sign3A_6 = arith.subi %sign3A_2, %sign3A_5 : i32
    %sign3A_7 = arith.constant 0 : i32
    %sign3A_8 = arith.cmpi sgt, %jit3A, %sign3A_7 : i32
    %sign3A_9 = arith.extui %sign3A_8 : i1 to i32
    %sign3A_10 = arith.constant 0 : i32
    %sign3A_11 = arith.cmpi slt, %jit3A, %sign3A_10 : i32
    %sign3A_12 = arith.extui %sign3A_11 : i1 to i32
    %sign3A_13 = arith.subi %sign3A_9, %sign3A_12 : i32
    %ne3A = arith.cmpi ne, %sign3A_6, %sign3A_13 : i32
    %rem3A = arith.remsi %add3A, %jit3A : i32
    %ne3A_14 = arith.constant 0 : i32
    %ne3A_15 = arith.cmpi ne, %rem3A, %ne3A_14 : i32
    %and3A = arith.andi %ne3A, %ne3A_15 : i1
    %sub3A = arith.constant 1 : i32
    %sub3A_16 = arith.subi %div3A, %sub3A : i32
    %select_n3A = arith.select %and3A, %sub3A_16, %div3A : i32
    %jit3A_17 = arith.constant 16 : i32
    %eq3A = arith.constant 0 : i32
    %eq3A_18 = arith.cmpi eq, %jit3A_17, %eq3A : i32
    %jit3A_19 = arith.constant 1 : i32
    %select_n3A_20 = arith.select %eq3A_18, %jit3A_19, %jit3A_17 : i32
    %rem3A_21 = arith.remsi %add3A, %select_n3A_20 : i32
    %ne3A_22 = arith.constant 0 : i32
    %ne3A_23 = arith.cmpi ne, %rem3A_21, %ne3A_22 : i32
    %lt3A = arith.constant 0 : i32
    %lt3A_24 = arith.cmpi slt, %rem3A_21, %lt3A : i32
    %lt3A_25 = arith.constant 0 : i32
    %lt3A_26 = arith.cmpi slt, %select_n3A_20, %lt3A_25 : i32
    %ne3A_27 = arith.xori %lt3A_24, %lt3A_26 : i1
    %and3A_28 = arith.andi %ne3A_27, %ne3A_23 : i1
    %add3A_29 = arith.addi %rem3A_21, %select_n3A_20 : i32
    %select_n3A_30 = arith.select %and3A_28, %add3A_29, %rem3A_21 : i32
    %mul3A_31 = arith.constant 160000 : i32
    %mul3A_32 = arith.muli %select_n3A, %mul3A_31 : i32
    %add3A_33 = arith.constant 0 : i32
    %add3A_34 = arith.addi %mul3A_32, %add3A_33 : i32
    %dma_start3A = tpu.memref_slice %arg3[%add3A_34] : memref<320000xi32, #tpu.memory_space<hbm>> -> memref<8000xi32, #tpu.memory_space<hbm>>
    %dma_start3A_35 = tpu.memref_slice %arg3[%add3A_34] : memref<320000xi32, #tpu.memory_space<hbm>> -> memref<8000xi32, #tpu.memory_space<hbm>>
    tpu.enqueue_dma source(%dma_start3A_35 : memref<8000xi32, #tpu.memory_space<hbm>>) target(%arg14 : memref<8000xi32, #tpu.memory_space<vmem>>) target_semaphore(%arg19 : memref<!tpu.dma_semaphore, #tpu.memory_space<semaphore_mem>>)
    %dma_start3A_36 = tpu.memref_slice %arg4[%add3A_34] : memref<320000xf32, #tpu.memory_space<hbm>> -> memref<8000xf32, #tpu.memory_space<hbm>>
    %dma_start3A_37 = tpu.memref_slice %arg4[%add3A_34] : memref<320000xf32, #tpu.memory_space<hbm>> -> memref<8000xf32, #tpu.memory_space<hbm>>
    tpu.enqueue_dma source(%dma_start3A_37 : memref<8000xf32, #tpu.memory_space<hbm>>) target(%arg15 : memref<8000xf32, #tpu.memory_space<vmem>>) target_semaphore(%arg19 : memref<!tpu.dma_semaphore, #tpu.memory_space<semaphore_mem>>)
    %mul3A_38 = arith.constant 4 : i32
    %mul3A_39 = arith.muli %select_n3A_30, %mul3A_38 : i32
    %add3A_40 = arith.constant 0 : i32
    %add3A_41 = arith.addi %mul3A_39, %add3A_40 : i32
    %dma_start3A_42 = arith.constant 0 : i32
    %dma_start3A_43 = tpu.memref_slice %arg2[%add3A_41, %dma_start3A_42] : memref<64x10000xf32, #tpu.memory_space<hbm>> -> memref<1x10000xf32, #tpu.memory_space<hbm>>
    %dma_start3A_44 = tpu.memref_squeeze %dma_start3A_43 : memref<1x10000xf32, #tpu.memory_space<hbm>> -> memref<10000xf32, #tpu.memory_space<hbm>>
    %dma_start3A_45 = arith.constant 0 : i32
    %dma_start3A_46 = tpu.memref_slice %arg2[%add3A_41, %dma_start3A_45] : memref<64x10000xf32, #tpu.memory_space<hbm>> -> memref<1x10000xf32, #tpu.memory_space<hbm>>
    %dma_start3A_47 = tpu.memref_squeeze %dma_start3A_46 : memref<1x10000xf32, #tpu.memory_space<hbm>> -> memref<10000xf32, #tpu.memory_space<hbm>>
    tpu.enqueue_dma source(%dma_start3A_47 : memref<10000xf32, #tpu.memory_space<hbm>>) target(%arg6 : memref<10000xf32, #tpu.memory_space<vmem>>) target_semaphore(%arg18 : memref<!tpu.dma_semaphore, #tpu.memory_space<semaphore_mem>>)
    %mul3A_48 = arith.constant 4 : i32
    %mul3A_49 = arith.muli %select_n3A_30, %mul3A_48 : i32
    %add3A_50 = arith.constant 1 : i32
    %add3A_51 = arith.addi %mul3A_49, %add3A_50 : i32
    %dma_start3A_52 = arith.constant 0 : i32
    %dma_start3A_53 = tpu.memref_slice %arg2[%add3A_51, %dma_start3A_52] : memref<64x10000xf32, #tpu.memory_space<hbm>> -> memref<1x10000xf32, #tpu.memory_space<hbm>>
    %dma_start3A_54 = tpu.memref_squeeze %dma_start3A_53 : memref<1x10000xf32, #tpu.memory_space<hbm>> -> memref<10000xf32, #tpu.memory_space<hbm>>
    %dma_start3A_55 = arith.constant 0 : i32
    %dma_start3A_56 = tpu.memref_slice %arg2[%add3A_51, %dma_start3A_55] : memref<64x10000xf32, #tpu.memory_space<hbm>> -> memref<1x10000xf32, #tpu.memory_space<hbm>>
    %dma_start3A_57 = tpu.memref_squeeze %dma_start3A_56 : memref<1x10000xf32, #tpu.memory_space<hbm>> -> memref<10000xf32, #tpu.memory_space<hbm>>
    tpu.enqueue_dma source(%dma_start3A_57 : memref<10000xf32, #tpu.memory_space<hbm>>) target(%arg7 : memref<10000xf32, #tpu.memory_space<vmem>>) target_semaphore(%arg18 : memref<!tpu.dma_semaphore, #tpu.memory_space<semaphore_mem>>)
    %mul3A_58 = arith.constant 4 : i32
    %mul3A_59 = arith.muli %select_n3A_30, %mul3A_58 : i32
    %add3A_60 = arith.constant 2 : i32
    %add3A_61 = arith.addi %mul3A_59, %add3A_60 : i32
    %dma_start3A_62 = arith.constant 0 : i32
    %dma_start3A_63 = tpu.memref_slice %arg2[%add3A_61, %dma_start3A_62] : memref<64x10000xf32, #tpu.memory_space<hbm>> -> memref<1x10000xf32, #tpu.memory_space<hbm>>
    %dma_start3A_64 = tpu.memref_squeeze %dma_start3A_63 : memref<1x10000xf32, #tpu.memory_space<hbm>> -> memref<10000xf32, #tpu.memory_space<hbm>>
    %dma_start3A_65 = arith.constant 0 : i32
    %dma_start3A_66 = tpu.memref_slice %arg2[%add3A_61, %dma_start3A_65] : memref<64x10000xf32, #tpu.memory_space<hbm>> -> memref<1x10000xf32, #tpu.memory_space<hbm>>
    %dma_start3A_67 = tpu.memref_squeeze %dma_start3A_66 : memref<1x10000xf32, #tpu.memory_space<hbm>> -> memref<10000xf32, #tpu.memory_space<hbm>>
    tpu.enqueue_dma source(%dma_start3A_67 : memref<10000xf32, #tpu.memory_space<hbm>>) target(%arg8 : memref<10000xf32, #tpu.memory_space<vmem>>) target_semaphore(%arg18 : memref<!tpu.dma_semaphore, #tpu.memory_space<semaphore_mem>>)
    %mul3A_68 = arith.constant 4 : i32
    %mul3A_69 = arith.muli %select_n3A_30, %mul3A_68 : i32
    %add3A_70 = arith.constant 3 : i32
    %add3A_71 = arith.addi %mul3A_69, %add3A_70 : i32
    %dma_start3A_72 = arith.constant 0 : i32
    %dma_start3A_73 = tpu.memref_slice %arg2[%add3A_71, %dma_start3A_72] : memref<64x10000xf32, #tpu.memory_space<hbm>> -> memref<1x10000xf32, #tpu.memory_space<hbm>>
    %dma_start3A_74 = tpu.memref_squeeze %dma_start3A_73 : memref<1x10000xf32, #tpu.memory_space<hbm>> -> memref<10000xf32, #tpu.memory_space<hbm>>
    %dma_start3A_75 = arith.constant 0 : i32
    %dma_start3A_76 = tpu.memref_slice %arg2[%add3A_71, %dma_start3A_75] : memref<64x10000xf32, #tpu.memory_space<hbm>> -> memref<1x10000xf32, #tpu.memory_space<hbm>>
    %dma_start3A_77 = tpu.memref_squeeze %dma_start3A_76 : memref<1x10000xf32, #tpu.memory_space<hbm>> -> memref<10000xf32, #tpu.memory_space<hbm>>
    tpu.enqueue_dma source(%dma_start3A_77 : memref<10000xf32, #tpu.memory_space<hbm>>) target(%arg9 : memref<10000xf32, #tpu.memory_space<vmem>>) target_semaphore(%arg18 : memref<!tpu.dma_semaphore, #tpu.memory_space<semaphore_mem>>)
    %broadcast_in_dim3A = arith.constant 0.000000e+00 : f32
    %broadcast_in_dim3A_78 = vector.broadcast %broadcast_in_dim3A : f32 to vector<16xf32>
    %parallel_loop3A = arith.constant 0 : i32
    %parallel_loop3A_79 = arith.constant 625 : i32
    %parallel_loop3A_80 = arith.constant 1 : i32
    scf.for %parallel_loop3A_205 = %parallel_loop3A to %parallel_loop3A_79 step %parallel_loop3A_80  : i32 {
      %parallel_loop3A_206 = arith.constant 16 : i32
      %parallel_loop3A_207 = arith.muli %parallel_loop3A_205, %parallel_loop3A_206 : i32
      %parallel_loop3A_208 = arith.index_cast %parallel_loop3A_207 : i32 to index
      %parallel_loop3A_209 = tpu.vector_load %arg10[%parallel_loop3A_208] {strides = array<i32>} : memref<10000xf32, #tpu.memory_space<vmem>>, vector<16xf32>,
      tpu.vector_store %arg10[%parallel_loop3A_208], %broadcast_in_dim3A_78 {strides = array<i32>} : memref<10000xf32, #tpu.memory_space<vmem>>, vector<16xf32>,
      %parallel_loop3A_210 = arith.constant 16 : i32
      %parallel_loop3A_211 = arith.muli %parallel_loop3A_205, %parallel_loop3A_210 : i32
      %parallel_loop3A_212 = arith.index_cast %parallel_loop3A_211 : i32 to index
      %parallel_loop3A_213 = tpu.vector_load %arg11[%parallel_loop3A_212] {strides = array<i32>} : memref<10000xf32, #tpu.memory_space<vmem>>, vector<16xf32>,
      tpu.vector_store %arg11[%parallel_loop3A_212], %broadcast_in_dim3A_78 {strides = array<i32>} : memref<10000xf32, #tpu.memory_space<vmem>>, vector<16xf32>,
      %parallel_loop3A_214 = arith.constant 16 : i32
      %parallel_loop3A_215 = arith.muli %parallel_loop3A_205, %parallel_loop3A_214 : i32
      %parallel_loop3A_216 = arith.index_cast %parallel_loop3A_215 : i32 to index
      %parallel_loop3A_217 = tpu.vector_load %arg12[%parallel_loop3A_216] {strides = array<i32>} : memref<10000xf32, #tpu.memory_space<vmem>>, vector<16xf32>,
      tpu.vector_store %arg12[%parallel_loop3A_216], %broadcast_in_dim3A_78 {strides = array<i32>} : memref<10000xf32, #tpu.memory_space<vmem>>, vector<16xf32>,
      %parallel_loop3A_218 = arith.constant 16 : i32
      %parallel_loop3A_219 = arith.muli %parallel_loop3A_205, %parallel_loop3A_218 : i32
      %parallel_loop3A_220 = arith.index_cast %parallel_loop3A_219 : i32 to index
      %parallel_loop3A_221 = tpu.vector_load %arg13[%parallel_loop3A_220] {strides = array<i32>} : memref<10000xf32, #tpu.memory_space<vmem>>, vector<16xf32>,
      tpu.vector_store %arg13[%parallel_loop3A_220], %broadcast_in_dim3A_78 {strides = array<i32>} : memref<10000xf32, #tpu.memory_space<vmem>>, vector<16xf32>,
    } {sc.loop_unroll_factor = 4 : i64, sc.parallel_access}
    %mul3A_81 = arith.constant 4 : i32
    %mul3A_82 = arith.muli %select_n3A_30, %mul3A_81 : i32
    %add3A_83 = arith.constant 0 : i32
    %add3A_84 = arith.addi %mul3A_82, %add3A_83 : i32
    %dma_wait3A = arith.constant 0 : i32
    %dma_wait3A_85 = tpu.memref_slice %arg2[%add3A_84, %dma_wait3A] : memref<64x10000xf32, #tpu.memory_space<hbm>> -> memref<1x10000xf32, #tpu.memory_space<hbm>>
    %dma_wait3A_86 = tpu.memref_squeeze %dma_wait3A_85 : memref<1x10000xf32, #tpu.memory_space<hbm>> -> memref<10000xf32, #tpu.memory_space<hbm>>
    %dma_wait3A_87 = arith.constant 0 : i32
    %dma_wait3A_88 = tpu.memref_slice %arg2[%add3A_84, %dma_wait3A_87] : memref<64x10000xf32, #tpu.memory_space<hbm>> -> memref<1x10000xf32, #tpu.memory_space<hbm>>
    %dma_wait3A_89 = tpu.memref_squeeze %dma_wait3A_88 : memref<1x10000xf32, #tpu.memory_space<hbm>> -> memref<10000xf32, #tpu.memory_space<hbm>>
    tpu.wait_dma2 semaphore(%arg18 : memref<!tpu.dma_semaphore, #tpu.memory_space<semaphore_mem>>) src(%dma_wait3A_89 : memref<10000xf32, #tpu.memory_space<hbm>>) dst(%arg6 : memref<10000xf32, #tpu.memory_space<vmem>>)
    %mul3A_90 = arith.constant 4 : i32
    %mul3A_91 = arith.muli %select_n3A_30, %mul3A_90 : i32
    %add3A_92 = arith.constant 1 : i32
    %add3A_93 = arith.addi %mul3A_91, %add3A_92 : i32
    %dma_wait3A_94 = arith.constant 0 : i32
    %dma_wait3A_95 = tpu.memref_slice %arg2[%add3A_93, %dma_wait3A_94] : memref<64x10000xf32, #tpu.memory_space<hbm>> -> memref<1x10000xf32, #tpu.memory_space<hbm>>
    %dma_wait3A_96 = tpu.memref_squeeze %dma_wait3A_95 : memref<1x10000xf32, #tpu.memory_space<hbm>> -> memref<10000xf32, #tpu.memory_space<hbm>>
    %dma_wait3A_97 = arith.constant 0 : i32
    %dma_wait3A_98 = tpu.memref_slice %arg2[%add3A_93, %dma_wait3A_97] : memref<64x10000xf32, #tpu.memory_space<hbm>> -> memref<1x10000xf32, #tpu.memory_space<hbm>>
    %dma_wait3A_99 = tpu.memref_squeeze %dma_wait3A_98 : memref<1x10000xf32, #tpu.memory_space<hbm>> -> memref<10000xf32, #tpu.memory_space<hbm>>
    tpu.wait_dma2 semaphore(%arg18 : memref<!tpu.dma_semaphore, #tpu.memory_space<semaphore_mem>>) src(%dma_wait3A_99 : memref<10000xf32, #tpu.memory_space<hbm>>) dst(%arg7 : memref<10000xf32, #tpu.memory_space<vmem>>)
    %mul3A_100 = arith.constant 4 : i32
    %mul3A_101 = arith.muli %select_n3A_30, %mul3A_100 : i32
    %add3A_102 = arith.constant 2 : i32
    %add3A_103 = arith.addi %mul3A_101, %add3A_102 : i32
    %dma_wait3A_104 = arith.constant 0 : i32
    %dma_wait3A_105 = tpu.memref_slice %arg2[%add3A_103, %dma_wait3A_104] : memref<64x10000xf32, #tpu.memory_space<hbm>> -> memref<1x10000xf32, #tpu.memory_space<hbm>>
    %dma_wait3A_106 = tpu.memref_squeeze %dma_wait3A_105 : memref<1x10000xf32, #tpu.memory_space<hbm>> -> memref<10000xf32, #tpu.memory_space<hbm>>
    %dma_wait3A_107 = arith.constant 0 : i32
    %dma_wait3A_108 = tpu.memref_slice %arg2[%add3A_103, %dma_wait3A_107] : memref<64x10000xf32, #tpu.memory_space<hbm>> -> memref<1x10000xf32, #tpu.memory_space<hbm>>
    %dma_wait3A_109 = tpu.memref_squeeze %dma_wait3A_108 : memref<1x10000xf32, #tpu.memory_space<hbm>> -> memref<10000xf32, #tpu.memory_space<hbm>>
    tpu.wait_dma2 semaphore(%arg18 : memref<!tpu.dma_semaphore, #tpu.memory_space<semaphore_mem>>) src(%dma_wait3A_109 : memref<10000xf32, #tpu.memory_space<hbm>>) dst(%arg8 : memref<10000xf32, #tpu.memory_space<vmem>>)
    %mul3A_110 = arith.constant 4 : i32
    %mul3A_111 = arith.muli %select_n3A_30, %mul3A_110 : i32
    %add3A_112 = arith.constant 3 : i32
    %add3A_113 = arith.addi %mul3A_111, %add3A_112 : i32
    %dma_wait3A_114 = arith.constant 0 : i32
    %dma_wait3A_115 = tpu.memref_slice %arg2[%add3A_113, %dma_wait3A_114] : memref<64x10000xf32, #tpu.memory_space<hbm>> -> memref<1x10000xf32, #tpu.memory_space<hbm>>
    %dma_wait3A_116 = tpu.memref_squeeze %dma_wait3A_115 : memref<1x10000xf32, #tpu.memory_space<hbm>> -> memref<10000xf32, #tpu.memory_space<hbm>>
    %dma_wait3A_117 = arith.constant 0 : i32
    %dma_wait3A_118 = tpu.memref_slice %arg2[%add3A_113, %dma_wait3A_117] : memref<64x10000xf32, #tpu.memory_space<hbm>> -> memref<1x10000xf32, #tpu.memory_space<hbm>>
    %dma_wait3A_119 = tpu.memref_squeeze %dma_wait3A_118 : memref<1x10000xf32, #tpu.memory_space<hbm>> -> memref<10000xf32, #tpu.memory_space<hbm>>
    tpu.wait_dma2 semaphore(%arg18 : memref<!tpu.dma_semaphore, #tpu.memory_space<semaphore_mem>>) src(%dma_wait3A_119 : memref<10000xf32, #tpu.memory_space<hbm>>) dst(%arg9 : memref<10000xf32, #tpu.memory_space<vmem>>)
    %scan3A = arith.constant 0 : i32
    %scan3A_120 = arith.constant 0 : i32
    %scan3A_121 = arith.constant 10 : i32
    %scan3A_122 = arith.addi %scan3A_120, %scan3A_121 : i32
    %scan3A_123 = arith.constant 1 : i32
    scf.for %scan3A_205 = %scan3A_120 to %scan3A_122 step %scan3A_123  : i32 {
      %mul3A_206 = arith.constant 2 : i32
      %mul3A_207 = arith.muli %mul3A_206, %scan3A_205 : i32
      %add3A_208 = arith.constant 1 : i32
      %add3A_209 = arith.addi %mul3A_207, %add3A_208 : i32
      %mul3A_210 = arith.constant 8000 : i32
      %mul3A_211 = arith.muli %add3A_209, %mul3A_210 : i32
      %add3A_212 = arith.addi %mul3A_32, %mul3A_211 : i32
      %dma_start3A_213 = tpu.memref_slice %arg3[%add3A_212] : memref<320000xi32, #tpu.memory_space<hbm>> -> memref<8000xi32, #tpu.memory_space<hbm>>
      %dma_start3A_214 = tpu.memref_slice %arg3[%add3A_212] : memref<320000xi32, #tpu.memory_space<hbm>> -> memref<8000xi32, #tpu.memory_space<hbm>>
      tpu.enqueue_dma source(%dma_start3A_214 : memref<8000xi32, #tpu.memory_space<hbm>>) target(%arg16 : memref<8000xi32, #tpu.memory_space<vmem>>) target_semaphore(%arg20 : memref<!tpu.dma_semaphore, #tpu.memory_space<semaphore_mem>>)
      %dma_start3A_215 = tpu.memref_slice %arg4[%add3A_212] : memref<320000xf32, #tpu.memory_space<hbm>> -> memref<8000xf32, #tpu.memory_space<hbm>>
      %dma_start3A_216 = tpu.memref_slice %arg4[%add3A_212] : memref<320000xf32, #tpu.memory_space<hbm>> -> memref<8000xf32, #tpu.memory_space<hbm>>
      tpu.enqueue_dma source(%dma_start3A_216 : memref<8000xf32, #tpu.memory_space<hbm>>) target(%arg17 : memref<8000xf32, #tpu.memory_space<vmem>>) target_semaphore(%arg20 : memref<!tpu.dma_semaphore, #tpu.memory_space<semaphore_mem>>)
      %dma_wait3A_217 = arith.constant 0 : i32
      %dma_wait3A_218 = tpu.memref_slice %arg3[%dma_wait3A_217] : memref<320000xi32, #tpu.memory_space<hbm>> -> memref<8000xi32, #tpu.memory_space<hbm>>
      %dma_wait3A_219 = arith.constant 0 : i32
      %dma_wait3A_220 = tpu.memref_slice %arg3[%dma_wait3A_219] : memref<320000xi32, #tpu.memory_space<hbm>> -> memref<8000xi32, #tpu.memory_space<hbm>>
      tpu.wait_dma2 semaphore(%arg19 : memref<!tpu.dma_semaphore, #tpu.memory_space<semaphore_mem>>) src(%dma_wait3A_220 : memref<8000xi32, #tpu.memory_space<hbm>>) dst(%arg14 : memref<8000xi32, #tpu.memory_space<vmem>>)
      %dma_wait3A_221 = arith.constant 0 : i32
      %dma_wait3A_222 = tpu.memref_slice %arg4[%dma_wait3A_221] : memref<320000xf32, #tpu.memory_space<hbm>> -> memref<8000xf32, #tpu.memory_space<hbm>>
      %dma_wait3A_223 = arith.constant 0 : i32
      %dma_wait3A_224 = tpu.memref_slice %arg4[%dma_wait3A_223] : memref<320000xf32, #tpu.memory_space<hbm>> -> memref<8000xf32, #tpu.memory_space<hbm>>
      tpu.wait_dma2 semaphore(%arg19 : memref<!tpu.dma_semaphore, #tpu.memory_space<semaphore_mem>>) src(%dma_wait3A_224 : memref<8000xf32, #tpu.memory_space<hbm>>) dst(%arg15 : memref<8000xf32, #tpu.memory_space<vmem>>)
      %parallel_loop3A_225 = arith.constant 0 : i32
      %parallel_loop3A_226 = arith.constant 500 : i32
      %parallel_loop3A_227 = arith.constant 1 : i32
      scf.for %parallel_loop3A_244 = %parallel_loop3A_225 to %parallel_loop3A_226 step %parallel_loop3A_227  : i32 {
        %parallel_loop3A_245 = arith.constant 16 : i32
        %parallel_loop3A_246 = arith.muli %parallel_loop3A_244, %parallel_loop3A_245 : i32
        %parallel_loop3A_247 = arith.index_cast %parallel_loop3A_246 : i32 to index
        %parallel_loop3A_248 = tpu.vector_load %arg14[%parallel_loop3A_247] {strides = array<i32>} : memref<8000xi32, #tpu.memory_space<vmem>>, vector<16xi32>,
        %parallel_loop3A_249 = arith.constant 65535 : i32
        %parallel_loop3A_250 = vector.broadcast %parallel_loop3A_249 : i32 to vector<16xi32>
        %parallel_loop3A_251 = arith.andi %parallel_loop3A_248, %parallel_loop3A_250 : vector<16xi32>
        %parallel_loop3A_252 = arith.constant 16 : i32
        %parallel_loop3A_253 = vector.broadcast %parallel_loop3A_252 : i32 to vector<16xi32>
        %parallel_loop3A_254 = arith.shrui %parallel_loop3A_248, %parallel_loop3A_253 : vector<16xi32>
        %parallel_loop3A_255 = arith.constant 16 : i32
        %parallel_loop3A_256 = arith.muli %parallel_loop3A_244, %parallel_loop3A_255 : i32
        %parallel_loop3A_257 = arith.index_cast %parallel_loop3A_256 : i32 to index
        %parallel_loop3A_258 = tpu.vector_load %arg15[%parallel_loop3A_257] {strides = array<i32>} : memref<8000xf32, #tpu.memory_space<vmem>>, vector<16xf32>,
        %parallel_loop3A_259 = tpu.vector_load_idx %arg6[%parallel_loop3A_251] : memref<10000xf32, #tpu.memory_space<vmem>>[vector<16xi32>], vector<16xf32>,
        %parallel_loop3A_260 = arith.mulf %parallel_loop3A_259, %parallel_loop3A_258 : vector<16xf32>
        tpu.vector_store_idx %arg10[%parallel_loop3A_254], %parallel_loop3A_260 {add = true} : memref<10000xf32, #tpu.memory_space<vmem>>[vector<16xi32>], vector<16xf32>,
        %parallel_loop3A_261 = tpu.vector_load_idx %arg7[%parallel_loop3A_251] : memref<10000xf32, #tpu.memory_space<vmem>>[vector<16xi32>], vector<16xf32>,
        %parallel_loop3A_262 = arith.mulf %parallel_loop3A_261, %parallel_loop3A_258 : vector<16xf32>
        tpu.vector_store_idx %arg11[%parallel_loop3A_254], %parallel_loop3A_262 {add = true} : memref<10000xf32, #tpu.memory_space<vmem>>[vector<16xi32>], vector<16xf32>,
        %parallel_loop3A_263 = tpu.vector_load_idx %arg8[%parallel_loop3A_251] : memref<10000xf32, #tpu.memory_space<vmem>>[vector<16xi32>], vector<16xf32>,
        %parallel_loop3A_264 = arith.mulf %parallel_loop3A_263, %parallel_loop3A_258 : vector<16xf32>
        tpu.vector_store_idx %arg12[%parallel_loop3A_254], %parallel_loop3A_264 {add = true} : memref<10000xf32, #tpu.memory_space<vmem>>[vector<16xi32>], vector<16xf32>,
        %parallel_loop3A_265 = tpu.vector_load_idx %arg9[%parallel_loop3A_251] : memref<10000xf32, #tpu.memory_space<vmem>>[vector<16xi32>], vector<16xf32>,
        %parallel_loop3A_266 = arith.mulf %parallel_loop3A_265, %parallel_loop3A_258 : vector<16xf32>
        tpu.vector_store_idx %arg13[%parallel_loop3A_254], %parallel_loop3A_266 {add = true} : memref<10000xf32, #tpu.memory_space<vmem>>[vector<16xi32>], vector<16xf32>,
      } {sc.loop_unroll_factor = 5 : i64, sc.parallel_access}
      %add3A_228 = arith.constant 2 : i32
      %add3A_229 = arith.addi %mul3A_207, %add3A_228 : i32
      %lt3A_230 = arith.constant 20 : i32
      %lt3A_231 = arith.cmpi slt, %add3A_229, %lt3A_230 : i32
      %convert_element_type3A = arith.extui %lt3A_231 : i1 to i32
      %cond3A = arith.constant 0 : i32
      %cond3A_232 = arith.cmpi ne, %convert_element_type3A, %cond3A : i32
      scf.if %cond3A_232 {
        %add3A_244 = arith.constant 2 : i32
        %add3A_245 = arith.addi %mul3A_207, %add3A_244 : i32
        %mul3A_246 = arith.constant 8000 : i32
        %mul3A_247 = arith.muli %add3A_245, %mul3A_246 : i32
        %add3A_248 = arith.addi %mul3A_32, %mul3A_247 : i32
        %dma_start3A_249 = tpu.memref_slice %arg3[%add3A_248] : memref<320000xi32, #tpu.memory_space<hbm>> -> memref<8000xi32, #tpu.memory_space<hbm>>
        %dma_start3A_250 = tpu.memref_slice %arg3[%add3A_248] : memref<320000xi32, #tpu.memory_space<hbm>> -> memref<8000xi32, #tpu.memory_space<hbm>>
        tpu.enqueue_dma source(%dma_start3A_250 : memref<8000xi32, #tpu.memory_space<hbm>>) target(%arg14 : memref<8000xi32, #tpu.memory_space<vmem>>) target_semaphore(%arg19 : memref<!tpu.dma_semaphore, #tpu.memory_space<semaphore_mem>>)
        %dma_start3A_251 = tpu.memref_slice %arg4[%add3A_248] : memref<320000xf32, #tpu.memory_space<hbm>> -> memref<8000xf32, #tpu.memory_space<hbm>>
        %dma_start3A_252 = tpu.memref_slice %arg4[%add3A_248] : memref<320000xf32, #tpu.memory_space<hbm>> -> memref<8000xf32, #tpu.memory_space<hbm>>
        tpu.enqueue_dma source(%dma_start3A_252 : memref<8000xf32, #tpu.memory_space<hbm>>) target(%arg15 : memref<8000xf32, #tpu.memory_space<vmem>>) target_semaphore(%arg19 : memref<!tpu.dma_semaphore, #tpu.memory_space<semaphore_mem>>)
      } else {
      }
      %dma_wait3A_233 = arith.constant 0 : i32
      %dma_wait3A_234 = tpu.memref_slice %arg3[%dma_wait3A_233] : memref<320000xi32, #tpu.memory_space<hbm>> -> memref<8000xi32, #tpu.memory_space<hbm>>
      %dma_wait3A_235 = arith.constant 0 : i32
      %dma_wait3A_236 = tpu.memref_slice %arg3[%dma_wait3A_235] : memref<320000xi32, #tpu.memory_space<hbm>> -> memref<8000xi32, #tpu.memory_space<hbm>>
      tpu.wait_dma2 semaphore(%arg20 : memref<!tpu.dma_semaphore, #tpu.memory_space<semaphore_mem>>) src(%dma_wait3A_236 : memref<8000xi32, #tpu.memory_space<hbm>>) dst(%arg16 : memref<8000xi32, #tpu.memory_space<vmem>>)
      %dma_wait3A_237 = arith.constant 0 : i32
      %dma_wait3A_238 = tpu.memref_slice %arg4[%dma_wait3A_237] : memref<320000xf32, #tpu.memory_space<hbm>> -> memref<8000xf32, #tpu.memory_space<hbm>>
      %dma_wait3A_239 = arith.constant 0 : i32
      %dma_wait3A_240 = tpu.memref_slice %arg4[%dma_wait3A_239] : memref<320000xf32, #tpu.memory_space<hbm>> -> memref<8000xf32, #tpu.memory_space<hbm>>
      tpu.wait_dma2 semaphore(%arg20 : memref<!tpu.dma_semaphore, #tpu.memory_space<semaphore_mem>>) src(%dma_wait3A_240 : memref<8000xf32, #tpu.memory_space<hbm>>) dst(%arg17 : memref<8000xf32, #tpu.memory_space<vmem>>)
      %parallel_loop3A_241 = arith.constant 0 : i32
      %parallel_loop3A_242 = arith.constant 500 : i32
      %parallel_loop3A_243 = arith.constant 1 : i32
      scf.for %parallel_loop3A_244 = %parallel_loop3A_241 to %parallel_loop3A_242 step %parallel_loop3A_243  : i32 {
        %parallel_loop3A_245 = arith.constant 16 : i32
        %parallel_loop3A_246 = arith.muli %parallel_loop3A_244, %parallel_loop3A_245 : i32
        %parallel_loop3A_247 = arith.index_cast %parallel_loop3A_246 : i32 to index
        %parallel_loop3A_248 = tpu.vector_load %arg16[%parallel_loop3A_247] {strides = array<i32>} : memref<8000xi32, #tpu.memory_space<vmem>>, vector<16xi32>,
        %parallel_loop3A_249 = arith.constant 65535 : i32
        %parallel_loop3A_250 = vector.broadcast %parallel_loop3A_249 : i32 to vector<16xi32>
        %parallel_loop3A_251 = arith.andi %parallel_loop3A_248, %parallel_loop3A_250 : vector<16xi32>
        %parallel_loop3A_252 = arith.constant 16 : i32
        %parallel_loop3A_253 = vector.broadcast %parallel_loop3A_252 : i32 to vector<16xi32>
        %parallel_loop3A_254 = arith.shrui %parallel_loop3A_248, %parallel_loop3A_253 : vector<16xi32>
        %parallel_loop3A_255 = arith.constant 16 : i32
        %parallel_loop3A_256 = arith.muli %parallel_loop3A_244, %parallel_loop3A_255 : i32
        %parallel_loop3A_257 = arith.index_cast %parallel_loop3A_256 : i32 to index
        %parallel_loop3A_258 = tpu.vector_load %arg17[%parallel_loop3A_257] {strides = array<i32>} : memref<8000xf32, #tpu.memory_space<vmem>>, vector<16xf32>,
        %parallel_loop3A_259 = tpu.vector_load_idx %arg6[%parallel_loop3A_251] : memref<10000xf32, #tpu.memory_space<vmem>>[vector<16xi32>], vector<16xf32>,
        %parallel_loop3A_260 = arith.mulf %parallel_loop3A_259, %parallel_loop3A_258 : vector<16xf32>
        tpu.vector_store_idx %arg10[%parallel_loop3A_254], %parallel_loop3A_260 {add = true} : memref<10000xf32, #tpu.memory_space<vmem>>[vector<16xi32>], vector<16xf32>,
        %parallel_loop3A_261 = tpu.vector_load_idx %arg7[%parallel_loop3A_251] : memref<10000xf32, #tpu.memory_space<vmem>>[vector<16xi32>], vector<16xf32>,
        %parallel_loop3A_262 = arith.mulf %parallel_loop3A_261, %parallel_loop3A_258 : vector<16xf32>
        tpu.vector_store_idx %arg11[%parallel_loop3A_254], %parallel_loop3A_262 {add = true} : memref<10000xf32, #tpu.memory_space<vmem>>[vector<16xi32>], vector<16xf32>,
        %parallel_loop3A_263 = tpu.vector_load_idx %arg8[%parallel_loop3A_251] : memref<10000xf32, #tpu.memory_space<vmem>>[vector<16xi32>], vector<16xf32>,
        %parallel_loop3A_264 = arith.mulf %parallel_loop3A_263, %parallel_loop3A_258 : vector<16xf32>
        tpu.vector_store_idx %arg12[%parallel_loop3A_254], %parallel_loop3A_264 {add = true} : memref<10000xf32, #tpu.memory_space<vmem>>[vector<16xi32>], vector<16xf32>,
        %parallel_loop3A_265 = tpu.vector_load_idx %arg9[%parallel_loop3A_251] : memref<10000xf32, #tpu.memory_space<vmem>>[vector<16xi32>], vector<16xf32>,
        %parallel_loop3A_266 = arith.mulf %parallel_loop3A_265, %parallel_loop3A_258 : vector<16xf32>
        tpu.vector_store_idx %arg13[%parallel_loop3A_254], %parallel_loop3A_266 {add = true} : memref<10000xf32, #tpu.memory_space<vmem>>[vector<16xi32>], vector<16xf32>,
      } {sc.loop_unroll_factor = 5 : i64, sc.parallel_access}
    }
    %scan3A_124 = arith.constant 10 : i32
    %mul3A_125 = arith.constant 4 : i32
    %mul3A_126 = arith.muli %select_n3A_30, %mul3A_125 : i32
    %add3A_127 = arith.constant 0 : i32
    %add3A_128 = arith.addi %mul3A_126, %add3A_127 : i32
    %dma_start3A_129 = arith.constant 0 : i32
    %dma_start3A_130 = tpu.memref_slice %arg5[%select_n3A, %add3A_128, %dma_start3A_129] : memref<2x64x10000xf32, #tpu.memory_space<hbm>> -> memref<1x1x10000xf32, #tpu.memory_space<hbm>>
    %dma_start3A_131 = tpu.memref_squeeze %dma_start3A_130 : memref<1x1x10000xf32, #tpu.memory_space<hbm>> -> memref<10000xf32, #tpu.memory_space<hbm>>
    %dma_start3A_132 = arith.constant 0 : i32
    %dma_start3A_133 = tpu.memref_slice %arg5[%select_n3A, %add3A_128, %dma_start3A_132] : memref<2x64x10000xf32, #tpu.memory_space<hbm>> -> memref<1x1x10000xf32, #tpu.memory_space<hbm>>
    %dma_start3A_134 = tpu.memref_squeeze %dma_start3A_133 : memref<1x1x10000xf32, #tpu.memory_space<hbm>> -> memref<10000xf32, #tpu.memory_space<hbm>>
    tpu.enqueue_dma source(%arg10 : memref<10000xf32, #tpu.memory_space<vmem>>) target(%dma_start3A_134 : memref<10000xf32, #tpu.memory_space<hbm>>) target_semaphore(%arg18 : memref<!tpu.dma_semaphore, #tpu.memory_space<semaphore_mem>>)
    %mul3A_135 = arith.constant 4 : i32
    %mul3A_136 = arith.muli %select_n3A_30, %mul3A_135 : i32
    %add3A_137 = arith.constant 1 : i32
    %add3A_138 = arith.addi %mul3A_136, %add3A_137 : i32
    %dma_start3A_139 = arith.constant 0 : i32
    %dma_start3A_140 = tpu.memref_slice %arg5[%select_n3A, %add3A_138, %dma_start3A_139] : memref<2x64x10000xf32, #tpu.memory_space<hbm>> -> memref<1x1x10000xf32, #tpu.memory_space<hbm>>
    %dma_start3A_141 = tpu.memref_squeeze %dma_start3A_140 : memref<1x1x10000xf32, #tpu.memory_space<hbm>> -> memref<10000xf32, #tpu.memory_space<hbm>>
    %dma_start3A_142 = arith.constant 0 : i32
    %dma_start3A_143 = tpu.memref_slice %arg5[%select_n3A, %add3A_138, %dma_start3A_142] : memref<2x64x10000xf32, #tpu.memory_space<hbm>> -> memref<1x1x10000xf32, #tpu.memory_space<hbm>>
    %dma_start3A_144 = tpu.memref_squeeze %dma_start3A_143 : memref<1x1x10000xf32, #tpu.memory_space<hbm>> -> memref<10000xf32, #tpu.memory_space<hbm>>
    tpu.enqueue_dma source(%arg11 : memref<10000xf32, #tpu.memory_space<vmem>>) target(%dma_start3A_144 : memref<10000xf32, #tpu.memory_space<hbm>>) target_semaphore(%arg18 : memref<!tpu.dma_semaphore, #tpu.memory_space<semaphore_mem>>)
    %mul3A_145 = arith.constant 4 : i32
    %mul3A_146 = arith.muli %select_n3A_30, %mul3A_145 : i32
    %add3A_147 = arith.constant 2 : i32
    %add3A_148 = arith.addi %mul3A_146, %add3A_147 : i32
    %dma_start3A_149 = arith.constant 0 : i32
    %dma_start3A_150 = tpu.memref_slice %arg5[%select_n3A, %add3A_148, %dma_start3A_149] : memref<2x64x10000xf32, #tpu.memory_space<hbm>> -> memref<1x1x10000xf32, #tpu.memory_space<hbm>>
    %dma_start3A_151 = tpu.memref_squeeze %dma_start3A_150 : memref<1x1x10000xf32, #tpu.memory_space<hbm>> -> memref<10000xf32, #tpu.memory_space<hbm>>
    %dma_start3A_152 = arith.constant 0 : i32
    %dma_start3A_153 = tpu.memref_slice %arg5[%select_n3A, %add3A_148, %dma_start3A_152] : memref<2x64x10000xf32, #tpu.memory_space<hbm>> -> memref<1x1x10000xf32, #tpu.memory_space<hbm>>
    %dma_start3A_154 = tpu.memref_squeeze %dma_start3A_153 : memref<1x1x10000xf32, #tpu.memory_space<hbm>> -> memref<10000xf32, #tpu.memory_space<hbm>>
    tpu.enqueue_dma source(%arg12 : memref<10000xf32, #tpu.memory_space<vmem>>) target(%dma_start3A_154 : memref<10000xf32, #tpu.memory_space<hbm>>) target_semaphore(%arg18 : memref<!tpu.dma_semaphore, #tpu.memory_space<semaphore_mem>>)
    %mul3A_155 = arith.constant 4 : i32
    %mul3A_156 = arith.muli %select_n3A_30, %mul3A_155 : i32
    %add3A_157 = arith.constant 3 : i32
    %add3A_158 = arith.addi %mul3A_156, %add3A_157 : i32
    %dma_start3A_159 = arith.constant 0 : i32
    %dma_start3A_160 = tpu.memref_slice %arg5[%select_n3A, %add3A_158, %dma_start3A_159] : memref<2x64x10000xf32, #tpu.memory_space<hbm>> -> memref<1x1x10000xf32, #tpu.memory_space<hbm>>
    %dma_start3A_161 = tpu.memref_squeeze %dma_start3A_160 : memref<1x1x10000xf32, #tpu.memory_space<hbm>> -> memref<10000xf32, #tpu.memory_space<hbm>>
    %dma_start3A_162 = arith.constant 0 : i32
    %dma_start3A_163 = tpu.memref_slice %arg5[%select_n3A, %add3A_158, %dma_start3A_162] : memref<2x64x10000xf32, #tpu.memory_space<hbm>> -> memref<1x1x10000xf32, #tpu.memory_space<hbm>>
    %dma_start3A_164 = tpu.memref_squeeze %dma_start3A_163 : memref<1x1x10000xf32, #tpu.memory_space<hbm>> -> memref<10000xf32, #tpu.memory_space<hbm>>
    tpu.enqueue_dma source(%arg13 : memref<10000xf32, #tpu.memory_space<vmem>>) target(%dma_start3A_164 : memref<10000xf32, #tpu.memory_space<hbm>>) target_semaphore(%arg18 : memref<!tpu.dma_semaphore, #tpu.memory_space<semaphore_mem>>)
    %mul3A_165 = arith.constant 4 : i32
    %mul3A_166 = arith.muli %select_n3A_30, %mul3A_165 : i32
    %add3A_167 = arith.constant 0 : i32
    %add3A_168 = arith.addi %mul3A_166, %add3A_167 : i32
    %dma_wait3A_169 = arith.constant 0 : i32
    %dma_wait3A_170 = tpu.memref_slice %arg5[%select_n3A, %add3A_168, %dma_wait3A_169] : memref<2x64x10000xf32, #tpu.memory_space<hbm>> -> memref<1x1x10000xf32, #tpu.memory_space<hbm>>
    %dma_wait3A_171 = tpu.memref_squeeze %dma_wait3A_170 : memref<1x1x10000xf32, #tpu.memory_space<hbm>> -> memref<10000xf32, #tpu.memory_space<hbm>>
    %dma_wait3A_172 = arith.constant 0 : i32
    %dma_wait3A_173 = tpu.memref_slice %arg5[%select_n3A, %add3A_168, %dma_wait3A_172] : memref<2x64x10000xf32, #tpu.memory_space<hbm>> -> memref<1x1x10000xf32, #tpu.memory_space<hbm>>
    %dma_wait3A_174 = tpu.memref_squeeze %dma_wait3A_173 : memref<1x1x10000xf32, #tpu.memory_space<hbm>> -> memref<10000xf32, #tpu.memory_space<hbm>>
    tpu.wait_dma2 semaphore(%arg18 : memref<!tpu.dma_semaphore, #tpu.memory_space<semaphore_mem>>) src(%arg10 : memref<10000xf32, #tpu.memory_space<vmem>>) dst(%dma_wait3A_174 : memref<10000xf32, #tpu.memory_space<hbm>>)
    %mul3A_175 = arith.constant 4 : i32
    %mul3A_176 = arith.muli %select_n3A_30, %mul3A_175 : i32
    %add3A_177 = arith.constant 1 : i32
    %add3A_178 = arith.addi %mul3A_176, %add3A_177 : i32
    %dma_wait3A_179 = arith.constant 0 : i32
    %dma_wait3A_180 = tpu.memref_slice %arg5[%select_n3A, %add3A_178, %dma_wait3A_179] : memref<2x64x10000xf32, #tpu.memory_space<hbm>> -> memref<1x1x10000xf32, #tpu.memory_space<hbm>>
    %dma_wait3A_181 = tpu.memref_squeeze %dma_wait3A_180 : memref<1x1x10000xf32, #tpu.memory_space<hbm>> -> memref<10000xf32, #tpu.memory_space<hbm>>
    %dma_wait3A_182 = arith.constant 0 : i32
    %dma_wait3A_183 = tpu.memref_slice %arg5[%select_n3A, %add3A_178, %dma_wait3A_182] : memref<2x64x10000xf32, #tpu.memory_space<hbm>> -> memref<1x1x10000xf32, #tpu.memory_space<hbm>>
    %dma_wait3A_184 = tpu.memref_squeeze %dma_wait3A_183 : memref<1x1x10000xf32, #tpu.memory_space<hbm>> -> memref<10000xf32, #tpu.memory_space<hbm>>
    tpu.wait_dma2 semaphore(%arg18 : memref<!tpu.dma_semaphore, #tpu.memory_space<semaphore_mem>>) src(%arg11 : memref<10000xf32, #tpu.memory_space<vmem>>) dst(%dma_wait3A_184 : memref<10000xf32, #tpu.memory_space<hbm>>)
    %mul3A_185 = arith.constant 4 : i32
    %mul3A_186 = arith.muli %select_n3A_30, %mul3A_185 : i32
    %add3A_187 = arith.constant 2 : i32
    %add3A_188 = arith.addi %mul3A_186, %add3A_187 : i32
    %dma_wait3A_189 = arith.constant 0 : i32
    %dma_wait3A_190 = tpu.memref_slice %arg5[%select_n3A, %add3A_188, %dma_wait3A_189] : memref<2x64x10000xf32, #tpu.memory_space<hbm>> -> memref<1x1x10000xf32, #tpu.memory_space<hbm>>
    %dma_wait3A_191 = tpu.memref_squeeze %dma_wait3A_190 : memref<1x1x10000xf32, #tpu.memory_space<hbm>> -> memref<10000xf32, #tpu.memory_space<hbm>>
    %dma_wait3A_192 = arith.constant 0 : i32
    %dma_wait3A_193 = tpu.memref_slice %arg5[%select_n3A, %add3A_188, %dma_wait3A_192] : memref<2x64x10000xf32, #tpu.memory_space<hbm>> -> memref<1x1x10000xf32, #tpu.memory_space<hbm>>
    %dma_wait3A_194 = tpu.memref_squeeze %dma_wait3A_193 : memref<1x1x10000xf32, #tpu.memory_space<hbm>> -> memref<10000xf32, #tpu.memory_space<hbm>>
    tpu.wait_dma2 semaphore(%arg18 : memref<!tpu.dma_semaphore, #tpu.memory_space<semaphore_mem>>) src(%arg12 : memref<10000xf32, #tpu.memory_space<vmem>>) dst(%dma_wait3A_194 : memref<10000xf32, #tpu.memory_space<hbm>>)
    %mul3A_195 = arith.constant 4 : i32
    %mul3A_196 = arith.muli %select_n3A_30, %mul3A_195 : i32
    %add3A_197 = arith.constant 3 : i32
    %add3A_198 = arith.addi %mul3A_196, %add3A_197 : i32
    %dma_wait3A_199 = arith.constant 0 : i32
    %dma_wait3A_200 = tpu.memref_slice %arg5[%select_n3A, %add3A_198, %dma_wait3A_199] : memref<2x64x10000xf32, #tpu.memory_space<hbm>> -> memref<1x1x10000xf32, #tpu.memory_space<hbm>>
    %dma_wait3A_201 = tpu.memref_squeeze %dma_wait3A_200 : memref<1x1x10000xf32, #tpu.memory_space<hbm>> -> memref<10000xf32, #tpu.memory_space<hbm>>
    %dma_wait3A_202 = arith.constant 0 : i32
    %dma_wait3A_203 = tpu.memref_slice %arg5[%select_n3A, %add3A_198, %dma_wait3A_202] : memref<2x64x10000xf32, #tpu.memory_space<hbm>> -> memref<1x1x10000xf32, #tpu.memory_space<hbm>>
    %dma_wait3A_204 = tpu.memref_squeeze %dma_wait3A_203 : memref<1x1x10000xf32, #tpu.memory_space<hbm>> -> memref<10000xf32, #tpu.memory_space<hbm>>
    tpu.wait_dma2 semaphore(%arg18 : memref<!tpu.dma_semaphore, #tpu.memory_space<semaphore_mem>>) src(%arg13 : memref<10000xf32, #tpu.memory_space<vmem>>) dst(%dma_wait3A_204 : memref<10000xf32, #tpu.memory_space<hbm>>)
    return
  }
}

#map = affine_map<(d0, d1) -> (0, 0)>
#map1 = affine_map<(d0, d1) -> (0)>
#map2 = affine_map<(d0, d1) -> (0, 0, 0)>
module attributes {stable_mosaic.version = 14 : i64} {
  func.func @body(%arg0: i32, %arg1: i32, %arg2: memref<64x10000xf32, #tpu.memory_space<hbm>>, %arg3: memref<320000xi32, #tpu.memory_space<hbm>>, %arg4: memref<320000xf32, #tpu.memory_space<hbm>>, %arg5: memref<2x64x10000xf32, #tpu.memory_space<hbm>>, %arg6: memref<10000xf32, #tpu.memory_space<vmem>>, %arg7: memref<10000xf32, #tpu.memory_space<vmem>>, %arg8: memref<10000xf32, #tpu.memory_space<vmem>>, %arg9: memref<10000xf32, #tpu.memory_space<vmem>>, %arg10: memref<10000xf32, #tpu.memory_space<vmem>>, %arg11: memref<10000xf32, #tpu.memory_space<vmem>>, %arg12: memref<10000xf32, #tpu.memory_space<vmem>>, %arg13: memref<10000xf32, #tpu.memory_space<vmem>>, %arg14: memref<8000xi32, #tpu.memory_space<vmem>>, %arg15: memref<8000xf32, #tpu.memory_space<vmem>>, %arg16: memref<8000xi32, #tpu.memory_space<vmem>>, %arg17: memref<8000xf32, #tpu.memory_space<vmem>>, %arg18: memref<!tpu.dma_semaphore, #tpu.memory_space<semaphore_mem>>, %arg19: memref<!tpu.dma_semaphore, #tpu.memory_space<semaphore_mem>>, %arg20: memref<!tpu.dma_semaphore, #tpu.memory_space<semaphore_mem>>) attributes {dimension_semantics = [#tpu.dimension_semantics<core_parallel>, #tpu.dimension_semantics<subcore_parallel>], iteration_bounds = array<i64: 2, 16>, scalar_prefetch = 0 : i64, scratch_operands = 15 : i64, tpu.core_type = #tpu.core_type<sc_vector_subcore>, window_params = [{transform_indices = #map}, {transform_indices = #map1}, {transform_indices = #map1}, {transform_indices = #map2}]} {
    %mul3A = arith.constant 2 : i32
    %mul3A_0 = arith.muli %arg1, %mul3A : i32
    %add3A = arith.addi %mul3A_0, %arg0 : i32
    %jit3A = arith.constant 16 : i32
    %div3A = arith.divsi %add3A, %jit3A : i32
    %sign3A = arith.constant 0 : i32
    %sign3A_1 = arith.cmpi sgt, %add3A, %sign3A : i32
    %sign3A_2 = arith.extui %sign3A_1 : i1 to i32
    %sign3A_3 = arith.constant 0 : i32
    %sign3A_4 = arith.cmpi slt, %add3A, %sign3A_3 : i32
    %sign3A_5 = arith.extui %sign3A_4 : i1 to i32
    %sign3A_6 = arith.subi %sign3A_2, %sign3A_5 : i32
    %sign3A_7 = arith.constant 0 : i32
    %sign3A_8 = arith.cmpi sgt, %jit3A, %sign3A_7 : i32
    %sign3A_9 = arith.extui %sign3A_8 : i1 to i32
    %sign3A_10 = arith.constant 0 : i32
    %sign3A_11 = arith.cmpi slt, %jit3A, %sign3A_10 : i32
    %sign3A_12 = arith.extui %sign3A_11 : i1 to i32
    %sign3A_13 = arith.subi %sign3A_9, %sign3A_12 : i32
    %ne3A = arith.cmpi ne, %sign3A_6, %sign3A_13 : i32
    %rem3A = arith.remsi %add3A, %jit3A : i32
    %ne3A_14 = arith.constant 0 : i32
    %ne3A_15 = arith.cmpi ne, %rem3A, %ne3A_14 : i32
    %and3A = arith.andi %ne3A, %ne3A_15 : i1
    %sub3A = arith.constant 1 : i32
    %sub3A_16 = arith.subi %div3A, %sub3A : i32
    %select_n3A = arith.select %and3A, %sub3A_16, %div3A : i32
    %jit3A_17 = arith.constant 16 : i32
    %eq3A = arith.constant 0 : i32
    %eq3A_18 = arith.cmpi eq, %jit3A_17, %eq3A : i32
    %jit3A_19 = arith.constant 1 : i32
    %select_n3A_20 = arith.select %eq3A_18, %jit3A_19, %jit3A_17 : i32
    %rem3A_21 = arith.remsi %add3A, %select_n3A_20 : i32
    %ne3A_22 = arith.constant 0 : i32
    %ne3A_23 = arith.cmpi ne, %rem3A_21, %ne3A_22 : i32
    %lt3A = arith.constant 0 : i32
    %lt3A_24 = arith.cmpi slt, %rem3A_21, %lt3A : i32
    %lt3A_25 = arith.constant 0 : i32
    %lt3A_26 = arith.cmpi slt, %select_n3A_20, %lt3A_25 : i32
    %ne3A_27 = arith.xori %lt3A_24, %lt3A_26 : i1
    %and3A_28 = arith.andi %ne3A_27, %ne3A_23 : i1
    %add3A_29 = arith.addi %rem3A_21, %select_n3A_20 : i32
    %select_n3A_30 = arith.select %and3A_28, %add3A_29, %rem3A_21 : i32
    %mul3A_31 = arith.constant 160000 : i32
    %mul3A_32 = arith.muli %select_n3A, %mul3A_31 : i32
    %add3A_33 = arith.constant 0 : i32
    %add3A_34 = arith.addi %mul3A_32, %add3A_33 : i32
    %dma_start3A = tpu.memref_slice %arg3[%add3A_34] : memref<320000xi32, #tpu.memory_space<hbm>> -> memref<8000xi32, #tpu.memory_space<hbm>>
    %dma_start3A_35 = tpu.memref_slice %arg3[%add3A_34] : memref<320000xi32, #tpu.memory_space<hbm>> -> memref<8000xi32, #tpu.memory_space<hbm>>
    tpu.enqueue_dma source(%dma_start3A_35 : memref<8000xi32, #tpu.memory_space<hbm>>) target(%arg14 : memref<8000xi32, #tpu.memory_space<vmem>>) target_semaphore(%arg19 : memref<!tpu.dma_semaphore, #tpu.memory_space<semaphore_mem>>)
    %dma_start3A_36 = tpu.memref_slice %arg4[%add3A_34] : memref<320000xf32, #tpu.memory_space<hbm>> -> memref<8000xf32, #tpu.memory_space<hbm>>
    %dma_start3A_37 = tpu.memref_slice %arg4[%add3A_34] : memref<320000xf32, #tpu.memory_space<hbm>> -> memref<8000xf32, #tpu.memory_space<hbm>>
    tpu.enqueue_dma source(%dma_start3A_37 : memref<8000xf32, #tpu.memory_space<hbm>>) target(%arg15 : memref<8000xf32, #tpu.memory_space<vmem>>) target_semaphore(%arg19 : memref<!tpu.dma_semaphore, #tpu.memory_space<semaphore_mem>>)
    %mul3A_38 = arith.constant 4 : i32
    %mul3A_39 = arith.muli %select_n3A_30, %mul3A_38 : i32
    %add3A_40 = arith.constant 0 : i32
    %add3A_41 = arith.addi %mul3A_39, %add3A_40 : i32
    %dma_start3A_42 = arith.constant 0 : i32
    %dma_start3A_43 = tpu.memref_slice %arg2[%add3A_41, %dma_start3A_42] : memref<64x10000xf32, #tpu.memory_space<hbm>> -> memref<1x10000xf32, #tpu.memory_space<hbm>>
    %dma_start3A_44 = tpu.memref_squeeze %dma_start3A_43 : memref<1x10000xf32, #tpu.memory_space<hbm>> -> memref<10000xf32, #tpu.memory_space<hbm>>
    %dma_start3A_45 = arith.constant 0 : i32
    %dma_start3A_46 = tpu.memref_slice %arg2[%add3A_41, %dma_start3A_45] : memref<64x10000xf32, #tpu.memory_space<hbm>> -> memref<1x10000xf32, #tpu.memory_space<hbm>>
    %dma_start3A_47 = tpu.memref_squeeze %dma_start3A_46 : memref<1x10000xf32, #tpu.memory_space<hbm>> -> memref<10000xf32, #tpu.memory_space<hbm>>
    tpu.enqueue_dma source(%dma_start3A_47 : memref<10000xf32, #tpu.memory_space<hbm>>) target(%arg6 : memref<10000xf32, #tpu.memory_space<vmem>>) target_semaphore(%arg18 : memref<!tpu.dma_semaphore, #tpu.memory_space<semaphore_mem>>)
    %mul3A_48 = arith.constant 4 : i32
    %mul3A_49 = arith.muli %select_n3A_30, %mul3A_48 : i32
    %add3A_50 = arith.constant 1 : i32
    %add3A_51 = arith.addi %mul3A_49, %add3A_50 : i32
    %dma_start3A_52 = arith.constant 0 : i32
    %dma_start3A_53 = tpu.memref_slice %arg2[%add3A_51, %dma_start3A_52] : memref<64x10000xf32, #tpu.memory_space<hbm>> -> memref<1x10000xf32, #tpu.memory_space<hbm>>
    %dma_start3A_54 = tpu.memref_squeeze %dma_start3A_53 : memref<1x10000xf32, #tpu.memory_space<hbm>> -> memref<10000xf32, #tpu.memory_space<hbm>>
    %dma_start3A_55 = arith.constant 0 : i32
    %dma_start3A_56 = tpu.memref_slice %arg2[%add3A_51, %dma_start3A_55] : memref<64x10000xf32, #tpu.memory_space<hbm>> -> memref<1x10000xf32, #tpu.memory_space<hbm>>
    %dma_start3A_57 = tpu.memref_squeeze %dma_start3A_56 : memref<1x10000xf32, #tpu.memory_space<hbm>> -> memref<10000xf32, #tpu.memory_space<hbm>>
    tpu.enqueue_dma source(%dma_start3A_57 : memref<10000xf32, #tpu.memory_space<hbm>>) target(%arg7 : memref<10000xf32, #tpu.memory_space<vmem>>) target_semaphore(%arg18 : memref<!tpu.dma_semaphore, #tpu.memory_space<semaphore_mem>>)
    %mul3A_58 = arith.constant 4 : i32
    %mul3A_59 = arith.muli %select_n3A_30, %mul3A_58 : i32
    %add3A_60 = arith.constant 2 : i32
    %add3A_61 = arith.addi %mul3A_59, %add3A_60 : i32
    %dma_start3A_62 = arith.constant 0 : i32
    %dma_start3A_63 = tpu.memref_slice %arg2[%add3A_61, %dma_start3A_62] : memref<64x10000xf32, #tpu.memory_space<hbm>> -> memref<1x10000xf32, #tpu.memory_space<hbm>>
    %dma_start3A_64 = tpu.memref_squeeze %dma_start3A_63 : memref<1x10000xf32, #tpu.memory_space<hbm>> -> memref<10000xf32, #tpu.memory_space<hbm>>
    %dma_start3A_65 = arith.constant 0 : i32
    %dma_start3A_66 = tpu.memref_slice %arg2[%add3A_61, %dma_start3A_65] : memref<64x10000xf32, #tpu.memory_space<hbm>> -> memref<1x10000xf32, #tpu.memory_space<hbm>>
    %dma_start3A_67 = tpu.memref_squeeze %dma_start3A_66 : memref<1x10000xf32, #tpu.memory_space<hbm>> -> memref<10000xf32, #tpu.memory_space<hbm>>
    tpu.enqueue_dma source(%dma_start3A_67 : memref<10000xf32, #tpu.memory_space<hbm>>) target(%arg8 : memref<10000xf32, #tpu.memory_space<vmem>>) target_semaphore(%arg18 : memref<!tpu.dma_semaphore, #tpu.memory_space<semaphore_mem>>)
    %mul3A_68 = arith.constant 4 : i32
    %mul3A_69 = arith.muli %select_n3A_30, %mul3A_68 : i32
    %add3A_70 = arith.constant 3 : i32
    %add3A_71 = arith.addi %mul3A_69, %add3A_70 : i32
    %dma_start3A_72 = arith.constant 0 : i32
    %dma_start3A_73 = tpu.memref_slice %arg2[%add3A_71, %dma_start3A_72] : memref<64x10000xf32, #tpu.memory_space<hbm>> -> memref<1x10000xf32, #tpu.memory_space<hbm>>
    %dma_start3A_74 = tpu.memref_squeeze %dma_start3A_73 : memref<1x10000xf32, #tpu.memory_space<hbm>> -> memref<10000xf32, #tpu.memory_space<hbm>>
    %dma_start3A_75 = arith.constant 0 : i32
    %dma_start3A_76 = tpu.memref_slice %arg2[%add3A_71, %dma_start3A_75] : memref<64x10000xf32, #tpu.memory_space<hbm>> -> memref<1x10000xf32, #tpu.memory_space<hbm>>
    %dma_start3A_77 = tpu.memref_squeeze %dma_start3A_76 : memref<1x10000xf32, #tpu.memory_space<hbm>> -> memref<10000xf32, #tpu.memory_space<hbm>>
    tpu.enqueue_dma source(%dma_start3A_77 : memref<10000xf32, #tpu.memory_space<hbm>>) target(%arg9 : memref<10000xf32, #tpu.memory_space<vmem>>) target_semaphore(%arg18 : memref<!tpu.dma_semaphore, #tpu.memory_space<semaphore_mem>>)
    %broadcast_in_dim3A = arith.constant 0.000000e+00 : f32
    %broadcast_in_dim3A_78 = vector.broadcast %broadcast_in_dim3A : f32 to vector<16xf32>
    %parallel_loop3A = arith.constant 0 : i32
    %parallel_loop3A_79 = arith.constant 625 : i32
    %parallel_loop3A_80 = arith.constant 1 : i32
    scf.for %parallel_loop3A_205 = %parallel_loop3A to %parallel_loop3A_79 step %parallel_loop3A_80  : i32 {
      %parallel_loop3A_206 = arith.constant 16 : i32
      %parallel_loop3A_207 = arith.muli %parallel_loop3A_205, %parallel_loop3A_206 : i32
      %parallel_loop3A_208 = arith.index_cast %parallel_loop3A_207 : i32 to index
      %parallel_loop3A_209 = tpu.vector_load %arg10[%parallel_loop3A_208] {strides = array<i32>} : memref<10000xf32, #tpu.memory_space<vmem>>, vector<16xf32>,
      tpu.vector_store %arg10[%parallel_loop3A_208], %broadcast_in_dim3A_78 {strides = array<i32>} : memref<10000xf32, #tpu.memory_space<vmem>>, vector<16xf32>,
      %parallel_loop3A_210 = arith.constant 16 : i32
      %parallel_loop3A_211 = arith.muli %parallel_loop3A_205, %parallel_loop3A_210 : i32
      %parallel_loop3A_212 = arith.index_cast %parallel_loop3A_211 : i32 to index
      %parallel_loop3A_213 = tpu.vector_load %arg11[%parallel_loop3A_212] {strides = array<i32>} : memref<10000xf32, #tpu.memory_space<vmem>>, vector<16xf32>,
      tpu.vector_store %arg11[%parallel_loop3A_212], %broadcast_in_dim3A_78 {strides = array<i32>} : memref<10000xf32, #tpu.memory_space<vmem>>, vector<16xf32>,
      %parallel_loop3A_214 = arith.constant 16 : i32
      %parallel_loop3A_215 = arith.muli %parallel_loop3A_205, %parallel_loop3A_214 : i32
      %parallel_loop3A_216 = arith.index_cast %parallel_loop3A_215 : i32 to index
      %parallel_loop3A_217 = tpu.vector_load %arg12[%parallel_loop3A_216] {strides = array<i32>} : memref<10000xf32, #tpu.memory_space<vmem>>, vector<16xf32>,
      tpu.vector_store %arg12[%parallel_loop3A_216], %broadcast_in_dim3A_78 {strides = array<i32>} : memref<10000xf32, #tpu.memory_space<vmem>>, vector<16xf32>,
      %parallel_loop3A_218 = arith.constant 16 : i32
      %parallel_loop3A_219 = arith.muli %parallel_loop3A_205, %parallel_loop3A_218 : i32
      %parallel_loop3A_220 = arith.index_cast %parallel_loop3A_219 : i32 to index
      %parallel_loop3A_221 = tpu.vector_load %arg13[%parallel_loop3A_220] {strides = array<i32>} : memref<10000xf32, #tpu.memory_space<vmem>>, vector<16xf32>,
      tpu.vector_store %arg13[%parallel_loop3A_220], %broadcast_in_dim3A_78 {strides = array<i32>} : memref<10000xf32, #tpu.memory_space<vmem>>, vector<16xf32>,
    } {sc.loop_unroll_factor = 4 : i64, sc.parallel_access}
    %mul3A_81 = arith.constant 4 : i32
    %mul3A_82 = arith.muli %select_n3A_30, %mul3A_81 : i32
    %add3A_83 = arith.constant 0 : i32
    %add3A_84 = arith.addi %mul3A_82, %add3A_83 : i32
    %dma_wait3A = arith.constant 0 : i32
    %dma_wait3A_85 = tpu.memref_slice %arg2[%add3A_84, %dma_wait3A] : memref<64x10000xf32, #tpu.memory_space<hbm>> -> memref<1x10000xf32, #tpu.memory_space<hbm>>
    %dma_wait3A_86 = tpu.memref_squeeze %dma_wait3A_85 : memref<1x10000xf32, #tpu.memory_space<hbm>> -> memref<10000xf32, #tpu.memory_space<hbm>>
    %dma_wait3A_87 = arith.constant 0 : i32
    %dma_wait3A_88 = tpu.memref_slice %arg2[%add3A_84, %dma_wait3A_87] : memref<64x10000xf32, #tpu.memory_space<hbm>> -> memref<1x10000xf32, #tpu.memory_space<hbm>>
    %dma_wait3A_89 = tpu.memref_squeeze %dma_wait3A_88 : memref<1x10000xf32, #tpu.memory_space<hbm>> -> memref<10000xf32, #tpu.memory_space<hbm>>
    tpu.wait_dma2 semaphore(%arg18 : memref<!tpu.dma_semaphore, #tpu.memory_space<semaphore_mem>>) src(%dma_wait3A_89 : memref<10000xf32, #tpu.memory_space<hbm>>) dst(%arg6 : memref<10000xf32, #tpu.memory_space<vmem>>)
    %mul3A_90 = arith.constant 4 : i32
    %mul3A_91 = arith.muli %select_n3A_30, %mul3A_90 : i32
    %add3A_92 = arith.constant 1 : i32
    %add3A_93 = arith.addi %mul3A_91, %add3A_92 : i32
    %dma_wait3A_94 = arith.constant 0 : i32
    %dma_wait3A_95 = tpu.memref_slice %arg2[%add3A_93, %dma_wait3A_94] : memref<64x10000xf32, #tpu.memory_space<hbm>> -> memref<1x10000xf32, #tpu.memory_space<hbm>>
    %dma_wait3A_96 = tpu.memref_squeeze %dma_wait3A_95 : memref<1x10000xf32, #tpu.memory_space<hbm>> -> memref<10000xf32, #tpu.memory_space<hbm>>
    %dma_wait3A_97 = arith.constant 0 : i32
    %dma_wait3A_98 = tpu.memref_slice %arg2[%add3A_93, %dma_wait3A_97] : memref<64x10000xf32, #tpu.memory_space<hbm>> -> memref<1x10000xf32, #tpu.memory_space<hbm>>
    %dma_wait3A_99 = tpu.memref_squeeze %dma_wait3A_98 : memref<1x10000xf32, #tpu.memory_space<hbm>> -> memref<10000xf32, #tpu.memory_space<hbm>>
    tpu.wait_dma2 semaphore(%arg18 : memref<!tpu.dma_semaphore, #tpu.memory_space<semaphore_mem>>) src(%dma_wait3A_99 : memref<10000xf32, #tpu.memory_space<hbm>>) dst(%arg7 : memref<10000xf32, #tpu.memory_space<vmem>>)
    %mul3A_100 = arith.constant 4 : i32
    %mul3A_101 = arith.muli %select_n3A_30, %mul3A_100 : i32
    %add3A_102 = arith.constant 2 : i32
    %add3A_103 = arith.addi %mul3A_101, %add3A_102 : i32
    %dma_wait3A_104 = arith.constant 0 : i32
    %dma_wait3A_105 = tpu.memref_slice %arg2[%add3A_103, %dma_wait3A_104] : memref<64x10000xf32, #tpu.memory_space<hbm>> -> memref<1x10000xf32, #tpu.memory_space<hbm>>
    %dma_wait3A_106 = tpu.memref_squeeze %dma_wait3A_105 : memref<1x10000xf32, #tpu.memory_space<hbm>> -> memref<10000xf32, #tpu.memory_space<hbm>>
    %dma_wait3A_107 = arith.constant 0 : i32
    %dma_wait3A_108 = tpu.memref_slice %arg2[%add3A_103, %dma_wait3A_107] : memref<64x10000xf32, #tpu.memory_space<hbm>> -> memref<1x10000xf32, #tpu.memory_space<hbm>>
    %dma_wait3A_109 = tpu.memref_squeeze %dma_wait3A_108 : memref<1x10000xf32, #tpu.memory_space<hbm>> -> memref<10000xf32, #tpu.memory_space<hbm>>
    tpu.wait_dma2 semaphore(%arg18 : memref<!tpu.dma_semaphore, #tpu.memory_space<semaphore_mem>>) src(%dma_wait3A_109 : memref<10000xf32, #tpu.memory_space<hbm>>) dst(%arg8 : memref<10000xf32, #tpu.memory_space<vmem>>)
    %mul3A_110 = arith.constant 4 : i32
    %mul3A_111 = arith.muli %select_n3A_30, %mul3A_110 : i32
    %add3A_112 = arith.constant 3 : i32
    %add3A_113 = arith.addi %mul3A_111, %add3A_112 : i32
    %dma_wait3A_114 = arith.constant 0 : i32
    %dma_wait3A_115 = tpu.memref_slice %arg2[%add3A_113, %dma_wait3A_114] : memref<64x10000xf32, #tpu.memory_space<hbm>> -> memref<1x10000xf32, #tpu.memory_space<hbm>>
    %dma_wait3A_116 = tpu.memref_squeeze %dma_wait3A_115 : memref<1x10000xf32, #tpu.memory_space<hbm>> -> memref<10000xf32, #tpu.memory_space<hbm>>
    %dma_wait3A_117 = arith.constant 0 : i32
    %dma_wait3A_118 = tpu.memref_slice %arg2[%add3A_113, %dma_wait3A_117] : memref<64x10000xf32, #tpu.memory_space<hbm>> -> memref<1x10000xf32, #tpu.memory_space<hbm>>
    %dma_wait3A_119 = tpu.memref_squeeze %dma_wait3A_118 : memref<1x10000xf32, #tpu.memory_space<hbm>> -> memref<10000xf32, #tpu.memory_space<hbm>>
    tpu.wait_dma2 semaphore(%arg18 : memref<!tpu.dma_semaphore, #tpu.memory_space<semaphore_mem>>) src(%dma_wait3A_119 : memref<10000xf32, #tpu.memory_space<hbm>>) dst(%arg9 : memref<10000xf32, #tpu.memory_space<vmem>>)
    %scan3A = arith.constant 0 : i32
    %scan3A_120 = arith.constant 0 : i32
    %scan3A_121 = arith.constant 10 : i32
    %scan3A_122 = arith.addi %scan3A_120, %scan3A_121 : i32
    %scan3A_123 = arith.constant 1 : i32
    scf.for %scan3A_205 = %scan3A_120 to %scan3A_122 step %scan3A_123  : i32 {
      %mul3A_206 = arith.constant 2 : i32
      %mul3A_207 = arith.muli %mul3A_206, %scan3A_205 : i32
      %add3A_208 = arith.constant 1 : i32
      %add3A_209 = arith.addi %mul3A_207, %add3A_208 : i32
      %mul3A_210 = arith.constant 8000 : i32
      %mul3A_211 = arith.muli %add3A_209, %mul3A_210 : i32
      %add3A_212 = arith.addi %mul3A_32, %mul3A_211 : i32
      %dma_start3A_213 = tpu.memref_slice %arg3[%add3A_212] : memref<320000xi32, #tpu.memory_space<hbm>> -> memref<8000xi32, #tpu.memory_space<hbm>>
      %dma_start3A_214 = tpu.memref_slice %arg3[%add3A_212] : memref<320000xi32, #tpu.memory_space<hbm>> -> memref<8000xi32, #tpu.memory_space<hbm>>
      tpu.enqueue_dma source(%dma_start3A_214 : memref<8000xi32, #tpu.memory_space<hbm>>) target(%arg16 : memref<8000xi32, #tpu.memory_space<vmem>>) target_semaphore(%arg20 : memref<!tpu.dma_semaphore, #tpu.memory_space<semaphore_mem>>)
      %dma_start3A_215 = tpu.memref_slice %arg4[%add3A_212] : memref<320000xf32, #tpu.memory_space<hbm>> -> memref<8000xf32, #tpu.memory_space<hbm>>
      %dma_start3A_216 = tpu.memref_slice %arg4[%add3A_212] : memref<320000xf32, #tpu.memory_space<hbm>> -> memref<8000xf32, #tpu.memory_space<hbm>>
      tpu.enqueue_dma source(%dma_start3A_216 : memref<8000xf32, #tpu.memory_space<hbm>>) target(%arg17 : memref<8000xf32, #tpu.memory_space<vmem>>) target_semaphore(%arg20 : memref<!tpu.dma_semaphore, #tpu.memory_space<semaphore_mem>>)
      %dma_wait3A_217 = arith.constant 0 : i32
      %dma_wait3A_218 = tpu.memref_slice %arg3[%dma_wait3A_217] : memref<320000xi32, #tpu.memory_space<hbm>> -> memref<8000xi32, #tpu.memory_space<hbm>>
      %dma_wait3A_219 = arith.constant 0 : i32
      %dma_wait3A_220 = tpu.memref_slice %arg3[%dma_wait3A_219] : memref<320000xi32, #tpu.memory_space<hbm>> -> memref<8000xi32, #tpu.memory_space<hbm>>
      tpu.wait_dma2 semaphore(%arg19 : memref<!tpu.dma_semaphore, #tpu.memory_space<semaphore_mem>>) src(%dma_wait3A_220 : memref<8000xi32, #tpu.memory_space<hbm>>) dst(%arg14 : memref<8000xi32, #tpu.memory_space<vmem>>)
      %dma_wait3A_221 = arith.constant 0 : i32
      %dma_wait3A_222 = tpu.memref_slice %arg4[%dma_wait3A_221] : memref<320000xf32, #tpu.memory_space<hbm>> -> memref<8000xf32, #tpu.memory_space<hbm>>
      %dma_wait3A_223 = arith.constant 0 : i32
      %dma_wait3A_224 = tpu.memref_slice %arg4[%dma_wait3A_223] : memref<320000xf32, #tpu.memory_space<hbm>> -> memref<8000xf32, #tpu.memory_space<hbm>>
      tpu.wait_dma2 semaphore(%arg19 : memref<!tpu.dma_semaphore, #tpu.memory_space<semaphore_mem>>) src(%dma_wait3A_224 : memref<8000xf32, #tpu.memory_space<hbm>>) dst(%arg15 : memref<8000xf32, #tpu.memory_space<vmem>>)
      %parallel_loop3A_225 = arith.constant 0 : i32
      %parallel_loop3A_226 = arith.constant 500 : i32
      %parallel_loop3A_227 = arith.constant 1 : i32
      scf.for %parallel_loop3A_244 = %parallel_loop3A_225 to %parallel_loop3A_226 step %parallel_loop3A_227  : i32 {
        %parallel_loop3A_245 = arith.constant 16 : i32
        %parallel_loop3A_246 = arith.muli %parallel_loop3A_244, %parallel_loop3A_245 : i32
        %parallel_loop3A_247 = arith.index_cast %parallel_loop3A_246 : i32 to index
        %parallel_loop3A_248 = tpu.vector_load %arg14[%parallel_loop3A_247] {strides = array<i32>} : memref<8000xi32, #tpu.memory_space<vmem>>, vector<16xi32>,
        %parallel_loop3A_249 = arith.constant 65535 : i32
        %parallel_loop3A_250 = vector.broadcast %parallel_loop3A_249 : i32 to vector<16xi32>
        %parallel_loop3A_251 = arith.andi %parallel_loop3A_248, %parallel_loop3A_250 : vector<16xi32>
        %parallel_loop3A_252 = arith.constant 16 : i32
        %parallel_loop3A_253 = vector.broadcast %parallel_loop3A_252 : i32 to vector<16xi32>
        %parallel_loop3A_254 = arith.shrui %parallel_loop3A_248, %parallel_loop3A_253 : vector<16xi32>
        %parallel_loop3A_255 = arith.constant 16 : i32
        %parallel_loop3A_256 = arith.muli %parallel_loop3A_244, %parallel_loop3A_255 : i32
        %parallel_loop3A_257 = arith.index_cast %parallel_loop3A_256 : i32 to index
        %parallel_loop3A_258 = tpu.vector_load %arg15[%parallel_loop3A_257] {strides = array<i32>} : memref<8000xf32, #tpu.memory_space<vmem>>, vector<16xf32>,
        %parallel_loop3A_259 = tpu.vector_load_idx %arg6[%parallel_loop3A_251] : memref<10000xf32, #tpu.memory_space<vmem>>[vector<16xi32>], vector<16xf32>,
        %parallel_loop3A_260 = arith.mulf %parallel_loop3A_259, %parallel_loop3A_258 : vector<16xf32>
        tpu.vector_store_idx %arg10[%parallel_loop3A_254], %parallel_loop3A_260 {add = true} : memref<10000xf32, #tpu.memory_space<vmem>>[vector<16xi32>], vector<16xf32>,
        %parallel_loop3A_261 = tpu.vector_load_idx %arg7[%parallel_loop3A_251] : memref<10000xf32, #tpu.memory_space<vmem>>[vector<16xi32>], vector<16xf32>,
        %parallel_loop3A_262 = arith.mulf %parallel_loop3A_261, %parallel_loop3A_258 : vector<16xf32>
        tpu.vector_store_idx %arg11[%parallel_loop3A_254], %parallel_loop3A_262 {add = true} : memref<10000xf32, #tpu.memory_space<vmem>>[vector<16xi32>], vector<16xf32>,
        %parallel_loop3A_263 = tpu.vector_load_idx %arg8[%parallel_loop3A_251] : memref<10000xf32, #tpu.memory_space<vmem>>[vector<16xi32>], vector<16xf32>,
        %parallel_loop3A_264 = arith.mulf %parallel_loop3A_263, %parallel_loop3A_258 : vector<16xf32>
        tpu.vector_store_idx %arg12[%parallel_loop3A_254], %parallel_loop3A_264 {add = true} : memref<10000xf32, #tpu.memory_space<vmem>>[vector<16xi32>], vector<16xf32>,
        %parallel_loop3A_265 = tpu.vector_load_idx %arg9[%parallel_loop3A_251] : memref<10000xf32, #tpu.memory_space<vmem>>[vector<16xi32>], vector<16xf32>,
        %parallel_loop3A_266 = arith.mulf %parallel_loop3A_265, %parallel_loop3A_258 : vector<16xf32>
        tpu.vector_store_idx %arg13[%parallel_loop3A_254], %parallel_loop3A_266 {add = true} : memref<10000xf32, #tpu.memory_space<vmem>>[vector<16xi32>], vector<16xf32>,
      } {sc.loop_unroll_factor = 5 : i64, sc.parallel_access}
      %add3A_228 = arith.constant 2 : i32
      %add3A_229 = arith.addi %mul3A_207, %add3A_228 : i32
      %lt3A_230 = arith.constant 20 : i32
      %lt3A_231 = arith.cmpi slt, %add3A_229, %lt3A_230 : i32
      %convert_element_type3A = arith.extui %lt3A_231 : i1 to i32
      %cond3A = arith.constant 0 : i32
      %cond3A_232 = arith.cmpi ne, %convert_element_type3A, %cond3A : i32
      scf.if %cond3A_232 {
        %add3A_244 = arith.constant 2 : i32
        %add3A_245 = arith.addi %mul3A_207, %add3A_244 : i32
        %mul3A_246 = arith.constant 8000 : i32
        %mul3A_247 = arith.muli %add3A_245, %mul3A_246 : i32
        %add3A_248 = arith.addi %mul3A_32, %mul3A_247 : i32
        %dma_start3A_249 = tpu.memref_slice %arg3[%add3A_248] : memref<320000xi32, #tpu.memory_space<hbm>> -> memref<8000xi32, #tpu.memory_space<hbm>>
        %dma_start3A_250 = tpu.memref_slice %arg3[%add3A_248] : memref<320000xi32, #tpu.memory_space<hbm>> -> memref<8000xi32, #tpu.memory_space<hbm>>
        tpu.enqueue_dma source(%dma_start3A_250 : memref<8000xi32, #tpu.memory_space<hbm>>) target(%arg14 : memref<8000xi32, #tpu.memory_space<vmem>>) target_semaphore(%arg19 : memref<!tpu.dma_semaphore, #tpu.memory_space<semaphore_mem>>)
        %dma_start3A_251 = tpu.memref_slice %arg4[%add3A_248] : memref<320000xf32, #tpu.memory_space<hbm>> -> memref<8000xf32, #tpu.memory_space<hbm>>
        %dma_start3A_252 = tpu.memref_slice %arg4[%add3A_248] : memref<320000xf32, #tpu.memory_space<hbm>> -> memref<8000xf32, #tpu.memory_space<hbm>>
        tpu.enqueue_dma source(%dma_start3A_252 : memref<8000xf32, #tpu.memory_space<hbm>>) target(%arg15 : memref<8000xf32, #tpu.memory_space<vmem>>) target_semaphore(%arg19 : memref<!tpu.dma_semaphore, #tpu.memory_space<semaphore_mem>>)
      } else {
      }
      %dma_wait3A_233 = arith.constant 0 : i32
      %dma_wait3A_234 = tpu.memref_slice %arg3[%dma_wait3A_233] : memref<320000xi32, #tpu.memory_space<hbm>> -> memref<8000xi32, #tpu.memory_space<hbm>>
      %dma_wait3A_235 = arith.constant 0 : i32
      %dma_wait3A_236 = tpu.memref_slice %arg3[%dma_wait3A_235] : memref<320000xi32, #tpu.memory_space<hbm>> -> memref<8000xi32, #tpu.memory_space<hbm>>
      tpu.wait_dma2 semaphore(%arg20 : memref<!tpu.dma_semaphore, #tpu.memory_space<semaphore_mem>>) src(%dma_wait3A_236 : memref<8000xi32, #tpu.memory_space<hbm>>) dst(%arg16 : memref<8000xi32, #tpu.memory_space<vmem>>)
      %dma_wait3A_237 = arith.constant 0 : i32
      %dma_wait3A_238 = tpu.memref_slice %arg4[%dma_wait3A_237] : memref<320000xf32, #tpu.memory_space<hbm>> -> memref<8000xf32, #tpu.memory_space<hbm>>
      %dma_wait3A_239 = arith.constant 0 : i32
      %dma_wait3A_240 = tpu.memref_slice %arg4[%dma_wait3A_239] : memref<320000xf32, #tpu.memory_space<hbm>> -> memref<8000xf32, #tpu.memory_space<hbm>>
      tpu.wait_dma2 semaphore(%arg20 : memref<!tpu.dma_semaphore, #tpu.memory_space<semaphore_mem>>) src(%dma_wait3A_240 : memref<8000xf32, #tpu.memory_space<hbm>>) dst(%arg17 : memref<8000xf32, #tpu.memory_space<vmem>>)
      %parallel_loop3A_241 = arith.constant 0 : i32
      %parallel_loop3A_242 = arith.constant 500 : i32
      %parallel_loop3A_243 = arith.constant 1 : i32
      scf.for %parallel_loop3A_244 = %parallel_loop3A_241 to %parallel_loop3A_242 step %parallel_loop3A_243  : i32 {
        %parallel_loop3A_245 = arith.constant 16 : i32
        %parallel_loop3A_246 = arith.muli %parallel_loop3A_244, %parallel_loop3A_245 : i32
        %parallel_loop3A_247 = arith.index_cast %parallel_loop3A_246 : i32 to index
        %parallel_loop3A_248 = tpu.vector_load %arg16[%parallel_loop3A_247] {strides = array<i32>} : memref<8000xi32, #tpu.memory_space<vmem>>, vector<16xi32>,
        %parallel_loop3A_249 = arith.constant 65535 : i32
        %parallel_loop3A_250 = vector.broadcast %parallel_loop3A_249 : i32 to vector<16xi32>
        %parallel_loop3A_251 = arith.andi %parallel_loop3A_248, %parallel_loop3A_250 : vector<16xi32>
        %parallel_loop3A_252 = arith.constant 16 : i32
        %parallel_loop3A_253 = vector.broadcast %parallel_loop3A_252 : i32 to vector<16xi32>
        %parallel_loop3A_254 = arith.shrui %parallel_loop3A_248, %parallel_loop3A_253 : vector<16xi32>
        %parallel_loop3A_255 = arith.constant 16 : i32
        %parallel_loop3A_256 = arith.muli %parallel_loop3A_244, %parallel_loop3A_255 : i32
        %parallel_loop3A_257 = arith.index_cast %parallel_loop3A_256 : i32 to index
        %parallel_loop3A_258 = tpu.vector_load %arg17[%parallel_loop3A_257] {strides = array<i32>} : memref<8000xf32, #tpu.memory_space<vmem>>, vector<16xf32>,
        %parallel_loop3A_259 = tpu.vector_load_idx %arg6[%parallel_loop3A_251] : memref<10000xf32, #tpu.memory_space<vmem>>[vector<16xi32>], vector<16xf32>,
        %parallel_loop3A_260 = arith.mulf %parallel_loop3A_259, %parallel_loop3A_258 : vector<16xf32>
        tpu.vector_store_idx %arg10[%parallel_loop3A_254], %parallel_loop3A_260 {add = true} : memref<10000xf32, #tpu.memory_space<vmem>>[vector<16xi32>], vector<16xf32>,
        %parallel_loop3A_261 = tpu.vector_load_idx %arg7[%parallel_loop3A_251] : memref<10000xf32, #tpu.memory_space<vmem>>[vector<16xi32>], vector<16xf32>,
        %parallel_loop3A_262 = arith.mulf %parallel_loop3A_261, %parallel_loop3A_258 : vector<16xf32>
        tpu.vector_store_idx %arg11[%parallel_loop3A_254], %parallel_loop3A_262 {add = true} : memref<10000xf32, #tpu.memory_space<vmem>>[vector<16xi32>], vector<16xf32>,
        %parallel_loop3A_263 = tpu.vector_load_idx %arg8[%parallel_loop3A_251] : memref<10000xf32, #tpu.memory_space<vmem>>[vector<16xi32>], vector<16xf32>,
        %parallel_loop3A_264 = arith.mulf %parallel_loop3A_263, %parallel_loop3A_258 : vector<16xf32>
        tpu.vector_store_idx %arg12[%parallel_loop3A_254], %parallel_loop3A_264 {add = true} : memref<10000xf32, #tpu.memory_space<vmem>>[vector<16xi32>], vector<16xf32>,
        %parallel_loop3A_265 = tpu.vector_load_idx %arg9[%parallel_loop3A_251] : memref<10000xf32, #tpu.memory_space<vmem>>[vector<16xi32>], vector<16xf32>,
        %parallel_loop3A_266 = arith.mulf %parallel_loop3A_265, %parallel_loop3A_258 : vector<16xf32>
        tpu.vector_store_idx %arg13[%parallel_loop3A_254], %parallel_loop3A_266 {add = true} : memref<10000xf32, #tpu.memory_space<vmem>>[vector<16xi32>], vector<16xf32>,
      } {sc.loop_unroll_factor = 5 : i64, sc.parallel_access}
    }
    %scan3A_124 = arith.constant 10 : i32
    %mul3A_125 = arith.constant 4 : i32
    %mul3A_126 = arith.muli %select_n3A_30, %mul3A_125 : i32
    %add3A_127 = arith.constant 0 : i32
    %add3A_128 = arith.addi %mul3A_126, %add3A_127 : i32
    %dma_start3A_129 = arith.constant 0 : i32
    %dma_start3A_130 = tpu.memref_slice %arg5[%select_n3A, %add3A_128, %dma_start3A_129] : memref<2x64x10000xf32, #tpu.memory_space<hbm>> -> memref<1x1x10000xf32, #tpu.memory_space<hbm>>
    %dma_start3A_131 = tpu.memref_squeeze %dma_start3A_130 : memref<1x1x10000xf32, #tpu.memory_space<hbm>> -> memref<10000xf32, #tpu.memory_space<hbm>>
    %dma_start3A_132 = arith.constant 0 : i32
    %dma_start3A_133 = tpu.memref_slice %arg5[%select_n3A, %add3A_128, %dma_start3A_132] : memref<2x64x10000xf32, #tpu.memory_space<hbm>> -> memref<1x1x10000xf32, #tpu.memory_space<hbm>>
    %dma_start3A_134 = tpu.memref_squeeze %dma_start3A_133 : memref<1x1x10000xf32, #tpu.memory_space<hbm>> -> memref<10000xf32, #tpu.memory_space<hbm>>
    tpu.enqueue_dma source(%arg10 : memref<10000xf32, #tpu.memory_space<vmem>>) target(%dma_start3A_134 : memref<10000xf32, #tpu.memory_space<hbm>>) target_semaphore(%arg18 : memref<!tpu.dma_semaphore, #tpu.memory_space<semaphore_mem>>)
    %mul3A_135 = arith.constant 4 : i32
    %mul3A_136 = arith.muli %select_n3A_30, %mul3A_135 : i32
    %add3A_137 = arith.constant 1 : i32
    %add3A_138 = arith.addi %mul3A_136, %add3A_137 : i32
    %dma_start3A_139 = arith.constant 0 : i32
    %dma_start3A_140 = tpu.memref_slice %arg5[%select_n3A, %add3A_138, %dma_start3A_139] : memref<2x64x10000xf32, #tpu.memory_space<hbm>> -> memref<1x1x10000xf32, #tpu.memory_space<hbm>>
    %dma_start3A_141 = tpu.memref_squeeze %dma_start3A_140 : memref<1x1x10000xf32, #tpu.memory_space<hbm>> -> memref<10000xf32, #tpu.memory_space<hbm>>
    %dma_start3A_142 = arith.constant 0 : i32
    %dma_start3A_143 = tpu.memref_slice %arg5[%select_n3A, %add3A_138, %dma_start3A_142] : memref<2x64x10000xf32, #tpu.memory_space<hbm>> -> memref<1x1x10000xf32, #tpu.memory_space<hbm>>
    %dma_start3A_144 = tpu.memref_squeeze %dma_start3A_143 : memref<1x1x10000xf32, #tpu.memory_space<hbm>> -> memref<10000xf32, #tpu.memory_space<hbm>>
    tpu.enqueue_dma source(%arg11 : memref<10000xf32, #tpu.memory_space<vmem>>) target(%dma_start3A_144 : memref<10000xf32, #tpu.memory_space<hbm>>) target_semaphore(%arg18 : memref<!tpu.dma_semaphore, #tpu.memory_space<semaphore_mem>>)
    %mul3A_145 = arith.constant 4 : i32
    %mul3A_146 = arith.muli %select_n3A_30, %mul3A_145 : i32
    %add3A_147 = arith.constant 2 : i32
    %add3A_148 = arith.addi %mul3A_146, %add3A_147 : i32
    %dma_start3A_149 = arith.constant 0 : i32
    %dma_start3A_150 = tpu.memref_slice %arg5[%select_n3A, %add3A_148, %dma_start3A_149] : memref<2x64x10000xf32, #tpu.memory_space<hbm>> -> memref<1x1x10000xf32, #tpu.memory_space<hbm>>
    %dma_start3A_151 = tpu.memref_squeeze %dma_start3A_150 : memref<1x1x10000xf32, #tpu.memory_space<hbm>> -> memref<10000xf32, #tpu.memory_space<hbm>>
    %dma_start3A_152 = arith.constant 0 : i32
    %dma_start3A_153 = tpu.memref_slice %arg5[%select_n3A, %add3A_148, %dma_start3A_152] : memref<2x64x10000xf32, #tpu.memory_space<hbm>> -> memref<1x1x10000xf32, #tpu.memory_space<hbm>>
    %dma_start3A_154 = tpu.memref_squeeze %dma_start3A_153 : memref<1x1x10000xf32, #tpu.memory_space<hbm>> -> memref<10000xf32, #tpu.memory_space<hbm>>
    tpu.enqueue_dma source(%arg12 : memref<10000xf32, #tpu.memory_space<vmem>>) target(%dma_start3A_154 : memref<10000xf32, #tpu.memory_space<hbm>>) target_semaphore(%arg18 : memref<!tpu.dma_semaphore, #tpu.memory_space<semaphore_mem>>)
    %mul3A_155 = arith.constant 4 : i32
    %mul3A_156 = arith.muli %select_n3A_30, %mul3A_155 : i32
    %add3A_157 = arith.constant 3 : i32
    %add3A_158 = arith.addi %mul3A_156, %add3A_157 : i32
    %dma_start3A_159 = arith.constant 0 : i32
    %dma_start3A_160 = tpu.memref_slice %arg5[%select_n3A, %add3A_158, %dma_start3A_159] : memref<2x64x10000xf32, #tpu.memory_space<hbm>> -> memref<1x1x10000xf32, #tpu.memory_space<hbm>>
    %dma_start3A_161 = tpu.memref_squeeze %dma_start3A_160 : memref<1x1x10000xf32, #tpu.memory_space<hbm>> -> memref<10000xf32, #tpu.memory_space<hbm>>
    %dma_start3A_162 = arith.constant 0 : i32
    %dma_start3A_163 = tpu.memref_slice %arg5[%select_n3A, %add3A_158, %dma_start3A_162] : memref<2x64x10000xf32, #tpu.memory_space<hbm>> -> memref<1x1x10000xf32, #tpu.memory_space<hbm>>
    %dma_start3A_164 = tpu.memref_squeeze %dma_start3A_163 : memref<1x1x10000xf32, #tpu.memory_space<hbm>> -> memref<10000xf32, #tpu.memory_space<hbm>>
    tpu.enqueue_dma source(%arg13 : memref<10000xf32, #tpu.memory_space<vmem>>) target(%dma_start3A_164 : memref<10000xf32, #tpu.memory_space<hbm>>) target_semaphore(%arg18 : memref<!tpu.dma_semaphore, #tpu.memory_space<semaphore_mem>>)
    %mul3A_165 = arith.constant 4 : i32
    %mul3A_166 = arith.muli %select_n3A_30, %mul3A_165 : i32
    %add3A_167 = arith.constant 0 : i32
    %add3A_168 = arith.addi %mul3A_166, %add3A_167 : i32
    %dma_wait3A_169 = arith.constant 0 : i32
    %dma_wait3A_170 = tpu.memref_slice %arg5[%select_n3A, %add3A_168, %dma_wait3A_169] : memref<2x64x10000xf32, #tpu.memory_space<hbm>> -> memref<1x1x10000xf32, #tpu.memory_space<hbm>>
    %dma_wait3A_171 = tpu.memref_squeeze %dma_wait3A_170 : memref<1x1x10000xf32, #tpu.memory_space<hbm>> -> memref<10000xf32, #tpu.memory_space<hbm>>
    %dma_wait3A_172 = arith.constant 0 : i32
    %dma_wait3A_173 = tpu.memref_slice %arg5[%select_n3A, %add3A_168, %dma_wait3A_172] : memref<2x64x10000xf32, #tpu.memory_space<hbm>> -> memref<1x1x10000xf32, #tpu.memory_space<hbm>>
    %dma_wait3A_174 = tpu.memref_squeeze %dma_wait3A_173 : memref<1x1x10000xf32, #tpu.memory_space<hbm>> -> memref<10000xf32, #tpu.memory_space<hbm>>
    tpu.wait_dma2 semaphore(%arg18 : memref<!tpu.dma_semaphore, #tpu.memory_space<semaphore_mem>>) src(%arg10 : memref<10000xf32, #tpu.memory_space<vmem>>) dst(%dma_wait3A_174 : memref<10000xf32, #tpu.memory_space<hbm>>)
    %mul3A_175 = arith.constant 4 : i32
    %mul3A_176 = arith.muli %select_n3A_30, %mul3A_175 : i32
    %add3A_177 = arith.constant 1 : i32
    %add3A_178 = arith.addi %mul3A_176, %add3A_177 : i32
    %dma_wait3A_179 = arith.constant 0 : i32
    %dma_wait3A_180 = tpu.memref_slice %arg5[%select_n3A, %add3A_178, %dma_wait3A_179] : memref<2x64x10000xf32, #tpu.memory_space<hbm>> -> memref<1x1x10000xf32, #tpu.memory_space<hbm>>
    %dma_wait3A_181 = tpu.memref_squeeze %dma_wait3A_180 : memref<1x1x10000xf32, #tpu.memory_space<hbm>> -> memref<10000xf32, #tpu.memory_space<hbm>>
    %dma_wait3A_182 = arith.constant 0 : i32
    %dma_wait3A_183 = tpu.memref_slice %arg5[%select_n3A, %add3A_178, %dma_wait3A_182] : memref<2x64x10000xf32, #tpu.memory_space<hbm>> -> memref<1x1x10000xf32, #tpu.memory_space<hbm>>
    %dma_wait3A_184 = tpu.memref_squeeze %dma_wait3A_183 : memref<1x1x10000xf32, #tpu.memory_space<hbm>> -> memref<10000xf32, #tpu.memory_space<hbm>>
    tpu.wait_dma2 semaphore(%arg18 : memref<!tpu.dma_semaphore, #tpu.memory_space<semaphore_mem>>) src(%arg11 : memref<10000xf32, #tpu.memory_space<vmem>>) dst(%dma_wait3A_184 : memref<10000xf32, #tpu.memory_space<hbm>>)
    %mul3A_185 = arith.constant 4 : i32
    %mul3A_186 = arith.muli %select_n3A_30, %mul3A_185 : i32
    %add3A_187 = arith.constant 2 : i32
    %add3A_188 = arith.addi %mul3A_186, %add3A_187 : i32
    %dma_wait3A_189 = arith.constant 0 : i32
    %dma_wait3A_190 = tpu.memref_slice %arg5[%select_n3A, %add3A_188, %dma_wait3A_189] : memref<2x64x10000xf32, #tpu.memory_space<hbm>> -> memref<1x1x10000xf32, #tpu.memory_space<hbm>>
    %dma_wait3A_191 = tpu.memref_squeeze %dma_wait3A_190 : memref<1x1x10000xf32, #tpu.memory_space<hbm>> -> memref<10000xf32, #tpu.memory_space<hbm>>
    %dma_wait3A_192 = arith.constant 0 : i32
    %dma_wait3A_193 = tpu.memref_slice %arg5[%select_n3A, %add3A_188, %dma_wait3A_192] : memref<2x64x10000xf32, #tpu.memory_space<hbm>> -> memref<1x1x10000xf32, #tpu.memory_space<hbm>>
    %dma_wait3A_194 = tpu.memref_squeeze %dma_wait3A_193 : memref<1x1x10000xf32, #tpu.memory_space<hbm>> -> memref<10000xf32, #tpu.memory_space<hbm>>
    tpu.wait_dma2 semaphore(%arg18 : memref<!tpu.dma_semaphore, #tpu.memory_space<semaphore_mem>>) src(%arg12 : memref<10000xf32, #tpu.memory_space<vmem>>) dst(%dma_wait3A_194 : memref<10000xf32, #tpu.memory_space<hbm>>)
    %mul3A_195 = arith.constant 4 : i32
    %mul3A_196 = arith.muli %select_n3A_30, %mul3A_195 : i32
    %add3A_197 = arith.constant 3 : i32
    %add3A_198 = arith.addi %mul3A_196, %add3A_197 : i32
    %dma_wait3A_199 = arith.constant 0 : i32
    %dma_wait3A_200 = tpu.memref_slice %arg5[%select_n3A, %add3A_198, %dma_wait3A_199] : memref<2x64x10000xf32, #tpu.memory_space<hbm>> -> memref<1x1x10000xf32, #tpu.memory_space<hbm>>
    %dma_wait3A_201 = tpu.memref_squeeze %dma_wait3A_200 : memref<1x1x10000xf32, #tpu.memory_space<hbm>> -> memref<10000xf32, #tpu.memory_space<hbm>>
    %dma_wait3A_202 = arith.constant 0 : i32
    %dma_wait3A_203 = tpu.memref_slice %arg5[%select_n3A, %add3A_198, %dma_wait3A_202] : memref<2x64x10000xf32, #tpu.memory_space<hbm>> -> memref<1x1x10000xf32, #tpu.memory_space<hbm>>
    %dma_wait3A_204 = tpu.memref_squeeze %dma_wait3A_203 : memref<1x1x10000xf32, #tpu.memory_space<hbm>> -> memref<10000xf32, #tpu.memory_space<hbm>>
    tpu.wait_dma2 semaphore(%arg18 : memref<!tpu.dma_semaphore, #tpu.memory_space<semaphore_mem>>) src(%arg13 : memref<10000xf32, #tpu.memory_space<vmem>>) dst(%dma_wait3A_204 : memref<10000xf32, #tpu.memory_space<hbm>>)
    return
  }
}

module attributes {stable_mosaic.version = 14 : i64} {
  func.func @_tc_dis_body(%arg0: memref<32x10000xf32, #tpu.memory_space<vmem>>, %arg1: memref<16x10000xf32, #tpu.memory_space<vmem>>, %arg2: memref<1x10000xf32, #tpu.memory_space<vmem>>, %arg3: memref<16x10000xf32, #tpu.memory_space<vmem>>) attributes {dimension_semantics = [], scalar_prefetch = 0 : i64, scratch_operands = 0 : i64, tpu.core_type = #tpu.core_type<tc>} {
    %get3A = arith.constant 0 : index
    %get3A_0 = arith.constant 0 : index
    %get3A_1 = vector.load %arg0[%get3A, %get3A_0] : memref<32x10000xf32, #tpu.memory_space<vmem>>, vector<32x10000xf32>
    %reduce_sum3A = arith.constant dense<0.000000e+00> : vector<10000xf32>
    %reduce_sum3A_2 = vector.multi_reduction <add>, %get3A_1, %reduce_sum3A [0] : vector<32x10000xf32> to vector<10000xf32>
    %broadcast_in_dim3A = vector.shape_cast %reduce_sum3A_2 : vector<10000xf32> to vector<1x10000xf32>
    %add3A = arith.constant 1.000000e+00 : f32
    %add3A_3 = vector.broadcast %add3A : f32 to vector<1x10000xf32>
    %add3A_4 = arith.addf %add3A_3, %broadcast_in_dim3A : vector<1x10000xf32>
    %rsqrt3A = math.rsqrt %add3A_4 : vector<1x10000xf32>
    %swap3A = arith.constant 0 : index
    %swap3A_5 = arith.constant 0 : index
    %swap3A_6 = vector.load %arg2[%swap3A, %swap3A_5] : memref<1x10000xf32, #tpu.memory_space<vmem>>, vector<1x10000xf32>
    tpu.vector_store %arg2[%swap3A, %swap3A_5], %rsqrt3A {strides = array<i32>} : memref<1x10000xf32, #tpu.memory_space<vmem>>, vector<1x10000xf32>,
    %get3A_7 = arith.constant 0 : index
    %get3A_8 = arith.constant 0 : index
    %get3A_9 = vector.load %arg1[%get3A_7, %get3A_8] : memref<16x10000xf32, #tpu.memory_space<vmem>>, vector<16x10000xf32>
    %mul3A = vector.broadcast %rsqrt3A : vector<1x10000xf32> to vector<16x10000xf32>
    %mul3A_10 = arith.mulf %mul3A, %get3A_9 : vector<16x10000xf32>
    %swap3A_11 = arith.constant 0 : index
    %swap3A_12 = arith.constant 0 : index
    %swap3A_13 = vector.load %arg3[%swap3A_11, %swap3A_12] : memref<16x10000xf32, #tpu.memory_space<vmem>>, vector<16x10000xf32>
    tpu.vector_store %arg3[%swap3A_11, %swap3A_12], %mul3A_10 {strides = array<i32>} : memref<16x10000xf32, #tpu.memory_space<vmem>>, vector<16x10000xf32>,
    return
  }
}

module attributes {stable_mosaic.version = 14 : i64} {
  func.func @_tc_h1_body(%arg0: memref<10000x128xf32, #tpu.memory_space<vmem>>, %arg1: memref<128x16xf32, #tpu.memory_space<vmem>>, %arg2: memref<16x10000xf32, #tpu.memory_space<vmem>>) attributes {dimension_semantics = [], scalar_prefetch = 0 : i64, scratch_operands = 0 : i64, tpu.core_type = #tpu.core_type<tc>} {
    %get3A = arith.constant 0 : index
    %get3A_0 = arith.constant 0 : index
    %get3A_1 = vector.load %arg1[%get3A, %get3A_0] : memref<128x16xf32, #tpu.memory_space<vmem>>, vector<128x16xf32>
    %get3A_2 = arith.constant 0 : index
    %get3A_3 = arith.constant 0 : index
    %get3A_4 = vector.load %arg0[%get3A_2, %get3A_3] : memref<10000x128xf32, #tpu.memory_space<vmem>>, vector<10000x128xf32>
    %dot_general3A = arith.constant dense<0.000000e+00> : vector<16x10000xf32>
    %dot_general3A_5 = tpu.matmul %get3A_1, %get3A_4, %dot_general3A {dimension_numbers = #tpu.dot_dimension_numbers<[0], [1], [1], [0], [0, 1, 1, 0], [], []>, transpose_lhs_hint = false} : vector<128x16xf32>, vector<10000x128xf32>, vector<16x10000xf32> -> vector<16x10000xf32>
    %swap3A = arith.constant 0 : index
    %swap3A_6 = arith.constant 0 : index
    %swap3A_7 = vector.load %arg2[%swap3A, %swap3A_6] : memref<16x10000xf32, #tpu.memory_space<vmem>>, vector<16x10000xf32>
    tpu.vector_store %arg2[%swap3A, %swap3A_6], %dot_general3A_5 {strides = array<i32>} : memref<16x10000xf32, #tpu.memory_space<vmem>>, vector<16x10000xf32>,
    return
  }
}

module attributes {stable_mosaic.version = 14 : i64} {
  func.func @_tc_combine_body(%arg0: memref<8x16x10000xf32, #tpu.memory_space<vmem>>, %arg1: memref<16x10000xf32, #tpu.memory_space<vmem>>, %arg2: memref<1x10000xf32, #tpu.memory_space<vmem>>, %arg3: memref<16x1xf32, #tpu.memory_space<vmem>>, %arg4: memref<16x10000xf32, #tpu.memory_space<vmem>>) attributes {dimension_semantics = [], scalar_prefetch = 0 : i64, scratch_operands = 0 : i64, tpu.core_type = #tpu.core_type<tc>} {
    %get3A = arith.constant 0 : index
    %get3A_0 = arith.constant 0 : index
    %get3A_1 = arith.constant 0 : index
    %get3A_2 = vector.load %arg0[%get3A, %get3A_0, %get3A_1] : memref<8x16x10000xf32, #tpu.memory_space<vmem>>, vector<8x16x10000xf32>
    %reduce_sum3A = arith.constant dense<0.000000e+00> : vector<16x10000xf32>
    %reduce_sum3A_3 = vector.multi_reduction <add>, %get3A_2, %reduce_sum3A [0] : vector<8x16x10000xf32> to vector<16x10000xf32>
    %get3A_4 = arith.constant 0 : index
    %get3A_5 = arith.constant 0 : index
    %get3A_6 = vector.load %arg2[%get3A_4, %get3A_5] : memref<1x10000xf32, #tpu.memory_space<vmem>>, vector<1x10000xf32>
    %get3A_7 = arith.constant 0 : index
    %get3A_8 = arith.constant 0 : index
    %get3A_9 = vector.load %arg1[%get3A_7, %get3A_8] : memref<16x10000xf32, #tpu.memory_space<vmem>>, vector<16x10000xf32>
    %add3A = arith.addf %reduce_sum3A_3, %get3A_9 : vector<16x10000xf32>
    %mul3A = vector.broadcast %get3A_6 : vector<1x10000xf32> to vector<16x10000xf32>
    %mul3A_10 = arith.mulf %mul3A, %add3A : vector<16x10000xf32>
    %get3A_11 = arith.constant 0 : index
    %get3A_12 = arith.constant 0 : index
    %get3A_13 = vector.load %arg2[%get3A_11, %get3A_12] : memref<1x10000xf32, #tpu.memory_space<vmem>>, vector<1x10000xf32>
    %get3A_14 = arith.constant 0 : index
    %get3A_15 = arith.constant 0 : index
    %get3A_16 = vector.load %arg3[%get3A_14, %get3A_15] : memref<16x1xf32, #tpu.memory_space<vmem>>, vector<16x1xf32>
    %add3A_17 = vector.broadcast %get3A_16 : vector<16x1xf32> to vector<16x10000xf32>
    %add3A_18 = arith.addf %mul3A_10, %add3A_17 : vector<16x10000xf32>
    %max3A = arith.constant 0.000000e+00 : f32
    %max3A_19 = vector.broadcast %max3A : f32 to vector<16x10000xf32>
    %max3A_20 = arith.maximumf %add3A_18, %max3A_19 : vector<16x10000xf32>
    %mul3A_21 = vector.broadcast %get3A_13 : vector<1x10000xf32> to vector<16x10000xf32>
    %mul3A_22 = arith.mulf %mul3A_21, %max3A_20 : vector<16x10000xf32>
    %swap3A = arith.constant 0 : index
    %swap3A_23 = arith.constant 0 : index
    %swap3A_24 = vector.load %arg4[%swap3A, %swap3A_23] : memref<16x10000xf32, #tpu.memory_space<vmem>>, vector<16x10000xf32>
    tpu.vector_store %arg4[%swap3A, %swap3A_23], %mul3A_22 {strides = array<i32>} : memref<16x10000xf32, #tpu.memory_space<vmem>>, vector<16x10000xf32>,
    return
  }
}

module attributes {stable_mosaic.version = 14 : i64} {
  func.func @_tc_layer_body(%arg0: memref<8x16x10000xf32, #tpu.memory_space<vmem>>, %arg1: memref<16x10000xf32, #tpu.memory_space<vmem>>, %arg2: memref<1x10000xf32, #tpu.memory_space<vmem>>, %arg3: memref<16x32xf32, #tpu.memory_space<vmem>>, %arg4: memref<32x1xf32, #tpu.memory_space<vmem>>, %arg5: memref<32x10000xf32, #tpu.memory_space<vmem>>) attributes {dimension_semantics = [], scalar_prefetch = 0 : i64, scratch_operands = 0 : i64, tpu.core_type = #tpu.core_type<tc>} {
    %get3A = arith.constant 0 : index
    %get3A_0 = arith.constant 0 : index
    %get3A_1 = arith.constant 0 : index
    %get3A_2 = vector.load %arg0[%get3A, %get3A_0, %get3A_1] : memref<8x16x10000xf32, #tpu.memory_space<vmem>>, vector<8x16x10000xf32>
    %reduce_sum3A = arith.constant dense<0.000000e+00> : vector<16x10000xf32>
    %reduce_sum3A_3 = vector.multi_reduction <add>, %get3A_2, %reduce_sum3A [0] : vector<8x16x10000xf32> to vector<16x10000xf32>
    %get3A_4 = arith.constant 0 : index
    %get3A_5 = arith.constant 0 : index
    %get3A_6 = vector.load %arg2[%get3A_4, %get3A_5] : memref<1x10000xf32, #tpu.memory_space<vmem>>, vector<1x10000xf32>
    %get3A_7 = arith.constant 0 : index
    %get3A_8 = arith.constant 0 : index
    %get3A_9 = vector.load %arg1[%get3A_7, %get3A_8] : memref<16x10000xf32, #tpu.memory_space<vmem>>, vector<16x10000xf32>
    %add3A = arith.addf %reduce_sum3A_3, %get3A_9 : vector<16x10000xf32>
    %mul3A = vector.broadcast %get3A_6 : vector<1x10000xf32> to vector<16x10000xf32>
    %mul3A_10 = arith.mulf %mul3A, %add3A : vector<16x10000xf32>
    %get3A_11 = arith.constant 0 : index
    %get3A_12 = arith.constant 0 : index
    %get3A_13 = vector.load %arg3[%get3A_11, %get3A_12] : memref<16x32xf32, #tpu.memory_space<vmem>>, vector<16x32xf32>
    %dot_general3A = arith.constant dense<0.000000e+00> : vector<32x10000xf32>
    %dot_general3A_14 = tpu.matmul %get3A_13, %mul3A_10, %dot_general3A {dimension_numbers = #tpu.dot_dimension_numbers<[0], [0], [1], [1], [0, 1, 1, 1], [], []>, transpose_lhs_hint = false} : vector<16x32xf32>, vector<16x10000xf32>, vector<32x10000xf32> -> vector<32x10000xf32>
    %get3A_15 = arith.constant 0 : index
    %get3A_16 = arith.constant 0 : index
    %get3A_17 = vector.load %arg2[%get3A_15, %get3A_16] : memref<1x10000xf32, #tpu.memory_space<vmem>>, vector<1x10000xf32>
    %get3A_18 = arith.constant 0 : index
    %get3A_19 = arith.constant 0 : index
    %get3A_20 = vector.load %arg4[%get3A_18, %get3A_19] : memref<32x1xf32, #tpu.memory_space<vmem>>, vector<32x1xf32>
    %add3A_21 = vector.broadcast %get3A_20 : vector<32x1xf32> to vector<32x10000xf32>
    %add3A_22 = arith.addf %dot_general3A_14, %add3A_21 : vector<32x10000xf32>
    %max3A = arith.constant 0.000000e+00 : f32
    %max3A_23 = vector.broadcast %max3A : f32 to vector<32x10000xf32>
    %max3A_24 = arith.maximumf %add3A_22, %max3A_23 : vector<32x10000xf32>
    %mul3A_25 = vector.broadcast %get3A_17 : vector<1x10000xf32> to vector<32x10000xf32>
    %mul3A_26 = arith.mulf %mul3A_25, %max3A_24 : vector<32x10000xf32>
    %swap3A = arith.constant 0 : index
    %swap3A_27 = arith.constant 0 : index
    %swap3A_28 = vector.load %arg5[%swap3A, %swap3A_27] : memref<32x10000xf32, #tpu.memory_space<vmem>>, vector<32x10000xf32>
    tpu.vector_store %arg5[%swap3A, %swap3A_27], %mul3A_26 {strides = array<i32>} : memref<32x10000xf32, #tpu.memory_space<vmem>>, vector<32x10000xf32>,
    return
  }
}

module attributes {stable_mosaic.version = 14 : i64} {
  func.func @_tc_layer_body(%arg0: memref<4x32x10000xf32, #tpu.memory_space<vmem>>, %arg1: memref<32x10000xf32, #tpu.memory_space<vmem>>, %arg2: memref<1x10000xf32, #tpu.memory_space<vmem>>, %arg3: memref<32x64xf32, #tpu.memory_space<vmem>>, %arg4: memref<64x1xf32, #tpu.memory_space<vmem>>, %arg5: memref<64x10000xf32, #tpu.memory_space<vmem>>) attributes {dimension_semantics = [], scalar_prefetch = 0 : i64, scratch_operands = 0 : i64, tpu.core_type = #tpu.core_type<tc>} {
    %get3A = arith.constant 0 : index
    %get3A_0 = arith.constant 0 : index
    %get3A_1 = arith.constant 0 : index
    %get3A_2 = vector.load %arg0[%get3A, %get3A_0, %get3A_1] : memref<4x32x10000xf32, #tpu.memory_space<vmem>>, vector<4x32x10000xf32>
    %reduce_sum3A = arith.constant dense<0.000000e+00> : vector<32x10000xf32>
    %reduce_sum3A_3 = vector.multi_reduction <add>, %get3A_2, %reduce_sum3A [0] : vector<4x32x10000xf32> to vector<32x10000xf32>
    %get3A_4 = arith.constant 0 : index
    %get3A_5 = arith.constant 0 : index
    %get3A_6 = vector.load %arg2[%get3A_4, %get3A_5] : memref<1x10000xf32, #tpu.memory_space<vmem>>, vector<1x10000xf32>
    %get3A_7 = arith.constant 0 : index
    %get3A_8 = arith.constant 0 : index
    %get3A_9 = vector.load %arg1[%get3A_7, %get3A_8] : memref<32x10000xf32, #tpu.memory_space<vmem>>, vector<32x10000xf32>
    %add3A = arith.addf %reduce_sum3A_3, %get3A_9 : vector<32x10000xf32>
    %mul3A = vector.broadcast %get3A_6 : vector<1x10000xf32> to vector<32x10000xf32>
    %mul3A_10 = arith.mulf %mul3A, %add3A : vector<32x10000xf32>
    %get3A_11 = arith.constant 0 : index
    %get3A_12 = arith.constant 0 : index
    %get3A_13 = vector.load %arg3[%get3A_11, %get3A_12] : memref<32x64xf32, #tpu.memory_space<vmem>>, vector<32x64xf32>
    %dot_general3A = arith.constant dense<0.000000e+00> : vector<64x10000xf32>
    %dot_general3A_14 = tpu.matmul %get3A_13, %mul3A_10, %dot_general3A {dimension_numbers = #tpu.dot_dimension_numbers<[0], [0], [1], [1], [0, 1, 1, 1], [], []>, transpose_lhs_hint = false} : vector<32x64xf32>, vector<32x10000xf32>, vector<64x10000xf32> -> vector<64x10000xf32>
    %get3A_15 = arith.constant 0 : index
    %get3A_16 = arith.constant 0 : index
    %get3A_17 = vector.load %arg2[%get3A_15, %get3A_16] : memref<1x10000xf32, #tpu.memory_space<vmem>>, vector<1x10000xf32>
    %get3A_18 = arith.constant 0 : index
    %get3A_19 = arith.constant 0 : index
    %get3A_20 = vector.load %arg4[%get3A_18, %get3A_19] : memref<64x1xf32, #tpu.memory_space<vmem>>, vector<64x1xf32>
    %add3A_21 = vector.broadcast %get3A_20 : vector<64x1xf32> to vector<64x10000xf32>
    %add3A_22 = arith.addf %dot_general3A_14, %add3A_21 : vector<64x10000xf32>
    %max3A = arith.constant 0.000000e+00 : f32
    %max3A_23 = vector.broadcast %max3A : f32 to vector<64x10000xf32>
    %max3A_24 = arith.maximumf %add3A_22, %max3A_23 : vector<64x10000xf32>
    %mul3A_25 = vector.broadcast %get3A_17 : vector<1x10000xf32> to vector<64x10000xf32>
    %mul3A_26 = arith.mulf %mul3A_25, %max3A_24 : vector<64x10000xf32>
    %swap3A = arith.constant 0 : index
    %swap3A_27 = arith.constant 0 : index
    %swap3A_28 = vector.load %arg5[%swap3A, %swap3A_27] : memref<64x10000xf32, #tpu.memory_space<vmem>>, vector<64x10000xf32>
    tpu.vector_store %arg5[%swap3A, %swap3A_27], %mul3A_26 {strides = array<i32>} : memref<64x10000xf32, #tpu.memory_space<vmem>>, vector<64x10000xf32>,
    return
  }
}

module attributes {stable_mosaic.version = 14 : i64} {
  func.func @_tc_layer_body(%arg0: memref<2x64x10000xf32, #tpu.memory_space<vmem>>, %arg1: memref<64x10000xf32, #tpu.memory_space<vmem>>, %arg2: memref<1x10000xf32, #tpu.memory_space<vmem>>, %arg3: memref<64x64xf32, #tpu.memory_space<vmem>>, %arg4: memref<64x1xf32, #tpu.memory_space<vmem>>, %arg5: memref<64x10000xf32, #tpu.memory_space<vmem>>) attributes {dimension_semantics = [], scalar_prefetch = 0 : i64, scratch_operands = 0 : i64, tpu.core_type = #tpu.core_type<tc>} {
    %get3A = arith.constant 0 : index
    %get3A_0 = arith.constant 0 : index
    %get3A_1 = arith.constant 0 : index
    %get3A_2 = vector.load %arg0[%get3A, %get3A_0, %get3A_1] : memref<2x64x10000xf32, #tpu.memory_space<vmem>>, vector<2x64x10000xf32>
    %reduce_sum3A = arith.constant dense<0.000000e+00> : vector<64x10000xf32>
    %reduce_sum3A_3 = vector.multi_reduction <add>, %get3A_2, %reduce_sum3A [0] : vector<2x64x10000xf32> to vector<64x10000xf32>
    %get3A_4 = arith.constant 0 : index
    %get3A_5 = arith.constant 0 : index
    %get3A_6 = vector.load %arg2[%get3A_4, %get3A_5] : memref<1x10000xf32, #tpu.memory_space<vmem>>, vector<1x10000xf32>
    %get3A_7 = arith.constant 0 : index
    %get3A_8 = arith.constant 0 : index
    %get3A_9 = vector.load %arg1[%get3A_7, %get3A_8] : memref<64x10000xf32, #tpu.memory_space<vmem>>, vector<64x10000xf32>
    %add3A = arith.addf %reduce_sum3A_3, %get3A_9 : vector<64x10000xf32>
    %mul3A = vector.broadcast %get3A_6 : vector<1x10000xf32> to vector<64x10000xf32>
    %mul3A_10 = arith.mulf %mul3A, %add3A : vector<64x10000xf32>
    %get3A_11 = arith.constant 0 : index
    %get3A_12 = arith.constant 0 : index
    %get3A_13 = vector.load %arg3[%get3A_11, %get3A_12] : memref<64x64xf32, #tpu.memory_space<vmem>>, vector<64x64xf32>
    %dot_general3A = arith.constant dense<0.000000e+00> : vector<64x10000xf32>
    %dot_general3A_14 = tpu.matmul %get3A_13, %mul3A_10, %dot_general3A {dimension_numbers = #tpu.dot_dimension_numbers<[0], [0], [1], [1], [0, 1, 1, 1], [], []>, transpose_lhs_hint = false} : vector<64x64xf32>, vector<64x10000xf32>, vector<64x10000xf32> -> vector<64x10000xf32>
    %get3A_15 = arith.constant 0 : index
    %get3A_16 = arith.constant 0 : index
    %get3A_17 = vector.load %arg2[%get3A_15, %get3A_16] : memref<1x10000xf32, #tpu.memory_space<vmem>>, vector<1x10000xf32>
    %get3A_18 = arith.constant 0 : index
    %get3A_19 = arith.constant 0 : index
    %get3A_20 = vector.load %arg4[%get3A_18, %get3A_19] : memref<64x1xf32, #tpu.memory_space<vmem>>, vector<64x1xf32>
    %add3A_21 = vector.broadcast %get3A_20 : vector<64x1xf32> to vector<64x10000xf32>
    %add3A_22 = arith.addf %dot_general3A_14, %add3A_21 : vector<64x10000xf32>
    %max3A = arith.constant 0.000000e+00 : f32
    %max3A_23 = vector.broadcast %max3A : f32 to vector<64x10000xf32>
    %max3A_24 = arith.maximumf %add3A_22, %max3A_23 : vector<64x10000xf32>
    %mul3A_25 = vector.broadcast %get3A_17 : vector<1x10000xf32> to vector<64x10000xf32>
    %mul3A_26 = arith.mulf %mul3A_25, %max3A_24 : vector<64x10000xf32>
    %swap3A = arith.constant 0 : index
    %swap3A_27 = arith.constant 0 : index
    %swap3A_28 = vector.load %arg5[%swap3A, %swap3A_27] : memref<64x10000xf32, #tpu.memory_space<vmem>>, vector<64x10000xf32>
    tpu.vector_store %arg5[%swap3A, %swap3A_27], %mul3A_26 {strides = array<i32>} : memref<64x10000xf32, #tpu.memory_space<vmem>>, vector<64x10000xf32>,
    return
  }
}

module attributes {stable_mosaic.version = 14 : i64} {
  func.func @_tc_final_body(%arg0: memref<2x64x10000xf32, #tpu.memory_space<vmem>>, %arg1: memref<64x10000xf32, #tpu.memory_space<vmem>>, %arg2: memref<1x10000xf32, #tpu.memory_space<vmem>>, %arg3: memref<64x128xf32, #tpu.memory_space<vmem>>, %arg4: memref<128x1xf32, #tpu.memory_space<vmem>>, %arg5: memref<1x10000xi32, #tpu.memory_space<vmem>>, %arg6: memref<64x128xf32, #tpu.memory_space<vmem>>) attributes {dimension_semantics = [], scalar_prefetch = 0 : i64, scratch_operands = 0 : i64, tpu.core_type = #tpu.core_type<tc>} {
    %get3A = arith.constant 0 : index
    %get3A_0 = arith.constant 0 : index
    %get3A_1 = arith.constant 0 : index
    %get3A_2 = vector.load %arg0[%get3A, %get3A_0, %get3A_1] : memref<2x64x10000xf32, #tpu.memory_space<vmem>>, vector<2x64x10000xf32>
    %reduce_sum3A = arith.constant dense<0.000000e+00> : vector<64x10000xf32>
    %reduce_sum3A_3 = vector.multi_reduction <add>, %get3A_2, %reduce_sum3A [0] : vector<2x64x10000xf32> to vector<64x10000xf32>
    %get3A_4 = arith.constant 0 : index
    %get3A_5 = arith.constant 0 : index
    %get3A_6 = vector.load %arg2[%get3A_4, %get3A_5] : memref<1x10000xf32, #tpu.memory_space<vmem>>, vector<1x10000xf32>
    %get3A_7 = arith.constant 0 : index
    %get3A_8 = arith.constant 0 : index
    %get3A_9 = vector.load %arg1[%get3A_7, %get3A_8] : memref<64x10000xf32, #tpu.memory_space<vmem>>, vector<64x10000xf32>
    %add3A = arith.addf %reduce_sum3A_3, %get3A_9 : vector<64x10000xf32>
    %mul3A = vector.broadcast %get3A_6 : vector<1x10000xf32> to vector<64x10000xf32>
    %mul3A_10 = arith.mulf %mul3A, %add3A : vector<64x10000xf32>
    %get3A_11 = arith.constant 0 : index
    %get3A_12 = arith.constant 0 : index
    %get3A_13 = vector.load %arg3[%get3A_11, %get3A_12] : memref<64x128xf32, #tpu.memory_space<vmem>>, vector<64x128xf32>
    %dot_general3A = arith.constant dense<0.000000e+00> : vector<128x10000xf32>
    %dot_general3A_14 = tpu.matmul %get3A_13, %mul3A_10, %dot_general3A {dimension_numbers = #tpu.dot_dimension_numbers<[0], [0], [1], [1], [0, 1, 1, 1], [], []>, transpose_lhs_hint = false} : vector<64x128xf32>, vector<64x10000xf32>, vector<128x10000xf32> -> vector<128x10000xf32>
    %get3A_15 = arith.constant 0 : index
    %get3A_16 = arith.constant 0 : index
    %get3A_17 = vector.load %arg4[%get3A_15, %get3A_16] : memref<128x1xf32, #tpu.memory_space<vmem>>, vector<128x1xf32>
    %add3A_18 = vector.broadcast %get3A_17 : vector<128x1xf32> to vector<128x10000xf32>
    %add3A_19 = arith.addf %dot_general3A_14, %add3A_18 : vector<128x10000xf32>
    %iota3A = tpu.iota {dimensions = array<i32: 0>} : vector<64x10000xi32>
    %get3A_20 = arith.constant 0 : index
    %get3A_21 = arith.constant 0 : index
    %get3A_22 = vector.load %arg5[%get3A_20, %get3A_21] : memref<1x10000xi32, #tpu.memory_space<vmem>>, vector<1x10000xi32>
    %eq3A = vector.broadcast %get3A_22 : vector<1x10000xi32> to vector<64x10000xi32>
    %eq3A_23 = arith.cmpi eq, %iota3A, %eq3A : vector<64x10000xi32>
    %convert_element_type3A = arith.extui %eq3A_23 : vector<64x10000xi1> to vector<64x10000xi32>
    %convert_element_type3A_24 = arith.sitofp %convert_element_type3A : vector<64x10000xi32> to vector<64x10000xf32>
    %dot_general3A_25 = arith.constant dense<0.000000e+00> : vector<64x128xf32>
    %dot_general3A_26 = tpu.matmul %convert_element_type3A_24, %add3A_19, %dot_general3A_25 {dimension_numbers = #tpu.dot_dimension_numbers<[1], [1], [0], [0], [0, 0, 1, 0], [], []>, transpose_lhs_hint = false} : vector<64x10000xf32>, vector<128x10000xf32>, vector<64x128xf32> -> vector<64x128xf32>
    %max3A = arith.constant 0.000000e+00 : f32
    %max3A_27 = vector.broadcast %max3A : f32 to vector<64x128xf32>
    %max3A_28 = arith.maximumf %dot_general3A_26, %max3A_27 : vector<64x128xf32>
    %swap3A = arith.constant 0 : index
    %swap3A_29 = arith.constant 0 : index
    %swap3A_30 = vector.load %arg6[%swap3A, %swap3A_29] : memref<64x128xf32, #tpu.memory_space<vmem>>, vector<64x128xf32>
    tpu.vector_store %arg6[%swap3A, %swap3A_29], %max3A_28 {strides = array<i32>} : memref<64x128xf32, #tpu.memory_space<vmem>>, vector<64x128xf32>,
    return
  }
}

</mosaic_0001>

<sc_bundles>
// kernel: kernel.15.cloned.1.call-start
scs
__scs_entry_jumppad:
0x0: {  	(pc) =	sbr.rel $0x88, $3  }
0x1: {  	(tag) =	ssettag $0x0;
	lr =	simm.s32 $0x1  }
0x2: {  	[smem:$0x3F93] =	sst lr;
	_ =	strace $0xD0000000  }
0x3: {  	_ = 	snop  }
0x4: {  	_ = 	snop  }
0x5: {  	_ = 	snop  }
0x6: {  	_ = 	snop  }
0x7: {  	_ = 	snop  }
__scs_overlays_trampoline_lowered:
0x8: {  	[smem:$0x3FA2] =	sst s0  }
0x9: {  	[smem:$0x3FA3] =	sst s1  }
0xa: {  	[smem:$0x3FA4] =	sst s2  }
0xb: {  	[smem:$0x3FA5] =	sst s3  }
0xc: {  	[smem:$0x3FA6] =	sst s4  }
0xd: {  	[smem:$0x3FA7] =	sst s5  }
0xe: {  	[smem:$0x3FA8] =	sst s6  }
0xf: {  	[smem:$0x3FA9] =	sst s7  }
0x10: {  	[smem:$0x3FAA] =	sst s8  }
0x11: {  	[smem:$0x3FAB] =	sst s9;
	s0 =	simm.s32 @!p0 $0x0  }
0x12: {  	s1 =	sld [smem:$0x3F91];
	s0 =	simm.s32 @p0 $0x1  }
0x13: {  	[smem:$0x3FAC] =	sst s0;
	s0 =	simm.s32 @!p1 $0x0  }
0x14: {  	s2 =	sld [smem:$0x3F90];
	s0 =	simm.s32 @p1 $0x1  }
0x15: {  	[smem:$0x3FAD] =	sst s0;
	s0 =	simm.s32 @!p2 $0x0  }
0x16: {  	s3 =	sld [smem:$0x3FDB];
	s0 =	simm.s32 @p2 $0x1  }
0x17: {  	s4 =	simm.s32 $0x1BF5;
	[smem:$0x3FAF] =	sst s0  }
0x18: {  	s0 =	sld [smem:$0x3F92];
	_ =	swait.ge [sflag:s4], $0x0  }
0x19: {  	s7 =	sld [smem:$0x3F93]  }
0x1a: {  	s8 =	sadd.s32 $0xFFFFE003, lr  }
0x1b: {  	s9 =	sadd.s32 $0xFFFFFEF7, lr;
	s5 =	simm.s32 $0xFFFFFFFF;
	p2 =	slt.u32 s8, $0xFFFFF086  }
0x1c: {  	p1 =	slt.u32 s9, $0xF7A;
	s5 =	simm.s32 @!p2 $0x0  }
0x1d: {  	s5 =	simm.s32 @p1 $0x1;
	p0 =	seq.s32 s7, s2  }
0x1e: {  	s7 =	smul.u32 @!p0 $0xF7A, s2;
	p2 =	seq.s32 @!p0 s5, $0x0  }
0x1f: {  	s9 =	smul.u32 $0xF7A, s1;
	s8 =	simm.s32 @!p0 $0x1BF5;
	p2 =	por !p2, p0  }
0x20: {  	[sflag:s8] =	ssyncset.s32 @!p0 $0xFFFFF086;
	s6 =	sadd.s32 @!p0 s3, s7;
	s7 =	simm.s32 @!p0 $0x108  }
0x21: {  	s3 =	sadd.s32 s3, s9;
	s6 =	sadd.s32 @!p0 $0x88, s6;
	s7 =	simm.s32 @p2 $0x1082  }
0x22: {  	[simem:s7], [sflag:s8] =	dma.local @!p0 [hbm:s6], $0xF7A  }
0x23: {  	s9 =	sor.u32 $0xD0000000, s2;
	s6 =	simm.s32 $0x108;
	_ =	swait.ge @!p0 [sflag:s8], $0x0  }
0x24: {  	s3 =	sadd.s32 $0x88, s3;
	s6 =	simm.s32 @!p1 $0x1082;
	[sflag:s4] =	ssyncset.s32 $0xFFFFF086  }
0x25: {  	[simem:s6], [sflag:s4] =	dma.local [hbm:s3], $0xF7A  }
0x26: {  	[smem:$0x3F93] =	sst s1;
	(tag) =	ssettag s2;
	_ =	strace s9  }
0x27: {  	s1 =	sld [smem:$0x3FA3]  }
0x28: {  	s2 =	sld [smem:$0x3FA4]  }
0x29: {  	s4 =	sld [smem:$0x3FA6]  }
0x2a: {  	p0 =	seq.s32 s5, $0x0;
	s5 =	sld [smem:$0x3FA7]  }
0x2b: {  	s6 =	sld [smem:$0x3FA8]  }
0x2c: {  	s7 =	sld [smem:$0x3FA9]  }
0x2d: {  	s3 =	simm.s32 $0x108;
	s8 =	sld [smem:$0x3FAA]  }
0x2e: {  	s3 =	simm.s32 @!p0 $0x1082;
	s9 =	sld [smem:$0x3FAB]  }
0x2f: {  	lr =	sadd.s32 s0, s3;
	s0 =	sld [smem:$0x3FA2]  }
0x30: {  	s3 =	sld [smem:$0x3FA5]  }
0x31: {  	[smem:$0x3FAE] =	sst s10  }
0x32: {  	s10 =	sld [smem:$0x3FAC];
	_ =	sdelay $0x3  }
0x33: {  	p0 =	seq.s32 s10, $0x1;
	s10 =	sld [smem:$0x3FAE];
	_ =	sdelay $0x3  }
0x34: {  	[smem:$0x3FAE] =	sst s10  }
0x35: {  	s10 =	sld [smem:$0x3FAD];
	_ =	sdelay $0x3  }
0x36: {  	p1 =	seq.s32 s10, $0x1;
	s10 =	sld [smem:$0x3FAE];
	_ =	sdelay $0x3  }
0x37: {  	[smem:$0x3FAE] =	sst s10  }
0x38: {  	s10 =	sld [smem:$0x3FAF]  }
0x39: {  	_ = 	snop;
	(pc) =	sbr.ind lr, $3  }
0x3a: {  	_ = 	snop  }
0x3b: {  	_ = 	snop  }
0x3c: {  	p2 =	seq.s32 s10, $0x1;
	s10 =	sld [smem:$0x3FAE]  }
0x3d: {  	_ =	shalt  }
0x3e: {  	_ =	shalt  }
0x3f: {  	_ =	shalt  }
0x40: {  	_ =	shalt  }
0x41: {  	_ =	shalt  }
0x42: {  	_ =	shalt  }
0x43: {  	_ =	shalt  }
0x44: {  	_ =	shalt  }
0x45: {  	_ =	shalt  }
0x46: {  	_ =	shalt  }
0x47: {  	_ =	shalt  }
0x48: {  	_ =	shalt  }
0x49: {  	_ =	shalt  }
0x4a: {  	_ =	shalt  }
0x4b: {  	_ =	shalt  }
0x4c: {  	_ =	shalt  }
0x4d: {  	_ =	shalt  }
0x4e: {  	_ =	shalt  }
0x4f: {  	_ =	shalt  }
0x50: {  	_ =	shalt  }
0x51: {  	_ =	shalt  }
0x52: {  	_ =	shalt  }
0x53: {  	_ =	shalt  }
0x54: {  	_ =	shalt  }
0x55: {  	_ =	shalt  }
0x56: {  	_ =	shalt  }
0x57: {  	_ =	shalt  }
0x58: {  	_ =	shalt  }
0x59: {  	_ =	shalt  }
0x5a: {  	_ =	shalt  }
0x5b: {  	_ =	shalt  }
0x5c: {  	_ =	shalt  }
0x5d: {  	_ =	shalt  }
0x5e: {  	_ =	shalt  }
0x5f: {  	_ =	shalt  }
0x60: {  	_ =	shalt  }
0x61: {  	_ =	shalt  }
0x62: {  	_ =	shalt  }
0x63: {  	_ =	shalt  }
0x64: {  	_ =	shalt  }
0x65: {  	_ =	shalt  }
0x66: {  	_ =	shalt  }
0x67: {  	_ =	shalt  }
0x68: {  	_ =	shalt  }
0x69: {  	_ =	shalt  }
0x6a: {  	_ =	shalt  }
0x6b: {  	_ =	shalt  }
0x6c: {  	_ =	shalt  }
0x6d: {  	_ =	shalt  }
0x6e: {  	_ =	shalt  }
0x6f: {  	_ =	shalt  }
0x70: {  	_ =	shalt  }
0x71: {  	_ =	shalt  }
0x72: {  	_ =	shalt  }
0x73: {  	_ =	shalt  }
0x74: {  	_ =	shalt  }
0x75: {  	_ =	shalt  }
0x76: {  	_ =	shalt  }
0x77: {  	_ =	shalt  }
0x78: {  	_ =	shalt  }
0x79: {  	_ =	shalt  }
0x7a: {  	_ =	shalt  }
0x7b: {  	_ =	shalt  }
0x7c: {  	_ =	shalt  }
0x7d: {  	_ =	shalt  }
0x7e: {  	_ =	shalt  }
0x7f: {  	_ =	shalt  }
0x80: {  	_ =	shalt  }
0x81: {  	_ =	shalt  }
0x82: {  	_ =	shalt  }
0x83: {  	_ =	shalt  }
0x84: {  	_ =	shalt  }
0x85: {  	_ =	shalt  }
0x86: {  	_ =	shalt  }
0x87: {  	_ =	shalt  }
.Lfunc_end0:
.L_simem_size_0:
called_computation_lowered:
.L_overlay_start_0:
0x88: {  	s2 =	sld [smem:$0x3FD9]  }
0x89: {  	s3 =	sld [smem:$0x3FFE];
	_ =	sdelay $0x1  }
0x8a: {  	s1 =	srdreg.scid  }
0x8b: {  	s0 =	sand.u32 $0x1, s1  }
0x8c: {  	s17 =	sshll.u32 s0, $0xA;
	s2 =	sadd.s32 s3, s2  }
0x8d: {  	s2 =	sadd.s32 s2, s17  }
0x8e: {  	[smem:$0x3FBA] =	sst s2  }
0x8f: {  	_ = 	snop  }
0x90: {  	s2 =	sld [smem:$0x3FC7];
	(tm) =	ssettm $0x1  }
0x91: {  	s18 =	sld [smem:$0x3FFB];
	_ =	sdelay $0x3  }
0x92: {  	_ =	strace s18  }
0x93: {  	s3 =	sld [smem:$0x3FFC];
	_ =	sdelay $0x3  }
0x94: {  	_ =	strace s3  }
0x95: {  	s3 =	sld [smem:$0x3FFD];
	_ =	sdelay $0x3  }
0x96: {  	_ =	strace s3  }
0x97: {  	_ =	strace $0x8FFFFFFF  }
0x98: {  	s19 =	sld [smem:$0x3FDB];
	_ =	sdelay $0x1  }
0x99: {  	s4 =	simm.s32 $_scs_section_size  }
0x9a: {  	s5 =	simm.s32 $_size__tile_overlayer_lowered;
	s6 =	simm.s32 $_tile_overlayer_lowered  }
0x9b: {  	s22 =	simm.s32 $0x1BFF;
	s21 =	sshll.u32 s6, $0x1;
	s3 =	sadd.s32 s4, s19  }
0x9c: {  	s7 =	simm.s32 $0x0;
	s20 =	sshll.u32 s5, $0x1;
	s5 =	sadd.s32 s21, s3  }
0x9d: {  	[timem:s7], [sflag:s22] =	dma.local [hbm:s5], s20  }
0x9e: {  	_ =	swait.ge [sflag:s22], s20  }
0x9f: {  	s4 =	ssub.s32 $0x0, s20;
	[sflag:s22] =	ssyncset.done $0x0  }
0xa0: {  	[sflag:s22] =	ssyncadd.s32 s4;
	_ =	sdelay $0x1  }
0xa1: {  	s23 =	simm.s32 $0x1B8B  }
0xa2: {  	_ =	swait.ge [sflag:s23], $0x1  }
0xa3: {  	[sflag:s23] =	ssyncset.done $0x0  }
0xa4: {  	s25 =	simm.s32 $0x1B8E;
	s24 =	sld [smem:$0x3FFE];
	[sflag:s23] =	ssyncadd.s32 $0xFFFFFFFF  }
0xa5: {  	s26 =	simm.s32 $execute0_lowered;
	[smem:$0x3FD2] =	sst s25  }
0xa6: {  	s5 =	sshll.u32 s26, $0x1;
	_ =	strace $0x80000046;
	[dreg:$0x1] =	wrdreg $0xFFFFFFFF  }
0xa7: {  	s28 =	simm.s32 $_size_execute0_lowered;
	s3 =	sadd.s32 s3, s5;
	[dreg:$0x0] =	wrdreg $0x0  }
0xa8: {  	s5 =	sshll.u32 s28, $0x1;
	[dreg:$0x2] =	wrdreg s3  }
0xa9: {  	[dreg:$0x3] =	wrdreg s5  }
0xaa: {  	[dreg:$0x4] =	wrdreg $0xC0  }
0xab: {  	_ =	task [dreg:s7], $0x5FFFF  }
0xac: {  	[dreg:$0x1] =	wrdreg $0xFFFFFFFF  }
0xad: {  	[dreg:$0x0] =	wrdreg $0x60  }
0xae: {  	[dreg:$0x2] =	wrdreg s24  }
0xaf: {  	[dreg:$0x3] =	wrdreg s2  }
0xb0: {  	[dreg:$0x4] =	wrdreg $0x9  }
0xb1: {  	_ =	task.clear_ibuf [dreg:s7], $0x5FFFF;
	_ =	strace $0x90000046  }
0xb2: {  	s29 =	simm.s32 $0x9;
	_ =	strace $0x80000048  }
0xb3: {  	_ =	swait.ge [sflag:s29], $0x1  }
0xb4: {  	[sflag:s29] =	ssyncadd.s32 $0xFFFFFFFF  }
0xb5: {  	_ =	strace $0x90000048  }
0xb6: {  	_ =	sfence  }
0xb7: {  	s30 =	sld [smem:$0x0];
	_ =	sdelay $0x2  }
0xb8: {  	s31 =	sshll.u32 s1, $0xD;
	s1 =	sshrl.u32 s1, $0x2  }
0xb9: {  	s3 =	sand.u32 $0x4000, s31;
	s1 =	sadd.s32 s1, s30  }
0xba: {  	s0 =	sor.u32 s3, s0;
	s1 =	sshll.u32 s1, $0x11  }
0xbb: {  	s0 =	sor.u32 s1, s0  }
0xbc: {  	s0 =	sadd.s32 $0x8F2B, s0  }
0xbd: {  	[sflag:s0] =	ssyncadd.remote.s32 $0x1  }
0xbe: {  	_ =	sfence.sel $0xFFFF  }
0xbf: {  	[dreg:$0x0] =	wrdreg $0xFFFFFFFF;
	(pc) =	sbr.abs _section_cstart, $3  }
0xc0: {  	[dreg:$0x1] =	wrdreg $0xFFFFFFFF  }
0xc1: {  	_ =	task.clear_ibuf [dreg:s7], $0x2FFFF;
	_ =	strace $0x9FFFFFFF  }
0xc2: {  	(tm) =	ssettm $0x7FFFFFFF  }
0xc3: {  	_ =	shalt  }
tec
execute0_lowered:
.L_overlay_start_1:
0x0: {  	(tag) =	ssettag $0x1  }
0x1: {  	s5 =	rddreg [dreg:$0x0]  }
0x2: {  	s2 =	rddreg [dreg:$0x1]  }
0x3: {  	s3 =	srdreg.scid;
	s1 =	stileid.u32  }
0x4: {  	s0 =	rddreg [dreg:$0x2];
	s13 =	simm.s32 $0x3780;
	s14 =	simm.s32 $0x3F80  }
0x5: {  	s15 =	simm.s32 $0x1;
	s16 =	simm.s32 $0x2;
	s17 =	simm.s32 $0x80  }
0x6: {  	s18 =	simm.s32 $0x400;
	s19 =	simm.s32 $0x3;
	s20 =	simm.s32 $0x0  }
0x7: {  	s6 =	sand.u32 $0x1, s3;
	s4 =	sshll.u32 s1, $0x1;
	s3 =	simm.s32 $0x0  }
0x8: {  	s7 =	sshrl.u32 s1, $0x2;
	s4 =	sor.u32 s6, s4;
	[smem:$0x7FF] =	sst s3  }
0x9: {  	s7 =	smul.u32 $0x13C00, s7;
	s6 =	ssub.s32 $0x2, s6;
	s8 =	sshll.u32 s4, $0x7  }
0xa: {  	_ =	strace $0x80000047;
	s9 =	smul.u32 $0x2710, s4;
	s8 =	sand.u32 $0x380, s8  }
0xb: {  	s4 =	sadd.s32 $0x5400, s5;
	s31 =	sshrl.u32 s6, $0x1;
	s7 =	sor.u32 s7, s8  }
0xc: {  	s12 =	ssub.s32 s6, s31;
	s10 =	sshrl.u32 s9, $0x3;
	s7 =	sshrl.u32 s7, $0x3  }
0xd: {  	s8 =	sadd.s32 $0xFA0, s9;
	s6 =	sadd.s32 s2, s10;
	s11 =	sadd.s32 s7, s5  }
0xe: {  	s5 =	sadd.s32 s4, s10;
	s7 =	sadd.s32 $0x7D0, s9;
	s10 =	smax.u32 s12, $0x1  }
0xf: {  	v0 =	vimm.f32 $0.0e+00;
	s12 =	simm.s32 $0x2F80;
	s9 =	sadd.s32 $0xF200, s11;
	s11 =	simm.s32 $0x2780  }
.LBB2_1:
0x10: {  	[tilespmem:s11], [sflag:$0x1] =	stream.linear.gather [hbm4b:s5+s3], $0x7D0, $0x38;
	[tilespmem:$0x4780] =	vst v63  }
0x11: {  	s21 =	simm.s32 $0x20  }
0x12: {  	[tilespmem:s12], [sflag:$0x1] =	stream.linear.gather [hbm4b:s6+s3], $0x7D0, $0x38;
	[tilespmem:$0x4780] =	vst v63  }
0x13: {  	[tilespmem:s21+$0xFFFFFFE0] =	vst v0  }
0x14: {  	[tilespmem:s21+$0x10] =	vst v0  }
0x15: {  	s22 =	simm.s32 $0x0;
	[tilespmem:s21+$0x0] =	vst v0  }
.LBB2_2:
0x16: {  	s22 =	sadd.s32 $0x4, s22  }
0x17: {  	[tilespmem:s21+$0xFFFFFFF0] =	vst v0;
	s21 =	sadd.s32 $0x40, s21;
	p0 =	slt.u32 s22, $0x26C  }
.Ltmp0:
0x18: {  	[tilespmem:s21+$0xFFFFFFE0] =	vst v0;
	(pc) =	sbr.rel @p0 .LBB2_2-.Ltmp0, $3  }
0x19: {  	_ =	sdelay $0x1  }
0x1a: {  	[tilespmem:s21+$0x10] =	vst v0  }
0x1b: {  	[tilespmem:s21+$0x0] =	vst v0  }
0x1c: {  	[tilespmem:s21+$0xFFFFFFF0] =	vst v0  }
0x1d: {  	s21 =	simm.s32 $0x0;
	p1 =	por $0x1, $0x1;
	[tilespmem:$0x2700] =	vst v0  }
.LBB2_4:
0x1e: {  	s22 =	sadd.s32 s21, s7  }
0x1f: {  	s22 =	sshrl.u32 s22, $0x3  }
0x20: {  	s23 =	sadd.s32 s4, s22  }
0x21: {  	[tilespmem:s13], [sflag:$0x2] =	stream.linear.gather [hbm4b:s23+s3], $0x7D0, $0x38;
	[tilespmem:$0x4780] =	vst v63  }
0x22: {  	s22 =	sadd.s32 s2, s22  }
0x23: {  	[tilespmem:s14], [sflag:$0x2] =	stream.linear.gather [hbm4b:s22+s3], $0x7D0, $0x38;
	[tilespmem:$0x4780] =	vst v63  }
0x24: {  	_ =	swait.ge [sflag:s15], $0x7D0  }
0x25: {  	[sflag:s15] =	ssyncset.done $0x0  }
0x26: {  	[sflag:s15] =	ssyncadd.s32 $0xFFFFF830  }
0x27: {  	_ =	swait.ge [sflag:s15], $0x7D0  }
0x28: {  	[sflag:s15] =	ssyncset.done $0x0  }
0x29: {  	s31 =	simm.s32 $0x27A0;
	[sflag:s15] =	ssyncadd.s32 $0xFFFFF830  }
0x2a: {  	v1 =	vld [tilespmem:s31+$0x10];
	_ =	sdelay $0x1  }
0x2b: {  	v2 =	vld [tilespmem:s31+$0xFFFFFFF0]  }
0x2c: {  	v6 =	vld [tilespmem:s31+$0x0]  }
0x2d: {  	s22 =	simm.s32 $0x2FA0;
	v7 =	vld [tilespmem:s31+$0xFFFFFFE0]  }
0x2e: {  	v9 =	vld [tilespmem:s22+$0x10];
	v8 =	vshrl.u32 v1, $0x10  }
0x2f: {  	v4 =	vld [tilespmem:s22+$0xFFFFFFF0]  }
0x30: {  	v5 =	vld [tilespmem:s22+$0x0];
	_ =	sdelay $0x1  }
0x31: {  	v3 =	vld [tilespmem:s22+$0xFFFFFFE0]  }
0x32: {  	p0 =	por p1, p1;
	s24 =	simm.s32 $0x27E0;
	s23 =	simm.s32 $0x0;
	v1 =	vshrl.u32 v2, $0x10;
	v2 =	vshrl.u32 v6, $0x10;
	v6 =	vshrl.u32 v7, $0x10;
	[tilespmem:v8+s3+$0x0] =	vst.idx.add.f32.msk $0xffff, v9  }
.LBB2_5:
0x33: {  	v7 =	vld [tilespmem:s24+$0x10];
	s23 =	sadd.s32 $0x4, s23;
	v8 =	vmov v4  }
0x34: {  	v4 =	vld [tilespmem:s24+$0xFFFFFFF0];
	p1 =	slt.u32 s23, $0x78;
	v9 =	vmov v5  }
0x35: {  	v5 =	vld [tilespmem:s24+$0x0]  }
0x36: {  	v10 =	vld [tilespmem:s24+$0xFFFFFFE0]  }
0x37: {  	s22 =	sadd.s32 $0x40, s22;
	[tilespmem:v6+s3+$0x0] =	vst.idx.add.f32.msk $0xffff, v3  }
0x38: {  	v7 =	vshrl.u32 v7, $0x10;
	v11 =	vld [tilespmem:s22+$0x10]  }
0x39: {  	v3 =	vld [tilespmem:s22+$0xFFFFFFE0];
	v12 =	vshrl.u32 v4, $0x10  }
.Ltmp1:
0x3a: {  	v4 =	vld [tilespmem:s22+$0xFFFFFFF0];
	v13 =	vshrl.u32 v5, $0x10;
	(pc) =	sbr.rel @p1 .LBB2_5-.Ltmp1, $4  }
0x3b: {  	v6 =	vshrl.u32 v10, $0x10;
	v5 =	vld [tilespmem:s22+$0x0]  }
0x3c: {  	[tilespmem:v1+s3+$0x0] =	vst.idx.add.f32.msk $0xffff, v8;
	v1 =	vmov v12  }
0x3d: {  	[tilespmem:v7+s3+$0x0] =	vst.idx.add.f32.msk $0xffff, v11  }
0x3e: {  	s24 =	sadd.s32 $0x40, s24;
	[tilespmem:v2+s3+$0x0] =	vst.idx.add.f32.msk $0xffff, v9;
	v2 =	vmov v13  }
0x3f: {  	_ =	sdelay $0x3  }
0x40: {  	[tilespmem:v6+s3+$0x0] =	vst.idx.add.f32.msk $0xffff, v3  }
0x41: {  	[tilespmem:v1+s3+$0x0] =	vst.idx.add.f32.msk $0xffff, v4  }
0x42: {  	[tilespmem:v2+s3+$0x0] =	vst.idx.add.f32.msk $0xffff, v5  }
0x43: {  	v1 =	vld [tilespmem:$0x2F40];
	_ =	sdelay $0x4  }
0x44: {  	v2 =	vld [tilespmem:$0x3740];
	v1 =	vshrl.u32 v1, $0x10;
	_ =	sdelay $0x2  }
0x45: {  	s21 =	sadd.s32 s21, s8  }
0x46: {  	s21 =	sshrl.u32 s21, $0x3  }
0x47: {  	s22 =	sadd.s32 s4, s21;
	[tilespmem:v1+s3+$0x0] =	vst.idx.add.f32.msk $0xffff, v2  }
0x48: {  	[tilespmem:s11], [sflag:$0x1] =	stream.linear.gather [hbm4b:s22+s3], $0x7D0, $0x38;
	[tilespmem:$0x4780] =	vst v63  }
0x49: {  	s21 =	sadd.s32 s2, s21  }
0x4a: {  	[tilespmem:s12], [sflag:$0x1] =	stream.linear.gather [hbm4b:s21+s3], $0x7D0, $0x38;
	[tilespmem:$0x4780] =	vst v63  }
0x4b: {  	_ =	swait.ge [sflag:s16], $0x7D0  }
0x4c: {  	[sflag:s16] =	ssyncset.done $0x0  }
0x4d: {  	[sflag:s16] =	ssyncadd.s32 $0xFFFFF830  }
0x4e: {  	_ =	swait.ge [sflag:s16], $0x7D0  }
0x4f: {  	[sflag:s16] =	ssyncset.done $0x0  }
0x50: {  	s31 =	simm.s32 $0x37A0;
	[sflag:s16] =	ssyncadd.s32 $0xFFFFF830  }
0x51: {  	v1 =	vld [tilespmem:s31+$0x10];
	_ =	sdelay $0x1  }
0x52: {  	v2 =	vld [tilespmem:s31+$0xFFFFFFF0]  }
0x53: {  	v4 =	vld [tilespmem:s31+$0x0]  }
0x54: {  	s21 =	simm.s32 $0x3FA0;
	v7 =	vld [tilespmem:s31+$0xFFFFFFE0]  }
0x55: {  	v9 =	vld [tilespmem:s21+$0x10];
	v8 =	vshrl.u32 v1, $0x10  }
0x56: {  	v5 =	vld [tilespmem:s21+$0xFFFFFFF0]  }
0x57: {  	v6 =	vld [tilespmem:s21+$0x0];
	_ =	sdelay $0x1  }
0x58: {  	v3 =	vld [tilespmem:s21+$0xFFFFFFE0]  }
0x59: {  	s23 =	simm.s32 $0x37E0;
	s22 =	simm.s32 $0x0;
	v1 =	vshrl.u32 v2, $0x10;
	v2 =	vshrl.u32 v4, $0x10;
	v4 =	vshrl.u32 v7, $0x10;
	[tilespmem:v8+s3+$0x0] =	vst.idx.add.f32.msk $0xffff, v9  }
.LBB2_7:
0x5a: {  	v7 =	vld [tilespmem:s23+$0x10];
	s22 =	sadd.s32 $0x4, s22;
	v8 =	vmov v5  }
0x5b: {  	v5 =	vld [tilespmem:s23+$0xFFFFFFF0];
	p1 =	slt.u32 s22, $0x78;
	v9 =	vmov v6  }
0x5c: {  	v6 =	vld [tilespmem:s23+$0x0]  }
0x5d: {  	v10 =	vld [tilespmem:s23+$0xFFFFFFE0]  }
0x5e: {  	s21 =	sadd.s32 $0x40, s21;
	[tilespmem:v4+s3+$0x0] =	vst.idx.add.f32.msk $0xffff, v3  }
0x5f: {  	v7 =	vshrl.u32 v7, $0x10;
	v11 =	vld [tilespmem:s21+$0x10]  }
0x60: {  	v3 =	vld [tilespmem:s21+$0xFFFFFFE0];
	v12 =	vshrl.u32 v5, $0x10  }
.Ltmp2:
0x61: {  	v5 =	vld [tilespmem:s21+$0xFFFFFFF0];
	v13 =	vshrl.u32 v6, $0x10;
	(pc) =	sbr.rel @p1 .LBB2_7-.Ltmp2, $4  }
0x62: {  	v4 =	vshrl.u32 v10, $0x10;
	v6 =	vld [tilespmem:s21+$0x0]  }
0x63: {  	[tilespmem:v1+s3+$0x0] =	vst.idx.add.f32.msk $0xffff, v8;
	v1 =	vmov v12  }
0x64: {  	[tilespmem:v7+s3+$0x0] =	vst.idx.add.f32.msk $0xffff, v11  }
0x65: {  	s23 =	sadd.s32 $0x40, s23;
	[tilespmem:v2+s3+$0x0] =	vst.idx.add.f32.msk $0xffff, v9;
	v2 =	vmov v13  }
0x66: {  	_ =	sdelay $0x3  }
0x67: {  	[tilespmem:v4+s3+$0x0] =	vst.idx.add.f32.msk $0xffff, v3  }
0x68: {  	[tilespmem:v1+s3+$0x0] =	vst.idx.add.f32.msk $0xffff, v5  }
0x69: {  	[tilespmem:v2+s3+$0x0] =	vst.idx.add.f32.msk $0xffff, v6  }
0x6a: {  	v1 =	vld [tilespmem:$0x3F40];
	_ =	sdelay $0x4  }
0x6b: {  	v2 =	vld [tilespmem:$0x4740];
	v1 =	vshrl.u32 v1, $0x10  }
.Ltmp3:
0x6c: {  	_ = 	snop;
	(pc) =	sbr.rel @p0 .LBB2_4-.Ltmp3, $2  }
0x6d: {  	_ =	sdelay $0x2  }
0x6e: {  	s21 =	simm.s32 $0xFA0;
	p1 =	por $0x0, $0x0;
	[tilespmem:v1+s3+$0x0] =	vst.idx.add.f32.msk $0xffff, v2  }
0x6f: {  	_ =	swait.ge [sflag:s15], $0x7D0  }
0x70: {  	[sflag:s15] =	ssyncset.done $0x0  }
0x71: {  	[sflag:s15] =	ssyncadd.s32 $0xFFFFF830  }
0x72: {  	_ =	swait.ge [sflag:s15], $0x7D0  }
0x73: {  	[sflag:s15] =	ssyncset.done $0x0  }
0x74: {  	s22 =	simm.s32 $0x27A0;
	[sflag:s15] =	ssyncadd.s32 $0xFFFFF830  }
0x75: {  	v1 =	vld [tilespmem:s22+$0x10];
	_ =	sdelay $0x1  }
0x76: {  	v2 =	vld [tilespmem:s22+$0xFFFFFFF0]  }
0x77: {  	v4 =	vld [tilespmem:s22+$0x0]  }
0x78: {  	s21 =	simm.s32 $0x2FA0;
	v7 =	vld [tilespmem:s22+$0xFFFFFFE0]  }
0x79: {  	v9 =	vld [tilespmem:s21+$0x10];
	v8 =	vshrl.u32 v1, $0x10  }
0x7a: {  	v5 =	vld [tilespmem:s21+$0xFFFFFFF0]  }
0x7b: {  	v6 =	vld [tilespmem:s21+$0x0];
	_ =	sdelay $0x1  }
0x7c: {  	v3 =	vld [tilespmem:s21+$0xFFFFFFE0]  }
0x7d: {  	s23 =	simm.s32 $0x27E0;
	s22 =	simm.s32 $0x0;
	v1 =	vshrl.u32 v2, $0x10;
	v2 =	vshrl.u32 v4, $0x10;
	v4 =	vshrl.u32 v7, $0x10;
	[tilespmem:v8+s3+$0x0] =	vst.idx.add.f32.msk $0xffff, v9  }
.LBB2_10:
0x7e: {  	v7 =	vld [tilespmem:s23+$0x10];
	s22 =	sadd.s32 $0x4, s22;
	v8 =	vmov v5  }
0x7f: {  	v5 =	vld [tilespmem:s23+$0xFFFFFFF0];
	p0 =	slt.u32 s22, $0x78;
	v9 =	vmov v6  }
0x80: {  	v6 =	vld [tilespmem:s23+$0x0]  }
0x81: {  	v10 =	vld [tilespmem:s23+$0xFFFFFFE0]  }
0x82: {  	s21 =	sadd.s32 $0x40, s21;
	[tilespmem:v4+s3+$0x0] =	vst.idx.add.f32.msk $0xffff, v3  }
0x83: {  	v7 =	vshrl.u32 v7, $0x10;
	v11 =	vld [tilespmem:s21+$0x10]  }
0x84: {  	v3 =	vld [tilespmem:s21+$0xFFFFFFE0];
	v12 =	vshrl.u32 v5, $0x10  }
.Ltmp4:
0x85: {  	v5 =	vld [tilespmem:s21+$0xFFFFFFF0];
	v13 =	vshrl.u32 v6, $0x10;
	(pc) =	sbr.rel @p0 .LBB2_10-.Ltmp4, $4  }
0x86: {  	v4 =	vshrl.u32 v10, $0x10;
	v6 =	vld [tilespmem:s21+$0x0]  }
0x87: {  	[tilespmem:v1+s3+$0x0] =	vst.idx.add.f32.msk $0xffff, v8;
	v1 =	vmov v12  }
0x88: {  	[tilespmem:v7+s3+$0x0] =	vst.idx.add.f32.msk $0xffff, v11  }
0x89: {  	s23 =	sadd.s32 $0x40, s23;
	[tilespmem:v2+s3+$0x0] =	vst.idx.add.f32.msk $0xffff, v9;
	v2 =	vmov v13  }
0x8a: {  	_ =	sdelay $0x3  }
0x8b: {  	[tilespmem:v4+s3+$0x0] =	vst.idx.add.f32.msk $0xffff, v3  }
0x8c: {  	[tilespmem:v1+s3+$0x0] =	vst.idx.add.f32.msk $0xffff, v5  }
0x8d: {  	[tilespmem:v2+s3+$0x0] =	vst.idx.add.f32.msk $0xffff, v6  }
0x8e: {  	v1 =	vld [tilespmem:$0x2F40];
	_ =	sdelay $0x4  }
0x8f: {  	v2 =	vld [tilespmem:$0x3740];
	v1 =	vshrl.u32 v1, $0x10;
	_ =	sdelay $0x2  }
0x90: {  	s20 =	sadd.s32 $0x1, s20  }
0x91: {  	p0 =	sne.s32 s20, s10  }
.Ltmp5:
0x92: {  	[tilespmem:v1+s3+$0x0] =	vst.idx.add.f32.msk $0xffff, v2;
	(pc) =	sbr.rel @p0 .LBB2_1-.Ltmp5, $4  }
0x93: {  	[hbm4b:s9+s17] =	stream.strided.scatter [tilespmem:s3], [sflag:$0x3], $0x2780, s18, s17, $0x38;
	[tilespmem:$0x4780] =	vst v63  }
0x94: {  	_ =	swait.ge [sflag:s19], $0x2780  }
0x95: {  	[sflag:s19] =	ssyncset.done $0x0  }
0x96: {  	[sflag:s19] =	ssyncadd.s32 $0xFFFFD880  }
0x97: {  	_ =	sfence.sel $0x180000  }
0x98: {  	[bflag:$0x0] =	sbarrier.arrive $0xFFFF  }
0x99: {  	p0 =	sne.s32 s1, $0x0;
	_ =	strace $0x90000047  }
0x9a: {  	s0 =	sadd.s32 @!p0 $0x100000, s0;
	[bflag:$0x2] =	sbarrier.arrive $0xFFFF  }
0x9b: {  	[sflag:s0] =	ssyncadd.tile.s32 @!p0 $0x1;
	_ =	shalt  }
.Lfunc_end2:
_tile_overlayer_lowered:
.L_overlay_start_2:
0x9c: {  	(tag) =	ssettag $0x2  }
0x9d: {  	s0 =	rddreg [dreg:$0x0];
	s2 =	stileid.u32  }
0x9e: {  	s1 =	rddreg [dreg:$0x1];
	p0 =	sne.s32 s2, $0x0  }
0x9f: {  	s3 =	rddreg [dreg:$0x2];
	[bflag:$0x3] =	sbarrier.arrive $0xFFFF;
	s2 =	simm.s32 @!p0 $0x1C03  }
0xa0: {  	[timem:s3], [sflag:s2] =	dma.local @!p0 [hbm:s0], s1  }
0xa1: {  	s0 =	simm.s32 @!p0 $0x3  }
0xa2: {  	_ =	swait.ge @!p0 [sflag:s0], s1  }
0xa3: {  	s1 =	ssub.s32 @!p0 $0x0, s1;
	[sflag:s0] =	ssyncset.done @!p0 $0x0  }
0xa4: {  	[sflag:s0] =	ssyncadd.s32 @!p0 s1  }
0xa5: {  	[bflag:$0x3] =	sbarrier.arrive $0xFFFF  }
0xa6: {  	_ =	shalt  }

// kernel: kernel.18.cloned.1.call-start
scs
__scs_entry_jumppad:
0x0: {  	(pc) =	sbr.rel $0x88, $3  }
0x1: {  	(tag) =	ssettag $0x0;
	lr =	simm.s32 $0x1  }
0x2: {  	[smem:$0x3F93] =	sst lr;
	_ =	strace $0xD0000000  }
0x3: {  	_ = 	snop  }
0x4: {  	_ = 	snop  }
0x5: {  	_ = 	snop  }
0x6: {  	_ = 	snop  }
0x7: {  	_ = 	snop  }
__scs_overlays_trampoline_lowered:
0x8: {  	[smem:$0x3FA2] =	sst s0  }
0x9: {  	[smem:$0x3FA3] =	sst s1  }
0xa: {  	[smem:$0x3FA4] =	sst s2  }
0xb: {  	[smem:$0x3FA5] =	sst s3  }
0xc: {  	[smem:$0x3FA6] =	sst s4  }
0xd: {  	[smem:$0x3FA7] =	sst s5  }
0xe: {  	[smem:$0x3FA8] =	sst s6  }
0xf: {  	[smem:$0x3FA9] =	sst s7  }
0x10: {  	[smem:$0x3FAA] =	sst s8  }
0x11: {  	[smem:$0x3FAB] =	sst s9;
	s0 =	simm.s32 @!p0 $0x0  }
0x12: {  	s1 =	sld [smem:$0x3F91];
	s0 =	simm.s32 @p0 $0x1  }
0x13: {  	[smem:$0x3FAC] =	sst s0;
	s0 =	simm.s32 @!p1 $0x0  }
0x14: {  	s2 =	sld [smem:$0x3F90];
	s0 =	simm.s32 @p1 $0x1  }
0x15: {  	[smem:$0x3FAD] =	sst s0;
	s0 =	simm.s32 @!p2 $0x0  }
0x16: {  	s3 =	sld [smem:$0x3FDB];
	s0 =	simm.s32 @p2 $0x1  }
0x17: {  	s4 =	simm.s32 $0x1BF5;
	[smem:$0x3FAF] =	sst s0  }
0x18: {  	s0 =	sld [smem:$0x3F92];
	_ =	swait.ge [sflag:s4], $0x0  }
0x19: {  	s7 =	sld [smem:$0x3F93]  }
0x1a: {  	s8 =	sadd.s32 $0xFFFFE003, lr  }
0x1b: {  	s9 =	sadd.s32 $0xFFFFFEF7, lr;
	s5 =	simm.s32 $0xFFFFFFFF;
	p2 =	slt.u32 s8, $0xFFFFF086  }
0x1c: {  	p1 =	slt.u32 s9, $0xF7A;
	s5 =	simm.s32 @!p2 $0x0  }
0x1d: {  	s5 =	simm.s32 @p1 $0x1;
	p0 =	seq.s32 s7, s2  }
0x1e: {  	s7 =	smul.u32 @!p0 $0xF7A, s2;
	p2 =	seq.s32 @!p0 s5, $0x0  }
0x1f: {  	s9 =	smul.u32 $0xF7A, s1;
	s8 =	simm.s32 @!p0 $0x1BF5;
	p2 =	por !p2, p0  }
0x20: {  	[sflag:s8] =	ssyncset.s32 @!p0 $0xFFFFF086;
	s6 =	sadd.s32 @!p0 s3, s7;
	s7 =	simm.s32 @!p0 $0x108  }
0x21: {  	s3 =	sadd.s32 s3, s9;
	s6 =	sadd.s32 @!p0 $0x88, s6;
	s7 =	simm.s32 @p2 $0x1082  }
0x22: {  	[simem:s7], [sflag:s8] =	dma.local @!p0 [hbm:s6], $0xF7A  }
0x23: {  	s9 =	sor.u32 $0xD0000000, s2;
	s6 =	simm.s32 $0x108;
	_ =	swait.ge @!p0 [sflag:s8], $0x0  }
0x24: {  	s3 =	sadd.s32 $0x88, s3;
	s6 =	simm.s32 @!p1 $0x1082;
	[sflag:s4] =	ssyncset.s32 $0xFFFFF086  }
0x25: {  	[simem:s6], [sflag:s4] =	dma.local [hbm:s3], $0xF7A  }
0x26: {  	[smem:$0x3F93] =	sst s1;
	(tag) =	ssettag s2;
	_ =	strace s9  }
0x27: {  	s1 =	sld [smem:$0x3FA3]  }
0x28: {  	s2 =	sld [smem:$0x3FA4]  }
0x29: {  	s4 =	sld [smem:$0x3FA6]  }
0x2a: {  	p0 =	seq.s32 s5, $0x0;
	s5 =	sld [smem:$0x3FA7]  }
0x2b: {  	s6 =	sld [smem:$0x3FA8]  }
0x2c: {  	s7 =	sld [smem:$0x3FA9]  }
0x2d: {  	s3 =	simm.s32 $0x108;
	s8 =	sld [smem:$0x3FAA]  }
0x2e: {  	s3 =	simm.s32 @!p0 $0x1082;
	s9 =	sld [smem:$0x3FAB]  }
0x2f: {  	lr =	sadd.s32 s0, s3;
	s0 =	sld [smem:$0x3FA2]  }
0x30: {  	s3 =	sld [smem:$0x3FA5]  }
0x31: {  	[smem:$0x3FAE] =	sst s10  }
0x32: {  	s10 =	sld [smem:$0x3FAC];
	_ =	sdelay $0x3  }
0x33: {  	p0 =	seq.s32 s10, $0x1;
	s10 =	sld [smem:$0x3FAE];
	_ =	sdelay $0x3  }
0x34: {  	[smem:$0x3FAE] =	sst s10  }
0x35: {  	s10 =	sld [smem:$0x3FAD];
	_ =	sdelay $0x3  }
0x36: {  	p1 =	seq.s32 s10, $0x1;
	s10 =	sld [smem:$0x3FAE];
	_ =	sdelay $0x3  }
0x37: {  	[smem:$0x3FAE] =	sst s10  }
0x38: {  	s10 =	sld [smem:$0x3FAF]  }
0x39: {  	_ = 	snop;
	(pc) =	sbr.ind lr, $3  }
0x3a: {  	_ = 	snop  }
0x3b: {  	_ = 	snop  }
0x3c: {  	p2 =	seq.s32 s10, $0x1;
	s10 =	sld [smem:$0x3FAE]  }
0x3d: {  	_ =	shalt  }
0x3e: {  	_ =	shalt  }
0x3f: {  	_ =	shalt  }
0x40: {  	_ =	shalt  }
0x41: {  	_ =	shalt  }
0x42: {  	_ =	shalt  }
0x43: {  	_ =	shalt  }
0x44: {  	_ =	shalt  }
0x45: {  	_ =	shalt  }
0x46: {  	_ =	shalt  }
0x47: {  	_ =	shalt  }
0x48: {  	_ =	shalt  }
0x49: {  	_ =	shalt  }
0x4a: {  	_ =	shalt  }
0x4b: {  	_ =	shalt  }
0x4c: {  	_ =	shalt  }
0x4d: {  	_ =	shalt  }
0x4e: {  	_ =	shalt  }
0x4f: {  	_ =	shalt  }
0x50: {  	_ =	shalt  }
0x51: {  	_ =	shalt  }
0x52: {  	_ =	shalt  }
0x53: {  	_ =	shalt  }
0x54: {  	_ =	shalt  }
0x55: {  	_ =	shalt  }
0x56: {  	_ =	shalt  }
0x57: {  	_ =	shalt  }
0x58: {  	_ =	shalt  }
0x59: {  	_ =	shalt  }
0x5a: {  	_ =	shalt  }
0x5b: {  	_ =	shalt  }
0x5c: {  	_ =	shalt  }
0x5d: {  	_ =	shalt  }
0x5e: {  	_ =	shalt  }
0x5f: {  	_ =	shalt  }
0x60: {  	_ =	shalt  }
0x61: {  	_ =	shalt  }
0x62: {  	_ =	shalt  }
0x63: {  	_ =	shalt  }
0x64: {  	_ =	shalt  }
0x65: {  	_ =	shalt  }
0x66: {  	_ =	shalt  }
0x67: {  	_ =	shalt  }
0x68: {  	_ =	shalt  }
0x69: {  	_ =	shalt  }
0x6a: {  	_ =	shalt  }
0x6b: {  	_ =	shalt  }
0x6c: {  	_ =	shalt  }
0x6d: {  	_ =	shalt  }
0x6e: {  	_ =	shalt  }
0x6f: {  	_ =	shalt  }
0x70: {  	_ =	shalt  }
0x71: {  	_ =	shalt  }
0x72: {  	_ =	shalt  }
0x73: {  	_ =	shalt  }
0x74: {  	_ =	shalt  }
0x75: {  	_ =	shalt  }
0x76: {  	_ =	shalt  }
0x77: {  	_ =	shalt  }
0x78: {  	_ =	shalt  }
0x79: {  	_ =	shalt  }
0x7a: {  	_ =	shalt  }
0x7b: {  	_ =	shalt  }
0x7c: {  	_ =	shalt  }
0x7d: {  	_ =	shalt  }
0x7e: {  	_ =	shalt  }
0x7f: {  	_ =	shalt  }
0x80: {  	_ =	shalt  }
0x81: {  	_ =	shalt  }
0x82: {  	_ =	shalt  }
0x83: {  	_ =	shalt  }
0x84: {  	_ =	shalt  }
0x85: {  	_ =	shalt  }
0x86: {  	_ =	shalt  }
0x87: {  	_ =	shalt  }
.Lfunc_end0:
.L_simem_size_0:
called_computation.1_lowered:
.L_overlay_start_0:
0x88: {  	s2 =	sld [smem:$0x3FD9]  }
0x89: {  	s3 =	sld [smem:$0x3FFE];
	_ =	sdelay $0x1  }
0x8a: {  	s1 =	srdreg.scid  }
0x8b: {  	s0 =	sand.u32 $0x1, s1  }
0x8c: {  	s17 =	sshll.u32 s0, $0xA;
	s2 =	sadd.s32 s3, s2  }
0x8d: {  	s2 =	sadd.s32 s2, s17  }
0x8e: {  	[smem:$0x3FBA] =	sst s2  }
0x8f: {  	_ = 	snop  }
0x90: {  	s2 =	sld [smem:$0x3FC7];
	(tm) =	ssettm $0x1  }
0x91: {  	s18 =	sld [smem:$0x3FFB];
	_ =	sdelay $0x3  }
0x92: {  	_ =	strace s18  }
0x93: {  	s3 =	sld [smem:$0x3FFC];
	_ =	sdelay $0x3  }
0x94: {  	_ =	strace s3  }
0x95: {  	s3 =	sld [smem:$0x3FFD];
	_ =	sdelay $0x3  }
0x96: {  	_ =	strace s3  }
0x97: {  	_ =	strace $0x8FFFFFFF  }
0x98: {  	s19 =	sld [smem:$0x3FDB];
	_ =	sdelay $0x1  }
0x99: {  	s4 =	simm.s32 $_scs_section_size  }
0x9a: {  	s5 =	simm.s32 $_size__tile_overlayer_lowered;
	s6 =	simm.s32 $_tile_overlayer_lowered  }
0x9b: {  	s22 =	simm.s32 $0x1BFF;
	s21 =	sshll.u32 s6, $0x1;
	s3 =	sadd.s32 s4, s19  }
0x9c: {  	s7 =	simm.s32 $0x0;
	s20 =	sshll.u32 s5, $0x1;
	s5 =	sadd.s32 s21, s3  }
0x9d: {  	[timem:s7], [sflag:s22] =	dma.local [hbm:s5], s20  }
0x9e: {  	_ =	swait.ge [sflag:s22], s20  }
0x9f: {  	s4 =	ssub.s32 $0x0, s20;
	[sflag:s22] =	ssyncset.done $0x0  }
0xa0: {  	[sflag:s22] =	ssyncadd.s32 s4;
	_ =	sdelay $0x1  }
0xa1: {  	s23 =	simm.s32 $0x1B8B  }
0xa2: {  	_ =	swait.ge [sflag:s23], $0x1  }
0xa3: {  	[sflag:s23] =	ssyncset.done $0x0  }
0xa4: {  	s25 =	simm.s32 $0x1B8E;
	s24 =	sld [smem:$0x3FFE];
	[sflag:s23] =	ssyncadd.s32 $0xFFFFFFFF  }
0xa5: {  	s26 =	simm.s32 $execute0_lowered;
	[smem:$0x3FD2] =	sst s25  }
0xa6: {  	s5 =	sshll.u32 s26, $0x1;
	_ =	strace $0x80000049;
	[dreg:$0x1] =	wrdreg $0xFFFFFFFF  }
0xa7: {  	s28 =	simm.s32 $_size_execute0_lowered;
	s3 =	sadd.s32 s3, s5;
	[dreg:$0x0] =	wrdreg $0x0  }
0xa8: {  	s5 =	sshll.u32 s28, $0x1;
	[dreg:$0x2] =	wrdreg s3  }
0xa9: {  	[dreg:$0x3] =	wrdreg s5  }
0xaa: {  	[dreg:$0x4] =	wrdreg $0xC0  }
0xab: {  	_ =	task [dreg:s7], $0x5FFFF  }
0xac: {  	[dreg:$0x1] =	wrdreg $0xFFFFFFFF  }
0xad: {  	[dreg:$0x0] =	wrdreg $0x60  }
0xae: {  	[dreg:$0x2] =	wrdreg s24  }
0xaf: {  	[dreg:$0x3] =	wrdreg s2  }
0xb0: {  	[dreg:$0x4] =	wrdreg $0x9  }
0xb1: {  	_ =	task.clear_ibuf [dreg:s7], $0x5FFFF;
	_ =	strace $0x90000049  }
0xb2: {  	s29 =	simm.s32 $0x9;
	_ =	strace $0x8000004B  }
0xb3: {  	_ =	swait.ge [sflag:s29], $0x1  }
0xb4: {  	[sflag:s29] =	ssyncadd.s32 $0xFFFFFFFF  }
0xb5: {  	_ =	strace $0x9000004B  }
0xb6: {  	_ =	sfence  }
0xb7: {  	s30 =	sld [smem:$0x0];
	_ =	sdelay $0x2  }
0xb8: {  	s31 =	sshll.u32 s1, $0xD;
	s1 =	sshrl.u32 s1, $0x2  }
0xb9: {  	s3 =	sand.u32 $0x4000, s31;
	s1 =	sadd.s32 s1, s30  }
0xba: {  	s0 =	sor.u32 s3, s0;
	s1 =	sshll.u32 s1, $0x11  }
0xbb: {  	s0 =	sor.u32 s1, s0  }
0xbc: {  	s0 =	sadd.s32 $0x8F2B, s0  }
0xbd: {  	[sflag:s0] =	ssyncadd.remote.s32 $0x1  }
0xbe: {  	_ =	sfence.sel $0xFFFF  }
0xbf: {  	[dreg:$0x0] =	wrdreg $0xFFFFFFFF;
	(pc) =	sbr.abs _section_cstart, $3  }
0xc0: {  	[dreg:$0x1] =	wrdreg $0xFFFFFFFF  }
0xc1: {  	_ =	task.clear_ibuf [dreg:s7], $0x2FFFF;
	_ =	strace $0x9FFFFFFF  }
0xc2: {  	(tm) =	ssettm $0x7FFFFFFF  }
0xc3: {  	_ =	shalt  }
tec
execute0_lowered:
.L_overlay_start_1:
0x0: {  	(tag) =	ssettag $0x1  }
0x1: {  	s0 =	rddreg [dreg:$0x0]  }
0x2: {  	s1 =	rddreg [dreg:$0x1]  }
0x3: {  	s2 =	simm.s32 $0x0;
	s5 =	srdreg.scid;
	s10 =	stileid.u32  }
0x4: {  	s28 =	simm.s32 $0x19A80;
	s29 =	simm.s32 $0x2;
	s30 =	simm.s32 $0x9E00  }
0x5: {  	s31 =	simm.s32 $0xC580;
	[smem:$0x7FF] =	sst s2;
	s3 =	sadd.s32 $0xF200, s0  }
0x6: {  	s4 =	sadd.s32 $0x5400, s0;
	s5 =	sand.u32 $0x1, s5;
	s0 =	sadd.s32 $0x14200, s0  }
0x7: {  	s8 =	sshrl.u32 s10, $0x1;
	s10 =	sand.u32 $0x1, s10;
	_ =	strace $0x8000004A  }
0x8: {  	s6 =	ssub.s32 $0x2, s5;
	s9 =	smul.u32 $0x9C40, s8;
	p0 =	seq.s32 s10, $0x1  }
0x9: {  	s10 =	simm.s32 $0x13C00;
	s5 =	sshll.u32 s5, $0x9;
	s8 =	smul.u32 $0x27800, s8  }
0xa: {  	s7 =	sshrl.u32 s6, $0x1;
	s10 =	simm.s32 @!p0 $0x0;
	s14 =	sor.u32 $0x80, s5  }
0xb: {  	s15 =	sor.u32 $0x100, s5;
	s16 =	sor.u32 $0x180, s5;
	s6 =	ssub.s32 s6, s7  }
0xc: {  	s17 =	sshrl.u32 s9, $0x3;
	s18 =	sor.u32 s5, s10;
	s12 =	sor.u32 s14, s10  }
0xd: {  	s20 =	sor.u32 s15, s10;
	s21 =	sor.u32 s16, s10;
	s8 =	sadd.s32 s10, s8  }
0xe: {  	s13 =	sadd.s32 $0x3E80, s9;
	s11 =	sadd.s32 s4, s17;
	s7 =	sadd.s32 s1, s17  }
0xf: {  	s19 =	sshrl.u32 s12, $0x3;
	s12 =	sshrl.u32 s21, $0x3;
	s23 =	sor.u32 s5, s8  }
0x10: {  	s24 =	sor.u32 s14, s8;
	s25 =	sor.u32 s15, s8;
	[dreg:$0x3] =	wrdreg s11  }
0x11: {  	s8 =	sor.u32 s16, s8;
	s21 =	simm.s32 $0x400;
	[dreg:$0x4] =	wrdreg s7  }
0x12: {  	s11 =	sshrl.u32 s18, $0x3;
	s7 =	simm.s32 $0x13C00;
	s5 =	sshrl.u32 s25, $0x3  }
0x13: {  	s26 =	sshrl.u32 s8, $0x3;
	s18 =	smax.u32 s6, $0x1;
	s25 =	simm.s32 $0x1  }
0x14: {  	s6 =	simm.s32 $0x0;
	s11 =	sadd.s32 s3, s11;
	s16 =	sadd.s32 s0, s5  }
0x15: {  	s17 =	sadd.s32 s0, s26;
	[dreg:$0x5] =	wrdreg s11;
	s11 =	sadd.s32 s3, s19  }
0x16: {  	s26 =	simm.s32 $0x17B00;
	[dreg:$0x6] =	wrdreg s11;
	s11 =	sshrl.u32 s20, $0x3  }
0x17: {  	s5 =	simm.s32 $0x3;
	s19 =	simm.s32 $0x15B80;
	s22 =	sadd.s32 s3, s11  }
0x18: {  	s20 =	simm.s32 $0x80;
	s3 =	sadd.s32 s3, s12;
	[dreg:$0x7] =	wrdreg s22  }
0x19: {  	s12 =	sadd.s32 $0x1F40, s9;
	[dreg:$0x8] =	wrdreg s3;
	s3 =	sshrl.u32 s23, $0x3  }
0x1a: {  	s22 =	simm.s32 $0x2780;
	s23 =	simm.s32 $0x4F00;
	s3 =	sadd.s32 s0, s3  }
0x1b: {  	[dreg:$0x9] =	wrdreg s3;
	s3 =	sshrl.u32 s24, $0x3;
	s24 =	simm.s32 $0x7680  }
0x1c: {  	v0 =	vimm.f32 $0.0e+00;
	s15 =	sadd.s32 s0, s3;
	s0 =	simm.s32 $0xED00;
	s3 =	simm.s32 $0x11480  }
.LBB2_1:
0x1d: {  	s8 =	rddreg [dreg:$0x3]  }
0x1e: {  	[tilespmem:s7], [sflag:$0x2] =	stream.linear.gather [hbm4b:s8+s2], $0x1F40, $0x38;
	[tilespmem:$0x1BA00] =	vst v63  }
0x1f: {  	s14 =	rddreg [dreg:$0x4]  }
0x20: {  	[tilespmem:s19], [sflag:$0x2] =	stream.linear.gather [hbm4b:s14+s2], $0x1F40, $0x38;
	[tilespmem:$0x1BA00] =	vst v63  }
0x21: {  	s9 =	rddreg [dreg:$0x5]  }
0x22: {  	[tilespmem:s2], [sflag:$0x1] =	stream.strided.gather [hbm4b:s9+s20], $0x2780, s21, s20, $0x38;
	[tilespmem:$0x1BA00] =	vst v63  }
0x23: {  	s10 =	rddreg [dreg:$0x6]  }
0x24: {  	[tilespmem:s22], [sflag:$0x1] =	stream.strided.gather [hbm4b:s10+s20], $0x2780, s21, s20, $0x38;
	[tilespmem:$0x1BA00] =	vst v63  }
0x25: {  	s11 =	rddreg [dreg:$0x7]  }
0x26: {  	[tilespmem:s23], [sflag:$0x1] =	stream.strided.gather [hbm4b:s11+s20], $0x2780, s21, s20, $0x38;
	[tilespmem:$0x1BA00] =	vst v63  }
0x27: {  	s14 =	rddreg [dreg:$0x8];
	s11 =	simm.s32 $0x9E20  }
0x28: {  	[tilespmem:s24], [sflag:$0x1] =	stream.strided.gather [hbm4b:s14+s20], $0x2780, s21, s20, $0x38;
	[tilespmem:$0x1BA00] =	vst v63  }
0x29: {  	[tilespmem:s11+$0xFFFFFFF0] =	vst v0  }
0x2a: {  	[tilespmem:s11+$0x0] =	vst v0  }
0x2b: {  	[tilespmem:s11+$0x10] =	vst v0  }
0x2c: {  	s8 =	simm.s32 $0xC5A0;
	[tilespmem:s11+$0xFFFFFFE0] =	vst v0  }
0x2d: {  	[tilespmem:s8+$0xFFFFFFF0] =	vst v0  }
0x2e: {  	[tilespmem:s8+$0x0] =	vst v0  }
0x2f: {  	[tilespmem:s8+$0x10] =	vst v0  }
0x30: {  	s9 =	simm.s32 $0xED20;
	[tilespmem:s8+$0xFFFFFFE0] =	vst v0  }
0x31: {  	[tilespmem:s9+$0xFFFFFFF0] =	vst v0  }
0x32: {  	[tilespmem:s9+$0x0] =	vst v0  }
0x33: {  	[tilespmem:s9+$0x10] =	vst v0  }
0x34: {  	s10 =	simm.s32 $0x114A0;
	[tilespmem:s9+$0xFFFFFFE0] =	vst v0  }
0x35: {  	[tilespmem:s10+$0xFFFFFFF0] =	vst v0  }
0x36: {  	[tilespmem:s10+$0x0] =	vst v0  }
0x37: {  	[tilespmem:s10+$0x10] =	vst v0  }
0x38: {  	s14 =	simm.s32 $0x9E60;
	s11 =	simm.s32 $0x0;
	[tilespmem:s10+$0xFFFFFFE0] =	vst v0  }
.LBB2_2:
0x39: {  	[tilespmem:s14+$0xFFFFFFF0] =	vst v0;
	s8 =	sadd.s32 $0x40, s8  }
0x3a: {  	s9 =	sadd.s32 $0x40, s9;
	[tilespmem:s8+$0xFFFFFFF0] =	vst v0  }
0x3b: {  	s10 =	sadd.s32 $0x40, s10;
	[tilespmem:s9+$0xFFFFFFF0] =	vst v0  }
0x3c: {  	[tilespmem:s10+$0xFFFFFFF0] =	vst v0  }
0x3d: {  	[tilespmem:s14+$0x0] =	vst v0  }
0x3e: {  	[tilespmem:s8+$0x0] =	vst v0  }
0x3f: {  	[tilespmem:s9+$0x0] =	vst v0  }
0x40: {  	[tilespmem:s10+$0x0] =	vst v0  }
0x41: {  	[tilespmem:s14+$0x10] =	vst v0  }
0x42: {  	s11 =	sadd.s32 $0x4, s11;
	[tilespmem:s8+$0x10] =	vst v0  }
0x43: {  	p0 =	slt.u32 s11, $0x26C;
	[tilespmem:s9+$0x10] =	vst v0  }
.Ltmp0:
0x44: {  	[tilespmem:s10+$0x10] =	vst v0;
	(pc) =	sbr.rel @p0 .LBB2_2-.Ltmp0, $4  }
0x45: {  	[tilespmem:s14+$0xFFFFFFE0] =	vst v0  }
0x46: {  	[tilespmem:s8+$0xFFFFFFE0] =	vst v0  }
0x47: {  	[tilespmem:s9+$0xFFFFFFE0] =	vst v0  }
0x48: {  	s14 =	sadd.s32 $0x40, s14;
	[tilespmem:s10+$0xFFFFFFE0] =	vst v0  }
0x49: {  	[tilespmem:$0xC500] =	vst v0  }
0x4a: {  	[tilespmem:$0xEC80] =	vst v0  }
0x4b: {  	[tilespmem:$0x11400] =	vst v0  }
0x4c: {  	[tilespmem:$0x13B80] =	vst v0  }
0x4d: {  	_ =	swait.ge [sflag:s25], $0x2780  }
0x4e: {  	[sflag:s25] =	ssyncset.done $0x0  }
0x4f: {  	[sflag:s25] =	ssyncadd.s32 $0xFFFFD880  }
0x50: {  	_ =	swait.ge [sflag:s25], $0x2780  }
0x51: {  	[sflag:s25] =	ssyncset.done $0x0  }
0x52: {  	[sflag:s25] =	ssyncadd.s32 $0xFFFFD880  }
0x53: {  	_ =	swait.ge [sflag:s25], $0x2780  }
0x54: {  	[sflag:s25] =	ssyncset.done $0x0  }
0x55: {  	[sflag:s25] =	ssyncadd.s32 $0xFFFFD880  }
0x56: {  	_ =	swait.ge [sflag:s25], $0x2780  }
0x57: {  	[sflag:s25] =	ssyncset.done $0x0  }
0x58: {  	s8 =	simm.s32 $0x0;
	p1 =	por $0x1, $0x1;
	[sflag:s25] =	ssyncadd.s32 $0xFFFFD880  }
.LBB2_4:
0x59: {  	s9 =	sadd.s32 s8, s12  }
0x5a: {  	s9 =	sshrl.u32 s9, $0x3  }
0x5b: {  	s10 =	sadd.s32 s4, s9  }
0x5c: {  	[tilespmem:s26], [sflag:$0x3] =	stream.linear.gather [hbm4b:s10+s2], $0x1F40, $0x38;
	[tilespmem:$0x1BA00] =	vst v63  }
0x5d: {  	s9 =	sadd.s32 s1, s9  }
0x5e: {  	[tilespmem:s28], [sflag:$0x3] =	stream.linear.gather [hbm4b:s9+s2], $0x1F40, $0x38;
	[tilespmem:$0x1BA00] =	vst v63  }
0x5f: {  	_ =	swait.ge [sflag:s29], $0x1F40  }
0x60: {  	[sflag:s29] =	ssyncset.done $0x0  }
0x61: {  	[sflag:s29] =	ssyncadd.s32 $0xFFFFE0C0  }
0x62: {  	_ =	swait.ge [sflag:s29], $0x1F40  }
0x63: {  	[sflag:s29] =	ssyncset.done $0x0  }
0x64: {  	s14 =	simm.s32 $0x13C20;
	[sflag:s29] =	ssyncadd.s32 $0xFFFFE0C0  }
0x65: {  	v3 =	vld [tilespmem:s14+$0x20];
	_ =	sdelay $0x2  }
0x66: {  	v4 =	vld [tilespmem:s14+$0xFFFFFFE0]  }
0x67: {  	v5 =	vld [tilespmem:s14+$0xFFFFFFF0]  }
0x68: {  	v6 =	vld [tilespmem:s14+$0x0];
	v11 =	vand.u32 $0xFFFF, v3  }
0x69: {  	v12 =	vld [tilespmem:s14+$0x10]  }
0x6a: {  	s9 =	simm.s32 $0x15BA0  }
0x6b: {  	v15 =	vld [tilespmem:s9+$0x20];
	v14 =	vand.u32 $0xFFFF, v4  }
0x6c: {  	v10 =	vld [tilespmem:s9+$0xFFFFFFE0];
	v13 =	vand.u32 $0xFFFF, v5  }
0x6d: {  	v1 =	vand.u32 $0xFFFF, v6;
	v7 =	vld.idx.msk [tilespmem:v11+s2+$0x0], $0xffff  }
0x6e: {  	v9 =	vld [tilespmem:s9+$0xFFFFFFF0];
	v2 =	vand.u32 $0xFFFF, v12  }
0x6f: {  	v8 =	vld [tilespmem:s9+$0x0];
	v18 =	vshrl.u32 v3, $0x10  }
0x70: {  	v19 =	vld.idx.msk [tilespmem:v14+s2+$0x0], $0xffff  }
0x71: {  	v16 =	vld.idx.msk [tilespmem:v13+s2+$0x0], $0xffff  }
0x72: {  	v4 =	vshrl.u32 v4, $0x10;
	v17 =	vld.idx.msk [tilespmem:v1+s2+$0x0], $0xffff;
	v7 =	vmul.f32 v7, v15  }
0x73: {  	v3 =	vshrl.u32 v5, $0x10;
	v20 =	vld.idx.msk [tilespmem:v2+s2+$0x0], $0xffff  }
0x74: {  	v6 =	vshrl.u32 v6, $0x10;
	[tilespmem:v18+s30+$0x0] =	vst.idx.add.f32.msk $0xffff, v7  }
0x75: {  	v5 =	vmul.f32 v19, v10;
	v7 =	vld [tilespmem:s9+$0x10]  }
0x76: {  	v16 =	vmul.f32 v16, v9;
	v21 =	vld.idx.msk [tilespmem:v11+s22+$0x0], $0xffff  }
0x77: {  	v17 =	vmul.f32 v17, v8;
	[tilespmem:v4+s30+$0x0] =	vst.idx.add.f32.msk $0xffff, v5  }
0x78: {  	[tilespmem:v3+s30+$0x0] =	vst.idx.add.f32.msk $0xffff, v16  }
0x79: {  	[tilespmem:v6+s30+$0x0] =	vst.idx.add.f32.msk $0xffff, v17  }
0x7a: {  	v5 =	vshrl.u32 v12, $0x10;
	v12 =	vld.idx.msk [tilespmem:v14+s22+$0x0], $0xffff  }
0x7b: {  	v55 =	vld.idx.msk [tilespmem:v13+s22+$0x0], $0xffff;
	v54 =	vmul.f32 v21, v15  }
0x7c: {  	v58 =	vld.idx.msk [tilespmem:v1+s22+$0x0], $0xffff  }
0x7d: {  	v56 =	vmul.f32 v20, v7;
	[tilespmem:v18+s31+$0x0] =	vst.idx.add.f32.msk $0xffff, v54  }
0x7e: {  	v57 =	vld.idx.msk [tilespmem:v11+s23+$0x0], $0xffff  }
0x7f: {  	v12 =	vmul.f32 v12, v10;
	[tilespmem:v5+s30+$0x0] =	vst.idx.add.f32.msk $0xffff, v56  }
0x80: {  	v59 =	vmul.f32 v55, v9;
	v60 =	vld.idx.msk [tilespmem:v2+s22+$0x0], $0xffff  }
0x81: {  	[tilespmem:v4+s31+$0x0] =	vst.idx.add.f32.msk $0xffff, v12  }
0x82: {  	[tilespmem:v3+s31+$0x0] =	vst.idx.add.f32.msk $0xffff, v59  }
0x83: {  	v61 =	vld.idx.msk [tilespmem:v14+s23+$0x0], $0xffff;
	v12 =	vmul.f32 v57, v15  }
0x84: {  	v62 =	vld.idx.msk [tilespmem:v13+s23+$0x0], $0xffff  }
0x85: {  	v19 =	vmul.f32 v60, v7;
	[tilespmem:v18+s0+$0x0] =	vst.idx.add.f32.msk $0xffff, v12  }
0x86: {  	v12 =	vmul.f32 v58, v8;
	v11 =	vld.idx.msk [tilespmem:v11+s24+$0x0], $0xffff  }
0x87: {  	[tilespmem:v5+s31+$0x0] =	vst.idx.add.f32.msk $0xffff, v19  }
0x88: {  	[tilespmem:v6+s31+$0x0] =	vst.idx.add.f32.msk $0xffff, v12  }
0x89: {  	v12 =	vmul.f32 v61, v10;
	v63 =	vld.idx.msk [tilespmem:v1+s23+$0x0], $0xffff  }
0x8a: {  	v19 =	vld.idx.msk [tilespmem:v2+s23+$0x0], $0xffff  }
0x8b: {  	[tilespmem:v4+s0+$0x0] =	vst.idx.add.f32.msk $0xffff, v12;
	v12 =	vmul.f32 v11, v15  }
0x8c: {  	v11 =	vld.idx.msk [tilespmem:v14+s24+$0x0], $0xffff;
	v14 =	vmul.f32 v62, v9  }
0x8d: {  	[tilespmem:v18+s3+$0x0] =	vst.idx.add.f32.msk $0xffff, v12  }
0x8e: {  	[tilespmem:v3+s0+$0x0] =	vst.idx.add.f32.msk $0xffff, v14;
	v14 =	vmul.f32 v63, v8  }
0x8f: {  	v12 =	vld.idx.msk [tilespmem:v13+s24+$0x0], $0xffff  }
0x90: {  	p0 =	por p1, p1;
	s11 =	simm.s32 $0x13C70;
	s10 =	simm.s32 $0x0;
	v13 =	vmul.f32 v19, v7;
	[tilespmem:v6+s0+$0x0] =	vst.idx.add.f32.msk $0xffff, v14  }
.LBB2_5:
0x91: {  	v14 =	vld [tilespmem:s11+$0x20];
	s10 =	sadd.s32 $0x5, s10;
	v10 =	vmul.f32 v11, v10  }
0x92: {  	v11 =	vld [tilespmem:s11+$0xFFFFFFF0];
	p1 =	slt.u32 s10, $0x1EF  }
0x93: {  	v15 =	vld [tilespmem:s11+$0x0]  }
0x94: {  	v9 =	vmul.f32 v12, v9;
	v16 =	vld [tilespmem:s11+$0x10]  }
0x95: {  	v12 =	vld [tilespmem:s11+$0xFFFFFFE0]  }
0x96: {  	v17 =	vand.u32 $0xFFFF, v14;
	[tilespmem:v5+s0+$0x0] =	vst.idx.add.f32.msk $0xffff, v13  }
0x97: {  	v13 =	vshrl.u32 v11, $0x10;
	v18 =	vand.u32 $0xFFFF, v11;
	v11 =	vld.idx.msk [tilespmem:v1+s24+$0x0], $0xffff  }
0x98: {  	v19 =	vshrl.u32 v15, $0x10;
	v1 =	vand.u32 $0xFFFF, v15;
	v15 =	vld.idx.msk [tilespmem:v2+s24+$0x0], $0xffff  }
0x99: {  	v20 =	vshrl.u32 v16, $0x10;
	v2 =	vand.u32 $0xFFFF, v16;
	[tilespmem:v4+s3+$0x0] =	vst.idx.add.f32.msk $0xffff, v10  }
0x9a: {  	v4 =	vshrl.u32 v12, $0x10;
	v12 =	vand.u32 $0xFFFF, v12;
	[tilespmem:v3+s3+$0x0] =	vst.idx.add.f32.msk $0xffff, v9;
	v3 =	vmov v13  }
0x9b: {  	s9 =	sadd.s32 $0x50, s9;
	v9 =	vld.idx.msk [tilespmem:v17+s2+$0x0], $0xffff  }
0x9c: {  	v13 =	vld [tilespmem:s9+$0x20]  }
0x9d: {  	v11 =	vmul.f32 v11, v8;
	v16 =	vld.idx.msk [tilespmem:v18+s2+$0x0], $0xffff  }
0x9e: {  	v14 =	vshrl.u32 v14, $0x10;
	v15 =	vmul.f32 v15, v7;
	v21 =	vld.idx.msk [tilespmem:v1+s2+$0x0], $0xffff  }
0x9f: {  	v7 =	vld.idx.msk [tilespmem:v12+s2+$0x0], $0xffff  }
0xa0: {  	v22 =	vld.idx.msk [tilespmem:v2+s2+$0x0], $0xffff  }
0xa1: {  	v10 =	vld [tilespmem:s9+$0xFFFFFFE0];
	v8 =	vmul.f32 v9, v13  }
0xa2: {  	v9 =	vld [tilespmem:s9+$0xFFFFFFF0]  }
0xa3: {  	[tilespmem:v14+s30+$0x0] =	vst.idx.add.f32.msk $0xffff, v8  }
0xa4: {  	v23 =	vld.idx.msk [tilespmem:v17+s22+$0x0], $0xffff  }
0xa5: {  	v8 =	vld [tilespmem:s9+$0x0]  }
0xa6: {  	v24 =	vmul.f32 v7, v10;
	v7 =	vld [tilespmem:s9+$0x10]  }
0xa7: {  	v16 =	vmul.f32 v16, v9;
	[tilespmem:v6+s3+$0x0] =	vst.idx.add.f32.msk $0xffff, v11;
	v6 =	vmov v19  }
0xa8: {  	[tilespmem:v4+s30+$0x0] =	vst.idx.add.f32.msk $0xffff, v24  }
0xa9: {  	[tilespmem:v3+s30+$0x0] =	vst.idx.add.f32.msk $0xffff, v16  }
0xaa: {  	v19 =	vmul.f32 v23, v13;
	v11 =	vld.idx.msk [tilespmem:v12+s22+$0x0], $0xffff;
	v16 =	vmul.f32 v21, v8  }
0xab: {  	v21 =	vld.idx.msk [tilespmem:v18+s22+$0x0], $0xffff;
	v22 =	vmul.f32 v22, v7  }
0xac: {  	[tilespmem:v14+s31+$0x0] =	vst.idx.add.f32.msk $0xffff, v19  }
0xad: {  	v19 =	vld.idx.msk [tilespmem:v17+s23+$0x0], $0xffff  }
0xae: {  	[tilespmem:v6+s30+$0x0] =	vst.idx.add.f32.msk $0xffff, v16  }
0xaf: {  	[tilespmem:v20+s30+$0x0] =	vst.idx.add.f32.msk $0xffff, v22  }
0xb0: {  	v11 =	vmul.f32 v11, v10;
	v16 =	vld.idx.msk [tilespmem:v1+s22+$0x0], $0xffff  }
0xb1: {  	v21 =	vmul.f32 v21, v9;
	v22 =	vld.idx.msk [tilespmem:v2+s22+$0x0], $0xffff  }
0xb2: {  	[tilespmem:v4+s31+$0x0] =	vst.idx.add.f32.msk $0xffff, v11  }
0xb3: {  	v11 =	vmul.f32 v19, v13;
	[tilespmem:v3+s31+$0x0] =	vst.idx.add.f32.msk $0xffff, v21  }
0xb4: {  	v19 =	vld.idx.msk [tilespmem:v12+s23+$0x0], $0xffff  }
0xb5: {  	[tilespmem:v14+s0+$0x0] =	vst.idx.add.f32.msk $0xffff, v11  }
0xb6: {  	v11 =	vmul.f32 v16, v8;
	v16 =	vld.idx.msk [tilespmem:v17+s24+$0x0], $0xffff  }
0xb7: {  	v21 =	vmul.f32 v22, v7;
	v17 =	vld.idx.msk [tilespmem:v18+s23+$0x0], $0xffff  }
0xb8: {  	[tilespmem:v6+s31+$0x0] =	vst.idx.add.f32.msk $0xffff, v11  }
0xb9: {  	[tilespmem:v20+s31+$0x0] =	vst.idx.add.f32.msk $0xffff, v21  }
0xba: {  	v11 =	vmul.f32 v19, v10;
	v19 =	vld.idx.msk [tilespmem:v1+s23+$0x0], $0xffff  }
0xbb: {  	v21 =	vld.idx.msk [tilespmem:v2+s23+$0x0], $0xffff  }
0xbc: {  	v13 =	vmul.f32 v16, v13;
	[tilespmem:v4+s0+$0x0] =	vst.idx.add.f32.msk $0xffff, v11  }
0xbd: {  	v11 =	vld.idx.msk [tilespmem:v12+s24+$0x0], $0xffff;
	v12 =	vmul.f32 v17, v9  }
.Ltmp1:
0xbe: {  	[tilespmem:v14+s3+$0x0] =	vst.idx.add.f32.msk $0xffff, v13;
	(pc) =	sbr.rel @p1 .LBB2_5-.Ltmp1, $4  }
0xbf: {  	[tilespmem:v3+s0+$0x0] =	vst.idx.add.f32.msk $0xffff, v12  }
0xc0: {  	v14 =	vmul.f32 v19, v8;
	v12 =	vld.idx.msk [tilespmem:v18+s24+$0x0], $0xffff  }
0xc1: {  	v13 =	vmul.f32 v21, v7;
	[tilespmem:v5+s3+$0x0] =	vst.idx.add.f32.msk $0xffff, v15;
	v5 =	vmov v20  }
0xc2: {  	s11 =	sadd.s32 $0x50, s11;
	[tilespmem:v6+s0+$0x0] =	vst.idx.add.f32.msk $0xffff, v14  }
0xc3: {  	_ =	sdelay $0x3  }
0xc4: {  	[tilespmem:v5+s0+$0x0] =	vst.idx.add.f32.msk $0xffff, v13  }
0xc5: {  	v1 =	vld.idx.msk [tilespmem:v1+s24+$0x0], $0xffff  }
0xc6: {  	v2 =	vld.idx.msk [tilespmem:v2+s24+$0x0], $0xffff;
	_ =	sdelay $0x1  }
0xc7: {  	v10 =	vmul.f32 v11, v10  }
0xc8: {  	v9 =	vmul.f32 v12, v9  }
0xc9: {  	[tilespmem:v4+s3+$0x0] =	vst.idx.add.f32.msk $0xffff, v10;
	v1 =	vmul.f32 v1, v8  }
0xca: {  	s8 =	sadd.s32 s8, s13;
	[tilespmem:v3+s3+$0x0] =	vst.idx.add.f32.msk $0xffff, v9;
	v2 =	vmul.f32 v2, v7  }
0xcb: {  	s8 =	sshrl.u32 s8, $0x3;
	[tilespmem:v6+s3+$0x0] =	vst.idx.add.f32.msk $0xffff, v1  }
0xcc: {  	s9 =	sadd.s32 s4, s8;
	[tilespmem:v5+s3+$0x0] =	vst.idx.add.f32.msk $0xffff, v2  }
0xcd: {  	[tilespmem:s7], [sflag:$0x2] =	stream.linear.gather [hbm4b:s9+s2], $0x1F40, $0x38;
	[tilespmem:$0x1BA00] =	vst v63  }
0xce: {  	s8 =	sadd.s32 s1, s8  }
0xcf: {  	[tilespmem:s19], [sflag:$0x2] =	stream.linear.gather [hbm4b:s8+s2], $0x1F40, $0x38;
	[tilespmem:$0x1BA00] =	vst v63  }
0xd0: {  	_ =	swait.ge [sflag:s5], $0x1F40  }
0xd1: {  	[sflag:s5] =	ssyncset.done $0x0  }
0xd2: {  	[sflag:s5] =	ssyncadd.s32 $0xFFFFE0C0  }
0xd3: {  	_ =	swait.ge [sflag:s5], $0x1F40  }
0xd4: {  	[sflag:s5] =	ssyncset.done $0x0  }
0xd5: {  	s14 =	simm.s32 $0x17B20;
	[sflag:s5] =	ssyncadd.s32 $0xFFFFE0C0  }
0xd6: {  	v3 =	vld [tilespmem:s14+$0x20]  }
0xd7: {  	v4 =	vld [tilespmem:s14+$0xFFFFFFE0];
	_ =	sdelay $0x2  }
0xd8: {  	v5 =	vld [tilespmem:s14+$0xFFFFFFF0]  }
0xd9: {  	v6 =	vld [tilespmem:s14+$0x0];
	v11 =	vand.u32 $0xFFFF, v3  }
0xda: {  	v12 =	vld [tilespmem:s14+$0x10];
	v14 =	vand.u32 $0xFFFF, v4  }
0xdb: {  	s8 =	simm.s32 $0x19AA0  }
0xdc: {  	v15 =	vld [tilespmem:s8+$0x20]  }
0xdd: {  	v10 =	vld [tilespmem:s8+$0xFFFFFFE0];
	v13 =	vand.u32 $0xFFFF, v5  }
0xde: {  	v1 =	vand.u32 $0xFFFF, v6;
	v7 =	vld.idx.msk [tilespmem:v11+s2+$0x0], $0xffff  }
0xdf: {  	v2 =	vand.u32 $0xFFFF, v12;
	v19 =	vld.idx.msk [tilespmem:v14+s2+$0x0], $0xffff  }
0xe0: {  	v9 =	vld [tilespmem:s8+$0xFFFFFFF0];
	v18 =	vshrl.u32 v3, $0x10  }
0xe1: {  	v8 =	vld [tilespmem:s8+$0x0];
	v4 =	vshrl.u32 v4, $0x10  }
0xe2: {  	v16 =	vld.idx.msk [tilespmem:v13+s2+$0x0], $0xffff  }
0xe3: {  	v17 =	vld.idx.msk [tilespmem:v1+s2+$0x0], $0xffff;
	v7 =	vmul.f32 v7, v15  }
0xe4: {  	v3 =	vshrl.u32 v5, $0x10;
	v20 =	vld.idx.msk [tilespmem:v2+s2+$0x0], $0xffff;
	v5 =	vmul.f32 v19, v10  }
0xe5: {  	[tilespmem:v18+s30+$0x0] =	vst.idx.add.f32.msk $0xffff, v7  }
0xe6: {  	[tilespmem:v4+s30+$0x0] =	vst.idx.add.f32.msk $0xffff, v5  }
0xe7: {  	v16 =	vmul.f32 v16, v9;
	v5 =	vshrl.u32 v6, $0x10;
	v21 =	vld.idx.msk [tilespmem:v11+s22+$0x0], $0xffff  }
0xe8: {  	v7 =	vld [tilespmem:s8+$0x10]  }
0xe9: {  	[tilespmem:v3+s30+$0x0] =	vst.idx.add.f32.msk $0xffff, v16  }
0xea: {  	v17 =	vmul.f32 v17, v8;
	v6 =	vshrl.u32 v12, $0x10;
	v12 =	vld.idx.msk [tilespmem:v14+s22+$0x0], $0xffff  }
0xeb: {  	v55 =	vld.idx.msk [tilespmem:v13+s22+$0x0], $0xffff  }
0xec: {  	[tilespmem:v5+s30+$0x0] =	vst.idx.add.f32.msk $0xffff, v17;
	v54 =	vmul.f32 v21, v15  }
0xed: {  	v58 =	vld.idx.msk [tilespmem:v1+s22+$0x0], $0xffff  }
0xee: {  	v56 =	vmul.f32 v20, v7;
	[tilespmem:v18+s31+$0x0] =	vst.idx.add.f32.msk $0xffff, v54  }
0xef: {  	v57 =	vld.idx.msk [tilespmem:v11+s23+$0x0], $0xffff  }
0xf0: {  	v12 =	vmul.f32 v12, v10;
	[tilespmem:v6+s30+$0x0] =	vst.idx.add.f32.msk $0xffff, v56  }
0xf1: {  	v59 =	vmul.f32 v55, v9;
	v60 =	vld.idx.msk [tilespmem:v2+s22+$0x0], $0xffff  }
0xf2: {  	[tilespmem:v4+s31+$0x0] =	vst.idx.add.f32.msk $0xffff, v12  }
0xf3: {  	[tilespmem:v3+s31+$0x0] =	vst.idx.add.f32.msk $0xffff, v59  }
0xf4: {  	v61 =	vld.idx.msk [tilespmem:v14+s23+$0x0], $0xffff;
	v12 =	vmul.f32 v57, v15  }
0xf5: {  	v62 =	vld.idx.msk [tilespmem:v13+s23+$0x0], $0xffff  }
0xf6: {  	v19 =	vmul.f32 v60, v7;
	[tilespmem:v18+s0+$0x0] =	vst.idx.add.f32.msk $0xffff, v12  }
0xf7: {  	v12 =	vmul.f32 v58, v8;
	v11 =	vld.idx.msk [tilespmem:v11+s24+$0x0], $0xffff  }
0xf8: {  	[tilespmem:v6+s31+$0x0] =	vst.idx.add.f32.msk $0xffff, v19  }
0xf9: {  	[tilespmem:v5+s31+$0x0] =	vst.idx.add.f32.msk $0xffff, v12  }
0xfa: {  	v12 =	vmul.f32 v61, v10;
	v63 =	vld.idx.msk [tilespmem:v1+s23+$0x0], $0xffff  }
0xfb: {  	v19 =	vld.idx.msk [tilespmem:v2+s23+$0x0], $0xffff  }
0xfc: {  	[tilespmem:v4+s0+$0x0] =	vst.idx.add.f32.msk $0xffff, v12;
	v12 =	vmul.f32 v11, v15  }
0xfd: {  	v11 =	vld.idx.msk [tilespmem:v14+s24+$0x0], $0xffff;
	v14 =	vmul.f32 v62, v9  }
0xfe: {  	[tilespmem:v18+s3+$0x0] =	vst.idx.add.f32.msk $0xffff, v12  }
0xff: {  	[tilespmem:v3+s0+$0x0] =	vst.idx.add.f32.msk $0xffff, v14;
	v14 =	vmul.f32 v63, v8  }
0x100: {  	v12 =	vld.idx.msk [tilespmem:v13+s24+$0x0], $0xffff  }
0x101: {  	s10 =	simm.s32 $0x17B70;
	s9 =	simm.s32 $0x0;
	v13 =	vmul.f32 v19, v7;
	[tilespmem:v5+s0+$0x0] =	vst.idx.add.f32.msk $0xffff, v14  }
.LBB2_7:
0x102: {  	v14 =	vld [tilespmem:s10+$0x20];
	s9 =	sadd.s32 $0x5, s9;
	v10 =	vmul.f32 v11, v10  }
0x103: {  	v11 =	vld [tilespmem:s10+$0xFFFFFFF0];
	p1 =	slt.u32 s9, $0x1EF  }
0x104: {  	v15 =	vld [tilespmem:s10+$0x0]  }
0x105: {  	v9 =	vmul.f32 v12, v9;
	v16 =	vld [tilespmem:s10+$0x10]  }
0x106: {  	v12 =	vld [tilespmem:s10+$0xFFFFFFE0]  }
0x107: {  	v17 =	vand.u32 $0xFFFF, v14;
	[tilespmem:v6+s0+$0x0] =	vst.idx.add.f32.msk $0xffff, v13  }
0x108: {  	v13 =	vshrl.u32 v11, $0x10;
	v18 =	vand.u32 $0xFFFF, v11;
	v11 =	vld.idx.msk [tilespmem:v1+s24+$0x0], $0xffff  }
0x109: {  	v19 =	vshrl.u32 v15, $0x10;
	v1 =	vand.u32 $0xFFFF, v15;
	v15 =	vld.idx.msk [tilespmem:v2+s24+$0x0], $0xffff  }
0x10a: {  	v20 =	vshrl.u32 v16, $0x10;
	v2 =	vand.u32 $0xFFFF, v16;
	[tilespmem:v4+s3+$0x0] =	vst.idx.add.f32.msk $0xffff, v10  }
0x10b: {  	v4 =	vshrl.u32 v12, $0x10;
	v12 =	vand.u32 $0xFFFF, v12;
	[tilespmem:v3+s3+$0x0] =	vst.idx.add.f32.msk $0xffff, v9;
	v3 =	vmov v13  }
0x10c: {  	s8 =	sadd.s32 $0x50, s8;
	v9 =	vld.idx.msk [tilespmem:v17+s2+$0x0], $0xffff  }
0x10d: {  	v13 =	vld [tilespmem:s8+$0x20]  }
0x10e: {  	v11 =	vmul.f32 v11, v8;
	v16 =	vld.idx.msk [tilespmem:v18+s2+$0x0], $0xffff  }
0x10f: {  	v14 =	vshrl.u32 v14, $0x10;
	v15 =	vmul.f32 v15, v7;
	v21 =	vld.idx.msk [tilespmem:v1+s2+$0x0], $0xffff  }
0x110: {  	v7 =	vld.idx.msk [tilespmem:v12+s2+$0x0], $0xffff  }
0x111: {  	v22 =	vld.idx.msk [tilespmem:v2+s2+$0x0], $0xffff  }
0x112: {  	v10 =	vld [tilespmem:s8+$0xFFFFFFE0];
	v8 =	vmul.f32 v9, v13  }
0x113: {  	v9 =	vld [tilespmem:s8+$0xFFFFFFF0]  }
0x114: {  	[tilespmem:v14+s30+$0x0] =	vst.idx.add.f32.msk $0xffff, v8  }
0x115: {  	v23 =	vld.idx.msk [tilespmem:v17+s22+$0x0], $0xffff  }
0x116: {  	v8 =	vld [tilespmem:s8+$0x0]  }
0x117: {  	v24 =	vmul.f32 v7, v10;
	v7 =	vld [tilespmem:s8+$0x10]  }
0x118: {  	v16 =	vmul.f32 v16, v9;
	[tilespmem:v5+s3+$0x0] =	vst.idx.add.f32.msk $0xffff, v11;
	v5 =	vmov v19  }
0x119: {  	[tilespmem:v4+s30+$0x0] =	vst.idx.add.f32.msk $0xffff, v24  }
0x11a: {  	[tilespmem:v3+s30+$0x0] =	vst.idx.add.f32.msk $0xffff, v16  }
0x11b: {  	v19 =	vmul.f32 v23, v13;
	v11 =	vld.idx.msk [tilespmem:v12+s22+$0x0], $0xffff;
	v16 =	vmul.f32 v21, v8  }
0x11c: {  	v21 =	vld.idx.msk [tilespmem:v18+s22+$0x0], $0xffff;
	v22 =	vmul.f32 v22, v7  }
0x11d: {  	[tilespmem:v14+s31+$0x0] =	vst.idx.add.f32.msk $0xffff, v19  }
0x11e: {  	v19 =	vld.idx.msk [tilespmem:v17+s23+$0x0], $0xffff  }
0x11f: {  	[tilespmem:v5+s30+$0x0] =	vst.idx.add.f32.msk $0xffff, v16  }
0x120: {  	[tilespmem:v20+s30+$0x0] =	vst.idx.add.f32.msk $0xffff, v22  }
0x121: {  	v11 =	vmul.f32 v11, v10;
	v16 =	vld.idx.msk [tilespmem:v1+s22+$0x0], $0xffff  }
0x122: {  	v21 =	vmul.f32 v21, v9;
	v22 =	vld.idx.msk [tilespmem:v2+s22+$0x0], $0xffff  }
0x123: {  	[tilespmem:v4+s31+$0x0] =	vst.idx.add.f32.msk $0xffff, v11  }
0x124: {  	v11 =	vmul.f32 v19, v13;
	[tilespmem:v3+s31+$0x0] =	vst.idx.add.f32.msk $0xffff, v21  }
0x125: {  	v19 =	vld.idx.msk [tilespmem:v12+s23+$0x0], $0xffff  }
0x126: {  	[tilespmem:v14+s0+$0x0] =	vst.idx.add.f32.msk $0xffff, v11  }
0x127: {  	v11 =	vmul.f32 v16, v8;
	v16 =	vld.idx.msk [tilespmem:v17+s24+$0x0], $0xffff  }
0x128: {  	v21 =	vmul.f32 v22, v7;
	v17 =	vld.idx.msk [tilespmem:v18+s23+$0x0], $0xffff  }
0x129: {  	[tilespmem:v5+s31+$0x0] =	vst.idx.add.f32.msk $0xffff, v11  }
0x12a: {  	[tilespmem:v20+s31+$0x0] =	vst.idx.add.f32.msk $0xffff, v21  }
0x12b: {  	v11 =	vmul.f32 v19, v10;
	v19 =	vld.idx.msk [tilespmem:v1+s23+$0x0], $0xffff  }
0x12c: {  	v21 =	vld.idx.msk [tilespmem:v2+s23+$0x0], $0xffff  }
0x12d: {  	v13 =	vmul.f32 v16, v13;
	[tilespmem:v4+s0+$0x0] =	vst.idx.add.f32.msk $0xffff, v11  }
0x12e: {  	v11 =	vld.idx.msk [tilespmem:v12+s24+$0x0], $0xffff;
	v12 =	vmul.f32 v17, v9  }
.Ltmp2:
0x12f: {  	[tilespmem:v14+s3+$0x0] =	vst.idx.add.f32.msk $0xffff, v13;
	(pc) =	sbr.rel @p1 .LBB2_7-.Ltmp2, $4  }
0x130: {  	[tilespmem:v3+s0+$0x0] =	vst.idx.add.f32.msk $0xffff, v12  }
0x131: {  	v14 =	vmul.f32 v19, v8;
	v12 =	vld.idx.msk [tilespmem:v18+s24+$0x0], $0xffff  }
0x132: {  	v13 =	vmul.f32 v21, v7;
	[tilespmem:v6+s3+$0x0] =	vst.idx.add.f32.msk $0xffff, v15;
	v6 =	vmov v20  }
0x133: {  	s10 =	sadd.s32 $0x50, s10;
	[tilespmem:v5+s0+$0x0] =	vst.idx.add.f32.msk $0xffff, v14  }
0x134: {  	_ =	sdelay $0x3  }
0x135: {  	[tilespmem:v6+s0+$0x0] =	vst.idx.add.f32.msk $0xffff, v13  }
0x136: {  	v1 =	vld.idx.msk [tilespmem:v1+s24+$0x0], $0xffff  }
0x137: {  	v2 =	vld.idx.msk [tilespmem:v2+s24+$0x0], $0xffff;
	_ =	sdelay $0x1  }
0x138: {  	v10 =	vmul.f32 v11, v10  }
.Ltmp3:
0x139: {  	v9 =	vmul.f32 v12, v9;
	(pc) =	sbr.rel @p0 .LBB2_4-.Ltmp3, $4  }
0x13a: {  	[tilespmem:v4+s3+$0x0] =	vst.idx.add.f32.msk $0xffff, v10;
	v1 =	vmul.f32 v1, v8  }
0x13b: {  	[tilespmem:v3+s3+$0x0] =	vst.idx.add.f32.msk $0xffff, v9;
	v2 =	vmul.f32 v2, v7  }
0x13c: {  	[tilespmem:v5+s3+$0x0] =	vst.idx.add.f32.msk $0xffff, v1  }
0x13d: {  	s8 =	simm.s32 $0x3E80;
	p1 =	por $0x0, $0x0;
	[tilespmem:v6+s3+$0x0] =	vst.idx.add.f32.msk $0xffff, v2  }
0x13e: {  	_ =	swait.ge [sflag:s29], $0x1F40  }
0x13f: {  	[sflag:s29] =	ssyncset.done $0x0  }
0x140: {  	[sflag:s29] =	ssyncadd.s32 $0xFFFFE0C0  }
0x141: {  	_ =	swait.ge [sflag:s29], $0x1F40  }
0x142: {  	[sflag:s29] =	ssyncset.done $0x0  }
0x143: {  	s8 =	simm.s32 $0x13C20;
	[sflag:s29] =	ssyncadd.s32 $0xFFFFE0C0  }
0x144: {  	v3 =	vld [tilespmem:s8+$0x20]  }
0x145: {  	v4 =	vld [tilespmem:s8+$0xFFFFFFE0];
	_ =	sdelay $0x2  }
0x146: {  	v5 =	vld [tilespmem:s8+$0xFFFFFFF0]  }
0x147: {  	v6 =	vld [tilespmem:s8+$0x0];
	v11 =	vand.u32 $0xFFFF, v3  }
0x148: {  	v12 =	vld [tilespmem:s8+$0x10];
	v14 =	vand.u32 $0xFFFF, v4  }
0x149: {  	s8 =	simm.s32 $0x15BA0  }
0x14a: {  	v15 =	vld [tilespmem:s8+$0x20]  }
0x14b: {  	v10 =	vld [tilespmem:s8+$0xFFFFFFE0];
	v13 =	vand.u32 $0xFFFF, v5  }
0x14c: {  	v1 =	vand.u32 $0xFFFF, v6;
	v7 =	vld.idx.msk [tilespmem:v11+s2+$0x0], $0xffff  }
0x14d: {  	v2 =	vand.u32 $0xFFFF, v12;
	v19 =	vld.idx.msk [tilespmem:v14+s2+$0x0], $0xffff  }
0x14e: {  	v9 =	vld [tilespmem:s8+$0xFFFFFFF0];
	v18 =	vshrl.u32 v3, $0x10  }
0x14f: {  	v8 =	vld [tilespmem:s8+$0x0];
	v4 =	vshrl.u32 v4, $0x10  }
0x150: {  	v16 =	vld.idx.msk [tilespmem:v13+s2+$0x0], $0xffff  }
0x151: {  	v17 =	vld.idx.msk [tilespmem:v1+s2+$0x0], $0xffff;
	v7 =	vmul.f32 v7, v15  }
0x152: {  	v3 =	vshrl.u32 v5, $0x10;
	v20 =	vld.idx.msk [tilespmem:v2+s2+$0x0], $0xffff;
	v5 =	vmul.f32 v19, v10  }
0x153: {  	[tilespmem:v18+s30+$0x0] =	vst.idx.add.f32.msk $0xffff, v7  }
0x154: {  	[tilespmem:v4+s30+$0x0] =	vst.idx.add.f32.msk $0xffff, v5  }
0x155: {  	v16 =	vmul.f32 v16, v9;
	v5 =	vshrl.u32 v6, $0x10;
	v21 =	vld.idx.msk [tilespmem:v11+s22+$0x0], $0xffff  }
0x156: {  	v7 =	vld [tilespmem:s8+$0x10]  }
0x157: {  	[tilespmem:v3+s30+$0x0] =	vst.idx.add.f32.msk $0xffff, v16  }
0x158: {  	v17 =	vmul.f32 v17, v8;
	v6 =	vshrl.u32 v12, $0x10;
	v12 =	vld.idx.msk [tilespmem:v14+s22+$0x0], $0xffff  }
0x159: {  	v55 =	vld.idx.msk [tilespmem:v13+s22+$0x0], $0xffff  }
0x15a: {  	[tilespmem:v5+s30+$0x0] =	vst.idx.add.f32.msk $0xffff, v17;
	v54 =	vmul.f32 v21, v15  }
0x15b: {  	v58 =	vld.idx.msk [tilespmem:v1+s22+$0x0], $0xffff  }
0x15c: {  	v56 =	vmul.f32 v20, v7;
	[tilespmem:v18+s31+$0x0] =	vst.idx.add.f32.msk $0xffff, v54  }
0x15d: {  	v57 =	vld.idx.msk [tilespmem:v11+s23+$0x0], $0xffff  }
0x15e: {  	v12 =	vmul.f32 v12, v10;
	[tilespmem:v6+s30+$0x0] =	vst.idx.add.f32.msk $0xffff, v56  }
0x15f: {  	v59 =	vmul.f32 v55, v9;
	v60 =	vld.idx.msk [tilespmem:v2+s22+$0x0], $0xffff  }
0x160: {  	[tilespmem:v4+s31+$0x0] =	vst.idx.add.f32.msk $0xffff, v12  }
0x161: {  	[tilespmem:v3+s31+$0x0] =	vst.idx.add.f32.msk $0xffff, v59  }
0x162: {  	v61 =	vld.idx.msk [tilespmem:v14+s23+$0x0], $0xffff;
	v12 =	vmul.f32 v57, v15  }
0x163: {  	v62 =	vld.idx.msk [tilespmem:v13+s23+$0x0], $0xffff  }
0x164: {  	v19 =	vmul.f32 v60, v7;
	[tilespmem:v18+s0+$0x0] =	vst.idx.add.f32.msk $0xffff, v12  }
0x165: {  	v12 =	vmul.f32 v58, v8;
	v11 =	vld.idx.msk [tilespmem:v11+s24+$0x0], $0xffff  }
0x166: {  	[tilespmem:v6+s31+$0x0] =	vst.idx.add.f32.msk $0xffff, v19  }
0x167: {  	[tilespmem:v5+s31+$0x0] =	vst.idx.add.f32.msk $0xffff, v12  }
0x168: {  	v12 =	vmul.f32 v61, v10;
	v63 =	vld.idx.msk [tilespmem:v1+s23+$0x0], $0xffff  }
0x169: {  	v19 =	vld.idx.msk [tilespmem:v2+s23+$0x0], $0xffff  }
0x16a: {  	[tilespmem:v4+s0+$0x0] =	vst.idx.add.f32.msk $0xffff, v12;
	v12 =	vmul.f32 v11, v15  }
0x16b: {  	v11 =	vld.idx.msk [tilespmem:v14+s24+$0x0], $0xffff;
	v14 =	vmul.f32 v62, v9  }
0x16c: {  	[tilespmem:v18+s3+$0x0] =	vst.idx.add.f32.msk $0xffff, v12  }
0x16d: {  	[tilespmem:v3+s0+$0x0] =	vst.idx.add.f32.msk $0xffff, v14;
	v14 =	vmul.f32 v63, v8  }
0x16e: {  	v12 =	vld.idx.msk [tilespmem:v13+s24+$0x0], $0xffff  }
0x16f: {  	s9 =	simm.s32 $0x0;
	s10 =	simm.s32 $0x13C70;
	v13 =	vmul.f32 v19, v7;
	[tilespmem:v5+s0+$0x0] =	vst.idx.add.f32.msk $0xffff, v14  }
.LBB2_10:
0x170: {  	v14 =	vld [tilespmem:s10+$0x20];
	s9 =	sadd.s32 $0x5, s9;
	v10 =	vmul.f32 v11, v10  }
0x171: {  	v11 =	vld [tilespmem:s10+$0xFFFFFFF0];
	p0 =	slt.u32 s9, $0x1EF  }
0x172: {  	v15 =	vld [tilespmem:s10+$0x0]  }
0x173: {  	v9 =	vmul.f32 v12, v9;
	v16 =	vld [tilespmem:s10+$0x10]  }
0x174: {  	v12 =	vld [tilespmem:s10+$0xFFFFFFE0]  }
0x175: {  	v17 =	vand.u32 $0xFFFF, v14;
	[tilespmem:v6+s0+$0x0] =	vst.idx.add.f32.msk $0xffff, v13  }
0x176: {  	v13 =	vshrl.u32 v11, $0x10;
	v18 =	vand.u32 $0xFFFF, v11;
	v11 =	vld.idx.msk [tilespmem:v1+s24+$0x0], $0xffff  }
0x177: {  	v19 =	vshrl.u32 v15, $0x10;
	v1 =	vand.u32 $0xFFFF, v15;
	v15 =	vld.idx.msk [tilespmem:v2+s24+$0x0], $0xffff  }
0x178: {  	v20 =	vshrl.u32 v16, $0x10;
	v2 =	vand.u32 $0xFFFF, v16;
	[tilespmem:v4+s3+$0x0] =	vst.idx.add.f32.msk $0xffff, v10  }
0x179: {  	v4 =	vshrl.u32 v12, $0x10;
	v12 =	vand.u32 $0xFFFF, v12;
	[tilespmem:v3+s3+$0x0] =	vst.idx.add.f32.msk $0xffff, v9;
	v3 =	vmov v13  }
0x17a: {  	s8 =	sadd.s32 $0x50, s8;
	v9 =	vld.idx.msk [tilespmem:v17+s2+$0x0], $0xffff  }
0x17b: {  	v13 =	vld [tilespmem:s8+$0x20]  }
0x17c: {  	v11 =	vmul.f32 v11, v8;
	v16 =	vld.idx.msk [tilespmem:v18+s2+$0x0], $0xffff  }
0x17d: {  	v14 =	vshrl.u32 v14, $0x10;
	v15 =	vmul.f32 v15, v7;
	v21 =	vld.idx.msk [tilespmem:v1+s2+$0x0], $0xffff  }
0x17e: {  	v7 =	vld.idx.msk [tilespmem:v12+s2+$0x0], $0xffff  }
0x17f: {  	v22 =	vld.idx.msk [tilespmem:v2+s2+$0x0], $0xffff  }
0x180: {  	v10 =	vld [tilespmem:s8+$0xFFFFFFE0];
	v8 =	vmul.f32 v9, v13  }
0x181: {  	v9 =	vld [tilespmem:s8+$0xFFFFFFF0]  }
0x182: {  	[tilespmem:v14+s30+$0x0] =	vst.idx.add.f32.msk $0xffff, v8  }
0x183: {  	v23 =	vld.idx.msk [tilespmem:v17+s22+$0x0], $0xffff  }
0x184: {  	v8 =	vld [tilespmem:s8+$0x0]  }
0x185: {  	v24 =	vmul.f32 v7, v10;
	v7 =	vld [tilespmem:s8+$0x10]  }
0x186: {  	v16 =	vmul.f32 v16, v9;
	[tilespmem:v5+s3+$0x0] =	vst.idx.add.f32.msk $0xffff, v11;
	v5 =	vmov v19  }
0x187: {  	[tilespmem:v4+s30+$0x0] =	vst.idx.add.f32.msk $0xffff, v24  }
0x188: {  	[tilespmem:v3+s30+$0x0] =	vst.idx.add.f32.msk $0xffff, v16  }
0x189: {  	v19 =	vmul.f32 v23, v13;
	v11 =	vld.idx.msk [tilespmem:v12+s22+$0x0], $0xffff;
	v16 =	vmul.f32 v21, v8  }
0x18a: {  	v21 =	vld.idx.msk [tilespmem:v18+s22+$0x0], $0xffff;
	v22 =	vmul.f32 v22, v7  }
0x18b: {  	[tilespmem:v14+s31+$0x0] =	vst.idx.add.f32.msk $0xffff, v19  }
0x18c: {  	v19 =	vld.idx.msk [tilespmem:v17+s23+$0x0], $0xffff  }
0x18d: {  	[tilespmem:v5+s30+$0x0] =	vst.idx.add.f32.msk $0xffff, v16  }
0x18e: {  	[tilespmem:v20+s30+$0x0] =	vst.idx.add.f32.msk $0xffff, v22  }
0x18f: {  	v11 =	vmul.f32 v11, v10;
	v16 =	vld.idx.msk [tilespmem:v1+s22+$0x0], $0xffff  }
0x190: {  	v21 =	vmul.f32 v21, v9;
	v22 =	vld.idx.msk [tilespmem:v2+s22+$0x0], $0xffff  }
0x191: {  	[tilespmem:v4+s31+$0x0] =	vst.idx.add.f32.msk $0xffff, v11  }
0x192: {  	v11 =	vmul.f32 v19, v13;
	[tilespmem:v3+s31+$0x0] =	vst.idx.add.f32.msk $0xffff, v21  }
0x193: {  	v19 =	vld.idx.msk [tilespmem:v12+s23+$0x0], $0xffff  }
0x194: {  	[tilespmem:v14+s0+$0x0] =	vst.idx.add.f32.msk $0xffff, v11  }
0x195: {  	v11 =	vmul.f32 v16, v8;
	v16 =	vld.idx.msk [tilespmem:v17+s24+$0x0], $0xffff  }
0x196: {  	v21 =	vmul.f32 v22, v7;
	v17 =	vld.idx.msk [tilespmem:v18+s23+$0x0], $0xffff  }
0x197: {  	[tilespmem:v5+s31+$0x0] =	vst.idx.add.f32.msk $0xffff, v11  }
0x198: {  	[tilespmem:v20+s31+$0x0] =	vst.idx.add.f32.msk $0xffff, v21  }
0x199: {  	v11 =	vmul.f32 v19, v10;
	v19 =	vld.idx.msk [tilespmem:v1+s23+$0x0], $0xffff  }
0x19a: {  	v21 =	vld.idx.msk [tilespmem:v2+s23+$0x0], $0xffff  }
0x19b: {  	v13 =	vmul.f32 v16, v13;
	[tilespmem:v4+s0+$0x0] =	vst.idx.add.f32.msk $0xffff, v11  }
0x19c: {  	v11 =	vld.idx.msk [tilespmem:v12+s24+$0x0], $0xffff;
	v12 =	vmul.f32 v17, v9  }
.Ltmp4:
0x19d: {  	[tilespmem:v14+s3+$0x0] =	vst.idx.add.f32.msk $0xffff, v13;
	(pc) =	sbr.rel @p0 .LBB2_10-.Ltmp4, $4  }
0x19e: {  	[tilespmem:v3+s0+$0x0] =	vst.idx.add.f32.msk $0xffff, v12  }
0x19f: {  	v14 =	vmul.f32 v19, v8;
	v12 =	vld.idx.msk [tilespmem:v18+s24+$0x0], $0xffff  }
0x1a0: {  	v13 =	vmul.f32 v21, v7;
	[tilespmem:v6+s3+$0x0] =	vst.idx.add.f32.msk $0xffff, v15;
	v6 =	vmov v20  }
0x1a1: {  	s10 =	sadd.s32 $0x50, s10;
	[tilespmem:v5+s0+$0x0] =	vst.idx.add.f32.msk $0xffff, v14  }
0x1a2: {  	_ =	sdelay $0x3  }
0x1a3: {  	[tilespmem:v6+s0+$0x0] =	vst.idx.add.f32.msk $0xffff, v13  }
0x1a4: {  	v1 =	vld.idx.msk [tilespmem:v1+s24+$0x0], $0xffff  }
0x1a5: {  	v2 =	vld.idx.msk [tilespmem:v2+s24+$0x0], $0xffff;
	_ =	sdelay $0x1  }
0x1a6: {  	v10 =	vmul.f32 v11, v10  }
0x1a7: {  	v9 =	vmul.f32 v12, v9  }
0x1a8: {  	[tilespmem:v4+s3+$0x0] =	vst.idx.add.f32.msk $0xffff, v10;
	v1 =	vmul.f32 v1, v8  }
0x1a9: {  	[tilespmem:v3+s3+$0x0] =	vst.idx.add.f32.msk $0xffff, v9;
	v2 =	vmul.f32 v2, v7  }
0x1aa: {  	[tilespmem:v5+s3+$0x0] =	vst.idx.add.f32.msk $0xffff, v1  }
0x1ab: {  	[tilespmem:v6+s3+$0x0] =	vst.idx.add.f32.msk $0xffff, v2  }
0x1ac: {  	s8 =	rddreg [dreg:$0x9]  }
0x1ad: {  	[hbm4b:s8+s20] =	stream.strided.scatter [tilespmem:s30], [sflag:$0x1], $0x2780, s21, s20, $0x38;
	[tilespmem:$0x1BA00] =	vst v63  }
0x1ae: {  	_ = 	snop  }
0x1af: {  	[hbm4b:s15+s20] =	stream.strided.scatter [tilespmem:s31], [sflag:$0x1], $0x2780, s21, s20, $0x38;
	[tilespmem:$0x1BA00] =	vst v63  }
0x1b0: {  	_ = 	snop  }
0x1b1: {  	[hbm4b:s16+s20] =	stream.strided.scatter [tilespmem:s0], [sflag:$0x1], $0x2780, s21, s20, $0x38;
	[tilespmem:$0x1BA00] =	vst v63  }
0x1b2: {  	_ = 	snop  }
0x1b3: {  	[hbm4b:s17+s20] =	stream.strided.scatter [tilespmem:s3], [sflag:$0x1], $0x2780, s21, s20, $0x38;
	[tilespmem:$0x1BA00] =	vst v63  }
0x1b4: {  	_ =	swait.ge [sflag:s25], $0x2780  }
0x1b5: {  	[sflag:s25] =	ssyncset.done $0x0  }
0x1b6: {  	[sflag:s25] =	ssyncadd.s32 $0xFFFFD880  }
0x1b7: {  	_ =	swait.ge [sflag:s25], $0x2780  }
0x1b8: {  	[sflag:s25] =	ssyncset.done $0x0  }
0x1b9: {  	s6 =	sadd.s32 $0x1, s6;
	[sflag:s25] =	ssyncadd.s32 $0xFFFFD880  }
0x1ba: {  	p0 =	sne.s32 s6, s18;
	_ =	swait.ge [sflag:s25], $0x2780  }
.Ltmp5:
0x1bb: {  	[sflag:s25] =	ssyncset.done $0x0;
	(pc) =	sbr.rel @p0 .LBB2_1-.Ltmp5, $4  }
0x1bc: {  	[sflag:s25] =	ssyncadd.s32 $0xFFFFD880  }
0x1bd: {  	_ =	swait.ge [sflag:s25], $0x2780  }
0x1be: {  	[sflag:s25] =	ssyncset.done $0x0  }
0x1bf: {  	[sflag:s25] =	ssyncadd.s32 $0xFFFFD880  }
0x1c0: {  	_ =	sfence.sel $0x180000  }
0x1c1: {  	[bflag:$0x0] =	sbarrier.arrive $0xFFFF  }
0x1c2: {  	_ =	strace $0x9000004A  }
0x1c3: {  	s0 =	stileid.u32;
	[bflag:$0x2] =	sbarrier.arrive $0xFFFF  }
0x1c4: {  	p0 =	sne.s32 s0, $0x0;
	s0 =	rddreg [dreg:$0x2]  }
0x1c5: {  	s0 =	sadd.s32 @!p0 $0x100000, s0  }
0x1c6: {  	[sflag:s0] =	ssyncadd.tile.s32 @!p0 $0x1;
	_ =	shalt  }
.Lfunc_end2:
_tile_overlayer_lowered:
.L_overlay_start_2:
0x1c7: {  	(tag) =	ssettag $0x2  }
0x1c8: {  	s0 =	rddreg [dreg:$0x0];
	s2 =	stileid.u32  }
0x1c9: {  	s1 =	rddreg [dreg:$0x1];
	p0 =	sne.s32 s2, $0x0  }
0x1ca: {  	s3 =	rddreg [dreg:$0x2];
	[bflag:$0x3] =	sbarrier.arrive $0xFFFF;
	s2 =	simm.s32 @!p0 $0x1C04  }
0x1cb: {  	[timem:s3], [sflag:s2] =	dma.local @!p0 [hbm:s0], s1  }
0x1cc: {  	s0 =	simm.s32 @!p0 $0x4  }
0x1cd: {  	_ =	swait.ge @!p0 [sflag:s0], s1  }
0x1ce: {  	s1 =	ssub.s32 @!p0 $0x0, s1;
	[sflag:s0] =	ssyncset.done @!p0 $0x0  }
0x1cf: {  	[sflag:s0] =	ssyncadd.s32 @!p0 s1  }
0x1d0: {  	[bflag:$0x3] =	sbarrier.arrive $0xFFFF  }
0x1d1: {  	_ =	shalt  }

// kernel: kernel.21.cloned.1.call-start
scs
__scs_entry_jumppad:
0x0: {  	(pc) =	sbr.rel $0x88, $3  }
0x1: {  	(tag) =	ssettag $0x0;
	lr =	simm.s32 $0x1  }
0x2: {  	[smem:$0x3F93] =	sst lr;
	_ =	strace $0xD0000000  }
0x3: {  	_ = 	snop  }
0x4: {  	_ = 	snop  }
0x5: {  	_ = 	snop  }
0x6: {  	_ = 	snop  }
0x7: {  	_ = 	snop  }
__scs_overlays_trampoline_lowered:
0x8: {  	[smem:$0x3FA2] =	sst s0  }
0x9: {  	[smem:$0x3FA3] =	sst s1  }
0xa: {  	[smem:$0x3FA4] =	sst s2  }
0xb: {  	[smem:$0x3FA5] =	sst s3  }
0xc: {  	[smem:$0x3FA6] =	sst s4  }
0xd: {  	[smem:$0x3FA7] =	sst s5  }
0xe: {  	[smem:$0x3FA8] =	sst s6  }
0xf: {  	[smem:$0x3FA9] =	sst s7  }
0x10: {  	[smem:$0x3FAA] =	sst s8  }
0x11: {  	[smem:$0x3FAB] =	sst s9;
	s0 =	simm.s32 @!p0 $0x0  }
0x12: {  	s1 =	sld [smem:$0x3F91];
	s0 =	simm.s32 @p0 $0x1  }
0x13: {  	[smem:$0x3FAC] =	sst s0;
	s0 =	simm.s32 @!p1 $0x0  }
0x14: {  	s2 =	sld [smem:$0x3F90];
	s0 =	simm.s32 @p1 $0x1  }
0x15: {  	[smem:$0x3FAD] =	sst s0;
	s0 =	simm.s32 @!p2 $0x0  }
0x16: {  	s3 =	sld [smem:$0x3FDB];
	s0 =	simm.s32 @p2 $0x1  }
0x17: {  	s4 =	simm.s32 $0x1BF5;
	[smem:$0x3FAF] =	sst s0  }
0x18: {  	s0 =	sld [smem:$0x3F92];
	_ =	swait.ge [sflag:s4], $0x0  }
0x19: {  	s7 =	sld [smem:$0x3F93]  }
0x1a: {  	s8 =	sadd.s32 $0xFFFFE003, lr  }
0x1b: {  	s9 =	sadd.s32 $0xFFFFFEF7, lr;
	s5 =	simm.s32 $0xFFFFFFFF;
	p2 =	slt.u32 s8, $0xFFFFF086  }
0x1c: {  	p1 =	slt.u32 s9, $0xF7A;
	s5 =	simm.s32 @!p2 $0x0  }
0x1d: {  	s5 =	simm.s32 @p1 $0x1;
	p0 =	seq.s32 s7, s2  }
0x1e: {  	s7 =	smul.u32 @!p0 $0xF7A, s2;
	p2 =	seq.s32 @!p0 s5, $0x0  }
0x1f: {  	s9 =	smul.u32 $0xF7A, s1;
	s8 =	simm.s32 @!p0 $0x1BF5;
	p2 =	por !p2, p0  }
0x20: {  	[sflag:s8] =	ssyncset.s32 @!p0 $0xFFFFF086;
	s6 =	sadd.s32 @!p0 s3, s7;
	s7 =	simm.s32 @!p0 $0x108  }
0x21: {  	s3 =	sadd.s32 s3, s9;
	s6 =	sadd.s32 @!p0 $0x88, s6;
	s7 =	simm.s32 @p2 $0x1082  }
0x22: {  	[simem:s7], [sflag:s8] =	dma.local @!p0 [hbm:s6], $0xF7A  }
0x23: {  	s9 =	sor.u32 $0xD0000000, s2;
	s6 =	simm.s32 $0x108;
	_ =	swait.ge @!p0 [sflag:s8], $0x0  }
0x24: {  	s3 =	sadd.s32 $0x88, s3;
	s6 =	simm.s32 @!p1 $0x1082;
	[sflag:s4] =	ssyncset.s32 $0xFFFFF086  }
0x25: {  	[simem:s6], [sflag:s4] =	dma.local [hbm:s3], $0xF7A  }
0x26: {  	[smem:$0x3F93] =	sst s1;
	(tag) =	ssettag s2;
	_ =	strace s9  }
0x27: {  	s1 =	sld [smem:$0x3FA3]  }
0x28: {  	s2 =	sld [smem:$0x3FA4]  }
0x29: {  	s4 =	sld [smem:$0x3FA6]  }
0x2a: {  	p0 =	seq.s32 s5, $0x0;
	s5 =	sld [smem:$0x3FA7]  }
0x2b: {  	s6 =	sld [smem:$0x3FA8]  }
0x2c: {  	s7 =	sld [smem:$0x3FA9]  }
0x2d: {  	s3 =	simm.s32 $0x108;
	s8 =	sld [smem:$0x3FAA]  }
0x2e: {  	s3 =	simm.s32 @!p0 $0x1082;
	s9 =	sld [smem:$0x3FAB]  }
0x2f: {  	lr =	sadd.s32 s0, s3;
	s0 =	sld [smem:$0x3FA2]  }
0x30: {  	s3 =	sld [smem:$0x3FA5]  }
0x31: {  	[smem:$0x3FAE] =	sst s10  }
0x32: {  	s10 =	sld [smem:$0x3FAC];
	_ =	sdelay $0x3  }
0x33: {  	p0 =	seq.s32 s10, $0x1;
	s10 =	sld [smem:$0x3FAE];
	_ =	sdelay $0x3  }
0x34: {  	[smem:$0x3FAE] =	sst s10  }
0x35: {  	s10 =	sld [smem:$0x3FAD];
	_ =	sdelay $0x3  }
0x36: {  	p1 =	seq.s32 s10, $0x1;
	s10 =	sld [smem:$0x3FAE];
	_ =	sdelay $0x3  }
0x37: {  	[smem:$0x3FAE] =	sst s10  }
0x38: {  	s10 =	sld [smem:$0x3FAF]  }
0x39: {  	_ = 	snop;
	(pc) =	sbr.ind lr, $3  }
0x3a: {  	_ = 	snop  }
0x3b: {  	_ = 	snop  }
0x3c: {  	p2 =	seq.s32 s10, $0x1;
	s10 =	sld [smem:$0x3FAE]  }
0x3d: {  	_ =	shalt  }
0x3e: {  	_ =	shalt  }
0x3f: {  	_ =	shalt  }
0x40: {  	_ =	shalt  }
0x41: {  	_ =	shalt  }
0x42: {  	_ =	shalt  }
0x43: {  	_ =	shalt  }
0x44: {  	_ =	shalt  }
0x45: {  	_ =	shalt  }
0x46: {  	_ =	shalt  }
0x47: {  	_ =	shalt  }
0x48: {  	_ =	shalt  }
0x49: {  	_ =	shalt  }
0x4a: {  	_ =	shalt  }
0x4b: {  	_ =	shalt  }
0x4c: {  	_ =	shalt  }
0x4d: {  	_ =	shalt  }
0x4e: {  	_ =	shalt  }
0x4f: {  	_ =	shalt  }
0x50: {  	_ =	shalt  }
0x51: {  	_ =	shalt  }
0x52: {  	_ =	shalt  }
0x53: {  	_ =	shalt  }
0x54: {  	_ =	shalt  }
0x55: {  	_ =	shalt  }
0x56: {  	_ =	shalt  }
0x57: {  	_ =	shalt  }
0x58: {  	_ =	shalt  }
0x59: {  	_ =	shalt  }
0x5a: {  	_ =	shalt  }
0x5b: {  	_ =	shalt  }
0x5c: {  	_ =	shalt  }
0x5d: {  	_ =	shalt  }
0x5e: {  	_ =	shalt  }
0x5f: {  	_ =	shalt  }
0x60: {  	_ =	shalt  }
0x61: {  	_ =	shalt  }
0x62: {  	_ =	shalt  }
0x63: {  	_ =	shalt  }
0x64: {  	_ =	shalt  }
0x65: {  	_ =	shalt  }
0x66: {  	_ =	shalt  }
0x67: {  	_ =	shalt  }
0x68: {  	_ =	shalt  }
0x69: {  	_ =	shalt  }
0x6a: {  	_ =	shalt  }
0x6b: {  	_ =	shalt  }
0x6c: {  	_ =	shalt  }
0x6d: {  	_ =	shalt  }
0x6e: {  	_ =	shalt  }
0x6f: {  	_ =	shalt  }
0x70: {  	_ =	shalt  }
0x71: {  	_ =	shalt  }
0x72: {  	_ =	shalt  }
0x73: {  	_ =	shalt  }
0x74: {  	_ =	shalt  }
0x75: {  	_ =	shalt  }
0x76: {  	_ =	shalt  }
0x77: {  	_ =	shalt  }
0x78: {  	_ =	shalt  }
0x79: {  	_ =	shalt  }
0x7a: {  	_ =	shalt  }
0x7b: {  	_ =	shalt  }
0x7c: {  	_ =	shalt  }
0x7d: {  	_ =	shalt  }
0x7e: {  	_ =	shalt  }
0x7f: {  	_ =	shalt  }
0x80: {  	_ =	shalt  }
0x81: {  	_ =	shalt  }
0x82: {  	_ =	shalt  }
0x83: {  	_ =	shalt  }
0x84: {  	_ =	shalt  }
0x85: {  	_ =	shalt  }
0x86: {  	_ =	shalt  }
0x87: {  	_ =	shalt  }
.Lfunc_end0:
.L_simem_size_0:
called_computation.2_lowered:
.L_overlay_start_0:
0x88: {  	s2 =	sld [smem:$0x3FD9]  }
0x89: {  	s3 =	sld [smem:$0x3FFE];
	_ =	sdelay $0x1  }
0x8a: {  	s1 =	srdreg.scid  }
0x8b: {  	s0 =	sand.u32 $0x1, s1  }
0x8c: {  	s17 =	sshll.u32 s0, $0xA;
	s2 =	sadd.s32 s3, s2  }
0x8d: {  	s2 =	sadd.s32 s2, s17  }
0x8e: {  	[smem:$0x3FBA] =	sst s2  }
0x8f: {  	_ = 	snop  }
0x90: {  	s2 =	sld [smem:$0x3FC7];
	(tm) =	ssettm $0x1  }
0x91: {  	s18 =	sld [smem:$0x3FFB];
	_ =	sdelay $0x3  }
0x92: {  	_ =	strace s18  }
0x93: {  	s3 =	sld [smem:$0x3FFC];
	_ =	sdelay $0x3  }
0x94: {  	_ =	strace s3  }
0x95: {  	s3 =	sld [smem:$0x3FFD];
	_ =	sdelay $0x3  }
0x96: {  	_ =	strace s3  }
0x97: {  	_ =	strace $0x8FFFFFFF  }
0x98: {  	s19 =	sld [smem:$0x3FDB];
	_ =	sdelay $0x1  }
0x99: {  	s4 =	simm.s32 $_scs_section_size  }
0x9a: {  	s5 =	simm.s32 $_size__tile_overlayer_lowered;
	s6 =	simm.s32 $_tile_overlayer_lowered  }
0x9b: {  	s22 =	simm.s32 $0x1BFF;
	s21 =	sshll.u32 s6, $0x1;
	s3 =	sadd.s32 s4, s19  }
0x9c: {  	s7 =	simm.s32 $0x0;
	s20 =	sshll.u32 s5, $0x1;
	s5 =	sadd.s32 s21, s3  }
0x9d: {  	[timem:s7], [sflag:s22] =	dma.local [hbm:s5], s20  }
0x9e: {  	_ =	swait.ge [sflag:s22], s20  }
0x9f: {  	s4 =	ssub.s32 $0x0, s20;
	[sflag:s22] =	ssyncset.done $0x0  }
0xa0: {  	[sflag:s22] =	ssyncadd.s32 s4;
	_ =	sdelay $0x1  }
0xa1: {  	s23 =	simm.s32 $0x1B8B  }
0xa2: {  	_ =	swait.ge [sflag:s23], $0x1  }
0xa3: {  	[sflag:s23] =	ssyncset.done $0x0  }
0xa4: {  	s25 =	simm.s32 $0x1B8E;
	s24 =	sld [smem:$0x3FFE];
	[sflag:s23] =	ssyncadd.s32 $0xFFFFFFFF  }
0xa5: {  	s26 =	simm.s32 $execute0_lowered;
	[smem:$0x3FD2] =	sst s25  }
0xa6: {  	s5 =	sshll.u32 s26, $0x1;
	_ =	strace $0x8000004C;
	[dreg:$0x1] =	wrdreg $0xFFFFFFFF  }
0xa7: {  	s28 =	simm.s32 $_size_execute0_lowered;
	s3 =	sadd.s32 s3, s5;
	[dreg:$0x0] =	wrdreg $0x0  }
0xa8: {  	s5 =	sshll.u32 s28, $0x1;
	[dreg:$0x2] =	wrdreg s3  }
0xa9: {  	[dreg:$0x3] =	wrdreg s5  }
0xaa: {  	[dreg:$0x4] =	wrdreg $0xC0  }
0xab: {  	_ =	task [dreg:s7], $0x5FFFF  }
0xac: {  	[dreg:$0x1] =	wrdreg $0xFFFFFFFF  }
0xad: {  	[dreg:$0x0] =	wrdreg $0x60  }
0xae: {  	[dreg:$0x2] =	wrdreg s24  }
0xaf: {  	[dreg:$0x3] =	wrdreg s2  }
0xb0: {  	[dreg:$0x4] =	wrdreg $0x9  }
0xb1: {  	_ =	task.clear_ibuf [dreg:s7], $0x5FFFF;
	_ =	strace $0x9000004C  }
0xb2: {  	s29 =	simm.s32 $0x9;
	_ =	strace $0x8000004E  }
0xb3: {  	_ =	swait.ge [sflag:s29], $0x1  }
0xb4: {  	[sflag:s29] =	ssyncadd.s32 $0xFFFFFFFF  }
0xb5: {  	_ =	strace $0x9000004E  }
0xb6: {  	_ =	sfence  }
0xb7: {  	s30 =	sld [smem:$0x0];
	_ =	sdelay $0x2  }
0xb8: {  	s31 =	sshll.u32 s1, $0xD;
	s1 =	sshrl.u32 s1, $0x2  }
0xb9: {  	s3 =	sand.u32 $0x4000, s31;
	s1 =	sadd.s32 s1, s30  }
0xba: {  	s0 =	sor.u32 s3, s0;
	s1 =	sshll.u32 s1, $0x11  }
0xbb: {  	s0 =	sor.u32 s1, s0  }
0xbc: {  	s0 =	sadd.s32 $0x8F2B, s0  }
0xbd: {  	[sflag:s0] =	ssyncadd.remote.s32 $0x1  }
0xbe: {  	_ =	sfence.sel $0xFFFF  }
0xbf: {  	[dreg:$0x0] =	wrdreg $0xFFFFFFFF;
	(pc) =	sbr.abs _section_cstart, $3  }
0xc0: {  	[dreg:$0x1] =	wrdreg $0xFFFFFFFF  }
0xc1: {  	_ =	task.clear_ibuf [dreg:s7], $0x2FFFF;
	_ =	strace $0x9FFFFFFF  }
0xc2: {  	(tm) =	ssettm $0x7FFFFFFF  }
0xc3: {  	_ =	shalt  }
tec
execute0_lowered:
.L_overlay_start_1:
0x0: {  	(tag) =	ssettag $0x1  }
0x1: {  	s0 =	rddreg [dreg:$0x0]  }
0x2: {  	s1 =	rddreg [dreg:$0x1]  }
0x3: {  	s2 =	simm.s32 $0x0;
	s5 =	srdreg.scid;
	s10 =	stileid.u32  }
0x4: {  	s28 =	simm.s32 $0x19A80;
	s29 =	simm.s32 $0x2;
	s30 =	simm.s32 $0x9E00  }
0x5: {  	s31 =	simm.s32 $0xC580;
	[smem:$0x7FF] =	sst s2;
	s3 =	sadd.s32 $0xF200, s0  }
0x6: {  	s4 =	sadd.s32 $0x5400, s0;
	s5 =	sand.u32 $0x1, s5;
	s0 =	sadd.s32 $0x14200, s0  }
0x7: {  	s8 =	sshrl.u32 s10, $0x1;
	s10 =	sand.u32 $0x1, s10;
	_ =	strace $0x8000004D  }
0x8: {  	s6 =	ssub.s32 $0x2, s5;
	s9 =	smul.u32 $0x9C40, s8;
	p0 =	seq.s32 s10, $0x1  }
0x9: {  	s10 =	simm.s32 $0x13C00;
	s5 =	sshll.u32 s5, $0x9;
	s8 =	smul.u32 $0x27800, s8  }
0xa: {  	s7 =	sshrl.u32 s6, $0x1;
	s10 =	simm.s32 @!p0 $0x0;
	s14 =	sor.u32 $0x80, s5  }
0xb: {  	s15 =	sor.u32 $0x100, s5;
	s16 =	sor.u32 $0x180, s5;
	s6 =	ssub.s32 s6, s7  }
0xc: {  	s17 =	sshrl.u32 s9, $0x3;
	s18 =	sor.u32 s5, s10;
	s12 =	sor.u32 s14, s10  }
0xd: {  	s20 =	sor.u32 s15, s10;
	s21 =	sor.u32 s16, s10;
	s8 =	sadd.s32 s10, s8  }
0xe: {  	s13 =	sadd.s32 $0x3E80, s9;
	s11 =	sadd.s32 s4, s17;
	s7 =	sadd.s32 s1, s17  }
0xf: {  	s19 =	sshrl.u32 s12, $0x3;
	s12 =	sshrl.u32 s21, $0x3;
	s23 =	sor.u32 s5, s8  }
0x10: {  	s24 =	sor.u32 s14, s8;
	s25 =	sor.u32 s15, s8;
	[dreg:$0x3] =	wrdreg s11  }
0x11: {  	s8 =	sor.u32 s16, s8;
	s21 =	simm.s32 $0x400;
	[dreg:$0x4] =	wrdreg s7  }
0x12: {  	s11 =	sshrl.u32 s18, $0x3;
	s7 =	simm.s32 $0x13C00;
	s5 =	sshrl.u32 s25, $0x3  }
0x13: {  	s26 =	sshrl.u32 s8, $0x3;
	s18 =	smax.u32 s6, $0x1;
	s25 =	simm.s32 $0x1  }
0x14: {  	s6 =	simm.s32 $0x0;
	s11 =	sadd.s32 s3, s11;
	s16 =	sadd.s32 s0, s5  }
0x15: {  	s17 =	sadd.s32 s0, s26;
	[dreg:$0x5] =	wrdreg s11;
	s11 =	sadd.s32 s3, s19  }
0x16: {  	s26 =	simm.s32 $0x17B00;
	[dreg:$0x6] =	wrdreg s11;
	s11 =	sshrl.u32 s20, $0x3  }
0x17: {  	s5 =	simm.s32 $0x3;
	s19 =	simm.s32 $0x15B80;
	s22 =	sadd.s32 s3, s11  }
0x18: {  	s20 =	simm.s32 $0x80;
	s3 =	sadd.s32 s3, s12;
	[dreg:$0x7] =	wrdreg s22  }
0x19: {  	s12 =	sadd.s32 $0x1F40, s9;
	[dreg:$0x8] =	wrdreg s3;
	s3 =	sshrl.u32 s23, $0x3  }
0x1a: {  	s22 =	simm.s32 $0x2780;
	s23 =	simm.s32 $0x4F00;
	s3 =	sadd.s32 s0, s3  }
0x1b: {  	[dreg:$0x9] =	wrdreg s3;
	s3 =	sshrl.u32 s24, $0x3;
	s24 =	simm.s32 $0x7680  }
0x1c: {  	v0 =	vimm.f32 $0.0e+00;
	s15 =	sadd.s32 s0, s3;
	s0 =	simm.s32 $0xED00;
	s3 =	simm.s32 $0x11480  }
.LBB2_1:
0x1d: {  	s8 =	rddreg [dreg:$0x3]  }
0x1e: {  	[tilespmem:s7], [sflag:$0x2] =	stream.linear.gather [hbm4b:s8+s2], $0x1F40, $0x38;
	[tilespmem:$0x1BA00] =	vst v63  }
0x1f: {  	s14 =	rddreg [dreg:$0x4]  }
0x20: {  	[tilespmem:s19], [sflag:$0x2] =	stream.linear.gather [hbm4b:s14+s2], $0x1F40, $0x38;
	[tilespmem:$0x1BA00] =	vst v63  }
0x21: {  	s9 =	rddreg [dreg:$0x5]  }
0x22: {  	[tilespmem:s2], [sflag:$0x1] =	stream.strided.gather [hbm4b:s9+s20], $0x2780, s21, s20, $0x38;
	[tilespmem:$0x1BA00] =	vst v63  }
0x23: {  	s10 =	rddreg [dreg:$0x6]  }
0x24: {  	[tilespmem:s22], [sflag:$0x1] =	stream.strided.gather [hbm4b:s10+s20], $0x2780, s21, s20, $0x38;
	[tilespmem:$0x1BA00] =	vst v63  }
0x25: {  	s11 =	rddreg [dreg:$0x7]  }
0x26: {  	[tilespmem:s23], [sflag:$0x1] =	stream.strided.gather [hbm4b:s11+s20], $0x2780, s21, s20, $0x38;
	[tilespmem:$0x1BA00] =	vst v63  }
0x27: {  	s14 =	rddreg [dreg:$0x8];
	s11 =	simm.s32 $0x9E20  }
0x28: {  	[tilespmem:s24], [sflag:$0x1] =	stream.strided.gather [hbm4b:s14+s20], $0x2780, s21, s20, $0x38;
	[tilespmem:$0x1BA00] =	vst v63  }
0x29: {  	[tilespmem:s11+$0xFFFFFFF0] =	vst v0  }
0x2a: {  	[tilespmem:s11+$0x0] =	vst v0  }
0x2b: {  	[tilespmem:s11+$0x10] =	vst v0  }
0x2c: {  	s8 =	simm.s32 $0xC5A0;
	[tilespmem:s11+$0xFFFFFFE0] =	vst v0  }
0x2d: {  	[tilespmem:s8+$0xFFFFFFF0] =	vst v0  }
0x2e: {  	[tilespmem:s8+$0x0] =	vst v0  }
0x2f: {  	[tilespmem:s8+$0x10] =	vst v0  }
0x30: {  	s9 =	simm.s32 $0xED20;
	[tilespmem:s8+$0xFFFFFFE0] =	vst v0  }
0x31: {  	[tilespmem:s9+$0xFFFFFFF0] =	vst v0  }
0x32: {  	[tilespmem:s9+$0x0] =	vst v0  }
0x33: {  	[tilespmem:s9+$0x10] =	vst v0  }
0x34: {  	s10 =	simm.s32 $0x114A0;
	[tilespmem:s9+$0xFFFFFFE0] =	vst v0  }
0x35: {  	[tilespmem:s10+$0xFFFFFFF0] =	vst v0  }
0x36: {  	[tilespmem:s10+$0x0] =	vst v0  }
0x37: {  	[tilespmem:s10+$0x10] =	vst v0  }
0x38: {  	s14 =	simm.s32 $0x9E60;
	s11 =	simm.s32 $0x0;
	[tilespmem:s10+$0xFFFFFFE0] =	vst v0  }
.LBB2_2:
0x39: {  	[tilespmem:s14+$0xFFFFFFF0] =	vst v0;
	s8 =	sadd.s32 $0x40, s8  }
0x3a: {  	s9 =	sadd.s32 $0x40, s9;
	[tilespmem:s8+$0xFFFFFFF0] =	vst v0  }
0x3b: {  	s10 =	sadd.s32 $0x40, s10;
	[tilespmem:s9+$0xFFFFFFF0] =	vst v0  }
0x3c: {  	[tilespmem:s10+$0xFFFFFFF0] =	vst v0  }
0x3d: {  	[tilespmem:s14+$0x0] =	vst v0  }
0x3e: {  	[tilespmem:s8+$0x0] =	vst v0  }
0x3f: {  	[tilespmem:s9+$0x0] =	vst v0  }
0x40: {  	[tilespmem:s10+$0x0] =	vst v0  }
0x41: {  	[tilespmem:s14+$0x10] =	vst v0  }
0x42: {  	s11 =	sadd.s32 $0x4, s11;
	[tilespmem:s8+$0x10] =	vst v0  }
0x43: {  	p0 =	slt.u32 s11, $0x26C;
	[tilespmem:s9+$0x10] =	vst v0  }
.Ltmp0:
0x44: {  	[tilespmem:s10+$0x10] =	vst v0;
	(pc) =	sbr.rel @p0 .LBB2_2-.Ltmp0, $4  }
0x45: {  	[tilespmem:s14+$0xFFFFFFE0] =	vst v0  }
0x46: {  	[tilespmem:s8+$0xFFFFFFE0] =	vst v0  }
0x47: {  	[tilespmem:s9+$0xFFFFFFE0] =	vst v0  }
0x48: {  	s14 =	sadd.s32 $0x40, s14;
	[tilespmem:s10+$0xFFFFFFE0] =	vst v0  }
0x49: {  	[tilespmem:$0xC500] =	vst v0  }
0x4a: {  	[tilespmem:$0xEC80] =	vst v0  }
0x4b: {  	[tilespmem:$0x11400] =	vst v0  }
0x4c: {  	[tilespmem:$0x13B80] =	vst v0  }
0x4d: {  	_ =	swait.ge [sflag:s25], $0x2780  }
0x4e: {  	[sflag:s25] =	ssyncset.done $0x0  }
0x4f: {  	[sflag:s25] =	ssyncadd.s32 $0xFFFFD880  }
0x50: {  	_ =	swait.ge [sflag:s25], $0x2780  }
0x51: {  	[sflag:s25] =	ssyncset.done $0x0  }
0x52: {  	[sflag:s25] =	ssyncadd.s32 $0xFFFFD880  }
0x53: {  	_ =	swait.ge [sflag:s25], $0x2780  }
0x54: {  	[sflag:s25] =	ssyncset.done $0x0  }
0x55: {  	[sflag:s25] =	ssyncadd.s32 $0xFFFFD880  }
0x56: {  	_ =	swait.ge [sflag:s25], $0x2780  }
0x57: {  	[sflag:s25] =	ssyncset.done $0x0  }
0x58: {  	s8 =	simm.s32 $0x0;
	p1 =	por $0x1, $0x1;
	[sflag:s25] =	ssyncadd.s32 $0xFFFFD880  }
.LBB2_4:
0x59: {  	s9 =	sadd.s32 s8, s12  }
0x5a: {  	s9 =	sshrl.u32 s9, $0x3  }
0x5b: {  	s10 =	sadd.s32 s4, s9  }
0x5c: {  	[tilespmem:s26], [sflag:$0x3] =	stream.linear.gather [hbm4b:s10+s2], $0x1F40, $0x38;
	[tilespmem:$0x1BA00] =	vst v63  }
0x5d: {  	s9 =	sadd.s32 s1, s9  }
0x5e: {  	[tilespmem:s28], [sflag:$0x3] =	stream.linear.gather [hbm4b:s9+s2], $0x1F40, $0x38;
	[tilespmem:$0x1BA00] =	vst v63  }
0x5f: {  	_ =	swait.ge [sflag:s29], $0x1F40  }
0x60: {  	[sflag:s29] =	ssyncset.done $0x0  }
0x61: {  	[sflag:s29] =	ssyncadd.s32 $0xFFFFE0C0  }
0x62: {  	_ =	swait.ge [sflag:s29], $0x1F40  }
0x63: {  	[sflag:s29] =	ssyncset.done $0x0  }
0x64: {  	s14 =	simm.s32 $0x13C20;
	[sflag:s29] =	ssyncadd.s32 $0xFFFFE0C0  }
0x65: {  	v3 =	vld [tilespmem:s14+$0x20];
	_ =	sdelay $0x2  }
0x66: {  	v4 =	vld [tilespmem:s14+$0xFFFFFFE0]  }
0x67: {  	v5 =	vld [tilespmem:s14+$0xFFFFFFF0]  }
0x68: {  	v6 =	vld [tilespmem:s14+$0x0];
	v11 =	vand.u32 $0xFFFF, v3  }
0x69: {  	v12 =	vld [tilespmem:s14+$0x10]  }
0x6a: {  	s9 =	simm.s32 $0x15BA0  }
0x6b: {  	v15 =	vld [tilespmem:s9+$0x20];
	v14 =	vand.u32 $0xFFFF, v4  }
0x6c: {  	v10 =	vld [tilespmem:s9+$0xFFFFFFE0];
	v13 =	vand.u32 $0xFFFF, v5  }
0x6d: {  	v1 =	vand.u32 $0xFFFF, v6;
	v7 =	vld.idx.msk [tilespmem:v11+s2+$0x0], $0xffff  }
0x6e: {  	v9 =	vld [tilespmem:s9+$0xFFFFFFF0];
	v2 =	vand.u32 $0xFFFF, v12  }
0x6f: {  	v8 =	vld [tilespmem:s9+$0x0];
	v18 =	vshrl.u32 v3, $0x10  }
0x70: {  	v19 =	vld.idx.msk [tilespmem:v14+s2+$0x0], $0xffff  }
0x71: {  	v16 =	vld.idx.msk [tilespmem:v13+s2+$0x0], $0xffff  }
0x72: {  	v4 =	vshrl.u32 v4, $0x10;
	v17 =	vld.idx.msk [tilespmem:v1+s2+$0x0], $0xffff;
	v7 =	vmul.f32 v7, v15  }
0x73: {  	v3 =	vshrl.u32 v5, $0x10;
	v20 =	vld.idx.msk [tilespmem:v2+s2+$0x0], $0xffff  }
0x74: {  	v6 =	vshrl.u32 v6, $0x10;
	[tilespmem:v18+s30+$0x0] =	vst.idx.add.f32.msk $0xffff, v7  }
0x75: {  	v5 =	vmul.f32 v19, v10;
	v7 =	vld [tilespmem:s9+$0x10]  }
0x76: {  	v16 =	vmul.f32 v16, v9;
	v21 =	vld.idx.msk [tilespmem:v11+s22+$0x0], $0xffff  }
0x77: {  	v17 =	vmul.f32 v17, v8;
	[tilespmem:v4+s30+$0x0] =	vst.idx.add.f32.msk $0xffff, v5  }
0x78: {  	[tilespmem:v3+s30+$0x0] =	vst.idx.add.f32.msk $0xffff, v16  }
0x79: {  	[tilespmem:v6+s30+$0x0] =	vst.idx.add.f32.msk $0xffff, v17  }
0x7a: {  	v5 =	vshrl.u32 v12, $0x10;
	v12 =	vld.idx.msk [tilespmem:v14+s22+$0x0], $0xffff  }
0x7b: {  	v55 =	vld.idx.msk [tilespmem:v13+s22+$0x0], $0xffff;
	v54 =	vmul.f32 v21, v15  }
0x7c: {  	v58 =	vld.idx.msk [tilespmem:v1+s22+$0x0], $0xffff  }
0x7d: {  	v56 =	vmul.f32 v20, v7;
	[tilespmem:v18+s31+$0x0] =	vst.idx.add.f32.msk $0xffff, v54  }
0x7e: {  	v57 =	vld.idx.msk [tilespmem:v11+s23+$0x0], $0xffff  }
0x7f: {  	v12 =	vmul.f32 v12, v10;
	[tilespmem:v5+s30+$0x0] =	vst.idx.add.f32.msk $0xffff, v56  }
0x80: {  	v59 =	vmul.f32 v55, v9;
	v60 =	vld.idx.msk [tilespmem:v2+s22+$0x0], $0xffff  }
0x81: {  	[tilespmem:v4+s31+$0x0] =	vst.idx.add.f32.msk $0xffff, v12  }
0x82: {  	[tilespmem:v3+s31+$0x0] =	vst.idx.add.f32.msk $0xffff, v59  }
0x83: {  	v61 =	vld.idx.msk [tilespmem:v14+s23+$0x0], $0xffff;
	v12 =	vmul.f32 v57, v15  }
0x84: {  	v62 =	vld.idx.msk [tilespmem:v13+s23+$0x0], $0xffff  }
0x85: {  	v19 =	vmul.f32 v60, v7;
	[tilespmem:v18+s0+$0x0] =	vst.idx.add.f32.msk $0xffff, v12  }
0x86: {  	v12 =	vmul.f32 v58, v8;
	v11 =	vld.idx.msk [tilespmem:v11+s24+$0x0], $0xffff  }
0x87: {  	[tilespmem:v5+s31+$0x0] =	vst.idx.add.f32.msk $0xffff, v19  }
0x88: {  	[tilespmem:v6+s31+$0x0] =	vst.idx.add.f32.msk $0xffff, v12  }
0x89: {  	v12 =	vmul.f32 v61, v10;
	v63 =	vld.idx.msk [tilespmem:v1+s23+$0x0], $0xffff  }
0x8a: {  	v19 =	vld.idx.msk [tilespmem:v2+s23+$0x0], $0xffff  }
0x8b: {  	[tilespmem:v4+s0+$0x0] =	vst.idx.add.f32.msk $0xffff, v12;
	v12 =	vmul.f32 v11, v15  }
0x8c: {  	v11 =	vld.idx.msk [tilespmem:v14+s24+$0x0], $0xffff;
	v14 =	vmul.f32 v62, v9  }
0x8d: {  	[tilespmem:v18+s3+$0x0] =	vst.idx.add.f32.msk $0xffff, v12  }
0x8e: {  	[tilespmem:v3+s0+$0x0] =	vst.idx.add.f32.msk $0xffff, v14;
	v14 =	vmul.f32 v63, v8  }
0x8f: {  	v12 =	vld.idx.msk [tilespmem:v13+s24+$0x0], $0xffff  }
0x90: {  	p0 =	por p1, p1;
	s11 =	simm.s32 $0x13C70;
	s10 =	simm.s32 $0x0;
	v13 =	vmul.f32 v19, v7;
	[tilespmem:v6+s0+$0x0] =	vst.idx.add.f32.msk $0xffff, v14  }
.LBB2_5:
0x91: {  	v14 =	vld [tilespmem:s11+$0x20];
	s10 =	sadd.s32 $0x5, s10;
	v10 =	vmul.f32 v11, v10  }
0x92: {  	v11 =	vld [tilespmem:s11+$0xFFFFFFF0];
	p1 =	slt.u32 s10, $0x1EF  }
0x93: {  	v15 =	vld [tilespmem:s11+$0x0]  }
0x94: {  	v9 =	vmul.f32 v12, v9;
	v16 =	vld [tilespmem:s11+$0x10]  }
0x95: {  	v12 =	vld [tilespmem:s11+$0xFFFFFFE0]  }
0x96: {  	v17 =	vand.u32 $0xFFFF, v14;
	[tilespmem:v5+s0+$0x0] =	vst.idx.add.f32.msk $0xffff, v13  }
0x97: {  	v13 =	vshrl.u32 v11, $0x10;
	v18 =	vand.u32 $0xFFFF, v11;
	v11 =	vld.idx.msk [tilespmem:v1+s24+$0x0], $0xffff  }
0x98: {  	v19 =	vshrl.u32 v15, $0x10;
	v1 =	vand.u32 $0xFFFF, v15;
	v15 =	vld.idx.msk [tilespmem:v2+s24+$0x0], $0xffff  }
0x99: {  	v20 =	vshrl.u32 v16, $0x10;
	v2 =	vand.u32 $0xFFFF, v16;
	[tilespmem:v4+s3+$0x0] =	vst.idx.add.f32.msk $0xffff, v10  }
0x9a: {  	v4 =	vshrl.u32 v12, $0x10;
	v12 =	vand.u32 $0xFFFF, v12;
	[tilespmem:v3+s3+$0x0] =	vst.idx.add.f32.msk $0xffff, v9;
	v3 =	vmov v13  }
0x9b: {  	s9 =	sadd.s32 $0x50, s9;
	v9 =	vld.idx.msk [tilespmem:v17+s2+$0x0], $0xffff  }
0x9c: {  	v13 =	vld [tilespmem:s9+$0x20]  }
0x9d: {  	v11 =	vmul.f32 v11, v8;
	v16 =	vld.idx.msk [tilespmem:v18+s2+$0x0], $0xffff  }
0x9e: {  	v14 =	vshrl.u32 v14, $0x10;
	v15 =	vmul.f32 v15, v7;
	v21 =	vld.idx.msk [tilespmem:v1+s2+$0x0], $0xffff  }
0x9f: {  	v7 =	vld.idx.msk [tilespmem:v12+s2+$0x0], $0xffff  }
0xa0: {  	v22 =	vld.idx.msk [tilespmem:v2+s2+$0x0], $0xffff  }
0xa1: {  	v10 =	vld [tilespmem:s9+$0xFFFFFFE0];
	v8 =	vmul.f32 v9, v13  }
0xa2: {  	v9 =	vld [tilespmem:s9+$0xFFFFFFF0]  }
0xa3: {  	[tilespmem:v14+s30+$0x0] =	vst.idx.add.f32.msk $0xffff, v8  }
0xa4: {  	v23 =	vld.idx.msk [tilespmem:v17+s22+$0x0], $0xffff  }
0xa5: {  	v8 =	vld [tilespmem:s9+$0x0]  }
0xa6: {  	v24 =	vmul.f32 v7, v10;
	v7 =	vld [tilespmem:s9+$0x10]  }
0xa7: {  	v16 =	vmul.f32 v16, v9;
	[tilespmem:v6+s3+$0x0] =	vst.idx.add.f32.msk $0xffff, v11;
	v6 =	vmov v19  }
0xa8: {  	[tilespmem:v4+s30+$0x0] =	vst.idx.add.f32.msk $0xffff, v24  }
0xa9: {  	[tilespmem:v3+s30+$0x0] =	vst.idx.add.f32.msk $0xffff, v16  }
0xaa: {  	v19 =	vmul.f32 v23, v13;
	v11 =	vld.idx.msk [tilespmem:v12+s22+$0x0], $0xffff;
	v16 =	vmul.f32 v21, v8  }
0xab: {  	v21 =	vld.idx.msk [tilespmem:v18+s22+$0x0], $0xffff;
	v22 =	vmul.f32 v22, v7  }
0xac: {  	[tilespmem:v14+s31+$0x0] =	vst.idx.add.f32.msk $0xffff, v19  }
0xad: {  	v19 =	vld.idx.msk [tilespmem:v17+s23+$0x0], $0xffff  }
0xae: {  	[tilespmem:v6+s30+$0x0] =	vst.idx.add.f32.msk $0xffff, v16  }
0xaf: {  	[tilespmem:v20+s30+$0x0] =	vst.idx.add.f32.msk $0xffff, v22  }
0xb0: {  	v11 =	vmul.f32 v11, v10;
	v16 =	vld.idx.msk [tilespmem:v1+s22+$0x0], $0xffff  }
0xb1: {  	v21 =	vmul.f32 v21, v9;
	v22 =	vld.idx.msk [tilespmem:v2+s22+$0x0], $0xffff  }
0xb2: {  	[tilespmem:v4+s31+$0x0] =	vst.idx.add.f32.msk $0xffff, v11  }
0xb3: {  	v11 =	vmul.f32 v19, v13;
	[tilespmem:v3+s31+$0x0] =	vst.idx.add.f32.msk $0xffff, v21  }
0xb4: {  	v19 =	vld.idx.msk [tilespmem:v12+s23+$0x0], $0xffff  }
0xb5: {  	[tilespmem:v14+s0+$0x0] =	vst.idx.add.f32.msk $0xffff, v11  }
0xb6: {  	v11 =	vmul.f32 v16, v8;
	v16 =	vld.idx.msk [tilespmem:v17+s24+$0x0], $0xffff  }
0xb7: {  	v21 =	vmul.f32 v22, v7;
	v17 =	vld.idx.msk [tilespmem:v18+s23+$0x0], $0xffff  }
0xb8: {  	[tilespmem:v6+s31+$0x0] =	vst.idx.add.f32.msk $0xffff, v11  }
0xb9: {  	[tilespmem:v20+s31+$0x0] =	vst.idx.add.f32.msk $0xffff, v21  }
0xba: {  	v11 =	vmul.f32 v19, v10;
	v19 =	vld.idx.msk [tilespmem:v1+s23+$0x0], $0xffff  }
0xbb: {  	v21 =	vld.idx.msk [tilespmem:v2+s23+$0x0], $0xffff  }
0xbc: {  	v13 =	vmul.f32 v16, v13;
	[tilespmem:v4+s0+$0x0] =	vst.idx.add.f32.msk $0xffff, v11  }
0xbd: {  	v11 =	vld.idx.msk [tilespmem:v12+s24+$0x0], $0xffff;
	v12 =	vmul.f32 v17, v9  }
.Ltmp1:
0xbe: {  	[tilespmem:v14+s3+$0x0] =	vst.idx.add.f32.msk $0xffff, v13;
	(pc) =	sbr.rel @p1 .LBB2_5-.Ltmp1, $4  }
0xbf: {  	[tilespmem:v3+s0+$0x0] =	vst.idx.add.f32.msk $0xffff, v12  }
0xc0: {  	v14 =	vmul.f32 v19, v8;
	v12 =	vld.idx.msk [tilespmem:v18+s24+$0x0], $0xffff  }
0xc1: {  	v13 =	vmul.f32 v21, v7;
	[tilespmem:v5+s3+$0x0] =	vst.idx.add.f32.msk $0xffff, v15;
	v5 =	vmov v20  }
0xc2: {  	s11 =	sadd.s32 $0x50, s11;
	[tilespmem:v6+s0+$0x0] =	vst.idx.add.f32.msk $0xffff, v14  }
0xc3: {  	_ =	sdelay $0x3  }
0xc4: {  	[tilespmem:v5+s0+$0x0] =	vst.idx.add.f32.msk $0xffff, v13  }
0xc5: {  	v1 =	vld.idx.msk [tilespmem:v1+s24+$0x0], $0xffff  }
0xc6: {  	v2 =	vld.idx.msk [tilespmem:v2+s24+$0x0], $0xffff;
	_ =	sdelay $0x1  }
0xc7: {  	v10 =	vmul.f32 v11, v10  }
0xc8: {  	v9 =	vmul.f32 v12, v9  }
0xc9: {  	[tilespmem:v4+s3+$0x0] =	vst.idx.add.f32.msk $0xffff, v10;
	v1 =	vmul.f32 v1, v8  }
0xca: {  	s8 =	sadd.s32 s8, s13;
	[tilespmem:v3+s3+$0x0] =	vst.idx.add.f32.msk $0xffff, v9;
	v2 =	vmul.f32 v2, v7  }
0xcb: {  	s8 =	sshrl.u32 s8, $0x3;
	[tilespmem:v6+s3+$0x0] =	vst.idx.add.f32.msk $0xffff, v1  }
0xcc: {  	s9 =	sadd.s32 s4, s8;
	[tilespmem:v5+s3+$0x0] =	vst.idx.add.f32.msk $0xffff, v2  }
0xcd: {  	[tilespmem:s7], [sflag:$0x2] =	stream.linear.gather [hbm4b:s9+s2], $0x1F40, $0x38;
	[tilespmem:$0x1BA00] =	vst v63  }
0xce: {  	s8 =	sadd.s32 s1, s8  }
0xcf: {  	[tilespmem:s19], [sflag:$0x2] =	stream.linear.gather [hbm4b:s8+s2], $0x1F40, $0x38;
	[tilespmem:$0x1BA00] =	vst v63  }
0xd0: {  	_ =	swait.ge [sflag:s5], $0x1F40  }
0xd1: {  	[sflag:s5] =	ssyncset.done $0x0  }
0xd2: {  	[sflag:s5] =	ssyncadd.s32 $0xFFFFE0C0  }
0xd3: {  	_ =	swait.ge [sflag:s5], $0x1F40  }
0xd4: {  	[sflag:s5] =	ssyncset.done $0x0  }
0xd5: {  	s14 =	simm.s32 $0x17B20;
	[sflag:s5] =	ssyncadd.s32 $0xFFFFE0C0  }
0xd6: {  	v3 =	vld [tilespmem:s14+$0x20]  }
0xd7: {  	v4 =	vld [tilespmem:s14+$0xFFFFFFE0];
	_ =	sdelay $0x2  }
0xd8: {  	v5 =	vld [tilespmem:s14+$0xFFFFFFF0]  }
0xd9: {  	v6 =	vld [tilespmem:s14+$0x0];
	v11 =	vand.u32 $0xFFFF, v3  }
0xda: {  	v12 =	vld [tilespmem:s14+$0x10];
	v14 =	vand.u32 $0xFFFF, v4  }
0xdb: {  	s8 =	simm.s32 $0x19AA0  }
0xdc: {  	v15 =	vld [tilespmem:s8+$0x20]  }
0xdd: {  	v10 =	vld [tilespmem:s8+$0xFFFFFFE0];
	v13 =	vand.u32 $0xFFFF, v5  }
0xde: {  	v1 =	vand.u32 $0xFFFF, v6;
	v7 =	vld.idx.msk [tilespmem:v11+s2+$0x0], $0xffff  }
0xdf: {  	v2 =	vand.u32 $0xFFFF, v12;
	v19 =	vld.idx.msk [tilespmem:v14+s2+$0x0], $0xffff  }
0xe0: {  	v9 =	vld [tilespmem:s8+$0xFFFFFFF0];
	v18 =	vshrl.u32 v3, $0x10  }
0xe1: {  	v8 =	vld [tilespmem:s8+$0x0];
	v4 =	vshrl.u32 v4, $0x10  }
0xe2: {  	v16 =	vld.idx.msk [tilespmem:v13+s2+$0x0], $0xffff  }
0xe3: {  	v17 =	vld.idx.msk [tilespmem:v1+s2+$0x0], $0xffff;
	v7 =	vmul.f32 v7, v15  }
0xe4: {  	v3 =	vshrl.u32 v5, $0x10;
	v20 =	vld.idx.msk [tilespmem:v2+s2+$0x0], $0xffff;
	v5 =	vmul.f32 v19, v10  }
0xe5: {  	[tilespmem:v18+s30+$0x0] =	vst.idx.add.f32.msk $0xffff, v7  }
0xe6: {  	[tilespmem:v4+s30+$0x0] =	vst.idx.add.f32.msk $0xffff, v5  }
0xe7: {  	v16 =	vmul.f32 v16, v9;
	v5 =	vshrl.u32 v6, $0x10;
	v21 =	vld.idx.msk [tilespmem:v11+s22+$0x0], $0xffff  }
0xe8: {  	v7 =	vld [tilespmem:s8+$0x10]  }
0xe9: {  	[tilespmem:v3+s30+$0x0] =	vst.idx.add.f32.msk $0xffff, v16  }
0xea: {  	v17 =	vmul.f32 v17, v8;
	v6 =	vshrl.u32 v12, $0x10;
	v12 =	vld.idx.msk [tilespmem:v14+s22+$0x0], $0xffff  }
0xeb: {  	v55 =	vld.idx.msk [tilespmem:v13+s22+$0x0], $0xffff  }
0xec: {  	[tilespmem:v5+s30+$0x0] =	vst.idx.add.f32.msk $0xffff, v17;
	v54 =	vmul.f32 v21, v15  }
0xed: {  	v58 =	vld.idx.msk [tilespmem:v1+s22+$0x0], $0xffff  }
0xee: {  	v56 =	vmul.f32 v20, v7;
	[tilespmem:v18+s31+$0x0] =	vst.idx.add.f32.msk $0xffff, v54  }
0xef: {  	v57 =	vld.idx.msk [tilespmem:v11+s23+$0x0], $0xffff  }
0xf0: {  	v12 =	vmul.f32 v12, v10;
	[tilespmem:v6+s30+$0x0] =	vst.idx.add.f32.msk $0xffff, v56  }
0xf1: {  	v59 =	vmul.f32 v55, v9;
	v60 =	vld.idx.msk [tilespmem:v2+s22+$0x0], $0xffff  }
0xf2: {  	[tilespmem:v4+s31+$0x0] =	vst.idx.add.f32.msk $0xffff, v12  }
0xf3: {  	[tilespmem:v3+s31+$0x0] =	vst.idx.add.f32.msk $0xffff, v59  }
0xf4: {  	v61 =	vld.idx.msk [tilespmem:v14+s23+$0x0], $0xffff;
	v12 =	vmul.f32 v57, v15  }
0xf5: {  	v62 =	vld.idx.msk [tilespmem:v13+s23+$0x0], $0xffff  }
0xf6: {  	v19 =	vmul.f32 v60, v7;
	[tilespmem:v18+s0+$0x0] =	vst.idx.add.f32.msk $0xffff, v12  }
0xf7: {  	v12 =	vmul.f32 v58, v8;
	v11 =	vld.idx.msk [tilespmem:v11+s24+$0x0], $0xffff  }
0xf8: {  	[tilespmem:v6+s31+$0x0] =	vst.idx.add.f32.msk $0xffff, v19  }
0xf9: {  	[tilespmem:v5+s31+$0x0] =	vst.idx.add.f32.msk $0xffff, v12  }
0xfa: {  	v12 =	vmul.f32 v61, v10;
	v63 =	vld.idx.msk [tilespmem:v1+s23+$0x0], $0xffff  }
0xfb: {  	v19 =	vld.idx.msk [tilespmem:v2+s23+$0x0], $0xffff  }
0xfc: {  	[tilespmem:v4+s0+$0x0] =	vst.idx.add.f32.msk $0xffff, v12;
	v12 =	vmul.f32 v11, v15  }
0xfd: {  	v11 =	vld.idx.msk [tilespmem:v14+s24+$0x0], $0xffff;
	v14 =	vmul.f32 v62, v9  }
0xfe: {  	[tilespmem:v18+s3+$0x0] =	vst.idx.add.f32.msk $0xffff, v12  }
0xff: {  	[tilespmem:v3+s0+$0x0] =	vst.idx.add.f32.msk $0xffff, v14;
	v14 =	vmul.f32 v63, v8  }
0x100: {  	v12 =	vld.idx.msk [tilespmem:v13+s24+$0x0], $0xffff  }
0x101: {  	s10 =	simm.s32 $0x17B70;
	s9 =	simm.s32 $0x0;
	v13 =	vmul.f32 v19, v7;
	[tilespmem:v5+s0+$0x0] =	vst.idx.add.f32.msk $0xffff, v14  }
.LBB2_7:
0x102: {  	v14 =	vld [tilespmem:s10+$0x20];
	s9 =	sadd.s32 $0x5, s9;
	v10 =	vmul.f32 v11, v10  }
0x103: {  	v11 =	vld [tilespmem:s10+$0xFFFFFFF0];
	p1 =	slt.u32 s9, $0x1EF  }
0x104: {  	v15 =	vld [tilespmem:s10+$0x0]  }
0x105: {  	v9 =	vmul.f32 v12, v9;
	v16 =	vld [tilespmem:s10+$0x10]  }
0x106: {  	v12 =	vld [tilespmem:s10+$0xFFFFFFE0]  }
0x107: {  	v17 =	vand.u32 $0xFFFF, v14;
	[tilespmem:v6+s0+$0x0] =	vst.idx.add.f32.msk $0xffff, v13  }
0x108: {  	v13 =	vshrl.u32 v11, $0x10;
	v18 =	vand.u32 $0xFFFF, v11;
	v11 =	vld.idx.msk [tilespmem:v1+s24+$0x0], $0xffff  }
0x109: {  	v19 =	vshrl.u32 v15, $0x10;
	v1 =	vand.u32 $0xFFFF, v15;
	v15 =	vld.idx.msk [tilespmem:v2+s24+$0x0], $0xffff  }
0x10a: {  	v20 =	vshrl.u32 v16, $0x10;
	v2 =	vand.u32 $0xFFFF, v16;
	[tilespmem:v4+s3+$0x0] =	vst.idx.add.f32.msk $0xffff, v10  }
0x10b: {  	v4 =	vshrl.u32 v12, $0x10;
	v12 =	vand.u32 $0xFFFF, v12;
	[tilespmem:v3+s3+$0x0] =	vst.idx.add.f32.msk $0xffff, v9;
	v3 =	vmov v13  }
0x10c: {  	s8 =	sadd.s32 $0x50, s8;
	v9 =	vld.idx.msk [tilespmem:v17+s2+$0x0], $0xffff  }
0x10d: {  	v13 =	vld [tilespmem:s8+$0x20]  }
0x10e: {  	v11 =	vmul.f32 v11, v8;
	v16 =	vld.idx.msk [tilespmem:v18+s2+$0x0], $0xffff  }
0x10f: {  	v14 =	vshrl.u32 v14, $0x10;
	v15 =	vmul.f32 v15, v7;
	v21 =	vld.idx.msk [tilespmem:v1+s2+$0x0], $0xffff  }
0x110: {  	v7 =	vld.idx.msk [tilespmem:v12+s2+$0x0], $0xffff  }
0x111: {  	v22 =	vld.idx.msk [tilespmem:v2+s2+$0x0], $0xffff  }
0x112: {  	v10 =	vld [tilespmem:s8+$0xFFFFFFE0];
	v8 =	vmul.f32 v9, v13  }
0x113: {  	v9 =	vld [tilespmem:s8+$0xFFFFFFF0]  }
0x114: {  	[tilespmem:v14+s30+$0x0] =	vst.idx.add.f32.msk $0xffff, v8  }
0x115: {  	v23 =	vld.idx.msk [tilespmem:v17+s22+$0x0], $0xffff  }
0x116: {  	v8 =	vld [tilespmem:s8+$0x0]  }
0x117: {  	v24 =	vmul.f32 v7, v10;
	v7 =	vld [tilespmem:s8+$0x10]  }
0x118: {  	v16 =	vmul.f32 v16, v9;
	[tilespmem:v5+s3+$0x0] =	vst.idx.add.f32.msk $0xffff, v11;
	v5 =	vmov v19  }
0x119: {  	[tilespmem:v4+s30+$0x0] =	vst.idx.add.f32.msk $0xffff, v24  }
0x11a: {  	[tilespmem:v3+s30+$0x0] =	vst.idx.add.f32.msk $0xffff, v16  }
0x11b: {  	v19 =	vmul.f32 v23, v13;
	v11 =	vld.idx.msk [tilespmem:v12+s22+$0x0], $0xffff;
	v16 =	vmul.f32 v21, v8  }
0x11c: {  	v21 =	vld.idx.msk [tilespmem:v18+s22+$0x0], $0xffff;
	v22 =	vmul.f32 v22, v7  }
0x11d: {  	[tilespmem:v14+s31+$0x0] =	vst.idx.add.f32.msk $0xffff, v19  }
0x11e: {  	v19 =	vld.idx.msk [tilespmem:v17+s23+$0x0], $0xffff  }
0x11f: {  	[tilespmem:v5+s30+$0x0] =	vst.idx.add.f32.msk $0xffff, v16  }
0x120: {  	[tilespmem:v20+s30+$0x0] =	vst.idx.add.f32.msk $0xffff, v22  }
0x121: {  	v11 =	vmul.f32 v11, v10;
	v16 =	vld.idx.msk [tilespmem:v1+s22+$0x0], $0xffff  }
0x122: {  	v21 =	vmul.f32 v21, v9;
	v22 =	vld.idx.msk [tilespmem:v2+s22+$0x0], $0xffff  }
0x123: {  	[tilespmem:v4+s31+$0x0] =	vst.idx.add.f32.msk $0xffff, v11  }
0x124: {  	v11 =	vmul.f32 v19, v13;
	[tilespmem:v3+s31+$0x0] =	vst.idx.add.f32.msk $0xffff, v21  }
0x125: {  	v19 =	vld.idx.msk [tilespmem:v12+s23+$0x0], $0xffff  }
0x126: {  	[tilespmem:v14+s0+$0x0] =	vst.idx.add.f32.msk $0xffff, v11  }
0x127: {  	v11 =	vmul.f32 v16, v8;
	v16 =	vld.idx.msk [tilespmem:v17+s24+$0x0], $0xffff  }
0x128: {  	v21 =	vmul.f32 v22, v7;
	v17 =	vld.idx.msk [tilespmem:v18+s23+$0x0], $0xffff  }
0x129: {  	[tilespmem:v5+s31+$0x0] =	vst.idx.add.f32.msk $0xffff, v11  }
0x12a: {  	[tilespmem:v20+s31+$0x0] =	vst.idx.add.f32.msk $0xffff, v21  }
0x12b: {  	v11 =	vmul.f32 v19, v10;
	v19 =	vld.idx.msk [tilespmem:v1+s23+$0x0], $0xffff  }
0x12c: {  	v21 =	vld.idx.msk [tilespmem:v2+s23+$0x0], $0xffff  }
0x12d: {  	v13 =	vmul.f32 v16, v13;
	[tilespmem:v4+s0+$0x0] =	vst.idx.add.f32.msk $0xffff, v11  }
0x12e: {  	v11 =	vld.idx.msk [tilespmem:v12+s24+$0x0], $0xffff;
	v12 =	vmul.f32 v17, v9  }
.Ltmp2:
0x12f: {  	[tilespmem:v14+s3+$0x0] =	vst.idx.add.f32.msk $0xffff, v13;
	(pc) =	sbr.rel @p1 .LBB2_7-.Ltmp2, $4  }
0x130: {  	[tilespmem:v3+s0+$0x0] =	vst.idx.add.f32.msk $0xffff, v12  }
0x131: {  	v14 =	vmul.f32 v19, v8;
	v12 =	vld.idx.msk [tilespmem:v18+s24+$0x0], $0xffff  }
0x132: {  	v13 =	vmul.f32 v21, v7;
	[tilespmem:v6+s3+$0x0] =	vst.idx.add.f32.msk $0xffff, v15;
	v6 =	vmov v20  }
0x133: {  	s10 =	sadd.s32 $0x50, s10;
	[tilespmem:v5+s0+$0x0] =	vst.idx.add.f32.msk $0xffff, v14  }
0x134: {  	_ =	sdelay $0x3  }
0x135: {  	[tilespmem:v6+s0+$0x0] =	vst.idx.add.f32.msk $0xffff, v13  }
0x136: {  	v1 =	vld.idx.msk [tilespmem:v1+s24+$0x0], $0xffff  }
0x137: {  	v2 =	vld.idx.msk [tilespmem:v2+s24+$0x0], $0xffff;
	_ =	sdelay $0x1  }
0x138: {  	v10 =	vmul.f32 v11, v10  }
.Ltmp3:
0x139: {  	v9 =	vmul.f32 v12, v9;
	(pc) =	sbr.rel @p0 .LBB2_4-.Ltmp3, $4  }
0x13a: {  	[tilespmem:v4+s3+$0x0] =	vst.idx.add.f32.msk $0xffff, v10;
	v1 =	vmul.f32 v1, v8  }
0x13b: {  	[tilespmem:v3+s3+$0x0] =	vst.idx.add.f32.msk $0xffff, v9;
	v2 =	vmul.f32 v2, v7  }
0x13c: {  	[tilespmem:v5+s3+$0x0] =	vst.idx.add.f32.msk $0xffff, v1  }
0x13d: {  	s8 =	simm.s32 $0x3E80;
	p1 =	por $0x0, $0x0;
	[tilespmem:v6+s3+$0x0] =	vst.idx.add.f32.msk $0xffff, v2  }
0x13e: {  	_ =	swait.ge [sflag:s29], $0x1F40  }
0x13f: {  	[sflag:s29] =	ssyncset.done $0x0  }
0x140: {  	[sflag:s29] =	ssyncadd.s32 $0xFFFFE0C0  }
0x141: {  	_ =	swait.ge [sflag:s29], $0x1F40  }
0x142: {  	[sflag:s29] =	ssyncset.done $0x0  }
0x143: {  	s8 =	simm.s32 $0x13C20;
	[sflag:s29] =	ssyncadd.s32 $0xFFFFE0C0  }
0x144: {  	v3 =	vld [tilespmem:s8+$0x20]  }
0x145: {  	v4 =	vld [tilespmem:s8+$0xFFFFFFE0];
	_ =	sdelay $0x2  }
0x146: {  	v5 =	vld [tilespmem:s8+$0xFFFFFFF0]  }
0x147: {  	v6 =	vld [tilespmem:s8+$0x0];
	v11 =	vand.u32 $0xFFFF, v3  }
0x148: {  	v12 =	vld [tilespmem:s8+$0x10];
	v14 =	vand.u32 $0xFFFF, v4  }
0x149: {  	s8 =	simm.s32 $0x15BA0  }
0x14a: {  	v15 =	vld [tilespmem:s8+$0x20]  }
0x14b: {  	v10 =	vld [tilespmem:s8+$0xFFFFFFE0];
	v13 =	vand.u32 $0xFFFF, v5  }
0x14c: {  	v1 =	vand.u32 $0xFFFF, v6;
	v7 =	vld.idx.msk [tilespmem:v11+s2+$0x0], $0xffff  }
0x14d: {  	v2 =	vand.u32 $0xFFFF, v12;
	v19 =	vld.idx.msk [tilespmem:v14+s2+$0x0], $0xffff  }
0x14e: {  	v9 =	vld [tilespmem:s8+$0xFFFFFFF0];
	v18 =	vshrl.u32 v3, $0x10  }
0x14f: {  	v8 =	vld [tilespmem:s8+$0x0];
	v4 =	vshrl.u32 v4, $0x10  }
0x150: {  	v16 =	vld.idx.msk [tilespmem:v13+s2+$0x0], $0xffff  }
0x151: {  	v17 =	vld.idx.msk [tilespmem:v1+s2+$0x0], $0xffff;
	v7 =	vmul.f32 v7, v15  }
0x152: {  	v3 =	vshrl.u32 v5, $0x10;
	v20 =	vld.idx.msk [tilespmem:v2+s2+$0x0], $0xffff;
	v5 =	vmul.f32 v19, v10  }
0x153: {  	[tilespmem:v18+s30+$0x0] =	vst.idx.add.f32.msk $0xffff, v7  }
0x154: {  	[tilespmem:v4+s30+$0x0] =	vst.idx.add.f32.msk $0xffff, v5  }
0x155: {  	v16 =	vmul.f32 v16, v9;
	v5 =	vshrl.u32 v6, $0x10;
	v21 =	vld.idx.msk [tilespmem:v11+s22+$0x0], $0xffff  }
0x156: {  	v7 =	vld [tilespmem:s8+$0x10]  }
0x157: {  	[tilespmem:v3+s30+$0x0] =	vst.idx.add.f32.msk $0xffff, v16  }
0x158: {  	v17 =	vmul.f32 v17, v8;
	v6 =	vshrl.u32 v12, $0x10;
	v12 =	vld.idx.msk [tilespmem:v14+s22+$0x0], $0xffff  }
0x159: {  	v55 =	vld.idx.msk [tilespmem:v13+s22+$0x0], $0xffff  }
0x15a: {  	[tilespmem:v5+s30+$0x0] =	vst.idx.add.f32.msk $0xffff, v17;
	v54 =	vmul.f32 v21, v15  }
0x15b: {  	v58 =	vld.idx.msk [tilespmem:v1+s22+$0x0], $0xffff  }
0x15c: {  	v56 =	vmul.f32 v20, v7;
	[tilespmem:v18+s31+$0x0] =	vst.idx.add.f32.msk $0xffff, v54  }
0x15d: {  	v57 =	vld.idx.msk [tilespmem:v11+s23+$0x0], $0xffff  }
0x15e: {  	v12 =	vmul.f32 v12, v10;
	[tilespmem:v6+s30+$0x0] =	vst.idx.add.f32.msk $0xffff, v56  }
0x15f: {  	v59 =	vmul.f32 v55, v9;
	v60 =	vld.idx.msk [tilespmem:v2+s22+$0x0], $0xffff  }
0x160: {  	[tilespmem:v4+s31+$0x0] =	vst.idx.add.f32.msk $0xffff, v12  }
0x161: {  	[tilespmem:v3+s31+$0x0] =	vst.idx.add.f32.msk $0xffff, v59  }
0x162: {  	v61 =	vld.idx.msk [tilespmem:v14+s23+$0x0], $0xffff;
	v12 =	vmul.f32 v57, v15  }
0x163: {  	v62 =	vld.idx.msk [tilespmem:v13+s23+$0x0], $0xffff  }
0x164: {  	v19 =	vmul.f32 v60, v7;
	[tilespmem:v18+s0+$0x0] =	vst.idx.add.f32.msk $0xffff, v12  }
0x165: {  	v12 =	vmul.f32 v58, v8;
	v11 =	vld.idx.msk [tilespmem:v11+s24+$0x0], $0xffff  }
0x166: {  	[tilespmem:v6+s31+$0x0] =	vst.idx.add.f32.msk $0xffff, v19  }
0x167: {  	[tilespmem:v5+s31+$0x0] =	vst.idx.add.f32.msk $0xffff, v12  }
0x168: {  	v12 =	vmul.f32 v61, v10;
	v63 =	vld.idx.msk [tilespmem:v1+s23+$0x0], $0xffff  }
0x169: {  	v19 =	vld.idx.msk [tilespmem:v2+s23+$0x0], $0xffff  }
0x16a: {  	[tilespmem:v4+s0+$0x0] =	vst.idx.add.f32.msk $0xffff, v12;
	v12 =	vmul.f32 v11, v15  }
0x16b: {  	v11 =	vld.idx.msk [tilespmem:v14+s24+$0x0], $0xffff;
	v14 =	vmul.f32 v62, v9  }
0x16c: {  	[tilespmem:v18+s3+$0x0] =	vst.idx.add.f32.msk $0xffff, v12  }
0x16d: {  	[tilespmem:v3+s0+$0x0] =	vst.idx.add.f32.msk $0xffff, v14;
	v14 =	vmul.f32 v63, v8  }
0x16e: {  	v12 =	vld.idx.msk [tilespmem:v13+s24+$0x0], $0xffff  }
0x16f: {  	s9 =	simm.s32 $0x0;
	s10 =	simm.s32 $0x13C70;
	v13 =	vmul.f32 v19, v7;
	[tilespmem:v5+s0+$0x0] =	vst.idx.add.f32.msk $0xffff, v14  }
.LBB2_10:
0x170: {  	v14 =	vld [tilespmem:s10+$0x20];
	s9 =	sadd.s32 $0x5, s9;
	v10 =	vmul.f32 v11, v10  }
0x171: {  	v11 =	vld [tilespmem:s10+$0xFFFFFFF0];
	p0 =	slt.u32 s9, $0x1EF  }
0x172: {  	v15 =	vld [tilespmem:s10+$0x0]  }
0x173: {  	v9 =	vmul.f32 v12, v9;
	v16 =	vld [tilespmem:s10+$0x10]  }
0x174: {  	v12 =	vld [tilespmem:s10+$0xFFFFFFE0]  }
0x175: {  	v17 =	vand.u32 $0xFFFF, v14;
	[tilespmem:v6+s0+$0x0] =	vst.idx.add.f32.msk $0xffff, v13  }
0x176: {  	v13 =	vshrl.u32 v11, $0x10;
	v18 =	vand.u32 $0xFFFF, v11;
	v11 =	vld.idx.msk [tilespmem:v1+s24+$0x0], $0xffff  }
0x177: {  	v19 =	vshrl.u32 v15, $0x10;
	v1 =	vand.u32 $0xFFFF, v15;
	v15 =	vld.idx.msk [tilespmem:v2+s24+$0x0], $0xffff  }
0x178: {  	v20 =	vshrl.u32 v16, $0x10;
	v2 =	vand.u32 $0xFFFF, v16;
	[tilespmem:v4+s3+$0x0] =	vst.idx.add.f32.msk $0xffff, v10  }
0x179: {  	v4 =	vshrl.u32 v12, $0x10;
	v12 =	vand.u32 $0xFFFF, v12;
	[tilespmem:v3+s3+$0x0] =	vst.idx.add.f32.msk $0xffff, v9;
	v3 =	vmov v13  }
0x17a: {  	s8 =	sadd.s32 $0x50, s8;
	v9 =	vld.idx.msk [tilespmem:v17+s2+$0x0], $0xffff  }
0x17b: {  	v13 =	vld [tilespmem:s8+$0x20]  }
0x17c: {  	v11 =	vmul.f32 v11, v8;
	v16 =	vld.idx.msk [tilespmem:v18+s2+$0x0], $0xffff  }
0x17d: {  	v14 =	vshrl.u32 v14, $0x10;
	v15 =	vmul.f32 v15, v7;
	v21 =	vld.idx.msk [tilespmem:v1+s2+$0x0], $0xffff  }
0x17e: {  	v7 =	vld.idx.msk [tilespmem:v12+s2+$0x0], $0xffff  }
0x17f: {  	v22 =	vld.idx.msk [tilespmem:v2+s2+$0x0], $0xffff  }
0x180: {  	v10 =	vld [tilespmem:s8+$0xFFFFFFE0];
	v8 =	vmul.f32 v9, v13  }
0x181: {  	v9 =	vld [tilespmem:s8+$0xFFFFFFF0]  }
0x182: {  	[tilespmem:v14+s30+$0x0] =	vst.idx.add.f32.msk $0xffff, v8  }
0x183: {  	v23 =	vld.idx.msk [tilespmem:v17+s22+$0x0], $0xffff  }
0x184: {  	v8 =	vld [tilespmem:s8+$0x0]  }
0x185: {  	v24 =	vmul.f32 v7, v10;
	v7 =	vld [tilespmem:s8+$0x10]  }
0x186: {  	v16 =	vmul.f32 v16, v9;
	[tilespmem:v5+s3+$0x0] =	vst.idx.add.f32.msk $0xffff, v11;
	v5 =	vmov v19  }
0x187: {  	[tilespmem:v4+s30+$0x0] =	vst.idx.add.f32.msk $0xffff, v24  }
0x188: {  	[tilespmem:v3+s30+$0x0] =	vst.idx.add.f32.msk $0xffff, v16  }
0x189: {  	v19 =	vmul.f32 v23, v13;
	v11 =	vld.idx.msk [tilespmem:v12+s22+$0x0], $0xffff;
	v16 =	vmul.f32 v21, v8  }
0x18a: {  	v21 =	vld.idx.msk [tilespmem:v18+s22+$0x0], $0xffff;
	v22 =	vmul.f32 v22, v7  }
0x18b: {  	[tilespmem:v14+s31+$0x0] =	vst.idx.add.f32.msk $0xffff, v19  }
0x18c: {  	v19 =	vld.idx.msk [tilespmem:v17+s23+$0x0], $0xffff  }
0x18d: {  	[tilespmem:v5+s30+$0x0] =	vst.idx.add.f32.msk $0xffff, v16  }
0x18e: {  	[tilespmem:v20+s30+$0x0] =	vst.idx.add.f32.msk $0xffff, v22  }
0x18f: {  	v11 =	vmul.f32 v11, v10;
	v16 =	vld.idx.msk [tilespmem:v1+s22+$0x0], $0xffff  }
0x190: {  	v21 =	vmul.f32 v21, v9;
	v22 =	vld.idx.msk [tilespmem:v2+s22+$0x0], $0xffff  }
0x191: {  	[tilespmem:v4+s31+$0x0] =	vst.idx.add.f32.msk $0xffff, v11  }
0x192: {  	v11 =	vmul.f32 v19, v13;
	[tilespmem:v3+s31+$0x0] =	vst.idx.add.f32.msk $0xffff, v21  }
0x193: {  	v19 =	vld.idx.msk [tilespmem:v12+s23+$0x0], $0xffff  }
0x194: {  	[tilespmem:v14+s0+$0x0] =	vst.idx.add.f32.msk $0xffff, v11  }
0x195: {  	v11 =	vmul.f32 v16, v8;
	v16 =	vld.idx.msk [tilespmem:v17+s24+$0x0], $0xffff  }
0x196: {  	v21 =	vmul.f32 v22, v7;
	v17 =	vld.idx.msk [tilespmem:v18+s23+$0x0], $0xffff  }
0x197: {  	[tilespmem:v5+s31+$0x0] =	vst.idx.add.f32.msk $0xffff, v11  }
0x198: {  	[tilespmem:v20+s31+$0x0] =	vst.idx.add.f32.msk $0xffff, v21  }
0x199: {  	v11 =	vmul.f32 v19, v10;
	v19 =	vld.idx.msk [tilespmem:v1+s23+$0x0], $0xffff  }
0x19a: {  	v21 =	vld.idx.msk [tilespmem:v2+s23+$0x0], $0xffff  }
0x19b: {  	v13 =	vmul.f32 v16, v13;
	[tilespmem:v4+s0+$0x0] =	vst.idx.add.f32.msk $0xffff, v11  }
0x19c: {  	v11 =	vld.idx.msk [tilespmem:v12+s24+$0x0], $0xffff;
	v12 =	vmul.f32 v17, v9  }
.Ltmp4:
0x19d: {  	[tilespmem:v14+s3+$0x0] =	vst.idx.add.f32.msk $0xffff, v13;
	(pc) =	sbr.rel @p0 .LBB2_10-.Ltmp4, $4  }
0x19e: {  	[tilespmem:v3+s0+$0x0] =	vst.idx.add.f32.msk $0xffff, v12  }
0x19f: {  	v14 =	vmul.f32 v19, v8;
	v12 =	vld.idx.msk [tilespmem:v18+s24+$0x0], $0xffff  }
0x1a0: {  	v13 =	vmul.f32 v21, v7;
	[tilespmem:v6+s3+$0x0] =	vst.idx.add.f32.msk $0xffff, v15;
	v6 =	vmov v20  }
0x1a1: {  	s10 =	sadd.s32 $0x50, s10;
	[tilespmem:v5+s0+$0x0] =	vst.idx.add.f32.msk $0xffff, v14  }
0x1a2: {  	_ =	sdelay $0x3  }
0x1a3: {  	[tilespmem:v6+s0+$0x0] =	vst.idx.add.f32.msk $0xffff, v13  }
0x1a4: {  	v1 =	vld.idx.msk [tilespmem:v1+s24+$0x0], $0xffff  }
0x1a5: {  	v2 =	vld.idx.msk [tilespmem:v2+s24+$0x0], $0xffff;
	_ =	sdelay $0x1  }
0x1a6: {  	v10 =	vmul.f32 v11, v10  }
0x1a7: {  	v9 =	vmul.f32 v12, v9  }
0x1a8: {  	[tilespmem:v4+s3+$0x0] =	vst.idx.add.f32.msk $0xffff, v10;
	v1 =	vmul.f32 v1, v8  }
0x1a9: {  	[tilespmem:v3+s3+$0x0] =	vst.idx.add.f32.msk $0xffff, v9;
	v2 =	vmul.f32 v2, v7  }
0x1aa: {  	[tilespmem:v5+s3+$0x0] =	vst.idx.add.f32.msk $0xffff, v1  }
0x1ab: {  	[tilespmem:v6+s3+$0x0] =	vst.idx.add.f32.msk $0xffff, v2  }
0x1ac: {  	s8 =	rddreg [dreg:$0x9]  }
0x1ad: {  	[hbm4b:s8+s20] =	stream.strided.scatter [tilespmem:s30], [sflag:$0x1], $0x2780, s21, s20, $0x38;
	[tilespmem:$0x1BA00] =	vst v63  }
0x1ae: {  	_ = 	snop  }
0x1af: {  	[hbm4b:s15+s20] =	stream.strided.scatter [tilespmem:s31], [sflag:$0x1], $0x2780, s21, s20, $0x38;
	[tilespmem:$0x1BA00] =	vst v63  }
0x1b0: {  	_ = 	snop  }
0x1b1: {  	[hbm4b:s16+s20] =	stream.strided.scatter [tilespmem:s0], [sflag:$0x1], $0x2780, s21, s20, $0x38;
	[tilespmem:$0x1BA00] =	vst v63  }
0x1b2: {  	_ = 	snop  }
0x1b3: {  	[hbm4b:s17+s20] =	stream.strided.scatter [tilespmem:s3], [sflag:$0x1], $0x2780, s21, s20, $0x38;
	[tilespmem:$0x1BA00] =	vst v63  }
0x1b4: {  	_ =	swait.ge [sflag:s25], $0x2780  }
0x1b5: {  	[sflag:s25] =	ssyncset.done $0x0  }
0x1b6: {  	[sflag:s25] =	ssyncadd.s32 $0xFFFFD880  }
0x1b7: {  	_ =	swait.ge [sflag:s25], $0x2780  }
0x1b8: {  	[sflag:s25] =	ssyncset.done $0x0  }
0x1b9: {  	s6 =	sadd.s32 $0x1, s6;
	[sflag:s25] =	ssyncadd.s32 $0xFFFFD880  }
0x1ba: {  	p0 =	sne.s32 s6, s18;
	_ =	swait.ge [sflag:s25], $0x2780  }
.Ltmp5:
0x1bb: {  	[sflag:s25] =	ssyncset.done $0x0;
	(pc) =	sbr.rel @p0 .LBB2_1-.Ltmp5, $4  }
0x1bc: {  	[sflag:s25] =	ssyncadd.s32 $0xFFFFD880  }
0x1bd: {  	_ =	swait.ge [sflag:s25], $0x2780  }
0x1be: {  	[sflag:s25] =	ssyncset.done $0x0  }
0x1bf: {  	[sflag:s25] =	ssyncadd.s32 $0xFFFFD880  }
0x1c0: {  	_ =	sfence.sel $0x180000  }
0x1c1: {  	[bflag:$0x0] =	sbarrier.arrive $0xFFFF  }
0x1c2: {  	_ =	strace $0x9000004D  }
0x1c3: {  	s0 =	stileid.u32;
	[bflag:$0x2] =	sbarrier.arrive $0xFFFF  }
0x1c4: {  	p0 =	sne.s32 s0, $0x0;
	s0 =	rddreg [dreg:$0x2]  }
0x1c5: {  	s0 =	sadd.s32 @!p0 $0x100000, s0  }
0x1c6: {  	[sflag:s0] =	ssyncadd.tile.s32 @!p0 $0x1;
	_ =	shalt  }
.Lfunc_end2:
_tile_overlayer_lowered:
.L_overlay_start_2:
0x1c7: {  	(tag) =	ssettag $0x2  }
0x1c8: {  	s0 =	rddreg [dreg:$0x0];
	s2 =	stileid.u32  }
0x1c9: {  	s1 =	rddreg [dreg:$0x1];
	p0 =	sne.s32 s2, $0x0  }
0x1ca: {  	s3 =	rddreg [dreg:$0x2];
	[bflag:$0x3] =	sbarrier.arrive $0xFFFF;
	s2 =	simm.s32 @!p0 $0x1C04  }
0x1cb: {  	[timem:s3], [sflag:s2] =	dma.local @!p0 [hbm:s0], s1  }
0x1cc: {  	s0 =	simm.s32 @!p0 $0x4  }
0x1cd: {  	_ =	swait.ge @!p0 [sflag:s0], s1  }
0x1ce: {  	s1 =	ssub.s32 @!p0 $0x0, s1;
	[sflag:s0] =	ssyncset.done @!p0 $0x0  }
0x1cf: {  	[sflag:s0] =	ssyncadd.s32 @!p0 s1  }
0x1d0: {  	[bflag:$0x3] =	sbarrier.arrive $0xFFFF  }
0x1d1: {  	_ =	shalt  }

// kernel: kernel.24.cloned.1.call-start
scs
__scs_entry_jumppad:
0x0: {  	(pc) =	sbr.rel $0x88, $3  }
0x1: {  	(tag) =	ssettag $0x0;
	lr =	simm.s32 $0x1  }
0x2: {  	[smem:$0x3F93] =	sst lr;
	_ =	strace $0xD0000000  }
0x3: {  	_ = 	snop  }
0x4: {  	_ = 	snop  }
0x5: {  	_ = 	snop  }
0x6: {  	_ = 	snop  }
0x7: {  	_ = 	snop  }
__scs_overlays_trampoline_lowered:
0x8: {  	[smem:$0x3FA2] =	sst s0  }
0x9: {  	[smem:$0x3FA3] =	sst s1  }
0xa: {  	[smem:$0x3FA4] =	sst s2  }
0xb: {  	[smem:$0x3FA5] =	sst s3  }
0xc: {  	[smem:$0x3FA6] =	sst s4  }
0xd: {  	[smem:$0x3FA7] =	sst s5  }
0xe: {  	[smem:$0x3FA8] =	sst s6  }
0xf: {  	[smem:$0x3FA9] =	sst s7  }
0x10: {  	[smem:$0x3FAA] =	sst s8  }
0x11: {  	[smem:$0x3FAB] =	sst s9;
	s0 =	simm.s32 @!p0 $0x0  }
0x12: {  	s1 =	sld [smem:$0x3F91];
	s0 =	simm.s32 @p0 $0x1  }
0x13: {  	[smem:$0x3FAC] =	sst s0;
	s0 =	simm.s32 @!p1 $0x0  }
0x14: {  	s2 =	sld [smem:$0x3F90];
	s0 =	simm.s32 @p1 $0x1  }
0x15: {  	[smem:$0x3FAD] =	sst s0;
	s0 =	simm.s32 @!p2 $0x0  }
0x16: {  	s3 =	sld [smem:$0x3FDB];
	s0 =	simm.s32 @p2 $0x1  }
0x17: {  	s4 =	simm.s32 $0x1BF5;
	[smem:$0x3FAF] =	sst s0  }
0x18: {  	s0 =	sld [smem:$0x3F92];
	_ =	swait.ge [sflag:s4], $0x0  }
0x19: {  	s7 =	sld [smem:$0x3F93]  }
0x1a: {  	s8 =	sadd.s32 $0xFFFFE003, lr  }
0x1b: {  	s9 =	sadd.s32 $0xFFFFFEF7, lr;
	s5 =	simm.s32 $0xFFFFFFFF;
	p2 =	slt.u32 s8, $0xFFFFF086  }
0x1c: {  	p1 =	slt.u32 s9, $0xF7A;
	s5 =	simm.s32 @!p2 $0x0  }
0x1d: {  	s5 =	simm.s32 @p1 $0x1;
	p0 =	seq.s32 s7, s2  }
0x1e: {  	s7 =	smul.u32 @!p0 $0xF7A, s2;
	p2 =	seq.s32 @!p0 s5, $0x0  }
0x1f: {  	s9 =	smul.u32 $0xF7A, s1;
	s8 =	simm.s32 @!p0 $0x1BF5;
	p2 =	por !p2, p0  }
0x20: {  	[sflag:s8] =	ssyncset.s32 @!p0 $0xFFFFF086;
	s6 =	sadd.s32 @!p0 s3, s7;
	s7 =	simm.s32 @!p0 $0x108  }
0x21: {  	s3 =	sadd.s32 s3, s9;
	s6 =	sadd.s32 @!p0 $0x88, s6;
	s7 =	simm.s32 @p2 $0x1082  }
0x22: {  	[simem:s7], [sflag:s8] =	dma.local @!p0 [hbm:s6], $0xF7A  }
0x23: {  	s9 =	sor.u32 $0xD0000000, s2;
	s6 =	simm.s32 $0x108;
	_ =	swait.ge @!p0 [sflag:s8], $0x0  }
0x24: {  	s3 =	sadd.s32 $0x88, s3;
	s6 =	simm.s32 @!p1 $0x1082;
	[sflag:s4] =	ssyncset.s32 $0xFFFFF086  }
0x25: {  	[simem:s6], [sflag:s4] =	dma.local [hbm:s3], $0xF7A  }
0x26: {  	[smem:$0x3F93] =	sst s1;
	(tag) =	ssettag s2;
	_ =	strace s9  }
0x27: {  	s1 =	sld [smem:$0x3FA3]  }
0x28: {  	s2 =	sld [smem:$0x3FA4]  }
0x29: {  	s4 =	sld [smem:$0x3FA6]  }
0x2a: {  	p0 =	seq.s32 s5, $0x0;
	s5 =	sld [smem:$0x3FA7]  }
0x2b: {  	s6 =	sld [smem:$0x3FA8]  }
0x2c: {  	s7 =	sld [smem:$0x3FA9]  }
0x2d: {  	s3 =	simm.s32 $0x108;
	s8 =	sld [smem:$0x3FAA]  }
0x2e: {  	s3 =	simm.s32 @!p0 $0x1082;
	s9 =	sld [smem:$0x3FAB]  }
0x2f: {  	lr =	sadd.s32 s0, s3;
	s0 =	sld [smem:$0x3FA2]  }
0x30: {  	s3 =	sld [smem:$0x3FA5]  }
0x31: {  	[smem:$0x3FAE] =	sst s10  }
0x32: {  	s10 =	sld [smem:$0x3FAC];
	_ =	sdelay $0x3  }
0x33: {  	p0 =	seq.s32 s10, $0x1;
	s10 =	sld [smem:$0x3FAE];
	_ =	sdelay $0x3  }
0x34: {  	[smem:$0x3FAE] =	sst s10  }
0x35: {  	s10 =	sld [smem:$0x3FAD];
	_ =	sdelay $0x3  }
0x36: {  	p1 =	seq.s32 s10, $0x1;
	s10 =	sld [smem:$0x3FAE];
	_ =	sdelay $0x3  }
0x37: {  	[smem:$0x3FAE] =	sst s10  }
0x38: {  	s10 =	sld [smem:$0x3FAF]  }
0x39: {  	_ = 	snop;
	(pc) =	sbr.ind lr, $3  }
0x3a: {  	_ = 	snop  }
0x3b: {  	_ = 	snop  }
0x3c: {  	p2 =	seq.s32 s10, $0x1;
	s10 =	sld [smem:$0x3FAE]  }
0x3d: {  	_ =	shalt  }
0x3e: {  	_ =	shalt  }
0x3f: {  	_ =	shalt  }
0x40: {  	_ =	shalt  }
0x41: {  	_ =	shalt  }
0x42: {  	_ =	shalt  }
0x43: {  	_ =	shalt  }
0x44: {  	_ =	shalt  }
0x45: {  	_ =	shalt  }
0x46: {  	_ =	shalt  }
0x47: {  	_ =	shalt  }
0x48: {  	_ =	shalt  }
0x49: {  	_ =	shalt  }
0x4a: {  	_ =	shalt  }
0x4b: {  	_ =	shalt  }
0x4c: {  	_ =	shalt  }
0x4d: {  	_ =	shalt  }
0x4e: {  	_ =	shalt  }
0x4f: {  	_ =	shalt  }
0x50: {  	_ =	shalt  }
0x51: {  	_ =	shalt  }
0x52: {  	_ =	shalt  }
0x53: {  	_ =	shalt  }
0x54: {  	_ =	shalt  }
0x55: {  	_ =	shalt  }
0x56: {  	_ =	shalt  }
0x57: {  	_ =	shalt  }
0x58: {  	_ =	shalt  }
0x59: {  	_ =	shalt  }
0x5a: {  	_ =	shalt  }
0x5b: {  	_ =	shalt  }
0x5c: {  	_ =	shalt  }
0x5d: {  	_ =	shalt  }
0x5e: {  	_ =	shalt  }
0x5f: {  	_ =	shalt  }
0x60: {  	_ =	shalt  }
0x61: {  	_ =	shalt  }
0x62: {  	_ =	shalt  }
0x63: {  	_ =	shalt  }
0x64: {  	_ =	shalt  }
0x65: {  	_ =	shalt  }
0x66: {  	_ =	shalt  }
0x67: {  	_ =	shalt  }
0x68: {  	_ =	shalt  }
0x69: {  	_ =	shalt  }
0x6a: {  	_ =	shalt  }
0x6b: {  	_ =	shalt  }
0x6c: {  	_ =	shalt  }
0x6d: {  	_ =	shalt  }
0x6e: {  	_ =	shalt  }
0x6f: {  	_ =	shalt  }
0x70: {  	_ =	shalt  }
0x71: {  	_ =	shalt  }
0x72: {  	_ =	shalt  }
0x73: {  	_ =	shalt  }
0x74: {  	_ =	shalt  }
0x75: {  	_ =	shalt  }
0x76: {  	_ =	shalt  }
0x77: {  	_ =	shalt  }
0x78: {  	_ =	shalt  }
0x79: {  	_ =	shalt  }
0x7a: {  	_ =	shalt  }
0x7b: {  	_ =	shalt  }
0x7c: {  	_ =	shalt  }
0x7d: {  	_ =	shalt  }
0x7e: {  	_ =	shalt  }
0x7f: {  	_ =	shalt  }
0x80: {  	_ =	shalt  }
0x81: {  	_ =	shalt  }
0x82: {  	_ =	shalt  }
0x83: {  	_ =	shalt  }
0x84: {  	_ =	shalt  }
0x85: {  	_ =	shalt  }
0x86: {  	_ =	shalt  }
0x87: {  	_ =	shalt  }
.Lfunc_end0:
.L_simem_size_0:
called_computation.3_lowered:
.L_overlay_start_0:
0x88: {  	s2 =	sld [smem:$0x3FD9]  }
0x89: {  	s3 =	sld [smem:$0x3FFE];
	_ =	sdelay $0x1  }
0x8a: {  	s1 =	srdreg.scid  }
0x8b: {  	s0 =	sand.u32 $0x1, s1  }
0x8c: {  	s17 =	sshll.u32 s0, $0xA;
	s2 =	sadd.s32 s3, s2  }
0x8d: {  	s2 =	sadd.s32 s2, s17  }
0x8e: {  	[smem:$0x3FBA] =	sst s2  }
0x8f: {  	_ = 	snop  }
0x90: {  	s2 =	sld [smem:$0x3FC7];
	(tm) =	ssettm $0x1  }
0x91: {  	s18 =	sld [smem:$0x3FFB];
	_ =	sdelay $0x3  }
0x92: {  	_ =	strace s18  }
0x93: {  	s3 =	sld [smem:$0x3FFC];
	_ =	sdelay $0x3  }
0x94: {  	_ =	strace s3  }
0x95: {  	s3 =	sld [smem:$0x3FFD];
	_ =	sdelay $0x3  }
0x96: {  	_ =	strace s3  }
0x97: {  	_ =	strace $0x8FFFFFFF  }
0x98: {  	s19 =	sld [smem:$0x3FDB];
	_ =	sdelay $0x1  }
0x99: {  	s4 =	simm.s32 $_scs_section_size  }
0x9a: {  	s5 =	simm.s32 $_size__tile_overlayer_lowered;
	s6 =	simm.s32 $_tile_overlayer_lowered  }
0x9b: {  	s22 =	simm.s32 $0x1BFF;
	s21 =	sshll.u32 s6, $0x1;
	s3 =	sadd.s32 s4, s19  }
0x9c: {  	s7 =	simm.s32 $0x0;
	s20 =	sshll.u32 s5, $0x1;
	s5 =	sadd.s32 s21, s3  }
0x9d: {  	[timem:s7], [sflag:s22] =	dma.local [hbm:s5], s20  }
0x9e: {  	_ =	swait.ge [sflag:s22], s20  }
0x9f: {  	s4 =	ssub.s32 $0x0, s20;
	[sflag:s22] =	ssyncset.done $0x0  }
0xa0: {  	[sflag:s22] =	ssyncadd.s32 s4;
	_ =	sdelay $0x1  }
0xa1: {  	s23 =	simm.s32 $0x1B8B  }
0xa2: {  	_ =	swait.ge [sflag:s23], $0x1  }
0xa3: {  	[sflag:s23] =	ssyncset.done $0x0  }
0xa4: {  	s25 =	simm.s32 $0x1B8E;
	s24 =	sld [smem:$0x3FFE];
	[sflag:s23] =	ssyncadd.s32 $0xFFFFFFFF  }
0xa5: {  	s26 =	simm.s32 $execute0_lowered;
	[smem:$0x3FD2] =	sst s25  }
0xa6: {  	s5 =	sshll.u32 s26, $0x1;
	_ =	strace $0x8000004F;
	[dreg:$0x1] =	wrdreg $0xFFFFFFFF  }
0xa7: {  	s28 =	simm.s32 $_size_execute0_lowered;
	s3 =	sadd.s32 s3, s5;
	[dreg:$0x0] =	wrdreg $0x0  }
0xa8: {  	s5 =	sshll.u32 s28, $0x1;
	[dreg:$0x2] =	wrdreg s3  }
0xa9: {  	[dreg:$0x3] =	wrdreg s5  }
0xaa: {  	[dreg:$0x4] =	wrdreg $0xC0  }
0xab: {  	_ =	task [dreg:s7], $0x5FFFF  }
0xac: {  	[dreg:$0x1] =	wrdreg $0xFFFFFFFF  }
0xad: {  	[dreg:$0x0] =	wrdreg $0x60  }
0xae: {  	[dreg:$0x2] =	wrdreg s24  }
0xaf: {  	[dreg:$0x3] =	wrdreg s2  }
0xb0: {  	[dreg:$0x4] =	wrdreg $0x9  }
0xb1: {  	_ =	task.clear_ibuf [dreg:s7], $0x5FFFF;
	_ =	strace $0x9000004F  }
0xb2: {  	s29 =	simm.s32 $0x9;
	_ =	strace $0x80000051  }
0xb3: {  	_ =	swait.ge [sflag:s29], $0x1  }
0xb4: {  	[sflag:s29] =	ssyncadd.s32 $0xFFFFFFFF  }
0xb5: {  	_ =	strace $0x90000051  }
0xb6: {  	_ =	sfence  }
0xb7: {  	s30 =	sld [smem:$0x0];
	_ =	sdelay $0x2  }
0xb8: {  	s31 =	sshll.u32 s1, $0xD;
	s1 =	sshrl.u32 s1, $0x2  }
0xb9: {  	s3 =	sand.u32 $0x4000, s31;
	s1 =	sadd.s32 s1, s30  }
0xba: {  	s0 =	sor.u32 s3, s0;
	s1 =	sshll.u32 s1, $0x11  }
0xbb: {  	s0 =	sor.u32 s1, s0  }
0xbc: {  	s0 =	sadd.s32 $0x8F2B, s0  }
0xbd: {  	[sflag:s0] =	ssyncadd.remote.s32 $0x1  }
0xbe: {  	_ =	sfence.sel $0xFFFF  }
0xbf: {  	[dreg:$0x0] =	wrdreg $0xFFFFFFFF;
	(pc) =	sbr.abs _section_cstart, $3  }
0xc0: {  	[dreg:$0x1] =	wrdreg $0xFFFFFFFF  }
0xc1: {  	_ =	task.clear_ibuf [dreg:s7], $0x2FFFF;
	_ =	strace $0x9FFFFFFF  }
0xc2: {  	(tm) =	ssettm $0x7FFFFFFF  }
0xc3: {  	_ =	shalt  }
tec
execute0_lowered:
.L_overlay_start_1:
0x0: {  	(tag) =	ssettag $0x1  }
0x1: {  	s0 =	rddreg [dreg:$0x0]  }
0x2: {  	s1 =	rddreg [dreg:$0x1]  }
0x3: {  	s2 =	simm.s32 $0x0;
	s5 =	srdreg.scid;
	s8 =	stileid.u32  }
0x4: {  	s28 =	simm.s32 $0x19A80;
	s29 =	simm.s32 $0x2;
	s30 =	simm.s32 $0x9E00  }
0x5: {  	s31 =	simm.s32 $0xC580;
	[smem:$0x7FF] =	sst s2;
	s3 =	sadd.s32 $0xF200, s0  }
0x6: {  	s4 =	sadd.s32 $0x5400, s0;
	s5 =	sand.u32 $0x1, s5;
	s6 =	sshrl.u32 s8, $0x2  }
0x7: {  	s8 =	sand.u32 $0x3, s8;
	s0 =	sadd.s32 $0x19000, s0;
	s9 =	smul.u32 $0x13880, s6  }
0x8: {  	_ =	strace $0x80000050;
	s7 =	ssub.s32 $0x2, s5;
	s8 =	smul.u32 $0x13C00, s8  }
0x9: {  	s5 =	sshll.u32 s5, $0x9;
	s6 =	smul.u32 $0x4F000, s6;
	s10 =	sshrl.u32 s7, $0x1  }
0xa: {  	s14 =	sor.u32 $0x80, s5;
	s7 =	ssub.s32 s7, s10;
	s15 =	sshrl.u32 s9, $0x3  }
0xb: {  	s16 =	sor.u32 s5, s8;
	s18 =	sor.u32 s14, s8;
	s6 =	sadd.s32 s8, s6  }
0xc: {  	s12 =	sadd.s32 $0x3E80, s9;
	s11 =	sadd.s32 s4, s15;
	s10 =	sadd.s32 s1, s15  }
0xd: {  	s17 =	sshrl.u32 s16, $0x3;
	s19 =	sshrl.u32 s18, $0x3;
	s15 =	sor.u32 $0x100, s5  }
0xe: {  	s16 =	sor.u32 $0x180, s5;
	s5 =	sor.u32 s5, s6;
	[dreg:$0x3] =	wrdreg s11  }
0xf: {  	s25 =	sor.u32 s14, s6;
	s18 =	simm.s32 $0x3;
	[dreg:$0x4] =	wrdreg s10  }
0x10: {  	s10 =	sadd.s32 s3, s17;
	s20 =	sor.u32 s15, s8;
	s21 =	sor.u32 s16, s8  }
0x11: {  	s24 =	sshrl.u32 s5, $0x3;
	s11 =	sadd.s32 $0x1F40, s9;
	s26 =	sor.u32 s15, s6  }
0x12: {  	s6 =	sor.u32 s16, s6;
	s17 =	smax.u32 s7, $0x1;
	[dreg:$0x5] =	wrdreg s10  }
0x13: {  	s10 =	sadd.s32 s3, s19;
	s22 =	sshrl.u32 s20, $0x3;
	s23 =	sshrl.u32 s21, $0x3  }
0x14: {  	s13 =	sadd.s32 s0, s24;
	s5 =	sshrl.u32 s26, $0x3;
	s6 =	sshrl.u32 s6, $0x3  }
0x15: {  	s20 =	simm.s32 $0x80;
	s21 =	simm.s32 $0x400;
	s24 =	simm.s32 $0x7680  }
0x16: {  	s26 =	simm.s32 $0x17B00;
	s19 =	simm.s32 $0x0;
	[dreg:$0x6] =	wrdreg s10  }
0x17: {  	s8 =	sadd.s32 s3, s22;
	s10 =	sadd.s32 s3, s23;
	s3 =	sshrl.u32 s25, $0x3  }
0x18: {  	s15 =	sadd.s32 s0, s5;
	s16 =	sadd.s32 s0, s6;
	s22 =	simm.s32 $0x2780  }
0x19: {  	s23 =	simm.s32 $0x4F00;
	s25 =	simm.s32 $0x1;
	[dreg:$0x7] =	wrdreg s8  }
0x1a: {  	v0 =	vimm.f32 $0.0e+00;
	s14 =	sadd.s32 s0, s3;
	s0 =	simm.s32 $0xED00;
	s3 =	simm.s32 $0x11480  }
.LBB2_1:
0x1b: {  	s5 =	rddreg [dreg:$0x3];
	s6 =	simm.s32 $0x13C00  }
0x1c: {  	[tilespmem:s6], [sflag:$0x2] =	stream.linear.gather [hbm4b:s5+s2], $0x1F40, $0x38;
	[tilespmem:$0x1BA00] =	vst v63  }
0x1d: {  	s8 =	rddreg [dreg:$0x4];
	s9 =	simm.s32 $0x15B80  }
0x1e: {  	[tilespmem:s9], [sflag:$0x2] =	stream.linear.gather [hbm4b:s8+s2], $0x1F40, $0x38;
	[tilespmem:$0x1BA00] =	vst v63  }
0x1f: {  	s7 =	rddreg [dreg:$0x5]  }
0x20: {  	[tilespmem:s2], [sflag:$0x1] =	stream.strided.gather [hbm4b:s7+s20], $0x2780, s21, s20, $0x38;
	[tilespmem:$0x1BA00] =	vst v63  }
0x21: {  	s8 =	rddreg [dreg:$0x6]  }
0x22: {  	[tilespmem:s22], [sflag:$0x1] =	stream.strided.gather [hbm4b:s8+s20], $0x2780, s21, s20, $0x38;
	[tilespmem:$0x1BA00] =	vst v63  }
0x23: {  	s9 =	rddreg [dreg:$0x7]  }
0x24: {  	[tilespmem:s23], [sflag:$0x1] =	stream.strided.gather [hbm4b:s9+s20], $0x2780, s21, s20, $0x38;
	[tilespmem:$0x1BA00] =	vst v63  }
0x25: {  	s8 =	simm.s32 $0x9E20  }
0x26: {  	[tilespmem:s24], [sflag:$0x1] =	stream.strided.gather [hbm4b:s10+s20], $0x2780, s21, s20, $0x38;
	[tilespmem:$0x1BA00] =	vst v63  }
0x27: {  	[tilespmem:s8+$0xFFFFFFF0] =	vst v0  }
0x28: {  	[tilespmem:s8+$0x0] =	vst v0  }
0x29: {  	[tilespmem:s8+$0x10] =	vst v0  }
0x2a: {  	s5 =	simm.s32 $0xC5A0;
	[tilespmem:s8+$0xFFFFFFE0] =	vst v0  }
0x2b: {  	[tilespmem:s5+$0xFFFFFFF0] =	vst v0  }
0x2c: {  	[tilespmem:s5+$0x0] =	vst v0  }
0x2d: {  	[tilespmem:s5+$0x10] =	vst v0  }
0x2e: {  	s6 =	simm.s32 $0xED20;
	[tilespmem:s5+$0xFFFFFFE0] =	vst v0  }
0x2f: {  	[tilespmem:s6+$0xFFFFFFF0] =	vst v0  }
0x30: {  	[tilespmem:s6+$0x0] =	vst v0  }
0x31: {  	[tilespmem:s6+$0x10] =	vst v0  }
0x32: {  	s7 =	simm.s32 $0x114A0;
	[tilespmem:s6+$0xFFFFFFE0] =	vst v0  }
0x33: {  	[tilespmem:s7+$0xFFFFFFF0] =	vst v0  }
0x34: {  	[tilespmem:s7+$0x0] =	vst v0  }
0x35: {  	[tilespmem:s7+$0x10] =	vst v0  }
0x36: {  	s9 =	simm.s32 $0x9E60;
	s8 =	simm.s32 $0x0;
	[tilespmem:s7+$0xFFFFFFE0] =	vst v0  }
.LBB2_2:
0x37: {  	[tilespmem:s9+$0xFFFFFFF0] =	vst v0;
	s5 =	sadd.s32 $0x40, s5  }
0x38: {  	s6 =	sadd.s32 $0x40, s6;
	[tilespmem:s5+$0xFFFFFFF0] =	vst v0  }
0x39: {  	s7 =	sadd.s32 $0x40, s7;
	[tilespmem:s6+$0xFFFFFFF0] =	vst v0  }
0x3a: {  	[tilespmem:s7+$0xFFFFFFF0] =	vst v0  }
0x3b: {  	[tilespmem:s9+$0x0] =	vst v0  }
0x3c: {  	[tilespmem:s5+$0x0] =	vst v0  }
0x3d: {  	[tilespmem:s6+$0x0] =	vst v0  }
0x3e: {  	[tilespmem:s7+$0x0] =	vst v0  }
0x3f: {  	[tilespmem:s9+$0x10] =	vst v0  }
0x40: {  	s8 =	sadd.s32 $0x4, s8;
	[tilespmem:s5+$0x10] =	vst v0  }
0x41: {  	p0 =	slt.u32 s8, $0x26C;
	[tilespmem:s6+$0x10] =	vst v0  }
.Ltmp0:
0x42: {  	[tilespmem:s7+$0x10] =	vst v0;
	(pc) =	sbr.rel @p0 .LBB2_2-.Ltmp0, $4  }
0x43: {  	[tilespmem:s9+$0xFFFFFFE0] =	vst v0  }
0x44: {  	[tilespmem:s5+$0xFFFFFFE0] =	vst v0  }
0x45: {  	[tilespmem:s6+$0xFFFFFFE0] =	vst v0  }
0x46: {  	s9 =	sadd.s32 $0x40, s9;
	[tilespmem:s7+$0xFFFFFFE0] =	vst v0  }
0x47: {  	[tilespmem:$0xC500] =	vst v0  }
0x48: {  	[tilespmem:$0xEC80] =	vst v0  }
0x49: {  	[tilespmem:$0x11400] =	vst v0  }
0x4a: {  	[tilespmem:$0x13B80] =	vst v0  }
0x4b: {  	_ =	swait.ge [sflag:s25], $0x2780  }
0x4c: {  	[sflag:s25] =	ssyncset.done $0x0  }
0x4d: {  	[sflag:s25] =	ssyncadd.s32 $0xFFFFD880  }
0x4e: {  	_ =	swait.ge [sflag:s25], $0x2780  }
0x4f: {  	[sflag:s25] =	ssyncset.done $0x0  }
0x50: {  	[sflag:s25] =	ssyncadd.s32 $0xFFFFD880  }
0x51: {  	_ =	swait.ge [sflag:s25], $0x2780  }
0x52: {  	[sflag:s25] =	ssyncset.done $0x0  }
0x53: {  	[sflag:s25] =	ssyncadd.s32 $0xFFFFD880  }
0x54: {  	_ =	swait.ge [sflag:s25], $0x2780  }
0x55: {  	[sflag:s25] =	ssyncset.done $0x0  }
0x56: {  	s5 =	simm.s32 $0x0;
	[sflag:s25] =	ssyncadd.s32 $0xFFFFD880  }
.LBB2_4:
0x57: {  	s6 =	smul.u32 $0x3E80, s5;
	_ =	sdelay $0x1  }
0x58: {  	s7 =	sadd.s32 s6, s11  }
0x59: {  	s7 =	sshrl.u32 s7, $0x3  }
0x5a: {  	s8 =	sadd.s32 s4, s7  }
0x5b: {  	[tilespmem:s26], [sflag:$0x3] =	stream.linear.gather [hbm4b:s8+s2], $0x1F40, $0x38;
	[tilespmem:$0x1BA00] =	vst v63  }
0x5c: {  	s7 =	sadd.s32 s1, s7  }
0x5d: {  	[tilespmem:s28], [sflag:$0x3] =	stream.linear.gather [hbm4b:s7+s2], $0x1F40, $0x38;
	[tilespmem:$0x1BA00] =	vst v63  }
0x5e: {  	_ =	swait.ge [sflag:s29], $0x1F40  }
0x5f: {  	[sflag:s29] =	ssyncset.done $0x0  }
0x60: {  	[sflag:s29] =	ssyncadd.s32 $0xFFFFE0C0  }
0x61: {  	_ =	swait.ge [sflag:s29], $0x1F40  }
0x62: {  	[sflag:s29] =	ssyncset.done $0x0  }
0x63: {  	s9 =	simm.s32 $0x13C20;
	[sflag:s29] =	ssyncadd.s32 $0xFFFFE0C0  }
0x64: {  	v3 =	vld [tilespmem:s9+$0x20];
	_ =	sdelay $0x2  }
0x65: {  	v4 =	vld [tilespmem:s9+$0xFFFFFFE0]  }
0x66: {  	v5 =	vld [tilespmem:s9+$0xFFFFFFF0]  }
0x67: {  	v6 =	vld [tilespmem:s9+$0x0];
	v11 =	vand.u32 $0xFFFF, v3  }
0x68: {  	v12 =	vld [tilespmem:s9+$0x10]  }
0x69: {  	s7 =	simm.s32 $0x15BA0  }
0x6a: {  	v15 =	vld [tilespmem:s7+$0x20];
	v14 =	vand.u32 $0xFFFF, v4  }
0x6b: {  	v10 =	vld [tilespmem:s7+$0xFFFFFFE0];
	v13 =	vand.u32 $0xFFFF, v5  }
0x6c: {  	v1 =	vand.u32 $0xFFFF, v6;
	v7 =	vld.idx.msk [tilespmem:v11+s2+$0x0], $0xffff  }
0x6d: {  	v9 =	vld [tilespmem:s7+$0xFFFFFFF0];
	v2 =	vand.u32 $0xFFFF, v12  }
0x6e: {  	v8 =	vld [tilespmem:s7+$0x0];
	v18 =	vshrl.u32 v3, $0x10  }
0x6f: {  	v19 =	vld.idx.msk [tilespmem:v14+s2+$0x0], $0xffff  }
0x70: {  	v16 =	vld.idx.msk [tilespmem:v13+s2+$0x0], $0xffff  }
0x71: {  	v4 =	vshrl.u32 v4, $0x10;
	v17 =	vld.idx.msk [tilespmem:v1+s2+$0x0], $0xffff;
	v7 =	vmul.f32 v7, v15  }
0x72: {  	v3 =	vshrl.u32 v5, $0x10;
	v20 =	vld.idx.msk [tilespmem:v2+s2+$0x0], $0xffff  }
0x73: {  	v6 =	vshrl.u32 v6, $0x10;
	[tilespmem:v18+s30+$0x0] =	vst.idx.add.f32.msk $0xffff, v7  }
0x74: {  	v5 =	vmul.f32 v19, v10;
	v7 =	vld [tilespmem:s7+$0x10]  }
0x75: {  	v16 =	vmul.f32 v16, v9;
	v21 =	vld.idx.msk [tilespmem:v11+s22+$0x0], $0xffff  }
0x76: {  	v17 =	vmul.f32 v17, v8;
	[tilespmem:v4+s30+$0x0] =	vst.idx.add.f32.msk $0xffff, v5  }
0x77: {  	[tilespmem:v3+s30+$0x0] =	vst.idx.add.f32.msk $0xffff, v16  }
0x78: {  	[tilespmem:v6+s30+$0x0] =	vst.idx.add.f32.msk $0xffff, v17  }
0x79: {  	v5 =	vshrl.u32 v12, $0x10;
	v12 =	vld.idx.msk [tilespmem:v14+s22+$0x0], $0xffff  }
0x7a: {  	v55 =	vld.idx.msk [tilespmem:v13+s22+$0x0], $0xffff;
	v54 =	vmul.f32 v21, v15  }
0x7b: {  	v58 =	vld.idx.msk [tilespmem:v1+s22+$0x0], $0xffff  }
0x7c: {  	v56 =	vmul.f32 v20, v7;
	[tilespmem:v18+s31+$0x0] =	vst.idx.add.f32.msk $0xffff, v54  }
0x7d: {  	v57 =	vld.idx.msk [tilespmem:v11+s23+$0x0], $0xffff  }
0x7e: {  	v12 =	vmul.f32 v12, v10;
	[tilespmem:v5+s30+$0x0] =	vst.idx.add.f32.msk $0xffff, v56  }
0x7f: {  	v59 =	vmul.f32 v55, v9;
	v60 =	vld.idx.msk [tilespmem:v2+s22+$0x0], $0xffff  }
0x80: {  	[tilespmem:v4+s31+$0x0] =	vst.idx.add.f32.msk $0xffff, v12  }
0x81: {  	[tilespmem:v3+s31+$0x0] =	vst.idx.add.f32.msk $0xffff, v59  }
0x82: {  	v61 =	vld.idx.msk [tilespmem:v14+s23+$0x0], $0xffff;
	v12 =	vmul.f32 v57, v15  }
0x83: {  	v62 =	vld.idx.msk [tilespmem:v13+s23+$0x0], $0xffff  }
0x84: {  	v19 =	vmul.f32 v60, v7;
	[tilespmem:v18+s0+$0x0] =	vst.idx.add.f32.msk $0xffff, v12  }
0x85: {  	v12 =	vmul.f32 v58, v8;
	v11 =	vld.idx.msk [tilespmem:v11+s24+$0x0], $0xffff  }
0x86: {  	[tilespmem:v5+s31+$0x0] =	vst.idx.add.f32.msk $0xffff, v19  }
0x87: {  	[tilespmem:v6+s31+$0x0] =	vst.idx.add.f32.msk $0xffff, v12  }
0x88: {  	v12 =	vmul.f32 v61, v10;
	v63 =	vld.idx.msk [tilespmem:v1+s23+$0x0], $0xffff  }
0x89: {  	v19 =	vld.idx.msk [tilespmem:v2+s23+$0x0], $0xffff  }
0x8a: {  	[tilespmem:v4+s0+$0x0] =	vst.idx.add.f32.msk $0xffff, v12;
	v12 =	vmul.f32 v11, v15  }
0x8b: {  	v11 =	vld.idx.msk [tilespmem:v14+s24+$0x0], $0xffff;
	v14 =	vmul.f32 v62, v9  }
0x8c: {  	[tilespmem:v18+s3+$0x0] =	vst.idx.add.f32.msk $0xffff, v12  }
0x8d: {  	[tilespmem:v3+s0+$0x0] =	vst.idx.add.f32.msk $0xffff, v14;
	v14 =	vmul.f32 v63, v8  }
0x8e: {  	v12 =	vld.idx.msk [tilespmem:v13+s24+$0x0], $0xffff  }
0x8f: {  	s8 =	simm.s32 $0x0;
	s9 =	simm.s32 $0x13C70;
	v13 =	vmul.f32 v19, v7;
	[tilespmem:v6+s0+$0x0] =	vst.idx.add.f32.msk $0xffff, v14  }
.LBB2_5:
0x90: {  	v14 =	vld [tilespmem:s9+$0x20];
	s8 =	sadd.s32 $0x5, s8;
	v10 =	vmul.f32 v11, v10  }
0x91: {  	v11 =	vld [tilespmem:s9+$0xFFFFFFF0];
	p0 =	slt.u32 s8, $0x1EF  }
0x92: {  	v15 =	vld [tilespmem:s9+$0x0]  }
0x93: {  	v9 =	vmul.f32 v12, v9;
	v16 =	vld [tilespmem:s9+$0x10]  }
0x94: {  	v12 =	vld [tilespmem:s9+$0xFFFFFFE0]  }
0x95: {  	v17 =	vand.u32 $0xFFFF, v14;
	[tilespmem:v5+s0+$0x0] =	vst.idx.add.f32.msk $0xffff, v13  }
0x96: {  	v13 =	vshrl.u32 v11, $0x10;
	v18 =	vand.u32 $0xFFFF, v11;
	v11 =	vld.idx.msk [tilespmem:v1+s24+$0x0], $0xffff  }
0x97: {  	v19 =	vshrl.u32 v15, $0x10;
	v1 =	vand.u32 $0xFFFF, v15;
	v15 =	vld.idx.msk [tilespmem:v2+s24+$0x0], $0xffff  }
0x98: {  	v20 =	vshrl.u32 v16, $0x10;
	v2 =	vand.u32 $0xFFFF, v16;
	[tilespmem:v4+s3+$0x0] =	vst.idx.add.f32.msk $0xffff, v10  }
0x99: {  	v4 =	vshrl.u32 v12, $0x10;
	v12 =	vand.u32 $0xFFFF, v12;
	[tilespmem:v3+s3+$0x0] =	vst.idx.add.f32.msk $0xffff, v9;
	v3 =	vmov v13  }
0x9a: {  	s7 =	sadd.s32 $0x50, s7;
	v9 =	vld.idx.msk [tilespmem:v17+s2+$0x0], $0xffff  }
0x9b: {  	v13 =	vld [tilespmem:s7+$0x20]  }
0x9c: {  	v11 =	vmul.f32 v11, v8;
	v16 =	vld.idx.msk [tilespmem:v18+s2+$0x0], $0xffff  }
0x9d: {  	v14 =	vshrl.u32 v14, $0x10;
	v15 =	vmul.f32 v15, v7;
	v21 =	vld.idx.msk [tilespmem:v1+s2+$0x0], $0xffff  }
0x9e: {  	v7 =	vld.idx.msk [tilespmem:v12+s2+$0x0], $0xffff  }
0x9f: {  	v22 =	vld.idx.msk [tilespmem:v2+s2+$0x0], $0xffff  }
0xa0: {  	v10 =	vld [tilespmem:s7+$0xFFFFFFE0];
	v8 =	vmul.f32 v9, v13  }
0xa1: {  	v9 =	vld [tilespmem:s7+$0xFFFFFFF0]  }
0xa2: {  	[tilespmem:v14+s30+$0x0] =	vst.idx.add.f32.msk $0xffff, v8  }
0xa3: {  	v23 =	vld.idx.msk [tilespmem:v17+s22+$0x0], $0xffff  }
0xa4: {  	v8 =	vld [tilespmem:s7+$0x0]  }
0xa5: {  	v24 =	vmul.f32 v7, v10;
	v7 =	vld [tilespmem:s7+$0x10]  }
0xa6: {  	v16 =	vmul.f32 v16, v9;
	[tilespmem:v6+s3+$0x0] =	vst.idx.add.f32.msk $0xffff, v11;
	v6 =	vmov v19  }
0xa7: {  	[tilespmem:v4+s30+$0x0] =	vst.idx.add.f32.msk $0xffff, v24  }
0xa8: {  	[tilespmem:v3+s30+$0x0] =	vst.idx.add.f32.msk $0xffff, v16  }
0xa9: {  	v19 =	vmul.f32 v23, v13;
	v11 =	vld.idx.msk [tilespmem:v12+s22+$0x0], $0xffff;
	v16 =	vmul.f32 v21, v8  }
0xaa: {  	v21 =	vld.idx.msk [tilespmem:v18+s22+$0x0], $0xffff;
	v22 =	vmul.f32 v22, v7  }
0xab: {  	[tilespmem:v14+s31+$0x0] =	vst.idx.add.f32.msk $0xffff, v19  }
0xac: {  	v19 =	vld.idx.msk [tilespmem:v17+s23+$0x0], $0xffff  }
0xad: {  	[tilespmem:v6+s30+$0x0] =	vst.idx.add.f32.msk $0xffff, v16  }
0xae: {  	[tilespmem:v20+s30+$0x0] =	vst.idx.add.f32.msk $0xffff, v22  }
0xaf: {  	v11 =	vmul.f32 v11, v10;
	v16 =	vld.idx.msk [tilespmem:v1+s22+$0x0], $0xffff  }
0xb0: {  	v21 =	vmul.f32 v21, v9;
	v22 =	vld.idx.msk [tilespmem:v2+s22+$0x0], $0xffff  }
0xb1: {  	[tilespmem:v4+s31+$0x0] =	vst.idx.add.f32.msk $0xffff, v11  }
0xb2: {  	v11 =	vmul.f32 v19, v13;
	[tilespmem:v3+s31+$0x0] =	vst.idx.add.f32.msk $0xffff, v21  }
0xb3: {  	v19 =	vld.idx.msk [tilespmem:v12+s23+$0x0], $0xffff  }
0xb4: {  	[tilespmem:v14+s0+$0x0] =	vst.idx.add.f32.msk $0xffff, v11  }
0xb5: {  	v11 =	vmul.f32 v16, v8;
	v16 =	vld.idx.msk [tilespmem:v17+s24+$0x0], $0xffff  }
0xb6: {  	v21 =	vmul.f32 v22, v7;
	v17 =	vld.idx.msk [tilespmem:v18+s23+$0x0], $0xffff  }
0xb7: {  	[tilespmem:v6+s31+$0x0] =	vst.idx.add.f32.msk $0xffff, v11  }
0xb8: {  	[tilespmem:v20+s31+$0x0] =	vst.idx.add.f32.msk $0xffff, v21  }
0xb9: {  	v11 =	vmul.f32 v19, v10;
	v19 =	vld.idx.msk [tilespmem:v1+s23+$0x0], $0xffff  }
0xba: {  	v21 =	vld.idx.msk [tilespmem:v2+s23+$0x0], $0xffff  }
0xbb: {  	v13 =	vmul.f32 v16, v13;
	[tilespmem:v4+s0+$0x0] =	vst.idx.add.f32.msk $0xffff, v11  }
0xbc: {  	v11 =	vld.idx.msk [tilespmem:v12+s24+$0x0], $0xffff;
	v12 =	vmul.f32 v17, v9  }
.Ltmp1:
0xbd: {  	[tilespmem:v14+s3+$0x0] =	vst.idx.add.f32.msk $0xffff, v13;
	(pc) =	sbr.rel @p0 .LBB2_5-.Ltmp1, $4  }
0xbe: {  	[tilespmem:v3+s0+$0x0] =	vst.idx.add.f32.msk $0xffff, v12  }
0xbf: {  	v14 =	vmul.f32 v19, v8;
	v12 =	vld.idx.msk [tilespmem:v18+s24+$0x0], $0xffff  }
0xc0: {  	v13 =	vmul.f32 v21, v7;
	[tilespmem:v5+s3+$0x0] =	vst.idx.add.f32.msk $0xffff, v15;
	v5 =	vmov v20  }
0xc1: {  	s9 =	sadd.s32 $0x50, s9;
	[tilespmem:v6+s0+$0x0] =	vst.idx.add.f32.msk $0xffff, v14  }
0xc2: {  	_ =	sdelay $0x3  }
0xc3: {  	[tilespmem:v5+s0+$0x0] =	vst.idx.add.f32.msk $0xffff, v13  }
0xc4: {  	v1 =	vld.idx.msk [tilespmem:v1+s24+$0x0], $0xffff  }
0xc5: {  	v2 =	vld.idx.msk [tilespmem:v2+s24+$0x0], $0xffff;
	_ =	sdelay $0x1  }
0xc6: {  	v10 =	vmul.f32 v11, v10  }
0xc7: {  	v9 =	vmul.f32 v12, v9  }
0xc8: {  	p0 =	seq.s32 s5, $0x4;
	[tilespmem:v4+s3+$0x0] =	vst.idx.add.f32.msk $0xffff, v10;
	v1 =	vmul.f32 v1, v8  }
0xc9: {  	s6 =	sadd.s32 @!p0 s6, s12;
	[tilespmem:v3+s3+$0x0] =	vst.idx.add.f32.msk $0xffff, v9;
	v2 =	vmul.f32 v2, v7  }
0xca: {  	s6 =	sshrl.u32 @!p0 s6, $0x3;
	[tilespmem:v6+s3+$0x0] =	vst.idx.add.f32.msk $0xffff, v1  }
0xcb: {  	s8 =	simm.s32 @!p0 $0x0;
	s9 =	simm.s32 @!p0 $0x13C00;
	s7 =	sadd.s32 @!p0 s4, s6;
	[tilespmem:v5+s3+$0x0] =	vst.idx.add.f32.msk $0xffff, v2  }
0xcc: {  	[tilespmem:s9], [sflag:$0x2] =	stream.linear.gather @!p0 [hbm4b:s7+s8], $0x1F40, $0x38;
	[tilespmem:$0x1BA00] =	vst v63  }
0xcd: {  	s6 =	sadd.s32 @!p0 s1, s6;
	s7 =	simm.s32 @!p0 $0x15B80  }
0xce: {  	[tilespmem:s7], [sflag:$0x2] =	stream.linear.gather @!p0 [hbm4b:s6+s8], $0x1F40, $0x38;
	[tilespmem:$0x1BA00] =	vst v63  }
0xcf: {  	_ =	swait.ge [sflag:s18], $0x1F40  }
0xd0: {  	[sflag:s18] =	ssyncset.done $0x0  }
0xd1: {  	[sflag:s18] =	ssyncadd.s32 $0xFFFFE0C0  }
0xd2: {  	_ =	swait.ge [sflag:s18], $0x1F40  }
0xd3: {  	[sflag:s18] =	ssyncset.done $0x0  }
0xd4: {  	s9 =	simm.s32 $0x17B20;
	[sflag:s18] =	ssyncadd.s32 $0xFFFFE0C0  }
0xd5: {  	v3 =	vld [tilespmem:s9+$0x20];
	_ =	sdelay $0x2  }
0xd6: {  	v4 =	vld [tilespmem:s9+$0xFFFFFFE0]  }
0xd7: {  	v5 =	vld [tilespmem:s9+$0xFFFFFFF0]  }
0xd8: {  	v6 =	vld [tilespmem:s9+$0x0];
	v11 =	vand.u32 $0xFFFF, v3  }
0xd9: {  	v12 =	vld [tilespmem:s9+$0x10]  }
0xda: {  	s6 =	simm.s32 $0x19AA0  }
0xdb: {  	v15 =	vld [tilespmem:s6+$0x20];
	v14 =	vand.u32 $0xFFFF, v4  }
0xdc: {  	v10 =	vld [tilespmem:s6+$0xFFFFFFE0];
	v13 =	vand.u32 $0xFFFF, v5  }
0xdd: {  	v1 =	vand.u32 $0xFFFF, v6;
	v7 =	vld.idx.msk [tilespmem:v11+s2+$0x0], $0xffff  }
0xde: {  	v9 =	vld [tilespmem:s6+$0xFFFFFFF0];
	v2 =	vand.u32 $0xFFFF, v12  }
0xdf: {  	v8 =	vld [tilespmem:s6+$0x0];
	v18 =	vshrl.u32 v3, $0x10  }
0xe0: {  	v19 =	vld.idx.msk [tilespmem:v14+s2+$0x0], $0xffff  }
0xe1: {  	v16 =	vld.idx.msk [tilespmem:v13+s2+$0x0], $0xffff  }
0xe2: {  	v4 =	vshrl.u32 v4, $0x10;
	v17 =	vld.idx.msk [tilespmem:v1+s2+$0x0], $0xffff;
	v7 =	vmul.f32 v7, v15  }
0xe3: {  	v3 =	vshrl.u32 v5, $0x10;
	v20 =	vld.idx.msk [tilespmem:v2+s2+$0x0], $0xffff  }
0xe4: {  	v6 =	vshrl.u32 v6, $0x10;
	[tilespmem:v18+s30+$0x0] =	vst.idx.add.f32.msk $0xffff, v7  }
0xe5: {  	v5 =	vmul.f32 v19, v10;
	v7 =	vld [tilespmem:s6+$0x10]  }
0xe6: {  	v16 =	vmul.f32 v16, v9;
	v21 =	vld.idx.msk [tilespmem:v11+s22+$0x0], $0xffff  }
0xe7: {  	v17 =	vmul.f32 v17, v8;
	[tilespmem:v4+s30+$0x0] =	vst.idx.add.f32.msk $0xffff, v5  }
0xe8: {  	[tilespmem:v3+s30+$0x0] =	vst.idx.add.f32.msk $0xffff, v16  }
0xe9: {  	[tilespmem:v6+s30+$0x0] =	vst.idx.add.f32.msk $0xffff, v17  }
0xea: {  	v5 =	vshrl.u32 v12, $0x10;
	v12 =	vld.idx.msk [tilespmem:v14+s22+$0x0], $0xffff  }
0xeb: {  	v55 =	vld.idx.msk [tilespmem:v13+s22+$0x0], $0xffff;
	v54 =	vmul.f32 v21, v15  }
0xec: {  	v58 =	vld.idx.msk [tilespmem:v1+s22+$0x0], $0xffff  }
0xed: {  	v56 =	vmul.f32 v20, v7;
	[tilespmem:v18+s31+$0x0] =	vst.idx.add.f32.msk $0xffff, v54  }
0xee: {  	v57 =	vld.idx.msk [tilespmem:v11+s23+$0x0], $0xffff  }
0xef: {  	v12 =	vmul.f32 v12, v10;
	[tilespmem:v5+s30+$0x0] =	vst.idx.add.f32.msk $0xffff, v56  }
0xf0: {  	v59 =	vmul.f32 v55, v9;
	v60 =	vld.idx.msk [tilespmem:v2+s22+$0x0], $0xffff  }
0xf1: {  	[tilespmem:v4+s31+$0x0] =	vst.idx.add.f32.msk $0xffff, v12  }
0xf2: {  	[tilespmem:v3+s31+$0x0] =	vst.idx.add.f32.msk $0xffff, v59  }
0xf3: {  	v61 =	vld.idx.msk [tilespmem:v14+s23+$0x0], $0xffff;
	v12 =	vmul.f32 v57, v15  }
0xf4: {  	v62 =	vld.idx.msk [tilespmem:v13+s23+$0x0], $0xffff  }
0xf5: {  	v19 =	vmul.f32 v60, v7;
	[tilespmem:v18+s0+$0x0] =	vst.idx.add.f32.msk $0xffff, v12  }
0xf6: {  	v12 =	vmul.f32 v58, v8;
	v11 =	vld.idx.msk [tilespmem:v11+s24+$0x0], $0xffff  }
0xf7: {  	[tilespmem:v5+s31+$0x0] =	vst.idx.add.f32.msk $0xffff, v19  }
0xf8: {  	[tilespmem:v6+s31+$0x0] =	vst.idx.add.f32.msk $0xffff, v12  }
0xf9: {  	v12 =	vmul.f32 v61, v10;
	v63 =	vld.idx.msk [tilespmem:v1+s23+$0x0], $0xffff  }
0xfa: {  	v19 =	vld.idx.msk [tilespmem:v2+s23+$0x0], $0xffff  }
0xfb: {  	[tilespmem:v4+s0+$0x0] =	vst.idx.add.f32.msk $0xffff, v12;
	v12 =	vmul.f32 v11, v15  }
0xfc: {  	v11 =	vld.idx.msk [tilespmem:v14+s24+$0x0], $0xffff;
	v14 =	vmul.f32 v62, v9  }
0xfd: {  	[tilespmem:v18+s3+$0x0] =	vst.idx.add.f32.msk $0xffff, v12  }
0xfe: {  	[tilespmem:v3+s0+$0x0] =	vst.idx.add.f32.msk $0xffff, v14;
	v14 =	vmul.f32 v63, v8  }
0xff: {  	v12 =	vld.idx.msk [tilespmem:v13+s24+$0x0], $0xffff  }
0x100: {  	s7 =	simm.s32 $0x0;
	s8 =	simm.s32 $0x17B70;
	v13 =	vmul.f32 v19, v7;
	[tilespmem:v6+s0+$0x0] =	vst.idx.add.f32.msk $0xffff, v14  }
.LBB2_7:
0x101: {  	v14 =	vld [tilespmem:s8+$0x20];
	s7 =	sadd.s32 $0x5, s7;
	v10 =	vmul.f32 v11, v10  }
0x102: {  	v11 =	vld [tilespmem:s8+$0xFFFFFFF0];
	p0 =	slt.u32 s7, $0x1EF  }
0x103: {  	v15 =	vld [tilespmem:s8+$0x0]  }
0x104: {  	v9 =	vmul.f32 v12, v9;
	v16 =	vld [tilespmem:s8+$0x10]  }
0x105: {  	v12 =	vld [tilespmem:s8+$0xFFFFFFE0]  }
0x106: {  	v17 =	vand.u32 $0xFFFF, v14;
	[tilespmem:v5+s0+$0x0] =	vst.idx.add.f32.msk $0xffff, v13  }
0x107: {  	v13 =	vshrl.u32 v11, $0x10;
	v18 =	vand.u32 $0xFFFF, v11;
	v11 =	vld.idx.msk [tilespmem:v1+s24+$0x0], $0xffff  }
0x108: {  	v19 =	vshrl.u32 v15, $0x10;
	v1 =	vand.u32 $0xFFFF, v15;
	v15 =	vld.idx.msk [tilespmem:v2+s24+$0x0], $0xffff  }
0x109: {  	v20 =	vshrl.u32 v16, $0x10;
	v2 =	vand.u32 $0xFFFF, v16;
	[tilespmem:v4+s3+$0x0] =	vst.idx.add.f32.msk $0xffff, v10  }
0x10a: {  	v4 =	vshrl.u32 v12, $0x10;
	v12 =	vand.u32 $0xFFFF, v12;
	[tilespmem:v3+s3+$0x0] =	vst.idx.add.f32.msk $0xffff, v9;
	v3 =	vmov v13  }
0x10b: {  	s6 =	sadd.s32 $0x50, s6;
	v9 =	vld.idx.msk [tilespmem:v17+s2+$0x0], $0xffff  }
0x10c: {  	v13 =	vld [tilespmem:s6+$0x20]  }
0x10d: {  	v11 =	vmul.f32 v11, v8;
	v16 =	vld.idx.msk [tilespmem:v18+s2+$0x0], $0xffff  }
0x10e: {  	v14 =	vshrl.u32 v14, $0x10;
	v15 =	vmul.f32 v15, v7;
	v21 =	vld.idx.msk [tilespmem:v1+s2+$0x0], $0xffff  }
0x10f: {  	v7 =	vld.idx.msk [tilespmem:v12+s2+$0x0], $0xffff  }
0x110: {  	v22 =	vld.idx.msk [tilespmem:v2+s2+$0x0], $0xffff  }
0x111: {  	v10 =	vld [tilespmem:s6+$0xFFFFFFE0];
	v8 =	vmul.f32 v9, v13  }
0x112: {  	v9 =	vld [tilespmem:s6+$0xFFFFFFF0]  }
0x113: {  	[tilespmem:v14+s30+$0x0] =	vst.idx.add.f32.msk $0xffff, v8  }
0x114: {  	v23 =	vld.idx.msk [tilespmem:v17+s22+$0x0], $0xffff  }
0x115: {  	v8 =	vld [tilespmem:s6+$0x0]  }
0x116: {  	v24 =	vmul.f32 v7, v10;
	v7 =	vld [tilespmem:s6+$0x10]  }
0x117: {  	v16 =	vmul.f32 v16, v9;
	[tilespmem:v6+s3+$0x0] =	vst.idx.add.f32.msk $0xffff, v11;
	v6 =	vmov v19  }
0x118: {  	[tilespmem:v4+s30+$0x0] =	vst.idx.add.f32.msk $0xffff, v24  }
0x119: {  	[tilespmem:v3+s30+$0x0] =	vst.idx.add.f32.msk $0xffff, v16  }
0x11a: {  	v19 =	vmul.f32 v23, v13;
	v11 =	vld.idx.msk [tilespmem:v12+s22+$0x0], $0xffff;
	v16 =	vmul.f32 v21, v8  }
0x11b: {  	v21 =	vld.idx.msk [tilespmem:v18+s22+$0x0], $0xffff;
	v22 =	vmul.f32 v22, v7  }
0x11c: {  	[tilespmem:v14+s31+$0x0] =	vst.idx.add.f32.msk $0xffff, v19  }
0x11d: {  	v19 =	vld.idx.msk [tilespmem:v17+s23+$0x0], $0xffff  }
0x11e: {  	[tilespmem:v6+s30+$0x0] =	vst.idx.add.f32.msk $0xffff, v16  }
0x11f: {  	[tilespmem:v20+s30+$0x0] =	vst.idx.add.f32.msk $0xffff, v22  }
0x120: {  	v11 =	vmul.f32 v11, v10;
	v16 =	vld.idx.msk [tilespmem:v1+s22+$0x0], $0xffff  }
0x121: {  	v21 =	vmul.f32 v21, v9;
	v22 =	vld.idx.msk [tilespmem:v2+s22+$0x0], $0xffff  }
0x122: {  	[tilespmem:v4+s31+$0x0] =	vst.idx.add.f32.msk $0xffff, v11  }
0x123: {  	v11 =	vmul.f32 v19, v13;
	[tilespmem:v3+s31+$0x0] =	vst.idx.add.f32.msk $0xffff, v21  }
0x124: {  	v19 =	vld.idx.msk [tilespmem:v12+s23+$0x0], $0xffff  }
0x125: {  	[tilespmem:v14+s0+$0x0] =	vst.idx.add.f32.msk $0xffff, v11  }
0x126: {  	v11 =	vmul.f32 v16, v8;
	v16 =	vld.idx.msk [tilespmem:v17+s24+$0x0], $0xffff  }
0x127: {  	v21 =	vmul.f32 v22, v7;
	v17 =	vld.idx.msk [tilespmem:v18+s23+$0x0], $0xffff  }
0x128: {  	[tilespmem:v6+s31+$0x0] =	vst.idx.add.f32.msk $0xffff, v11  }
0x129: {  	[tilespmem:v20+s31+$0x0] =	vst.idx.add.f32.msk $0xffff, v21  }
0x12a: {  	v11 =	vmul.f32 v19, v10;
	v19 =	vld.idx.msk [tilespmem:v1+s23+$0x0], $0xffff  }
0x12b: {  	v21 =	vld.idx.msk [tilespmem:v2+s23+$0x0], $0xffff  }
0x12c: {  	v13 =	vmul.f32 v16, v13;
	[tilespmem:v4+s0+$0x0] =	vst.idx.add.f32.msk $0xffff, v11  }
0x12d: {  	v11 =	vld.idx.msk [tilespmem:v12+s24+$0x0], $0xffff;
	v12 =	vmul.f32 v17, v9  }
.Ltmp2:
0x12e: {  	[tilespmem:v14+s3+$0x0] =	vst.idx.add.f32.msk $0xffff, v13;
	(pc) =	sbr.rel @p0 .LBB2_7-.Ltmp2, $4  }
0x12f: {  	[tilespmem:v3+s0+$0x0] =	vst.idx.add.f32.msk $0xffff, v12  }
0x130: {  	v14 =	vmul.f32 v19, v8;
	v12 =	vld.idx.msk [tilespmem:v18+s24+$0x0], $0xffff  }
0x131: {  	v13 =	vmul.f32 v21, v7;
	[tilespmem:v5+s3+$0x0] =	vst.idx.add.f32.msk $0xffff, v15;
	v5 =	vmov v20  }
0x132: {  	s8 =	sadd.s32 $0x50, s8;
	[tilespmem:v6+s0+$0x0] =	vst.idx.add.f32.msk $0xffff, v14  }
0x133: {  	_ =	sdelay $0x3  }
0x134: {  	[tilespmem:v5+s0+$0x0] =	vst.idx.add.f32.msk $0xffff, v13  }
0x135: {  	v1 =	vld.idx.msk [tilespmem:v1+s24+$0x0], $0xffff  }
0x136: {  	v2 =	vld.idx.msk [tilespmem:v2+s24+$0x0], $0xffff  }
0x137: {  	s5 =	sadd.s32 $0x1, s5  }
0x138: {  	v10 =	vmul.f32 v11, v10;
	p0 =	sne.s32 s5, $0x5  }
.Ltmp3:
0x139: {  	v9 =	vmul.f32 v12, v9;
	(pc) =	sbr.rel @p0 .LBB2_4-.Ltmp3, $4  }
0x13a: {  	[tilespmem:v4+s3+$0x0] =	vst.idx.add.f32.msk $0xffff, v10;
	v1 =	vmul.f32 v1, v8  }
0x13b: {  	[tilespmem:v3+s3+$0x0] =	vst.idx.add.f32.msk $0xffff, v9;
	v2 =	vmul.f32 v2, v7  }
0x13c: {  	[tilespmem:v6+s3+$0x0] =	vst.idx.add.f32.msk $0xffff, v1  }
0x13d: {  	[tilespmem:v5+s3+$0x0] =	vst.idx.add.f32.msk $0xffff, v2  }
0x13e: {  	[hbm4b:s13+s20] =	stream.strided.scatter [tilespmem:s30], [sflag:$0x1], $0x2780, s21, s20, $0x38;
	[tilespmem:$0x1BA00] =	vst v63  }
0x13f: {  	_ = 	snop  }
0x140: {  	[hbm4b:s14+s20] =	stream.strided.scatter [tilespmem:s31], [sflag:$0x1], $0x2780, s21, s20, $0x38;
	[tilespmem:$0x1BA00] =	vst v63  }
0x141: {  	_ = 	snop  }
0x142: {  	[hbm4b:s15+s20] =	stream.strided.scatter [tilespmem:s0], [sflag:$0x1], $0x2780, s21, s20, $0x38;
	[tilespmem:$0x1BA00] =	vst v63  }
0x143: {  	_ = 	snop  }
0x144: {  	[hbm4b:s16+s20] =	stream.strided.scatter [tilespmem:s3], [sflag:$0x1], $0x2780, s21, s20, $0x38;
	[tilespmem:$0x1BA00] =	vst v63  }
0x145: {  	_ =	swait.ge [sflag:s25], $0x2780  }
0x146: {  	[sflag:s25] =	ssyncset.done $0x0  }
0x147: {  	[sflag:s25] =	ssyncadd.s32 $0xFFFFD880  }
0x148: {  	_ =	swait.ge [sflag:s25], $0x2780  }
0x149: {  	[sflag:s25] =	ssyncset.done $0x0  }
0x14a: {  	s19 =	sadd.s32 $0x1, s19;
	[sflag:s25] =	ssyncadd.s32 $0xFFFFD880  }
0x14b: {  	p0 =	sne.s32 s19, s17;
	_ =	swait.ge [sflag:s25], $0x2780  }
.Ltmp4:
0x14c: {  	[sflag:s25] =	ssyncset.done $0x0;
	(pc) =	sbr.rel @p0 .LBB2_1-.Ltmp4, $4  }
0x14d: {  	[sflag:s25] =	ssyncadd.s32 $0xFFFFD880  }
0x14e: {  	_ =	swait.ge [sflag:s25], $0x2780  }
0x14f: {  	[sflag:s25] =	ssyncset.done $0x0  }
0x150: {  	[sflag:s25] =	ssyncadd.s32 $0xFFFFD880  }
0x151: {  	_ =	sfence.sel $0x180000  }
0x152: {  	[bflag:$0x0] =	sbarrier.arrive $0xFFFF  }
0x153: {  	_ =	strace $0x90000050  }
0x154: {  	s0 =	stileid.u32;
	[bflag:$0x2] =	sbarrier.arrive $0xFFFF  }
0x155: {  	p0 =	sne.s32 s0, $0x0;
	s0 =	rddreg [dreg:$0x2]  }
0x156: {  	s0 =	sadd.s32 @!p0 $0x100000, s0  }
0x157: {  	[sflag:s0] =	ssyncadd.tile.s32 @!p0 $0x1;
	_ =	shalt  }
.Lfunc_end2:
_tile_overlayer_lowered:
.L_overlay_start_2:
0x158: {  	(tag) =	ssettag $0x2  }
0x159: {  	s0 =	rddreg [dreg:$0x0];
	s2 =	stileid.u32  }
0x15a: {  	s1 =	rddreg [dreg:$0x1];
	p0 =	sne.s32 s2, $0x0  }
0x15b: {  	s3 =	rddreg [dreg:$0x2];
	[bflag:$0x3] =	sbarrier.arrive $0xFFFF;
	s2 =	simm.s32 @!p0 $0x1C04  }
0x15c: {  	[timem:s3], [sflag:s2] =	dma.local @!p0 [hbm:s0], s1  }
0x15d: {  	s0 =	simm.s32 @!p0 $0x4  }
0x15e: {  	_ =	swait.ge @!p0 [sflag:s0], s1  }
0x15f: {  	s1 =	ssub.s32 @!p0 $0x0, s1;
	[sflag:s0] =	ssyncset.done @!p0 $0x0  }
0x160: {  	[sflag:s0] =	ssyncadd.s32 @!p0 s1  }
0x161: {  	[bflag:$0x3] =	sbarrier.arrive $0xFFFF  }
0x162: {  	_ =	shalt  }

// kernel: kernel.27.cloned.1.call-start
scs
__scs_entry_jumppad:
0x0: {  	(pc) =	sbr.rel $0x88, $3  }
0x1: {  	(tag) =	ssettag $0x0;
	lr =	simm.s32 $0x1  }
0x2: {  	[smem:$0x3F93] =	sst lr;
	_ =	strace $0xD0000000  }
0x3: {  	_ = 	snop  }
0x4: {  	_ = 	snop  }
0x5: {  	_ = 	snop  }
0x6: {  	_ = 	snop  }
0x7: {  	_ = 	snop  }
__scs_overlays_trampoline_lowered:
0x8: {  	[smem:$0x3FA2] =	sst s0  }
0x9: {  	[smem:$0x3FA3] =	sst s1  }
0xa: {  	[smem:$0x3FA4] =	sst s2  }
0xb: {  	[smem:$0x3FA5] =	sst s3  }
0xc: {  	[smem:$0x3FA6] =	sst s4  }
0xd: {  	[smem:$0x3FA7] =	sst s5  }
0xe: {  	[smem:$0x3FA8] =	sst s6  }
0xf: {  	[smem:$0x3FA9] =	sst s7  }
0x10: {  	[smem:$0x3FAA] =	sst s8  }
0x11: {  	[smem:$0x3FAB] =	sst s9;
	s0 =	simm.s32 @!p0 $0x0  }
0x12: {  	s1 =	sld [smem:$0x3F91];
	s0 =	simm.s32 @p0 $0x1  }
0x13: {  	[smem:$0x3FAC] =	sst s0;
	s0 =	simm.s32 @!p1 $0x0  }
0x14: {  	s2 =	sld [smem:$0x3F90];
	s0 =	simm.s32 @p1 $0x1  }
0x15: {  	[smem:$0x3FAD] =	sst s0;
	s0 =	simm.s32 @!p2 $0x0  }
0x16: {  	s3 =	sld [smem:$0x3FDB];
	s0 =	simm.s32 @p2 $0x1  }
0x17: {  	s4 =	simm.s32 $0x1BF5;
	[smem:$0x3FAF] =	sst s0  }
0x18: {  	s0 =	sld [smem:$0x3F92];
	_ =	swait.ge [sflag:s4], $0x0  }
0x19: {  	s7 =	sld [smem:$0x3F93]  }
0x1a: {  	s8 =	sadd.s32 $0xFFFFE003, lr  }
0x1b: {  	s9 =	sadd.s32 $0xFFFFFEF7, lr;
	s5 =	simm.s32 $0xFFFFFFFF;
	p2 =	slt.u32 s8, $0xFFFFF086  }
0x1c: {  	p1 =	slt.u32 s9, $0xF7A;
	s5 =	simm.s32 @!p2 $0x0  }
0x1d: {  	s5 =	simm.s32 @p1 $0x1;
	p0 =	seq.s32 s7, s2  }
0x1e: {  	s7 =	smul.u32 @!p0 $0xF7A, s2;
	p2 =	seq.s32 @!p0 s5, $0x0  }
0x1f: {  	s9 =	smul.u32 $0xF7A, s1;
	s8 =	simm.s32 @!p0 $0x1BF5;
	p2 =	por !p2, p0  }
0x20: {  	[sflag:s8] =	ssyncset.s32 @!p0 $0xFFFFF086;
	s6 =	sadd.s32 @!p0 s3, s7;
	s7 =	simm.s32 @!p0 $0x108  }
0x21: {  	s3 =	sadd.s32 s3, s9;
	s6 =	sadd.s32 @!p0 $0x88, s6;
	s7 =	simm.s32 @p2 $0x1082  }
0x22: {  	[simem:s7], [sflag:s8] =	dma.local @!p0 [hbm:s6], $0xF7A  }
0x23: {  	s9 =	sor.u32 $0xD0000000, s2;
	s6 =	simm.s32 $0x108;
	_ =	swait.ge @!p0 [sflag:s8], $0x0  }
0x24: {  	s3 =	sadd.s32 $0x88, s3;
	s6 =	simm.s32 @!p1 $0x1082;
	[sflag:s4] =	ssyncset.s32 $0xFFFFF086  }
0x25: {  	[simem:s6], [sflag:s4] =	dma.local [hbm:s3], $0xF7A  }
0x26: {  	[smem:$0x3F93] =	sst s1;
	(tag) =	ssettag s2;
	_ =	strace s9  }
0x27: {  	s1 =	sld [smem:$0x3FA3]  }
0x28: {  	s2 =	sld [smem:$0x3FA4]  }
0x29: {  	s4 =	sld [smem:$0x3FA6]  }
0x2a: {  	p0 =	seq.s32 s5, $0x0;
	s5 =	sld [smem:$0x3FA7]  }
0x2b: {  	s6 =	sld [smem:$0x3FA8]  }
0x2c: {  	s7 =	sld [smem:$0x3FA9]  }
0x2d: {  	s3 =	simm.s32 $0x108;
	s8 =	sld [smem:$0x3FAA]  }
0x2e: {  	s3 =	simm.s32 @!p0 $0x1082;
	s9 =	sld [smem:$0x3FAB]  }
0x2f: {  	lr =	sadd.s32 s0, s3;
	s0 =	sld [smem:$0x3FA2]  }
0x30: {  	s3 =	sld [smem:$0x3FA5]  }
0x31: {  	[smem:$0x3FAE] =	sst s10  }
0x32: {  	s10 =	sld [smem:$0x3FAC];
	_ =	sdelay $0x3  }
0x33: {  	p0 =	seq.s32 s10, $0x1;
	s10 =	sld [smem:$0x3FAE];
	_ =	sdelay $0x3  }
0x34: {  	[smem:$0x3FAE] =	sst s10  }
0x35: {  	s10 =	sld [smem:$0x3FAD];
	_ =	sdelay $0x3  }
0x36: {  	p1 =	seq.s32 s10, $0x1;
	s10 =	sld [smem:$0x3FAE];
	_ =	sdelay $0x3  }
0x37: {  	[smem:$0x3FAE] =	sst s10  }
0x38: {  	s10 =	sld [smem:$0x3FAF]  }
0x39: {  	_ = 	snop;
	(pc) =	sbr.ind lr, $3  }
0x3a: {  	_ = 	snop  }
0x3b: {  	_ = 	snop  }
0x3c: {  	p2 =	seq.s32 s10, $0x1;
	s10 =	sld [smem:$0x3FAE]  }
0x3d: {  	_ =	shalt  }
0x3e: {  	_ =	shalt  }
0x3f: {  	_ =	shalt  }
0x40: {  	_ =	shalt  }
0x41: {  	_ =	shalt  }
0x42: {  	_ =	shalt  }
0x43: {  	_ =	shalt  }
0x44: {  	_ =	shalt  }
0x45: {  	_ =	shalt  }
0x46: {  	_ =	shalt  }
0x47: {  	_ =	shalt  }
0x48: {  	_ =	shalt  }
0x49: {  	_ =	shalt  }
0x4a: {  	_ =	shalt  }
0x4b: {  	_ =	shalt  }
0x4c: {  	_ =	shalt  }
0x4d: {  	_ =	shalt  }
0x4e: {  	_ =	shalt  }
0x4f: {  	_ =	shalt  }
0x50: {  	_ =	shalt  }
0x51: {  	_ =	shalt  }
0x52: {  	_ =	shalt  }
0x53: {  	_ =	shalt  }
0x54: {  	_ =	shalt  }
0x55: {  	_ =	shalt  }
0x56: {  	_ =	shalt  }
0x57: {  	_ =	shalt  }
0x58: {  	_ =	shalt  }
0x59: {  	_ =	shalt  }
0x5a: {  	_ =	shalt  }
0x5b: {  	_ =	shalt  }
0x5c: {  	_ =	shalt  }
0x5d: {  	_ =	shalt  }
0x5e: {  	_ =	shalt  }
0x5f: {  	_ =	shalt  }
0x60: {  	_ =	shalt  }
0x61: {  	_ =	shalt  }
0x62: {  	_ =	shalt  }
0x63: {  	_ =	shalt  }
0x64: {  	_ =	shalt  }
0x65: {  	_ =	shalt  }
0x66: {  	_ =	shalt  }
0x67: {  	_ =	shalt  }
0x68: {  	_ =	shalt  }
0x69: {  	_ =	shalt  }
0x6a: {  	_ =	shalt  }
0x6b: {  	_ =	shalt  }
0x6c: {  	_ =	shalt  }
0x6d: {  	_ =	shalt  }
0x6e: {  	_ =	shalt  }
0x6f: {  	_ =	shalt  }
0x70: {  	_ =	shalt  }
0x71: {  	_ =	shalt  }
0x72: {  	_ =	shalt  }
0x73: {  	_ =	shalt  }
0x74: {  	_ =	shalt  }
0x75: {  	_ =	shalt  }
0x76: {  	_ =	shalt  }
0x77: {  	_ =	shalt  }
0x78: {  	_ =	shalt  }
0x79: {  	_ =	shalt  }
0x7a: {  	_ =	shalt  }
0x7b: {  	_ =	shalt  }
0x7c: {  	_ =	shalt  }
0x7d: {  	_ =	shalt  }
0x7e: {  	_ =	shalt  }
0x7f: {  	_ =	shalt  }
0x80: {  	_ =	shalt  }
0x81: {  	_ =	shalt  }
0x82: {  	_ =	shalt  }
0x83: {  	_ =	shalt  }
0x84: {  	_ =	shalt  }
0x85: {  	_ =	shalt  }
0x86: {  	_ =	shalt  }
0x87: {  	_ =	shalt  }
.Lfunc_end0:
.L_simem_size_0:
called_computation.4_lowered:
.L_overlay_start_0:
0x88: {  	s2 =	sld [smem:$0x3FD9]  }
0x89: {  	s3 =	sld [smem:$0x3FFE];
	_ =	sdelay $0x1  }
0x8a: {  	s1 =	srdreg.scid  }
0x8b: {  	s0 =	sand.u32 $0x1, s1  }
0x8c: {  	s17 =	sshll.u32 s0, $0xA;
	s2 =	sadd.s32 s3, s2  }
0x8d: {  	s2 =	sadd.s32 s2, s17  }
0x8e: {  	[smem:$0x3FBA] =	sst s2  }
0x8f: {  	_ = 	snop  }
0x90: {  	s2 =	sld [smem:$0x3FC7];
	(tm) =	ssettm $0x1  }
0x91: {  	s18 =	sld [smem:$0x3FFB];
	_ =	sdelay $0x3  }
0x92: {  	_ =	strace s18  }
0x93: {  	s3 =	sld [smem:$0x3FFC];
	_ =	sdelay $0x3  }
0x94: {  	_ =	strace s3  }
0x95: {  	s3 =	sld [smem:$0x3FFD];
	_ =	sdelay $0x3  }
0x96: {  	_ =	strace s3  }
0x97: {  	_ =	strace $0x8FFFFFFF  }
0x98: {  	s19 =	sld [smem:$0x3FDB];
	_ =	sdelay $0x1  }
0x99: {  	s4 =	simm.s32 $_scs_section_size  }
0x9a: {  	s5 =	simm.s32 $_size__tile_overlayer_lowered;
	s6 =	simm.s32 $_tile_overlayer_lowered  }
0x9b: {  	s22 =	simm.s32 $0x1BFF;
	s21 =	sshll.u32 s6, $0x1;
	s3 =	sadd.s32 s4, s19  }
0x9c: {  	s7 =	simm.s32 $0x0;
	s20 =	sshll.u32 s5, $0x1;
	s5 =	sadd.s32 s21, s3  }
0x9d: {  	[timem:s7], [sflag:s22] =	dma.local [hbm:s5], s20  }
0x9e: {  	_ =	swait.ge [sflag:s22], s20  }
0x9f: {  	s4 =	ssub.s32 $0x0, s20;
	[sflag:s22] =	ssyncset.done $0x0  }
0xa0: {  	[sflag:s22] =	ssyncadd.s32 s4;
	_ =	sdelay $0x1  }
0xa1: {  	s23 =	simm.s32 $0x1B8B  }
0xa2: {  	_ =	swait.ge [sflag:s23], $0x1  }
0xa3: {  	[sflag:s23] =	ssyncset.done $0x0  }
0xa4: {  	s25 =	simm.s32 $0x1B8E;
	s24 =	sld [smem:$0x3FFE];
	[sflag:s23] =	ssyncadd.s32 $0xFFFFFFFF  }
0xa5: {  	s26 =	simm.s32 $execute0_lowered;
	[smem:$0x3FD2] =	sst s25  }
0xa6: {  	s5 =	sshll.u32 s26, $0x1;
	_ =	strace $0x80000052;
	[dreg:$0x1] =	wrdreg $0xFFFFFFFF  }
0xa7: {  	s28 =	simm.s32 $_size_execute0_lowered;
	s3 =	sadd.s32 s3, s5;
	[dreg:$0x0] =	wrdreg $0x0  }
0xa8: {  	s5 =	sshll.u32 s28, $0x1;
	[dreg:$0x2] =	wrdreg s3  }
0xa9: {  	[dreg:$0x3] =	wrdreg s5  }
0xaa: {  	[dreg:$0x4] =	wrdreg $0xC0  }
0xab: {  	_ =	task [dreg:s7], $0x5FFFF  }
0xac: {  	[dreg:$0x1] =	wrdreg $0xFFFFFFFF  }
0xad: {  	[dreg:$0x0] =	wrdreg $0x60  }
0xae: {  	[dreg:$0x2] =	wrdreg s24  }
0xaf: {  	[dreg:$0x3] =	wrdreg s2  }
0xb0: {  	[dreg:$0x4] =	wrdreg $0x9  }
0xb1: {  	_ =	task.clear_ibuf [dreg:s7], $0x5FFFF;
	_ =	strace $0x90000052  }
0xb2: {  	s29 =	simm.s32 $0x9;
	_ =	strace $0x80000054  }
0xb3: {  	_ =	swait.ge [sflag:s29], $0x1  }
0xb4: {  	[sflag:s29] =	ssyncadd.s32 $0xFFFFFFFF  }
0xb5: {  	_ =	strace $0x90000054  }
0xb6: {  	_ =	sfence  }
0xb7: {  	s30 =	sld [smem:$0x0];
	_ =	sdelay $0x2  }
0xb8: {  	s31 =	sshll.u32 s1, $0xD;
	s1 =	sshrl.u32 s1, $0x2  }
0xb9: {  	s3 =	sand.u32 $0x4000, s31;
	s1 =	sadd.s32 s1, s30  }
0xba: {  	s0 =	sor.u32 s3, s0;
	s1 =	sshll.u32 s1, $0x11  }
0xbb: {  	s0 =	sor.u32 s1, s0  }
0xbc: {  	s0 =	sadd.s32 $0x8F2B, s0  }
0xbd: {  	[sflag:s0] =	ssyncadd.remote.s32 $0x1  }
0xbe: {  	_ =	sfence.sel $0xFFFF  }
0xbf: {  	[dreg:$0x0] =	wrdreg $0xFFFFFFFF;
	(pc) =	sbr.abs _section_cstart, $3  }
0xc0: {  	[dreg:$0x1] =	wrdreg $0xFFFFFFFF  }
0xc1: {  	_ =	task.clear_ibuf [dreg:s7], $0x2FFFF;
	_ =	strace $0x9FFFFFFF  }
0xc2: {  	(tm) =	ssettm $0x7FFFFFFF  }
0xc3: {  	_ =	shalt  }
tec
execute0_lowered:
.L_overlay_start_1:
0x0: {  	(tag) =	ssettag $0x1  }
0x1: {  	s0 =	rddreg [dreg:$0x0]  }
0x2: {  	s1 =	rddreg [dreg:$0x1]  }
0x3: {  	s2 =	simm.s32 $0x0;
	s5 =	srdreg.scid;
	s8 =	stileid.u32  }
0x4: {  	s28 =	simm.s32 $0x19A80;
	s29 =	simm.s32 $0x2;
	s30 =	simm.s32 $0x9E00  }
0x5: {  	s31 =	simm.s32 $0xC580;
	[smem:$0x7FF] =	sst s2;
	s3 =	sadd.s32 $0xF200, s0  }
0x6: {  	s4 =	sadd.s32 $0x5400, s0;
	s5 =	sand.u32 $0x1, s5;
	s6 =	sshrl.u32 s8, $0x3  }
0x7: {  	s8 =	sand.u32 $0x7, s8;
	s0 =	sadd.s32 $0x22E00, s0;
	s9 =	smul.u32 $0x27100, s6  }
0x8: {  	_ =	strace $0x80000053;
	s7 =	ssub.s32 $0x2, s5;
	s8 =	smul.u32 $0x13C00, s8  }
0x9: {  	s5 =	sshll.u32 s5, $0x9;
	s6 =	smul.u32 $0x9E000, s6;
	s10 =	sshrl.u32 s7, $0x1  }
0xa: {  	s14 =	sor.u32 $0x80, s5;
	s7 =	ssub.s32 s7, s10;
	s15 =	sshrl.u32 s9, $0x3  }
0xb: {  	s16 =	sor.u32 s5, s8;
	s18 =	sor.u32 s14, s8;
	s6 =	sadd.s32 s8, s6  }
0xc: {  	s12 =	sadd.s32 $0x3E80, s9;
	s11 =	sadd.s32 s4, s15;
	s10 =	sadd.s32 s1, s15  }
0xd: {  	s17 =	sshrl.u32 s16, $0x3;
	s19 =	sshrl.u32 s18, $0x3;
	s15 =	sor.u32 $0x100, s5  }
0xe: {  	s16 =	sor.u32 $0x180, s5;
	s5 =	sor.u32 s5, s6;
	[dreg:$0x3] =	wrdreg s11  }
0xf: {  	s25 =	sor.u32 s14, s6;
	s18 =	simm.s32 $0x3;
	[dreg:$0x4] =	wrdreg s10  }
0x10: {  	s10 =	sadd.s32 s3, s17;
	s20 =	sor.u32 s15, s8;
	s21 =	sor.u32 s16, s8  }
0x11: {  	s24 =	sshrl.u32 s5, $0x3;
	s11 =	sadd.s32 $0x1F40, s9;
	s26 =	sor.u32 s15, s6  }
0x12: {  	s6 =	sor.u32 s16, s6;
	s17 =	smax.u32 s7, $0x1;
	[dreg:$0x5] =	wrdreg s10  }
0x13: {  	s10 =	sadd.s32 s3, s19;
	s22 =	sshrl.u32 s20, $0x3;
	s23 =	sshrl.u32 s21, $0x3  }
0x14: {  	s13 =	sadd.s32 s0, s24;
	s5 =	sshrl.u32 s26, $0x3;
	s6 =	sshrl.u32 s6, $0x3  }
0x15: {  	s20 =	simm.s32 $0x80;
	s21 =	simm.s32 $0x400;
	s24 =	simm.s32 $0x7680  }
0x16: {  	s26 =	simm.s32 $0x17B00;
	s19 =	simm.s32 $0x0;
	[dreg:$0x6] =	wrdreg s10  }
0x17: {  	s8 =	sadd.s32 s3, s22;
	s10 =	sadd.s32 s3, s23;
	s3 =	sshrl.u32 s25, $0x3  }
0x18: {  	s15 =	sadd.s32 s0, s5;
	s16 =	sadd.s32 s0, s6;
	s22 =	simm.s32 $0x2780  }
0x19: {  	s23 =	simm.s32 $0x4F00;
	s25 =	simm.s32 $0x1;
	[dreg:$0x7] =	wrdreg s8  }
0x1a: {  	v0 =	vimm.f32 $0.0e+00;
	s14 =	sadd.s32 s0, s3;
	s0 =	simm.s32 $0xED00;
	s3 =	simm.s32 $0x11480  }
.LBB2_1:
0x1b: {  	s5 =	rddreg [dreg:$0x3];
	s6 =	simm.s32 $0x13C00  }
0x1c: {  	[tilespmem:s6], [sflag:$0x2] =	stream.linear.gather [hbm4b:s5+s2], $0x1F40, $0x38;
	[tilespmem:$0x1BA00] =	vst v63  }
0x1d: {  	s8 =	rddreg [dreg:$0x4];
	s9 =	simm.s32 $0x15B80  }
0x1e: {  	[tilespmem:s9], [sflag:$0x2] =	stream.linear.gather [hbm4b:s8+s2], $0x1F40, $0x38;
	[tilespmem:$0x1BA00] =	vst v63  }
0x1f: {  	s7 =	rddreg [dreg:$0x5]  }
0x20: {  	[tilespmem:s2], [sflag:$0x1] =	stream.strided.gather [hbm4b:s7+s20], $0x2780, s21, s20, $0x38;
	[tilespmem:$0x1BA00] =	vst v63  }
0x21: {  	s8 =	rddreg [dreg:$0x6]  }
0x22: {  	[tilespmem:s22], [sflag:$0x1] =	stream.strided.gather [hbm4b:s8+s20], $0x2780, s21, s20, $0x38;
	[tilespmem:$0x1BA00] =	vst v63  }
0x23: {  	s9 =	rddreg [dreg:$0x7]  }
0x24: {  	[tilespmem:s23], [sflag:$0x1] =	stream.strided.gather [hbm4b:s9+s20], $0x2780, s21, s20, $0x38;
	[tilespmem:$0x1BA00] =	vst v63  }
0x25: {  	s8 =	simm.s32 $0x9E20  }
0x26: {  	[tilespmem:s24], [sflag:$0x1] =	stream.strided.gather [hbm4b:s10+s20], $0x2780, s21, s20, $0x38;
	[tilespmem:$0x1BA00] =	vst v63  }
0x27: {  	[tilespmem:s8+$0xFFFFFFF0] =	vst v0  }
0x28: {  	[tilespmem:s8+$0x0] =	vst v0  }
0x29: {  	[tilespmem:s8+$0x10] =	vst v0  }
0x2a: {  	s5 =	simm.s32 $0xC5A0;
	[tilespmem:s8+$0xFFFFFFE0] =	vst v0  }
0x2b: {  	[tilespmem:s5+$0xFFFFFFF0] =	vst v0  }
0x2c: {  	[tilespmem:s5+$0x0] =	vst v0  }
0x2d: {  	[tilespmem:s5+$0x10] =	vst v0  }
0x2e: {  	s6 =	simm.s32 $0xED20;
	[tilespmem:s5+$0xFFFFFFE0] =	vst v0  }
0x2f: {  	[tilespmem:s6+$0xFFFFFFF0] =	vst v0  }
0x30: {  	[tilespmem:s6+$0x0] =	vst v0  }
0x31: {  	[tilespmem:s6+$0x10] =	vst v0  }
0x32: {  	s7 =	simm.s32 $0x114A0;
	[tilespmem:s6+$0xFFFFFFE0] =	vst v0  }
0x33: {  	[tilespmem:s7+$0xFFFFFFF0] =	vst v0  }
0x34: {  	[tilespmem:s7+$0x0] =	vst v0  }
0x35: {  	[tilespmem:s7+$0x10] =	vst v0  }
0x36: {  	s9 =	simm.s32 $0x9E60;
	s8 =	simm.s32 $0x0;
	[tilespmem:s7+$0xFFFFFFE0] =	vst v0  }
.LBB2_2:
0x37: {  	[tilespmem:s9+$0xFFFFFFF0] =	vst v0;
	s5 =	sadd.s32 $0x40, s5  }
0x38: {  	s6 =	sadd.s32 $0x40, s6;
	[tilespmem:s5+$0xFFFFFFF0] =	vst v0  }
0x39: {  	s7 =	sadd.s32 $0x40, s7;
	[tilespmem:s6+$0xFFFFFFF0] =	vst v0  }
0x3a: {  	[tilespmem:s7+$0xFFFFFFF0] =	vst v0  }
0x3b: {  	[tilespmem:s9+$0x0] =	vst v0  }
0x3c: {  	[tilespmem:s5+$0x0] =	vst v0  }
0x3d: {  	[tilespmem:s6+$0x0] =	vst v0  }
0x3e: {  	[tilespmem:s7+$0x0] =	vst v0  }
0x3f: {  	[tilespmem:s9+$0x10] =	vst v0  }
0x40: {  	s8 =	sadd.s32 $0x4, s8;
	[tilespmem:s5+$0x10] =	vst v0  }
0x41: {  	p0 =	slt.u32 s8, $0x26C;
	[tilespmem:s6+$0x10] =	vst v0  }
.Ltmp0:
0x42: {  	[tilespmem:s7+$0x10] =	vst v0;
	(pc) =	sbr.rel @p0 .LBB2_2-.Ltmp0, $4  }
0x43: {  	[tilespmem:s9+$0xFFFFFFE0] =	vst v0  }
0x44: {  	[tilespmem:s5+$0xFFFFFFE0] =	vst v0  }
0x45: {  	[tilespmem:s6+$0xFFFFFFE0] =	vst v0  }
0x46: {  	s9 =	sadd.s32 $0x40, s9;
	[tilespmem:s7+$0xFFFFFFE0] =	vst v0  }
0x47: {  	[tilespmem:$0xC500] =	vst v0  }
0x48: {  	[tilespmem:$0xEC80] =	vst v0  }
0x49: {  	[tilespmem:$0x11400] =	vst v0  }
0x4a: {  	[tilespmem:$0x13B80] =	vst v0  }
0x4b: {  	_ =	swait.ge [sflag:s25], $0x2780  }
0x4c: {  	[sflag:s25] =	ssyncset.done $0x0  }
0x4d: {  	[sflag:s25] =	ssyncadd.s32 $0xFFFFD880  }
0x4e: {  	_ =	swait.ge [sflag:s25], $0x2780  }
0x4f: {  	[sflag:s25] =	ssyncset.done $0x0  }
0x50: {  	[sflag:s25] =	ssyncadd.s32 $0xFFFFD880  }
0x51: {  	_ =	swait.ge [sflag:s25], $0x2780  }
0x52: {  	[sflag:s25] =	ssyncset.done $0x0  }
0x53: {  	[sflag:s25] =	ssyncadd.s32 $0xFFFFD880  }
0x54: {  	_ =	swait.ge [sflag:s25], $0x2780  }
0x55: {  	[sflag:s25] =	ssyncset.done $0x0  }
0x56: {  	s5 =	simm.s32 $0x0;
	[sflag:s25] =	ssyncadd.s32 $0xFFFFD880  }
.LBB2_4:
0x57: {  	s6 =	smul.u32 $0x3E80, s5;
	_ =	sdelay $0x1  }
0x58: {  	s7 =	sadd.s32 s6, s11  }
0x59: {  	s7 =	sshrl.u32 s7, $0x3  }
0x5a: {  	s8 =	sadd.s32 s4, s7  }
0x5b: {  	[tilespmem:s26], [sflag:$0x3] =	stream.linear.gather [hbm4b:s8+s2], $0x1F40, $0x38;
	[tilespmem:$0x1BA00] =	vst v63  }
0x5c: {  	s7 =	sadd.s32 s1, s7  }
0x5d: {  	[tilespmem:s28], [sflag:$0x3] =	stream.linear.gather [hbm4b:s7+s2], $0x1F40, $0x38;
	[tilespmem:$0x1BA00] =	vst v63  }
0x5e: {  	_ =	swait.ge [sflag:s29], $0x1F40  }
0x5f: {  	[sflag:s29] =	ssyncset.done $0x0  }
0x60: {  	[sflag:s29] =	ssyncadd.s32 $0xFFFFE0C0  }
0x61: {  	_ =	swait.ge [sflag:s29], $0x1F40  }
0x62: {  	[sflag:s29] =	ssyncset.done $0x0  }
0x63: {  	s9 =	simm.s32 $0x13C20;
	[sflag:s29] =	ssyncadd.s32 $0xFFFFE0C0  }
0x64: {  	v3 =	vld [tilespmem:s9+$0x20];
	_ =	sdelay $0x2  }
0x65: {  	v4 =	vld [tilespmem:s9+$0xFFFFFFE0]  }
0x66: {  	v5 =	vld [tilespmem:s9+$0xFFFFFFF0]  }
0x67: {  	v6 =	vld [tilespmem:s9+$0x0];
	v11 =	vand.u32 $0xFFFF, v3  }
0x68: {  	v12 =	vld [tilespmem:s9+$0x10]  }
0x69: {  	s7 =	simm.s32 $0x15BA0  }
0x6a: {  	v15 =	vld [tilespmem:s7+$0x20];
	v14 =	vand.u32 $0xFFFF, v4  }
0x6b: {  	v10 =	vld [tilespmem:s7+$0xFFFFFFE0];
	v13 =	vand.u32 $0xFFFF, v5  }
0x6c: {  	v1 =	vand.u32 $0xFFFF, v6;
	v7 =	vld.idx.msk [tilespmem:v11+s2+$0x0], $0xffff  }
0x6d: {  	v9 =	vld [tilespmem:s7+$0xFFFFFFF0];
	v2 =	vand.u32 $0xFFFF, v12  }
0x6e: {  	v8 =	vld [tilespmem:s7+$0x0];
	v18 =	vshrl.u32 v3, $0x10  }
0x6f: {  	v19 =	vld.idx.msk [tilespmem:v14+s2+$0x0], $0xffff  }
0x70: {  	v16 =	vld.idx.msk [tilespmem:v13+s2+$0x0], $0xffff  }
0x71: {  	v4 =	vshrl.u32 v4, $0x10;
	v17 =	vld.idx.msk [tilespmem:v1+s2+$0x0], $0xffff;
	v7 =	vmul.f32 v7, v15  }
0x72: {  	v3 =	vshrl.u32 v5, $0x10;
	v20 =	vld.idx.msk [tilespmem:v2+s2+$0x0], $0xffff  }
0x73: {  	v6 =	vshrl.u32 v6, $0x10;
	[tilespmem:v18+s30+$0x0] =	vst.idx.add.f32.msk $0xffff, v7  }
0x74: {  	v5 =	vmul.f32 v19, v10;
	v7 =	vld [tilespmem:s7+$0x10]  }
0x75: {  	v16 =	vmul.f32 v16, v9;
	v21 =	vld.idx.msk [tilespmem:v11+s22+$0x0], $0xffff  }
0x76: {  	v17 =	vmul.f32 v17, v8;
	[tilespmem:v4+s30+$0x0] =	vst.idx.add.f32.msk $0xffff, v5  }
0x77: {  	[tilespmem:v3+s30+$0x0] =	vst.idx.add.f32.msk $0xffff, v16  }
0x78: {  	[tilespmem:v6+s30+$0x0] =	vst.idx.add.f32.msk $0xffff, v17  }
0x79: {  	v5 =	vshrl.u32 v12, $0x10;
	v12 =	vld.idx.msk [tilespmem:v14+s22+$0x0], $0xffff  }
0x7a: {  	v55 =	vld.idx.msk [tilespmem:v13+s22+$0x0], $0xffff;
	v54 =	vmul.f32 v21, v15  }
0x7b: {  	v58 =	vld.idx.msk [tilespmem:v1+s22+$0x0], $0xffff  }
0x7c: {  	v56 =	vmul.f32 v20, v7;
	[tilespmem:v18+s31+$0x0] =	vst.idx.add.f32.msk $0xffff, v54  }
0x7d: {  	v57 =	vld.idx.msk [tilespmem:v11+s23+$0x0], $0xffff  }
0x7e: {  	v12 =	vmul.f32 v12, v10;
	[tilespmem:v5+s30+$0x0] =	vst.idx.add.f32.msk $0xffff, v56  }
0x7f: {  	v59 =	vmul.f32 v55, v9;
	v60 =	vld.idx.msk [tilespmem:v2+s22+$0x0], $0xffff  }
0x80: {  	[tilespmem:v4+s31+$0x0] =	vst.idx.add.f32.msk $0xffff, v12  }
0x81: {  	[tilespmem:v3+s31+$0x0] =	vst.idx.add.f32.msk $0xffff, v59  }
0x82: {  	v61 =	vld.idx.msk [tilespmem:v14+s23+$0x0], $0xffff;
	v12 =	vmul.f32 v57, v15  }
0x83: {  	v62 =	vld.idx.msk [tilespmem:v13+s23+$0x0], $0xffff  }
0x84: {  	v19 =	vmul.f32 v60, v7;
	[tilespmem:v18+s0+$0x0] =	vst.idx.add.f32.msk $0xffff, v12  }
0x85: {  	v12 =	vmul.f32 v58, v8;
	v11 =	vld.idx.msk [tilespmem:v11+s24+$0x0], $0xffff  }
0x86: {  	[tilespmem:v5+s31+$0x0] =	vst.idx.add.f32.msk $0xffff, v19  }
0x87: {  	[tilespmem:v6+s31+$0x0] =	vst.idx.add.f32.msk $0xffff, v12  }
0x88: {  	v12 =	vmul.f32 v61, v10;
	v63 =	vld.idx.msk [tilespmem:v1+s23+$0x0], $0xffff  }
0x89: {  	v19 =	vld.idx.msk [tilespmem:v2+s23+$0x0], $0xffff  }
0x8a: {  	[tilespmem:v4+s0+$0x0] =	vst.idx.add.f32.msk $0xffff, v12;
	v12 =	vmul.f32 v11, v15  }
0x8b: {  	v11 =	vld.idx.msk [tilespmem:v14+s24+$0x0], $0xffff;
	v14 =	vmul.f32 v62, v9  }
0x8c: {  	[tilespmem:v18+s3+$0x0] =	vst.idx.add.f32.msk $0xffff, v12  }
0x8d: {  	[tilespmem:v3+s0+$0x0] =	vst.idx.add.f32.msk $0xffff, v14;
	v14 =	vmul.f32 v63, v8  }
0x8e: {  	v12 =	vld.idx.msk [tilespmem:v13+s24+$0x0], $0xffff  }
0x8f: {  	s8 =	simm.s32 $0x0;
	s9 =	simm.s32 $0x13C70;
	v13 =	vmul.f32 v19, v7;
	[tilespmem:v6+s0+$0x0] =	vst.idx.add.f32.msk $0xffff, v14  }
.LBB2_5:
0x90: {  	v14 =	vld [tilespmem:s9+$0x20];
	s8 =	sadd.s32 $0x5, s8;
	v10 =	vmul.f32 v11, v10  }
0x91: {  	v11 =	vld [tilespmem:s9+$0xFFFFFFF0];
	p0 =	slt.u32 s8, $0x1EF  }
0x92: {  	v15 =	vld [tilespmem:s9+$0x0]  }
0x93: {  	v9 =	vmul.f32 v12, v9;
	v16 =	vld [tilespmem:s9+$0x10]  }
0x94: {  	v12 =	vld [tilespmem:s9+$0xFFFFFFE0]  }
0x95: {  	v17 =	vand.u32 $0xFFFF, v14;
	[tilespmem:v5+s0+$0x0] =	vst.idx.add.f32.msk $0xffff, v13  }
0x96: {  	v13 =	vshrl.u32 v11, $0x10;
	v18 =	vand.u32 $0xFFFF, v11;
	v11 =	vld.idx.msk [tilespmem:v1+s24+$0x0], $0xffff  }
0x97: {  	v19 =	vshrl.u32 v15, $0x10;
	v1 =	vand.u32 $0xFFFF, v15;
	v15 =	vld.idx.msk [tilespmem:v2+s24+$0x0], $0xffff  }
0x98: {  	v20 =	vshrl.u32 v16, $0x10;
	v2 =	vand.u32 $0xFFFF, v16;
	[tilespmem:v4+s3+$0x0] =	vst.idx.add.f32.msk $0xffff, v10  }
0x99: {  	v4 =	vshrl.u32 v12, $0x10;
	v12 =	vand.u32 $0xFFFF, v12;
	[tilespmem:v3+s3+$0x0] =	vst.idx.add.f32.msk $0xffff, v9;
	v3 =	vmov v13  }
0x9a: {  	s7 =	sadd.s32 $0x50, s7;
	v9 =	vld.idx.msk [tilespmem:v17+s2+$0x0], $0xffff  }
0x9b: {  	v13 =	vld [tilespmem:s7+$0x20]  }
0x9c: {  	v11 =	vmul.f32 v11, v8;
	v16 =	vld.idx.msk [tilespmem:v18+s2+$0x0], $0xffff  }
0x9d: {  	v14 =	vshrl.u32 v14, $0x10;
	v15 =	vmul.f32 v15, v7;
	v21 =	vld.idx.msk [tilespmem:v1+s2+$0x0], $0xffff  }
0x9e: {  	v7 =	vld.idx.msk [tilespmem:v12+s2+$0x0], $0xffff  }
0x9f: {  	v22 =	vld.idx.msk [tilespmem:v2+s2+$0x0], $0xffff  }
0xa0: {  	v10 =	vld [tilespmem:s7+$0xFFFFFFE0];
	v8 =	vmul.f32 v9, v13  }
0xa1: {  	v9 =	vld [tilespmem:s7+$0xFFFFFFF0]  }
0xa2: {  	[tilespmem:v14+s30+$0x0] =	vst.idx.add.f32.msk $0xffff, v8  }
0xa3: {  	v23 =	vld.idx.msk [tilespmem:v17+s22+$0x0], $0xffff  }
0xa4: {  	v8 =	vld [tilespmem:s7+$0x0]  }
0xa5: {  	v24 =	vmul.f32 v7, v10;
	v7 =	vld [tilespmem:s7+$0x10]  }
0xa6: {  	v16 =	vmul.f32 v16, v9;
	[tilespmem:v6+s3+$0x0] =	vst.idx.add.f32.msk $0xffff, v11;
	v6 =	vmov v19  }
0xa7: {  	[tilespmem:v4+s30+$0x0] =	vst.idx.add.f32.msk $0xffff, v24  }
0xa8: {  	[tilespmem:v3+s30+$0x0] =	vst.idx.add.f32.msk $0xffff, v16  }
0xa9: {  	v19 =	vmul.f32 v23, v13;
	v11 =	vld.idx.msk [tilespmem:v12+s22+$0x0], $0xffff;
	v16 =	vmul.f32 v21, v8  }
0xaa: {  	v21 =	vld.idx.msk [tilespmem:v18+s22+$0x0], $0xffff;
	v22 =	vmul.f32 v22, v7  }
0xab: {  	[tilespmem:v14+s31+$0x0] =	vst.idx.add.f32.msk $0xffff, v19  }
0xac: {  	v19 =	vld.idx.msk [tilespmem:v17+s23+$0x0], $0xffff  }
0xad: {  	[tilespmem:v6+s30+$0x0] =	vst.idx.add.f32.msk $0xffff, v16  }
0xae: {  	[tilespmem:v20+s30+$0x0] =	vst.idx.add.f32.msk $0xffff, v22  }
0xaf: {  	v11 =	vmul.f32 v11, v10;
	v16 =	vld.idx.msk [tilespmem:v1+s22+$0x0], $0xffff  }
0xb0: {  	v21 =	vmul.f32 v21, v9;
	v22 =	vld.idx.msk [tilespmem:v2+s22+$0x0], $0xffff  }
0xb1: {  	[tilespmem:v4+s31+$0x0] =	vst.idx.add.f32.msk $0xffff, v11  }
0xb2: {  	v11 =	vmul.f32 v19, v13;
	[tilespmem:v3+s31+$0x0] =	vst.idx.add.f32.msk $0xffff, v21  }
0xb3: {  	v19 =	vld.idx.msk [tilespmem:v12+s23+$0x0], $0xffff  }
0xb4: {  	[tilespmem:v14+s0+$0x0] =	vst.idx.add.f32.msk $0xffff, v11  }
0xb5: {  	v11 =	vmul.f32 v16, v8;
	v16 =	vld.idx.msk [tilespmem:v17+s24+$0x0], $0xffff  }
0xb6: {  	v21 =	vmul.f32 v22, v7;
	v17 =	vld.idx.msk [tilespmem:v18+s23+$0x0], $0xffff  }
0xb7: {  	[tilespmem:v6+s31+$0x0] =	vst.idx.add.f32.msk $0xffff, v11  }
0xb8: {  	[tilespmem:v20+s31+$0x0] =	vst.idx.add.f32.msk $0xffff, v21  }
0xb9: {  	v11 =	vmul.f32 v19, v10;
	v19 =	vld.idx.msk [tilespmem:v1+s23+$0x0], $0xffff  }
0xba: {  	v21 =	vld.idx.msk [tilespmem:v2+s23+$0x0], $0xffff  }
0xbb: {  	v13 =	vmul.f32 v16, v13;
	[tilespmem:v4+s0+$0x0] =	vst.idx.add.f32.msk $0xffff, v11  }
0xbc: {  	v11 =	vld.idx.msk [tilespmem:v12+s24+$0x0], $0xffff;
	v12 =	vmul.f32 v17, v9  }
.Ltmp1:
0xbd: {  	[tilespmem:v14+s3+$0x0] =	vst.idx.add.f32.msk $0xffff, v13;
	(pc) =	sbr.rel @p0 .LBB2_5-.Ltmp1, $4  }
0xbe: {  	[tilespmem:v3+s0+$0x0] =	vst.idx.add.f32.msk $0xffff, v12  }
0xbf: {  	v14 =	vmul.f32 v19, v8;
	v12 =	vld.idx.msk [tilespmem:v18+s24+$0x0], $0xffff  }
0xc0: {  	v13 =	vmul.f32 v21, v7;
	[tilespmem:v5+s3+$0x0] =	vst.idx.add.f32.msk $0xffff, v15;
	v5 =	vmov v20  }
0xc1: {  	s9 =	sadd.s32 $0x50, s9;
	[tilespmem:v6+s0+$0x0] =	vst.idx.add.f32.msk $0xffff, v14  }
0xc2: {  	_ =	sdelay $0x3  }
0xc3: {  	[tilespmem:v5+s0+$0x0] =	vst.idx.add.f32.msk $0xffff, v13  }
0xc4: {  	v1 =	vld.idx.msk [tilespmem:v1+s24+$0x0], $0xffff  }
0xc5: {  	v2 =	vld.idx.msk [tilespmem:v2+s24+$0x0], $0xffff;
	_ =	sdelay $0x1  }
0xc6: {  	v10 =	vmul.f32 v11, v10  }
0xc7: {  	v9 =	vmul.f32 v12, v9  }
0xc8: {  	p0 =	seq.s32 s5, $0x9;
	[tilespmem:v4+s3+$0x0] =	vst.idx.add.f32.msk $0xffff, v10;
	v1 =	vmul.f32 v1, v8  }
0xc9: {  	s6 =	sadd.s32 @!p0 s6, s12;
	[tilespmem:v3+s3+$0x0] =	vst.idx.add.f32.msk $0xffff, v9;
	v2 =	vmul.f32 v2, v7  }
0xca: {  	s6 =	sshrl.u32 @!p0 s6, $0x3;
	[tilespmem:v6+s3+$0x0] =	vst.idx.add.f32.msk $0xffff, v1  }
0xcb: {  	s8 =	simm.s32 @!p0 $0x0;
	s9 =	simm.s32 @!p0 $0x13C00;
	s7 =	sadd.s32 @!p0 s4, s6;
	[tilespmem:v5+s3+$0x0] =	vst.idx.add.f32.msk $0xffff, v2  }
0xcc: {  	[tilespmem:s9], [sflag:$0x2] =	stream.linear.gather @!p0 [hbm4b:s7+s8], $0x1F40, $0x38;
	[tilespmem:$0x1BA00] =	vst v63  }
0xcd: {  	s6 =	sadd.s32 @!p0 s1, s6;
	s7 =	simm.s32 @!p0 $0x15B80  }
0xce: {  	[tilespmem:s7], [sflag:$0x2] =	stream.linear.gather @!p0 [hbm4b:s6+s8], $0x1F40, $0x38;
	[tilespmem:$0x1BA00] =	vst v63  }
0xcf: {  	_ =	swait.ge [sflag:s18], $0x1F40  }
0xd0: {  	[sflag:s18] =	ssyncset.done $0x0  }
0xd1: {  	[sflag:s18] =	ssyncadd.s32 $0xFFFFE0C0  }
0xd2: {  	_ =	swait.ge [sflag:s18], $0x1F40  }
0xd3: {  	[sflag:s18] =	ssyncset.done $0x0  }
0xd4: {  	s9 =	simm.s32 $0x17B20;
	[sflag:s18] =	ssyncadd.s32 $0xFFFFE0C0  }
0xd5: {  	v3 =	vld [tilespmem:s9+$0x20];
	_ =	sdelay $0x2  }
0xd6: {  	v4 =	vld [tilespmem:s9+$0xFFFFFFE0]  }
0xd7: {  	v5 =	vld [tilespmem:s9+$0xFFFFFFF0]  }
0xd8: {  	v6 =	vld [tilespmem:s9+$0x0];
	v11 =	vand.u32 $0xFFFF, v3  }
0xd9: {  	v12 =	vld [tilespmem:s9+$0x10]  }
0xda: {  	s6 =	simm.s32 $0x19AA0  }
0xdb: {  	v15 =	vld [tilespmem:s6+$0x20];
	v14 =	vand.u32 $0xFFFF, v4  }
0xdc: {  	v10 =	vld [tilespmem:s6+$0xFFFFFFE0];
	v13 =	vand.u32 $0xFFFF, v5  }
0xdd: {  	v1 =	vand.u32 $0xFFFF, v6;
	v7 =	vld.idx.msk [tilespmem:v11+s2+$0x0], $0xffff  }
0xde: {  	v9 =	vld [tilespmem:s6+$0xFFFFFFF0];
	v2 =	vand.u32 $0xFFFF, v12  }
0xdf: {  	v8 =	vld [tilespmem:s6+$0x0];
	v18 =	vshrl.u32 v3, $0x10  }
0xe0: {  	v19 =	vld.idx.msk [tilespmem:v14+s2+$0x0], $0xffff  }
0xe1: {  	v16 =	vld.idx.msk [tilespmem:v13+s2+$0x0], $0xffff  }
0xe2: {  	v4 =	vshrl.u32 v4, $0x10;
	v17 =	vld.idx.msk [tilespmem:v1+s2+$0x0], $0xffff;
	v7 =	vmul.f32 v7, v15  }
0xe3: {  	v3 =	vshrl.u32 v5, $0x10;
	v20 =	vld.idx.msk [tilespmem:v2+s2+$0x0], $0xffff  }
0xe4: {  	v6 =	vshrl.u32 v6, $0x10;
	[tilespmem:v18+s30+$0x0] =	vst.idx.add.f32.msk $0xffff, v7  }
0xe5: {  	v5 =	vmul.f32 v19, v10;
	v7 =	vld [tilespmem:s6+$0x10]  }
0xe6: {  	v16 =	vmul.f32 v16, v9;
	v21 =	vld.idx.msk [tilespmem:v11+s22+$0x0], $0xffff  }
0xe7: {  	v17 =	vmul.f32 v17, v8;
	[tilespmem:v4+s30+$0x0] =	vst.idx.add.f32.msk $0xffff, v5  }
0xe8: {  	[tilespmem:v3+s30+$0x0] =	vst.idx.add.f32.msk $0xffff, v16  }
0xe9: {  	[tilespmem:v6+s30+$0x0] =	vst.idx.add.f32.msk $0xffff, v17  }
0xea: {  	v5 =	vshrl.u32 v12, $0x10;
	v12 =	vld.idx.msk [tilespmem:v14+s22+$0x0], $0xffff  }
0xeb: {  	v55 =	vld.idx.msk [tilespmem:v13+s22+$0x0], $0xffff;
	v54 =	vmul.f32 v21, v15  }
0xec: {  	v58 =	vld.idx.msk [tilespmem:v1+s22+$0x0], $0xffff  }
0xed: {  	v56 =	vmul.f32 v20, v7;
	[tilespmem:v18+s31+$0x0] =	vst.idx.add.f32.msk $0xffff, v54  }
0xee: {  	v57 =	vld.idx.msk [tilespmem:v11+s23+$0x0], $0xffff  }
0xef: {  	v12 =	vmul.f32 v12, v10;
	[tilespmem:v5+s30+$0x0] =	vst.idx.add.f32.msk $0xffff, v56  }
0xf0: {  	v59 =	vmul.f32 v55, v9;
	v60 =	vld.idx.msk [tilespmem:v2+s22+$0x0], $0xffff  }
0xf1: {  	[tilespmem:v4+s31+$0x0] =	vst.idx.add.f32.msk $0xffff, v12  }
0xf2: {  	[tilespmem:v3+s31+$0x0] =	vst.idx.add.f32.msk $0xffff, v59  }
0xf3: {  	v61 =	vld.idx.msk [tilespmem:v14+s23+$0x0], $0xffff;
	v12 =	vmul.f32 v57, v15  }
0xf4: {  	v62 =	vld.idx.msk [tilespmem:v13+s23+$0x0], $0xffff  }
0xf5: {  	v19 =	vmul.f32 v60, v7;
	[tilespmem:v18+s0+$0x0] =	vst.idx.add.f32.msk $0xffff, v12  }
0xf6: {  	v12 =	vmul.f32 v58, v8;
	v11 =	vld.idx.msk [tilespmem:v11+s24+$0x0], $0xffff  }
0xf7: {  	[tilespmem:v5+s31+$0x0] =	vst.idx.add.f32.msk $0xffff, v19  }
0xf8: {  	[tilespmem:v6+s31+$0x0] =	vst.idx.add.f32.msk $0xffff, v12  }
0xf9: {  	v12 =	vmul.f32 v61, v10;
	v63 =	vld.idx.msk [tilespmem:v1+s23+$0x0], $0xffff  }
0xfa: {  	v19 =	vld.idx.msk [tilespmem:v2+s23+$0x0], $0xffff  }
0xfb: {  	[tilespmem:v4+s0+$0x0] =	vst.idx.add.f32.msk $0xffff, v12;
	v12 =	vmul.f32 v11, v15  }
0xfc: {  	v11 =	vld.idx.msk [tilespmem:v14+s24+$0x0], $0xffff;
	v14 =	vmul.f32 v62, v9  }
0xfd: {  	[tilespmem:v18+s3+$0x0] =	vst.idx.add.f32.msk $0xffff, v12  }
0xfe: {  	[tilespmem:v3+s0+$0x0] =	vst.idx.add.f32.msk $0xffff, v14;
	v14 =	vmul.f32 v63, v8  }
0xff: {  	v12 =	vld.idx.msk [tilespmem:v13+s24+$0x0], $0xffff  }
0x100: {  	s7 =	simm.s32 $0x0;
	s8 =	simm.s32 $0x17B70;
	v13 =	vmul.f32 v19, v7;
	[tilespmem:v6+s0+$0x0] =	vst.idx.add.f32.msk $0xffff, v14  }
.LBB2_7:
0x101: {  	v14 =	vld [tilespmem:s8+$0x20];
	s7 =	sadd.s32 $0x5, s7;
	v10 =	vmul.f32 v11, v10  }
0x102: {  	v11 =	vld [tilespmem:s8+$0xFFFFFFF0];
	p0 =	slt.u32 s7, $0x1EF  }
0x103: {  	v15 =	vld [tilespmem:s8+$0x0]  }
0x104: {  	v9 =	vmul.f32 v12, v9;
	v16 =	vld [tilespmem:s8+$0x10]  }
0x105: {  	v12 =	vld [tilespmem:s8+$0xFFFFFFE0]  }
0x106: {  	v17 =	vand.u32 $0xFFFF, v14;
	[tilespmem:v5+s0+$0x0] =	vst.idx.add.f32.msk $0xffff, v13  }
0x107: {  	v13 =	vshrl.u32 v11, $0x10;
	v18 =	vand.u32 $0xFFFF, v11;
	v11 =	vld.idx.msk [tilespmem:v1+s24+$0x0], $0xffff  }
0x108: {  	v19 =	vshrl.u32 v15, $0x10;
	v1 =	vand.u32 $0xFFFF, v15;
	v15 =	vld.idx.msk [tilespmem:v2+s24+$0x0], $0xffff  }
0x109: {  	v20 =	vshrl.u32 v16, $0x10;
	v2 =	vand.u32 $0xFFFF, v16;
	[tilespmem:v4+s3+$0x0] =	vst.idx.add.f32.msk $0xffff, v10  }
0x10a: {  	v4 =	vshrl.u32 v12, $0x10;
	v12 =	vand.u32 $0xFFFF, v12;
	[tilespmem:v3+s3+$0x0] =	vst.idx.add.f32.msk $0xffff, v9;
	v3 =	vmov v13  }
0x10b: {  	s6 =	sadd.s32 $0x50, s6;
	v9 =	vld.idx.msk [tilespmem:v17+s2+$0x0], $0xffff  }
0x10c: {  	v13 =	vld [tilespmem:s6+$0x20]  }
0x10d: {  	v11 =	vmul.f32 v11, v8;
	v16 =	vld.idx.msk [tilespmem:v18+s2+$0x0], $0xffff  }
0x10e: {  	v14 =	vshrl.u32 v14, $0x10;
	v15 =	vmul.f32 v15, v7;
	v21 =	vld.idx.msk [tilespmem:v1+s2+$0x0], $0xffff  }
0x10f: {  	v7 =	vld.idx.msk [tilespmem:v12+s2+$0x0], $0xffff  }
0x110: {  	v22 =	vld.idx.msk [tilespmem:v2+s2+$0x0], $0xffff  }
0x111: {  	v10 =	vld [tilespmem:s6+$0xFFFFFFE0];
	v8 =	vmul.f32 v9, v13  }
0x112: {  	v9 =	vld [tilespmem:s6+$0xFFFFFFF0]  }
0x113: {  	[tilespmem:v14+s30+$0x0] =	vst.idx.add.f32.msk $0xffff, v8  }
0x114: {  	v23 =	vld.idx.msk [tilespmem:v17+s22+$0x0], $0xffff  }
0x115: {  	v8 =	vld [tilespmem:s6+$0x0]  }
0x116: {  	v24 =	vmul.f32 v7, v10;
	v7 =	vld [tilespmem:s6+$0x10]  }
0x117: {  	v16 =	vmul.f32 v16, v9;
	[tilespmem:v6+s3+$0x0] =	vst.idx.add.f32.msk $0xffff, v11;
	v6 =	vmov v19  }
0x118: {  	[tilespmem:v4+s30+$0x0] =	vst.idx.add.f32.msk $0xffff, v24  }
0x119: {  	[tilespmem:v3+s30+$0x0] =	vst.idx.add.f32.msk $0xffff, v16  }
0x11a: {  	v19 =	vmul.f32 v23, v13;
	v11 =	vld.idx.msk [tilespmem:v12+s22+$0x0], $0xffff;
	v16 =	vmul.f32 v21, v8  }
0x11b: {  	v21 =	vld.idx.msk [tilespmem:v18+s22+$0x0], $0xffff;
	v22 =	vmul.f32 v22, v7  }
0x11c: {  	[tilespmem:v14+s31+$0x0] =	vst.idx.add.f32.msk $0xffff, v19  }
0x11d: {  	v19 =	vld.idx.msk [tilespmem:v17+s23+$0x0], $0xffff  }
0x11e: {  	[tilespmem:v6+s30+$0x0] =	vst.idx.add.f32.msk $0xffff, v16  }
0x11f: {  	[tilespmem:v20+s30+$0x0] =	vst.idx.add.f32.msk $0xffff, v22  }
0x120: {  	v11 =	vmul.f32 v11, v10;
	v16 =	vld.idx.msk [tilespmem:v1+s22+$0x0], $0xffff  }
0x121: {  	v21 =	vmul.f32 v21, v9;
	v22 =	vld.idx.msk [tilespmem:v2+s22+$0x0], $0xffff  }
0x122: {  	[tilespmem:v4+s31+$0x0] =	vst.idx.add.f32.msk $0xffff, v11  }
0x123: {  	v11 =	vmul.f32 v19, v13;
	[tilespmem:v3+s31+$0x0] =	vst.idx.add.f32.msk $0xffff, v21  }
0x124: {  	v19 =	vld.idx.msk [tilespmem:v12+s23+$0x0], $0xffff  }
0x125: {  	[tilespmem:v14+s0+$0x0] =	vst.idx.add.f32.msk $0xffff, v11  }
0x126: {  	v11 =	vmul.f32 v16, v8;
	v16 =	vld.idx.msk [tilespmem:v17+s24+$0x0], $0xffff  }
0x127: {  	v21 =	vmul.f32 v22, v7;
	v17 =	vld.idx.msk [tilespmem:v18+s23+$0x0], $0xffff  }
0x128: {  	[tilespmem:v6+s31+$0x0] =	vst.idx.add.f32.msk $0xffff, v11  }
0x129: {  	[tilespmem:v20+s31+$0x0] =	vst.idx.add.f32.msk $0xffff, v21  }
0x12a: {  	v11 =	vmul.f32 v19, v10;
	v19 =	vld.idx.msk [tilespmem:v1+s23+$0x0], $0xffff  }
0x12b: {  	v21 =	vld.idx.msk [tilespmem:v2+s23+$0x0], $0xffff  }
0x12c: {  	v13 =	vmul.f32 v16, v13;
	[tilespmem:v4+s0+$0x0] =	vst.idx.add.f32.msk $0xffff, v11  }
0x12d: {  	v11 =	vld.idx.msk [tilespmem:v12+s24+$0x0], $0xffff;
	v12 =	vmul.f32 v17, v9  }
.Ltmp2:
0x12e: {  	[tilespmem:v14+s3+$0x0] =	vst.idx.add.f32.msk $0xffff, v13;
	(pc) =	sbr.rel @p0 .LBB2_7-.Ltmp2, $4  }
0x12f: {  	[tilespmem:v3+s0+$0x0] =	vst.idx.add.f32.msk $0xffff, v12  }
0x130: {  	v14 =	vmul.f32 v19, v8;
	v12 =	vld.idx.msk [tilespmem:v18+s24+$0x0], $0xffff  }
0x131: {  	v13 =	vmul.f32 v21, v7;
	[tilespmem:v5+s3+$0x0] =	vst.idx.add.f32.msk $0xffff, v15;
	v5 =	vmov v20  }
0x132: {  	s8 =	sadd.s32 $0x50, s8;
	[tilespmem:v6+s0+$0x0] =	vst.idx.add.f32.msk $0xffff, v14  }
0x133: {  	_ =	sdelay $0x3  }
0x134: {  	[tilespmem:v5+s0+$0x0] =	vst.idx.add.f32.msk $0xffff, v13  }
0x135: {  	v1 =	vld.idx.msk [tilespmem:v1+s24+$0x0], $0xffff  }
0x136: {  	v2 =	vld.idx.msk [tilespmem:v2+s24+$0x0], $0xffff  }
0x137: {  	s5 =	sadd.s32 $0x1, s5  }
0x138: {  	v10 =	vmul.f32 v11, v10;
	p0 =	sne.s32 s5, $0xA  }
.Ltmp3:
0x139: {  	v9 =	vmul.f32 v12, v9;
	(pc) =	sbr.rel @p0 .LBB2_4-.Ltmp3, $4  }
0x13a: {  	[tilespmem:v4+s3+$0x0] =	vst.idx.add.f32.msk $0xffff, v10;
	v1 =	vmul.f32 v1, v8  }
0x13b: {  	[tilespmem:v3+s3+$0x0] =	vst.idx.add.f32.msk $0xffff, v9;
	v2 =	vmul.f32 v2, v7  }
0x13c: {  	[tilespmem:v6+s3+$0x0] =	vst.idx.add.f32.msk $0xffff, v1  }
0x13d: {  	[tilespmem:v5+s3+$0x0] =	vst.idx.add.f32.msk $0xffff, v2  }
0x13e: {  	[hbm4b:s13+s20] =	stream.strided.scatter [tilespmem:s30], [sflag:$0x1], $0x2780, s21, s20, $0x38;
	[tilespmem:$0x1BA00] =	vst v63  }
0x13f: {  	_ = 	snop  }
0x140: {  	[hbm4b:s14+s20] =	stream.strided.scatter [tilespmem:s31], [sflag:$0x1], $0x2780, s21, s20, $0x38;
	[tilespmem:$0x1BA00] =	vst v63  }
0x141: {  	_ = 	snop  }
0x142: {  	[hbm4b:s15+s20] =	stream.strided.scatter [tilespmem:s0], [sflag:$0x1], $0x2780, s21, s20, $0x38;
	[tilespmem:$0x1BA00] =	vst v63  }
0x143: {  	_ = 	snop  }
0x144: {  	[hbm4b:s16+s20] =	stream.strided.scatter [tilespmem:s3], [sflag:$0x1], $0x2780, s21, s20, $0x38;
	[tilespmem:$0x1BA00] =	vst v63  }
0x145: {  	_ =	swait.ge [sflag:s25], $0x2780  }
0x146: {  	[sflag:s25] =	ssyncset.done $0x0  }
0x147: {  	[sflag:s25] =	ssyncadd.s32 $0xFFFFD880  }
0x148: {  	_ =	swait.ge [sflag:s25], $0x2780  }
0x149: {  	[sflag:s25] =	ssyncset.done $0x0  }
0x14a: {  	s19 =	sadd.s32 $0x1, s19;
	[sflag:s25] =	ssyncadd.s32 $0xFFFFD880  }
0x14b: {  	p0 =	sne.s32 s19, s17;
	_ =	swait.ge [sflag:s25], $0x2780  }
.Ltmp4:
0x14c: {  	[sflag:s25] =	ssyncset.done $0x0;
	(pc) =	sbr.rel @p0 .LBB2_1-.Ltmp4, $4  }
0x14d: {  	[sflag:s25] =	ssyncadd.s32 $0xFFFFD880  }
0x14e: {  	_ =	swait.ge [sflag:s25], $0x2780  }
0x14f: {  	[sflag:s25] =	ssyncset.done $0x0  }
0x150: {  	[sflag:s25] =	ssyncadd.s32 $0xFFFFD880  }
0x151: {  	_ =	sfence.sel $0x180000  }
0x152: {  	[bflag:$0x0] =	sbarrier.arrive $0xFFFF  }
0x153: {  	_ =	strace $0x90000053  }
0x154: {  	s0 =	stileid.u32;
	[bflag:$0x2] =	sbarrier.arrive $0xFFFF  }
0x155: {  	p0 =	sne.s32 s0, $0x0;
	s0 =	rddreg [dreg:$0x2]  }
0x156: {  	s0 =	sadd.s32 @!p0 $0x100000, s0  }
0x157: {  	[sflag:s0] =	ssyncadd.tile.s32 @!p0 $0x1;
	_ =	shalt  }
.Lfunc_end2:
_tile_overlayer_lowered:
.L_overlay_start_2:
0x158: {  	(tag) =	ssettag $0x2  }
0x159: {  	s0 =	rddreg [dreg:$0x0];
	s2 =	stileid.u32  }
0x15a: {  	s1 =	rddreg [dreg:$0x1];
	p0 =	sne.s32 s2, $0x0  }
0x15b: {  	s3 =	rddreg [dreg:$0x2];
	[bflag:$0x3] =	sbarrier.arrive $0xFFFF;
	s2 =	simm.s32 @!p0 $0x1C04  }
0x15c: {  	[timem:s3], [sflag:s2] =	dma.local @!p0 [hbm:s0], s1  }
0x15d: {  	s0 =	simm.s32 @!p0 $0x4  }
0x15e: {  	_ =	swait.ge @!p0 [sflag:s0], s1  }
0x15f: {  	s1 =	ssub.s32 @!p0 $0x0, s1;
	[sflag:s0] =	ssyncset.done @!p0 $0x0  }
0x160: {  	[sflag:s0] =	ssyncadd.s32 @!p0 s1  }
0x161: {  	[bflag:$0x3] =	sbarrier.arrive $0xFFFF  }
0x162: {  	_ =	shalt  }

// kernel: kernel.30.cloned.1.call-start
scs
__scs_entry_jumppad:
0x0: {  	(pc) =	sbr.rel $0x88, $3  }
0x1: {  	(tag) =	ssettag $0x0;
	lr =	simm.s32 $0x1  }
0x2: {  	[smem:$0x3F93] =	sst lr;
	_ =	strace $0xD0000000  }
0x3: {  	_ = 	snop  }
0x4: {  	_ = 	snop  }
0x5: {  	_ = 	snop  }
0x6: {  	_ = 	snop  }
0x7: {  	_ = 	snop  }
__scs_overlays_trampoline_lowered:
0x8: {  	[smem:$0x3FA2] =	sst s0  }
0x9: {  	[smem:$0x3FA3] =	sst s1  }
0xa: {  	[smem:$0x3FA4] =	sst s2  }
0xb: {  	[smem:$0x3FA5] =	sst s3  }
0xc: {  	[smem:$0x3FA6] =	sst s4  }
0xd: {  	[smem:$0x3FA7] =	sst s5  }
0xe: {  	[smem:$0x3FA8] =	sst s6  }
0xf: {  	[smem:$0x3FA9] =	sst s7  }
0x10: {  	[smem:$0x3FAA] =	sst s8  }
0x11: {  	[smem:$0x3FAB] =	sst s9;
	s0 =	simm.s32 @!p0 $0x0  }
0x12: {  	s1 =	sld [smem:$0x3F91];
	s0 =	simm.s32 @p0 $0x1  }
0x13: {  	[smem:$0x3FAC] =	sst s0;
	s0 =	simm.s32 @!p1 $0x0  }
0x14: {  	s2 =	sld [smem:$0x3F90];
	s0 =	simm.s32 @p1 $0x1  }
0x15: {  	[smem:$0x3FAD] =	sst s0;
	s0 =	simm.s32 @!p2 $0x0  }
0x16: {  	s3 =	sld [smem:$0x3FDB];
	s0 =	simm.s32 @p2 $0x1  }
0x17: {  	s4 =	simm.s32 $0x1BF5;
	[smem:$0x3FAF] =	sst s0  }
0x18: {  	s0 =	sld [smem:$0x3F92];
	_ =	swait.ge [sflag:s4], $0x0  }
0x19: {  	s7 =	sld [smem:$0x3F93]  }
0x1a: {  	s8 =	sadd.s32 $0xFFFFE003, lr  }
0x1b: {  	s9 =	sadd.s32 $0xFFFFFEF7, lr;
	s5 =	simm.s32 $0xFFFFFFFF;
	p2 =	slt.u32 s8, $0xFFFFF086  }
0x1c: {  	p1 =	slt.u32 s9, $0xF7A;
	s5 =	simm.s32 @!p2 $0x0  }
0x1d: {  	s5 =	simm.s32 @p1 $0x1;
	p0 =	seq.s32 s7, s2  }
0x1e: {  	s7 =	smul.u32 @!p0 $0xF7A, s2;
	p2 =	seq.s32 @!p0 s5, $0x0  }
0x1f: {  	s9 =	smul.u32 $0xF7A, s1;
	s8 =	simm.s32 @!p0 $0x1BF5;
	p2 =	por !p2, p0  }
0x20: {  	[sflag:s8] =	ssyncset.s32 @!p0 $0xFFFFF086;
	s6 =	sadd.s32 @!p0 s3, s7;
	s7 =	simm.s32 @!p0 $0x108  }
0x21: {  	s3 =	sadd.s32 s3, s9;
	s6 =	sadd.s32 @!p0 $0x88, s6;
	s7 =	simm.s32 @p2 $0x1082  }
0x22: {  	[simem:s7], [sflag:s8] =	dma.local @!p0 [hbm:s6], $0xF7A  }
0x23: {  	s9 =	sor.u32 $0xD0000000, s2;
	s6 =	simm.s32 $0x108;
	_ =	swait.ge @!p0 [sflag:s8], $0x0  }
0x24: {  	s3 =	sadd.s32 $0x88, s3;
	s6 =	simm.s32 @!p1 $0x1082;
	[sflag:s4] =	ssyncset.s32 $0xFFFFF086  }
0x25: {  	[simem:s6], [sflag:s4] =	dma.local [hbm:s3], $0xF7A  }
0x26: {  	[smem:$0x3F93] =	sst s1;
	(tag) =	ssettag s2;
	_ =	strace s9  }
0x27: {  	s1 =	sld [smem:$0x3FA3]  }
0x28: {  	s2 =	sld [smem:$0x3FA4]  }
0x29: {  	s4 =	sld [smem:$0x3FA6]  }
0x2a: {  	p0 =	seq.s32 s5, $0x0;
	s5 =	sld [smem:$0x3FA7]  }
0x2b: {  	s6 =	sld [smem:$0x3FA8]  }
0x2c: {  	s7 =	sld [smem:$0x3FA9]  }
0x2d: {  	s3 =	simm.s32 $0x108;
	s8 =	sld [smem:$0x3FAA]  }
0x2e: {  	s3 =	simm.s32 @!p0 $0x1082;
	s9 =	sld [smem:$0x3FAB]  }
0x2f: {  	lr =	sadd.s32 s0, s3;
	s0 =	sld [smem:$0x3FA2]  }
0x30: {  	s3 =	sld [smem:$0x3FA5]  }
0x31: {  	[smem:$0x3FAE] =	sst s10  }
0x32: {  	s10 =	sld [smem:$0x3FAC];
	_ =	sdelay $0x3  }
0x33: {  	p0 =	seq.s32 s10, $0x1;
	s10 =	sld [smem:$0x3FAE];
	_ =	sdelay $0x3  }
0x34: {  	[smem:$0x3FAE] =	sst s10  }
0x35: {  	s10 =	sld [smem:$0x3FAD];
	_ =	sdelay $0x3  }
0x36: {  	p1 =	seq.s32 s10, $0x1;
	s10 =	sld [smem:$0x3FAE];
	_ =	sdelay $0x3  }
0x37: {  	[smem:$0x3FAE] =	sst s10  }
0x38: {  	s10 =	sld [smem:$0x3FAF]  }
0x39: {  	_ = 	snop;
	(pc) =	sbr.ind lr, $3  }
0x3a: {  	_ = 	snop  }
0x3b: {  	_ = 	snop  }
0x3c: {  	p2 =	seq.s32 s10, $0x1;
	s10 =	sld [smem:$0x3FAE]  }
0x3d: {  	_ =	shalt  }
0x3e: {  	_ =	shalt  }
0x3f: {  	_ =	shalt  }
0x40: {  	_ =	shalt  }
0x41: {  	_ =	shalt  }
0x42: {  	_ =	shalt  }
0x43: {  	_ =	shalt  }
0x44: {  	_ =	shalt  }
0x45: {  	_ =	shalt  }
0x46: {  	_ =	shalt  }
0x47: {  	_ =	shalt  }
0x48: {  	_ =	shalt  }
0x49: {  	_ =	shalt  }
0x4a: {  	_ =	shalt  }
0x4b: {  	_ =	shalt  }
0x4c: {  	_ =	shalt  }
0x4d: {  	_ =	shalt  }
0x4e: {  	_ =	shalt  }
0x4f: {  	_ =	shalt  }
0x50: {  	_ =	shalt  }
0x51: {  	_ =	shalt  }
0x52: {  	_ =	shalt  }
0x53: {  	_ =	shalt  }
0x54: {  	_ =	shalt  }
0x55: {  	_ =	shalt  }
0x56: {  	_ =	shalt  }
0x57: {  	_ =	shalt  }
0x58: {  	_ =	shalt  }
0x59: {  	_ =	shalt  }
0x5a: {  	_ =	shalt  }
0x5b: {  	_ =	shalt  }
0x5c: {  	_ =	shalt  }
0x5d: {  	_ =	shalt  }
0x5e: {  	_ =	shalt  }
0x5f: {  	_ =	shalt  }
0x60: {  	_ =	shalt  }
0x61: {  	_ =	shalt  }
0x62: {  	_ =	shalt  }
0x63: {  	_ =	shalt  }
0x64: {  	_ =	shalt  }
0x65: {  	_ =	shalt  }
0x66: {  	_ =	shalt  }
0x67: {  	_ =	shalt  }
0x68: {  	_ =	shalt  }
0x69: {  	_ =	shalt  }
0x6a: {  	_ =	shalt  }
0x6b: {  	_ =	shalt  }
0x6c: {  	_ =	shalt  }
0x6d: {  	_ =	shalt  }
0x6e: {  	_ =	shalt  }
0x6f: {  	_ =	shalt  }
0x70: {  	_ =	shalt  }
0x71: {  	_ =	shalt  }
0x72: {  	_ =	shalt  }
0x73: {  	_ =	shalt  }
0x74: {  	_ =	shalt  }
0x75: {  	_ =	shalt  }
0x76: {  	_ =	shalt  }
0x77: {  	_ =	shalt  }
0x78: {  	_ =	shalt  }
0x79: {  	_ =	shalt  }
0x7a: {  	_ =	shalt  }
0x7b: {  	_ =	shalt  }
0x7c: {  	_ =	shalt  }
0x7d: {  	_ =	shalt  }
0x7e: {  	_ =	shalt  }
0x7f: {  	_ =	shalt  }
0x80: {  	_ =	shalt  }
0x81: {  	_ =	shalt  }
0x82: {  	_ =	shalt  }
0x83: {  	_ =	shalt  }
0x84: {  	_ =	shalt  }
0x85: {  	_ =	shalt  }
0x86: {  	_ =	shalt  }
0x87: {  	_ =	shalt  }
.Lfunc_end0:
.L_simem_size_0:
called_computation.5_lowered:
.L_overlay_start_0:
0x88: {  	s2 =	sld [smem:$0x3FD9]  }
0x89: {  	s3 =	sld [smem:$0x3FFE];
	_ =	sdelay $0x1  }
0x8a: {  	s1 =	srdreg.scid  }
0x8b: {  	s0 =	sand.u32 $0x1, s1  }
0x8c: {  	s17 =	sshll.u32 s0, $0xA;
	s2 =	sadd.s32 s3, s2  }
0x8d: {  	s2 =	sadd.s32 s2, s17  }
0x8e: {  	[smem:$0x3FBA] =	sst s2  }
0x8f: {  	_ = 	snop  }
0x90: {  	s2 =	sld [smem:$0x3FC7];
	(tm) =	ssettm $0x1  }
0x91: {  	s18 =	sld [smem:$0x3FFB];
	_ =	sdelay $0x3  }
0x92: {  	_ =	strace s18  }
0x93: {  	s3 =	sld [smem:$0x3FFC];
	_ =	sdelay $0x3  }
0x94: {  	_ =	strace s3  }
0x95: {  	s3 =	sld [smem:$0x3FFD];
	_ =	sdelay $0x3  }
0x96: {  	_ =	strace s3  }
0x97: {  	_ =	strace $0x8FFFFFFF  }
0x98: {  	s19 =	sld [smem:$0x3FDB];
	_ =	sdelay $0x1  }
0x99: {  	s4 =	simm.s32 $_scs_section_size  }
0x9a: {  	s5 =	simm.s32 $_size__tile_overlayer_lowered;
	s6 =	simm.s32 $_tile_overlayer_lowered  }
0x9b: {  	s22 =	simm.s32 $0x1BFF;
	s21 =	sshll.u32 s6, $0x1;
	s3 =	sadd.s32 s4, s19  }
0x9c: {  	s7 =	simm.s32 $0x0;
	s20 =	sshll.u32 s5, $0x1;
	s5 =	sadd.s32 s21, s3  }
0x9d: {  	[timem:s7], [sflag:s22] =	dma.local [hbm:s5], s20  }
0x9e: {  	_ =	swait.ge [sflag:s22], s20  }
0x9f: {  	s4 =	ssub.s32 $0x0, s20;
	[sflag:s22] =	ssyncset.done $0x0  }
0xa0: {  	[sflag:s22] =	ssyncadd.s32 s4;
	_ =	sdelay $0x1  }
0xa1: {  	s23 =	simm.s32 $0x1B8B  }
0xa2: {  	_ =	swait.ge [sflag:s23], $0x1  }
0xa3: {  	[sflag:s23] =	ssyncset.done $0x0  }
0xa4: {  	s25 =	simm.s32 $0x1B8E;
	s24 =	sld [smem:$0x3FFE];
	[sflag:s23] =	ssyncadd.s32 $0xFFFFFFFF  }
0xa5: {  	s26 =	simm.s32 $execute0_lowered;
	[smem:$0x3FD2] =	sst s25  }
0xa6: {  	s5 =	sshll.u32 s26, $0x1;
	_ =	strace $0x80000055;
	[dreg:$0x1] =	wrdreg $0xFFFFFFFF  }
0xa7: {  	s28 =	simm.s32 $_size_execute0_lowered;
	s3 =	sadd.s32 s3, s5;
	[dreg:$0x0] =	wrdreg $0x0  }
0xa8: {  	s5 =	sshll.u32 s28, $0x1;
	[dreg:$0x2] =	wrdreg s3  }
0xa9: {  	[dreg:$0x3] =	wrdreg s5  }
0xaa: {  	[dreg:$0x4] =	wrdreg $0xC0  }
0xab: {  	_ =	task [dreg:s7], $0x5FFFF  }
0xac: {  	[dreg:$0x1] =	wrdreg $0xFFFFFFFF  }
0xad: {  	[dreg:$0x0] =	wrdreg $0x60  }
0xae: {  	[dreg:$0x2] =	wrdreg s24  }
0xaf: {  	[dreg:$0x3] =	wrdreg s2  }
0xb0: {  	[dreg:$0x4] =	wrdreg $0x9  }
0xb1: {  	_ =	task.clear_ibuf [dreg:s7], $0x5FFFF;
	_ =	strace $0x90000055  }
0xb2: {  	s29 =	simm.s32 $0x9;
	_ =	strace $0x80000057  }
0xb3: {  	_ =	swait.ge [sflag:s29], $0x1  }
0xb4: {  	[sflag:s29] =	ssyncadd.s32 $0xFFFFFFFF  }
0xb5: {  	_ =	strace $0x90000057  }
0xb6: {  	_ =	sfence  }
0xb7: {  	s30 =	sld [smem:$0x0];
	_ =	sdelay $0x2  }
0xb8: {  	s31 =	sshll.u32 s1, $0xD;
	s1 =	sshrl.u32 s1, $0x2  }
0xb9: {  	s3 =	sand.u32 $0x4000, s31;
	s1 =	sadd.s32 s1, s30  }
0xba: {  	s0 =	sor.u32 s3, s0;
	s1 =	sshll.u32 s1, $0x11  }
0xbb: {  	s0 =	sor.u32 s1, s0  }
0xbc: {  	s0 =	sadd.s32 $0x8F2B, s0  }
0xbd: {  	[sflag:s0] =	ssyncadd.remote.s32 $0x1  }
0xbe: {  	_ =	sfence.sel $0xFFFF  }
0xbf: {  	[dreg:$0x0] =	wrdreg $0xFFFFFFFF;
	(pc) =	sbr.abs _section_cstart, $3  }
0xc0: {  	[dreg:$0x1] =	wrdreg $0xFFFFFFFF  }
0xc1: {  	_ =	task.clear_ibuf [dreg:s7], $0x2FFFF;
	_ =	strace $0x9FFFFFFF  }
0xc2: {  	(tm) =	ssettm $0x7FFFFFFF  }
0xc3: {  	_ =	shalt  }
tec
execute0_lowered:
.L_overlay_start_1:
0x0: {  	(tag) =	ssettag $0x1  }
0x1: {  	s0 =	rddreg [dreg:$0x0]  }
0x2: {  	s1 =	rddreg [dreg:$0x1]  }
0x3: {  	s2 =	simm.s32 $0x0;
	s5 =	srdreg.scid;
	s8 =	stileid.u32  }
0x4: {  	s28 =	simm.s32 $0x19A80;
	s29 =	simm.s32 $0x2;
	s30 =	simm.s32 $0x9E00  }
0x5: {  	s31 =	simm.s32 $0xC580;
	[smem:$0x7FF] =	sst s2;
	s3 =	sadd.s32 $0xF200, s0  }
0x6: {  	s4 =	sadd.s32 $0x5400, s0;
	s5 =	sand.u32 $0x1, s5;
	s6 =	sshrl.u32 s8, $0x3  }
0x7: {  	s8 =	sand.u32 $0x7, s8;
	s0 =	sadd.s32 $0x22E00, s0;
	s9 =	smul.u32 $0x27100, s6  }
0x8: {  	_ =	strace $0x80000056;
	s7 =	ssub.s32 $0x2, s5;
	s8 =	smul.u32 $0x13C00, s8  }
0x9: {  	s5 =	sshll.u32 s5, $0x9;
	s6 =	smul.u32 $0x9E000, s6;
	s10 =	sshrl.u32 s7, $0x1  }
0xa: {  	s14 =	sor.u32 $0x80, s5;
	s7 =	ssub.s32 s7, s10;
	s15 =	sshrl.u32 s9, $0x3  }
0xb: {  	s16 =	sor.u32 s5, s8;
	s18 =	sor.u32 s14, s8;
	s6 =	sadd.s32 s8, s6  }
0xc: {  	s12 =	sadd.s32 $0x3E80, s9;
	s11 =	sadd.s32 s4, s15;
	s10 =	sadd.s32 s1, s15  }
0xd: {  	s17 =	sshrl.u32 s16, $0x3;
	s19 =	sshrl.u32 s18, $0x3;
	s15 =	sor.u32 $0x100, s5  }
0xe: {  	s16 =	sor.u32 $0x180, s5;
	s5 =	sor.u32 s5, s6;
	[dreg:$0x3] =	wrdreg s11  }
0xf: {  	s25 =	sor.u32 s14, s6;
	s18 =	simm.s32 $0x3;
	[dreg:$0x4] =	wrdreg s10  }
0x10: {  	s10 =	sadd.s32 s3, s17;
	s20 =	sor.u32 s15, s8;
	s21 =	sor.u32 s16, s8  }
0x11: {  	s24 =	sshrl.u32 s5, $0x3;
	s11 =	sadd.s32 $0x1F40, s9;
	s26 =	sor.u32 s15, s6  }
0x12: {  	s6 =	sor.u32 s16, s6;
	s17 =	smax.u32 s7, $0x1;
	[dreg:$0x5] =	wrdreg s10  }
0x13: {  	s10 =	sadd.s32 s3, s19;
	s22 =	sshrl.u32 s20, $0x3;
	s23 =	sshrl.u32 s21, $0x3  }
0x14: {  	s13 =	sadd.s32 s0, s24;
	s5 =	sshrl.u32 s26, $0x3;
	s6 =	sshrl.u32 s6, $0x3  }
0x15: {  	s20 =	simm.s32 $0x80;
	s21 =	simm.s32 $0x400;
	s24 =	simm.s32 $0x7680  }
0x16: {  	s26 =	simm.s32 $0x17B00;
	s19 =	simm.s32 $0x0;
	[dreg:$0x6] =	wrdreg s10  }
0x17: {  	s8 =	sadd.s32 s3, s22;
	s10 =	sadd.s32 s3, s23;
	s3 =	sshrl.u32 s25, $0x3  }
0x18: {  	s15 =	sadd.s32 s0, s5;
	s16 =	sadd.s32 s0, s6;
	s22 =	simm.s32 $0x2780  }
0x19: {  	s23 =	simm.s32 $0x4F00;
	s25 =	simm.s32 $0x1;
	[dreg:$0x7] =	wrdreg s8  }
0x1a: {  	v0 =	vimm.f32 $0.0e+00;
	s14 =	sadd.s32 s0, s3;
	s0 =	simm.s32 $0xED00;
	s3 =	simm.s32 $0x11480  }
.LBB2_1:
0x1b: {  	s5 =	rddreg [dreg:$0x3];
	s6 =	simm.s32 $0x13C00  }
0x1c: {  	[tilespmem:s6], [sflag:$0x2] =	stream.linear.gather [hbm4b:s5+s2], $0x1F40, $0x38;
	[tilespmem:$0x1BA00] =	vst v63  }
0x1d: {  	s8 =	rddreg [dreg:$0x4];
	s9 =	simm.s32 $0x15B80  }
0x1e: {  	[tilespmem:s9], [sflag:$0x2] =	stream.linear.gather [hbm4b:s8+s2], $0x1F40, $0x38;
	[tilespmem:$0x1BA00] =	vst v63  }
0x1f: {  	s7 =	rddreg [dreg:$0x5]  }
0x20: {  	[tilespmem:s2], [sflag:$0x1] =	stream.strided.gather [hbm4b:s7+s20], $0x2780, s21, s20, $0x38;
	[tilespmem:$0x1BA00] =	vst v63  }
0x21: {  	s8 =	rddreg [dreg:$0x6]  }
0x22: {  	[tilespmem:s22], [sflag:$0x1] =	stream.strided.gather [hbm4b:s8+s20], $0x2780, s21, s20, $0x38;
	[tilespmem:$0x1BA00] =	vst v63  }
0x23: {  	s9 =	rddreg [dreg:$0x7]  }
0x24: {  	[tilespmem:s23], [sflag:$0x1] =	stream.strided.gather [hbm4b:s9+s20], $0x2780, s21, s20, $0x38;
	[tilespmem:$0x1BA00] =	vst v63  }
0x25: {  	s8 =	simm.s32 $0x9E20  }
0x26: {  	[tilespmem:s24], [sflag:$0x1] =	stream.strided.gather [hbm4b:s10+s20], $0x2780, s21, s20, $0x38;
	[tilespmem:$0x1BA00] =	vst v63  }
0x27: {  	[tilespmem:s8+$0xFFFFFFF0] =	vst v0  }
0x28: {  	[tilespmem:s8+$0x0] =	vst v0  }
0x29: {  	[tilespmem:s8+$0x10] =	vst v0  }
0x2a: {  	s5 =	simm.s32 $0xC5A0;
	[tilespmem:s8+$0xFFFFFFE0] =	vst v0  }
0x2b: {  	[tilespmem:s5+$0xFFFFFFF0] =	vst v0  }
0x2c: {  	[tilespmem:s5+$0x0] =	vst v0  }
0x2d: {  	[tilespmem:s5+$0x10] =	vst v0  }
0x2e: {  	s6 =	simm.s32 $0xED20;
	[tilespmem:s5+$0xFFFFFFE0] =	vst v0  }
0x2f: {  	[tilespmem:s6+$0xFFFFFFF0] =	vst v0  }
0x30: {  	[tilespmem:s6+$0x0] =	vst v0  }
0x31: {  	[tilespmem:s6+$0x10] =	vst v0  }
0x32: {  	s7 =	simm.s32 $0x114A0;
	[tilespmem:s6+$0xFFFFFFE0] =	vst v0  }
0x33: {  	[tilespmem:s7+$0xFFFFFFF0] =	vst v0  }
0x34: {  	[tilespmem:s7+$0x0] =	vst v0  }
0x35: {  	[tilespmem:s7+$0x10] =	vst v0  }
0x36: {  	s9 =	simm.s32 $0x9E60;
	s8 =	simm.s32 $0x0;
	[tilespmem:s7+$0xFFFFFFE0] =	vst v0  }
.LBB2_2:
0x37: {  	[tilespmem:s9+$0xFFFFFFF0] =	vst v0;
	s5 =	sadd.s32 $0x40, s5  }
0x38: {  	s6 =	sadd.s32 $0x40, s6;
	[tilespmem:s5+$0xFFFFFFF0] =	vst v0  }
0x39: {  	s7 =	sadd.s32 $0x40, s7;
	[tilespmem:s6+$0xFFFFFFF0] =	vst v0  }
0x3a: {  	[tilespmem:s7+$0xFFFFFFF0] =	vst v0  }
0x3b: {  	[tilespmem:s9+$0x0] =	vst v0  }
0x3c: {  	[tilespmem:s5+$0x0] =	vst v0  }
0x3d: {  	[tilespmem:s6+$0x0] =	vst v0  }
0x3e: {  	[tilespmem:s7+$0x0] =	vst v0  }
0x3f: {  	[tilespmem:s9+$0x10] =	vst v0  }
0x40: {  	s8 =	sadd.s32 $0x4, s8;
	[tilespmem:s5+$0x10] =	vst v0  }
0x41: {  	p0 =	slt.u32 s8, $0x26C;
	[tilespmem:s6+$0x10] =	vst v0  }
.Ltmp0:
0x42: {  	[tilespmem:s7+$0x10] =	vst v0;
	(pc) =	sbr.rel @p0 .LBB2_2-.Ltmp0, $4  }
0x43: {  	[tilespmem:s9+$0xFFFFFFE0] =	vst v0  }
0x44: {  	[tilespmem:s5+$0xFFFFFFE0] =	vst v0  }
0x45: {  	[tilespmem:s6+$0xFFFFFFE0] =	vst v0  }
0x46: {  	s9 =	sadd.s32 $0x40, s9;
	[tilespmem:s7+$0xFFFFFFE0] =	vst v0  }
0x47: {  	[tilespmem:$0xC500] =	vst v0  }
0x48: {  	[tilespmem:$0xEC80] =	vst v0  }
0x49: {  	[tilespmem:$0x11400] =	vst v0  }
0x4a: {  	[tilespmem:$0x13B80] =	vst v0  }
0x4b: {  	_ =	swait.ge [sflag:s25], $0x2780  }
0x4c: {  	[sflag:s25] =	ssyncset.done $0x0  }
0x4d: {  	[sflag:s25] =	ssyncadd.s32 $0xFFFFD880  }
0x4e: {  	_ =	swait.ge [sflag:s25], $0x2780  }
0x4f: {  	[sflag:s25] =	ssyncset.done $0x0  }
0x50: {  	[sflag:s25] =	ssyncadd.s32 $0xFFFFD880  }
0x51: {  	_ =	swait.ge [sflag:s25], $0x2780  }
0x52: {  	[sflag:s25] =	ssyncset.done $0x0  }
0x53: {  	[sflag:s25] =	ssyncadd.s32 $0xFFFFD880  }
0x54: {  	_ =	swait.ge [sflag:s25], $0x2780  }
0x55: {  	[sflag:s25] =	ssyncset.done $0x0  }
0x56: {  	s5 =	simm.s32 $0x0;
	[sflag:s25] =	ssyncadd.s32 $0xFFFFD880  }
.LBB2_4:
0x57: {  	s6 =	smul.u32 $0x3E80, s5;
	_ =	sdelay $0x1  }
0x58: {  	s7 =	sadd.s32 s6, s11  }
0x59: {  	s7 =	sshrl.u32 s7, $0x3  }
0x5a: {  	s8 =	sadd.s32 s4, s7  }
0x5b: {  	[tilespmem:s26], [sflag:$0x3] =	stream.linear.gather [hbm4b:s8+s2], $0x1F40, $0x38;
	[tilespmem:$0x1BA00] =	vst v63  }
0x5c: {  	s7 =	sadd.s32 s1, s7  }
0x5d: {  	[tilespmem:s28], [sflag:$0x3] =	stream.linear.gather [hbm4b:s7+s2], $0x1F40, $0x38;
	[tilespmem:$0x1BA00] =	vst v63  }
0x5e: {  	_ =	swait.ge [sflag:s29], $0x1F40  }
0x5f: {  	[sflag:s29] =	ssyncset.done $0x0  }
0x60: {  	[sflag:s29] =	ssyncadd.s32 $0xFFFFE0C0  }
0x61: {  	_ =	swait.ge [sflag:s29], $0x1F40  }
0x62: {  	[sflag:s29] =	ssyncset.done $0x0  }
0x63: {  	s9 =	simm.s32 $0x13C20;
	[sflag:s29] =	ssyncadd.s32 $0xFFFFE0C0  }
0x64: {  	v3 =	vld [tilespmem:s9+$0x20];
	_ =	sdelay $0x2  }
0x65: {  	v4 =	vld [tilespmem:s9+$0xFFFFFFE0]  }
0x66: {  	v5 =	vld [tilespmem:s9+$0xFFFFFFF0]  }
0x67: {  	v6 =	vld [tilespmem:s9+$0x0];
	v11 =	vand.u32 $0xFFFF, v3  }
0x68: {  	v12 =	vld [tilespmem:s9+$0x10]  }
0x69: {  	s7 =	simm.s32 $0x15BA0  }
0x6a: {  	v15 =	vld [tilespmem:s7+$0x20];
	v14 =	vand.u32 $0xFFFF, v4  }
0x6b: {  	v10 =	vld [tilespmem:s7+$0xFFFFFFE0];
	v13 =	vand.u32 $0xFFFF, v5  }
0x6c: {  	v1 =	vand.u32 $0xFFFF, v6;
	v7 =	vld.idx.msk [tilespmem:v11+s2+$0x0], $0xffff  }
0x6d: {  	v9 =	vld [tilespmem:s7+$0xFFFFFFF0];
	v2 =	vand.u32 $0xFFFF, v12  }
0x6e: {  	v8 =	vld [tilespmem:s7+$0x0];
	v18 =	vshrl.u32 v3, $0x10  }
0x6f: {  	v19 =	vld.idx.msk [tilespmem:v14+s2+$0x0], $0xffff  }
0x70: {  	v16 =	vld.idx.msk [tilespmem:v13+s2+$0x0], $0xffff  }
0x71: {  	v4 =	vshrl.u32 v4, $0x10;
	v17 =	vld.idx.msk [tilespmem:v1+s2+$0x0], $0xffff;
	v7 =	vmul.f32 v7, v15  }
0x72: {  	v3 =	vshrl.u32 v5, $0x10;
	v20 =	vld.idx.msk [tilespmem:v2+s2+$0x0], $0xffff  }
0x73: {  	v6 =	vshrl.u32 v6, $0x10;
	[tilespmem:v18+s30+$0x0] =	vst.idx.add.f32.msk $0xffff, v7  }
0x74: {  	v5 =	vmul.f32 v19, v10;
	v7 =	vld [tilespmem:s7+$0x10]  }
0x75: {  	v16 =	vmul.f32 v16, v9;
	v21 =	vld.idx.msk [tilespmem:v11+s22+$0x0], $0xffff  }
0x76: {  	v17 =	vmul.f32 v17, v8;
	[tilespmem:v4+s30+$0x0] =	vst.idx.add.f32.msk $0xffff, v5  }
0x77: {  	[tilespmem:v3+s30+$0x0] =	vst.idx.add.f32.msk $0xffff, v16  }
0x78: {  	[tilespmem:v6+s30+$0x0] =	vst.idx.add.f32.msk $0xffff, v17  }
0x79: {  	v5 =	vshrl.u32 v12, $0x10;
	v12 =	vld.idx.msk [tilespmem:v14+s22+$0x0], $0xffff  }
0x7a: {  	v55 =	vld.idx.msk [tilespmem:v13+s22+$0x0], $0xffff;
	v54 =	vmul.f32 v21, v15  }
0x7b: {  	v58 =	vld.idx.msk [tilespmem:v1+s22+$0x0], $0xffff  }
0x7c: {  	v56 =	vmul.f32 v20, v7;
	[tilespmem:v18+s31+$0x0] =	vst.idx.add.f32.msk $0xffff, v54  }
0x7d: {  	v57 =	vld.idx.msk [tilespmem:v11+s23+$0x0], $0xffff  }
0x7e: {  	v12 =	vmul.f32 v12, v10;
	[tilespmem:v5+s30+$0x0] =	vst.idx.add.f32.msk $0xffff, v56  }
0x7f: {  	v59 =	vmul.f32 v55, v9;
	v60 =	vld.idx.msk [tilespmem:v2+s22+$0x0], $0xffff  }
0x80: {  	[tilespmem:v4+s31+$0x0] =	vst.idx.add.f32.msk $0xffff, v12  }
0x81: {  	[tilespmem:v3+s31+$0x0] =	vst.idx.add.f32.msk $0xffff, v59  }
0x82: {  	v61 =	vld.idx.msk [tilespmem:v14+s23+$0x0], $0xffff;
	v12 =	vmul.f32 v57, v15  }
0x83: {  	v62 =	vld.idx.msk [tilespmem:v13+s23+$0x0], $0xffff  }
0x84: {  	v19 =	vmul.f32 v60, v7;
	[tilespmem:v18+s0+$0x0] =	vst.idx.add.f32.msk $0xffff, v12  }
0x85: {  	v12 =	vmul.f32 v58, v8;
	v11 =	vld.idx.msk [tilespmem:v11+s24+$0x0], $0xffff  }
0x86: {  	[tilespmem:v5+s31+$0x0] =	vst.idx.add.f32.msk $0xffff, v19  }
0x87: {  	[tilespmem:v6+s31+$0x0] =	vst.idx.add.f32.msk $0xffff, v12  }
0x88: {  	v12 =	vmul.f32 v61, v10;
	v63 =	vld.idx.msk [tilespmem:v1+s23+$0x0], $0xffff  }
0x89: {  	v19 =	vld.idx.msk [tilespmem:v2+s23+$0x0], $0xffff  }
0x8a: {  	[tilespmem:v4+s0+$0x0] =	vst.idx.add.f32.msk $0xffff, v12;
	v12 =	vmul.f32 v11, v15  }
0x8b: {  	v11 =	vld.idx.msk [tilespmem:v14+s24+$0x0], $0xffff;
	v14 =	vmul.f32 v62, v9  }
0x8c: {  	[tilespmem:v18+s3+$0x0] =	vst.idx.add.f32.msk $0xffff, v12  }
0x8d: {  	[tilespmem:v3+s0+$0x0] =	vst.idx.add.f32.msk $0xffff, v14;
	v14 =	vmul.f32 v63, v8  }
0x8e: {  	v12 =	vld.idx.msk [tilespmem:v13+s24+$0x0], $0xffff  }
0x8f: {  	s8 =	simm.s32 $0x0;
	s9 =	simm.s32 $0x13C70;
	v13 =	vmul.f32 v19, v7;
	[tilespmem:v6+s0+$0x0] =	vst.idx.add.f32.msk $0xffff, v14  }
.LBB2_5:
0x90: {  	v14 =	vld [tilespmem:s9+$0x20];
	s8 =	sadd.s32 $0x5, s8;
	v10 =	vmul.f32 v11, v10  }
0x91: {  	v11 =	vld [tilespmem:s9+$0xFFFFFFF0];
	p0 =	slt.u32 s8, $0x1EF  }
0x92: {  	v15 =	vld [tilespmem:s9+$0x0]  }
0x93: {  	v9 =	vmul.f32 v12, v9;
	v16 =	vld [tilespmem:s9+$0x10]  }
0x94: {  	v12 =	vld [tilespmem:s9+$0xFFFFFFE0]  }
0x95: {  	v17 =	vand.u32 $0xFFFF, v14;
	[tilespmem:v5+s0+$0x0] =	vst.idx.add.f32.msk $0xffff, v13  }
0x96: {  	v13 =	vshrl.u32 v11, $0x10;
	v18 =	vand.u32 $0xFFFF, v11;
	v11 =	vld.idx.msk [tilespmem:v1+s24+$0x0], $0xffff  }
0x97: {  	v19 =	vshrl.u32 v15, $0x10;
	v1 =	vand.u32 $0xFFFF, v15;
	v15 =	vld.idx.msk [tilespmem:v2+s24+$0x0], $0xffff  }
0x98: {  	v20 =	vshrl.u32 v16, $0x10;
	v2 =	vand.u32 $0xFFFF, v16;
	[tilespmem:v4+s3+$0x0] =	vst.idx.add.f32.msk $0xffff, v10  }
0x99: {  	v4 =	vshrl.u32 v12, $0x10;
	v12 =	vand.u32 $0xFFFF, v12;
	[tilespmem:v3+s3+$0x0] =	vst.idx.add.f32.msk $0xffff, v9;
	v3 =	vmov v13  }
0x9a: {  	s7 =	sadd.s32 $0x50, s7;
	v9 =	vld.idx.msk [tilespmem:v17+s2+$0x0], $0xffff  }
0x9b: {  	v13 =	vld [tilespmem:s7+$0x20]  }
0x9c: {  	v11 =	vmul.f32 v11, v8;
	v16 =	vld.idx.msk [tilespmem:v18+s2+$0x0], $0xffff  }
0x9d: {  	v14 =	vshrl.u32 v14, $0x10;
	v15 =	vmul.f32 v15, v7;
	v21 =	vld.idx.msk [tilespmem:v1+s2+$0x0], $0xffff  }
0x9e: {  	v7 =	vld.idx.msk [tilespmem:v12+s2+$0x0], $0xffff  }
0x9f: {  	v22 =	vld.idx.msk [tilespmem:v2+s2+$0x0], $0xffff  }
0xa0: {  	v10 =	vld [tilespmem:s7+$0xFFFFFFE0];
	v8 =	vmul.f32 v9, v13  }
0xa1: {  	v9 =	vld [tilespmem:s7+$0xFFFFFFF0]  }
0xa2: {  	[tilespmem:v14+s30+$0x0] =	vst.idx.add.f32.msk $0xffff, v8  }
0xa3: {  	v23 =	vld.idx.msk [tilespmem:v17+s22+$0x0], $0xffff  }
0xa4: {  	v8 =	vld [tilespmem:s7+$0x0]  }
0xa5: {  	v24 =	vmul.f32 v7, v10;
	v7 =	vld [tilespmem:s7+$0x10]  }
0xa6: {  	v16 =	vmul.f32 v16, v9;
	[tilespmem:v6+s3+$0x0] =	vst.idx.add.f32.msk $0xffff, v11;
	v6 =	vmov v19  }
0xa7: {  	[tilespmem:v4+s30+$0x0] =	vst.idx.add.f32.msk $0xffff, v24  }
0xa8: {  	[tilespmem:v3+s30+$0x0] =	vst.idx.add.f32.msk $0xffff, v16  }
0xa9: {  	v19 =	vmul.f32 v23, v13;
	v11 =	vld.idx.msk [tilespmem:v12+s22+$0x0], $0xffff;
	v16 =	vmul.f32 v21, v8  }
0xaa: {  	v21 =	vld.idx.msk [tilespmem:v18+s22+$0x0], $0xffff;
	v22 =	vmul.f32 v22, v7  }
0xab: {  	[tilespmem:v14+s31+$0x0] =	vst.idx.add.f32.msk $0xffff, v19  }
0xac: {  	v19 =	vld.idx.msk [tilespmem:v17+s23+$0x0], $0xffff  }
0xad: {  	[tilespmem:v6+s30+$0x0] =	vst.idx.add.f32.msk $0xffff, v16  }
0xae: {  	[tilespmem:v20+s30+$0x0] =	vst.idx.add.f32.msk $0xffff, v22  }
0xaf: {  	v11 =	vmul.f32 v11, v10;
	v16 =	vld.idx.msk [tilespmem:v1+s22+$0x0], $0xffff  }
0xb0: {  	v21 =	vmul.f32 v21, v9;
	v22 =	vld.idx.msk [tilespmem:v2+s22+$0x0], $0xffff  }
0xb1: {  	[tilespmem:v4+s31+$0x0] =	vst.idx.add.f32.msk $0xffff, v11  }
0xb2: {  	v11 =	vmul.f32 v19, v13;
	[tilespmem:v3+s31+$0x0] =	vst.idx.add.f32.msk $0xffff, v21  }
0xb3: {  	v19 =	vld.idx.msk [tilespmem:v12+s23+$0x0], $0xffff  }
0xb4: {  	[tilespmem:v14+s0+$0x0] =	vst.idx.add.f32.msk $0xffff, v11  }
0xb5: {  	v11 =	vmul.f32 v16, v8;
	v16 =	vld.idx.msk [tilespmem:v17+s24+$0x0], $0xffff  }
0xb6: {  	v21 =	vmul.f32 v22, v7;
	v17 =	vld.idx.msk [tilespmem:v18+s23+$0x0], $0xffff  }
0xb7: {  	[tilespmem:v6+s31+$0x0] =	vst.idx.add.f32.msk $0xffff, v11  }
0xb8: {  	[tilespmem:v20+s31+$0x0] =	vst.idx.add.f32.msk $0xffff, v21  }
0xb9: {  	v11 =	vmul.f32 v19, v10;
	v19 =	vld.idx.msk [tilespmem:v1+s23+$0x0], $0xffff  }
0xba: {  	v21 =	vld.idx.msk [tilespmem:v2+s23+$0x0], $0xffff  }
0xbb: {  	v13 =	vmul.f32 v16, v13;
	[tilespmem:v4+s0+$0x0] =	vst.idx.add.f32.msk $0xffff, v11  }
0xbc: {  	v11 =	vld.idx.msk [tilespmem:v12+s24+$0x0], $0xffff;
	v12 =	vmul.f32 v17, v9  }
.Ltmp1:
0xbd: {  	[tilespmem:v14+s3+$0x0] =	vst.idx.add.f32.msk $0xffff, v13;
	(pc) =	sbr.rel @p0 .LBB2_5-.Ltmp1, $4  }
0xbe: {  	[tilespmem:v3+s0+$0x0] =	vst.idx.add.f32.msk $0xffff, v12  }
0xbf: {  	v14 =	vmul.f32 v19, v8;
	v12 =	vld.idx.msk [tilespmem:v18+s24+$0x0], $0xffff  }
0xc0: {  	v13 =	vmul.f32 v21, v7;
	[tilespmem:v5+s3+$0x0] =	vst.idx.add.f32.msk $0xffff, v15;
	v5 =	vmov v20  }
0xc1: {  	s9 =	sadd.s32 $0x50, s9;
	[tilespmem:v6+s0+$0x0] =	vst.idx.add.f32.msk $0xffff, v14  }
0xc2: {  	_ =	sdelay $0x3  }
0xc3: {  	[tilespmem:v5+s0+$0x0] =	vst.idx.add.f32.msk $0xffff, v13  }
0xc4: {  	v1 =	vld.idx.msk [tilespmem:v1+s24+$0x0], $0xffff  }
0xc5: {  	v2 =	vld.idx.msk [tilespmem:v2+s24+$0x0], $0xffff;
	_ =	sdelay $0x1  }
0xc6: {  	v10 =	vmul.f32 v11, v10  }
0xc7: {  	v9 =	vmul.f32 v12, v9  }
0xc8: {  	p0 =	seq.s32 s5, $0x9;
	[tilespmem:v4+s3+$0x0] =	vst.idx.add.f32.msk $0xffff, v10;
	v1 =	vmul.f32 v1, v8  }
0xc9: {  	s6 =	sadd.s32 @!p0 s6, s12;
	[tilespmem:v3+s3+$0x0] =	vst.idx.add.f32.msk $0xffff, v9;
	v2 =	vmul.f32 v2, v7  }
0xca: {  	s6 =	sshrl.u32 @!p0 s6, $0x3;
	[tilespmem:v6+s3+$0x0] =	vst.idx.add.f32.msk $0xffff, v1  }
0xcb: {  	s8 =	simm.s32 @!p0 $0x0;
	s9 =	simm.s32 @!p0 $0x13C00;
	s7 =	sadd.s32 @!p0 s4, s6;
	[tilespmem:v5+s3+$0x0] =	vst.idx.add.f32.msk $0xffff, v2  }
0xcc: {  	[tilespmem:s9], [sflag:$0x2] =	stream.linear.gather @!p0 [hbm4b:s7+s8], $0x1F40, $0x38;
	[tilespmem:$0x1BA00] =	vst v63  }
0xcd: {  	s6 =	sadd.s32 @!p0 s1, s6;
	s7 =	simm.s32 @!p0 $0x15B80  }
0xce: {  	[tilespmem:s7], [sflag:$0x2] =	stream.linear.gather @!p0 [hbm4b:s6+s8], $0x1F40, $0x38;
	[tilespmem:$0x1BA00] =	vst v63  }
0xcf: {  	_ =	swait.ge [sflag:s18], $0x1F40  }
0xd0: {  	[sflag:s18] =	ssyncset.done $0x0  }
0xd1: {  	[sflag:s18] =	ssyncadd.s32 $0xFFFFE0C0  }
0xd2: {  	_ =	swait.ge [sflag:s18], $0x1F40  }
0xd3: {  	[sflag:s18] =	ssyncset.done $0x0  }
0xd4: {  	s9 =	simm.s32 $0x17B20;
	[sflag:s18] =	ssyncadd.s32 $0xFFFFE0C0  }
0xd5: {  	v3 =	vld [tilespmem:s9+$0x20];
	_ =	sdelay $0x2  }
0xd6: {  	v4 =	vld [tilespmem:s9+$0xFFFFFFE0]  }
0xd7: {  	v5 =	vld [tilespmem:s9+$0xFFFFFFF0]  }
0xd8: {  	v6 =	vld [tilespmem:s9+$0x0];
	v11 =	vand.u32 $0xFFFF, v3  }
0xd9: {  	v12 =	vld [tilespmem:s9+$0x10]  }
0xda: {  	s6 =	simm.s32 $0x19AA0  }
0xdb: {  	v15 =	vld [tilespmem:s6+$0x20];
	v14 =	vand.u32 $0xFFFF, v4  }
0xdc: {  	v10 =	vld [tilespmem:s6+$0xFFFFFFE0];
	v13 =	vand.u32 $0xFFFF, v5  }
0xdd: {  	v1 =	vand.u32 $0xFFFF, v6;
	v7 =	vld.idx.msk [tilespmem:v11+s2+$0x0], $0xffff  }
0xde: {  	v9 =	vld [tilespmem:s6+$0xFFFFFFF0];
	v2 =	vand.u32 $0xFFFF, v12  }
0xdf: {  	v8 =	vld [tilespmem:s6+$0x0];
	v18 =	vshrl.u32 v3, $0x10  }
0xe0: {  	v19 =	vld.idx.msk [tilespmem:v14+s2+$0x0], $0xffff  }
0xe1: {  	v16 =	vld.idx.msk [tilespmem:v13+s2+$0x0], $0xffff  }
0xe2: {  	v4 =	vshrl.u32 v4, $0x10;
	v17 =	vld.idx.msk [tilespmem:v1+s2+$0x0], $0xffff;
	v7 =	vmul.f32 v7, v15  }
0xe3: {  	v3 =	vshrl.u32 v5, $0x10;
	v20 =	vld.idx.msk [tilespmem:v2+s2+$0x0], $0xffff  }
0xe4: {  	v6 =	vshrl.u32 v6, $0x10;
	[tilespmem:v18+s30+$0x0] =	vst.idx.add.f32.msk $0xffff, v7  }
0xe5: {  	v5 =	vmul.f32 v19, v10;
	v7 =	vld [tilespmem:s6+$0x10]  }
0xe6: {  	v16 =	vmul.f32 v16, v9;
	v21 =	vld.idx.msk [tilespmem:v11+s22+$0x0], $0xffff  }
0xe7: {  	v17 =	vmul.f32 v17, v8;
	[tilespmem:v4+s30+$0x0] =	vst.idx.add.f32.msk $0xffff, v5  }
0xe8: {  	[tilespmem:v3+s30+$0x0] =	vst.idx.add.f32.msk $0xffff, v16  }
0xe9: {  	[tilespmem:v6+s30+$0x0] =	vst.idx.add.f32.msk $0xffff, v17  }
0xea: {  	v5 =	vshrl.u32 v12, $0x10;
	v12 =	vld.idx.msk [tilespmem:v14+s22+$0x0], $0xffff  }
0xeb: {  	v55 =	vld.idx.msk [tilespmem:v13+s22+$0x0], $0xffff;
	v54 =	vmul.f32 v21, v15  }
0xec: {  	v58 =	vld.idx.msk [tilespmem:v1+s22+$0x0], $0xffff  }
0xed: {  	v56 =	vmul.f32 v20, v7;
	[tilespmem:v18+s31+$0x0] =	vst.idx.add.f32.msk $0xffff, v54  }
0xee: {  	v57 =	vld.idx.msk [tilespmem:v11+s23+$0x0], $0xffff  }
0xef: {  	v12 =	vmul.f32 v12, v10;
	[tilespmem:v5+s30+$0x0] =	vst.idx.add.f32.msk $0xffff, v56  }
0xf0: {  	v59 =	vmul.f32 v55, v9;
	v60 =	vld.idx.msk [tilespmem:v2+s22+$0x0], $0xffff  }
0xf1: {  	[tilespmem:v4+s31+$0x0] =	vst.idx.add.f32.msk $0xffff, v12  }
0xf2: {  	[tilespmem:v3+s31+$0x0] =	vst.idx.add.f32.msk $0xffff, v59  }
0xf3: {  	v61 =	vld.idx.msk [tilespmem:v14+s23+$0x0], $0xffff;
	v12 =	vmul.f32 v57, v15  }
0xf4: {  	v62 =	vld.idx.msk [tilespmem:v13+s23+$0x0], $0xffff  }
0xf5: {  	v19 =	vmul.f32 v60, v7;
	[tilespmem:v18+s0+$0x0] =	vst.idx.add.f32.msk $0xffff, v12  }
0xf6: {  	v12 =	vmul.f32 v58, v8;
	v11 =	vld.idx.msk [tilespmem:v11+s24+$0x0], $0xffff  }
0xf7: {  	[tilespmem:v5+s31+$0x0] =	vst.idx.add.f32.msk $0xffff, v19  }
0xf8: {  	[tilespmem:v6+s31+$0x0] =	vst.idx.add.f32.msk $0xffff, v12  }
0xf9: {  	v12 =	vmul.f32 v61, v10;
	v63 =	vld.idx.msk [tilespmem:v1+s23+$0x0], $0xffff  }
0xfa: {  	v19 =	vld.idx.msk [tilespmem:v2+s23+$0x0], $0xffff  }
0xfb: {  	[tilespmem:v4+s0+$0x0] =	vst.idx.add.f32.msk $0xffff, v12;
	v12 =	vmul.f32 v11, v15  }
0xfc: {  	v11 =	vld.idx.msk [tilespmem:v14+s24+$0x0], $0xffff;
	v14 =	vmul.f32 v62, v9  }
0xfd: {  	[tilespmem:v18+s3+$0x0] =	vst.idx.add.f32.msk $0xffff, v12  }
0xfe: {  	[tilespmem:v3+s0+$0x0] =	vst.idx.add.f32.msk $0xffff, v14;
	v14 =	vmul.f32 v63, v8  }
0xff: {  	v12 =	vld.idx.msk [tilespmem:v13+s24+$0x0], $0xffff  }
0x100: {  	s7 =	simm.s32 $0x0;
	s8 =	simm.s32 $0x17B70;
	v13 =	vmul.f32 v19, v7;
	[tilespmem:v6+s0+$0x0] =	vst.idx.add.f32.msk $0xffff, v14  }
.LBB2_7:
0x101: {  	v14 =	vld [tilespmem:s8+$0x20];
	s7 =	sadd.s32 $0x5, s7;
	v10 =	vmul.f32 v11, v10  }
0x102: {  	v11 =	vld [tilespmem:s8+$0xFFFFFFF0];
	p0 =	slt.u32 s7, $0x1EF  }
0x103: {  	v15 =	vld [tilespmem:s8+$0x0]  }
0x104: {  	v9 =	vmul.f32 v12, v9;
	v16 =	vld [tilespmem:s8+$0x10]  }
0x105: {  	v12 =	vld [tilespmem:s8+$0xFFFFFFE0]  }
0x106: {  	v17 =	vand.u32 $0xFFFF, v14;
	[tilespmem:v5+s0+$0x0] =	vst.idx.add.f32.msk $0xffff, v13  }
0x107: {  	v13 =	vshrl.u32 v11, $0x10;
	v18 =	vand.u32 $0xFFFF, v11;
	v11 =	vld.idx.msk [tilespmem:v1+s24+$0x0], $0xffff  }
0x108: {  	v19 =	vshrl.u32 v15, $0x10;
	v1 =	vand.u32 $0xFFFF, v15;
	v15 =	vld.idx.msk [tilespmem:v2+s24+$0x0], $0xffff  }
0x109: {  	v20 =	vshrl.u32 v16, $0x10;
	v2 =	vand.u32 $0xFFFF, v16;
	[tilespmem:v4+s3+$0x0] =	vst.idx.add.f32.msk $0xffff, v10  }
0x10a: {  	v4 =	vshrl.u32 v12, $0x10;
	v12 =	vand.u32 $0xFFFF, v12;
	[tilespmem:v3+s3+$0x0] =	vst.idx.add.f32.msk $0xffff, v9;
	v3 =	vmov v13  }
0x10b: {  	s6 =	sadd.s32 $0x50, s6;
	v9 =	vld.idx.msk [tilespmem:v17+s2+$0x0], $0xffff  }
0x10c: {  	v13 =	vld [tilespmem:s6+$0x20]  }
0x10d: {  	v11 =	vmul.f32 v11, v8;
	v16 =	vld.idx.msk [tilespmem:v18+s2+$0x0], $0xffff  }
0x10e: {  	v14 =	vshrl.u32 v14, $0x10;
	v15 =	vmul.f32 v15, v7;
	v21 =	vld.idx.msk [tilespmem:v1+s2+$0x0], $0xffff  }
0x10f: {  	v7 =	vld.idx.msk [tilespmem:v12+s2+$0x0], $0xffff  }
0x110: {  	v22 =	vld.idx.msk [tilespmem:v2+s2+$0x0], $0xffff  }
0x111: {  	v10 =	vld [tilespmem:s6+$0xFFFFFFE0];
	v8 =	vmul.f32 v9, v13  }
0x112: {  	v9 =	vld [tilespmem:s6+$0xFFFFFFF0]  }
0x113: {  	[tilespmem:v14+s30+$0x0] =	vst.idx.add.f32.msk $0xffff, v8  }
0x114: {  	v23 =	vld.idx.msk [tilespmem:v17+s22+$0x0], $0xffff  }
0x115: {  	v8 =	vld [tilespmem:s6+$0x0]  }
0x116: {  	v24 =	vmul.f32 v7, v10;
	v7 =	vld [tilespmem:s6+$0x10]  }
0x117: {  	v16 =	vmul.f32 v16, v9;
	[tilespmem:v6+s3+$0x0] =	vst.idx.add.f32.msk $0xffff, v11;
	v6 =	vmov v19  }
0x118: {  	[tilespmem:v4+s30+$0x0] =	vst.idx.add.f32.msk $0xffff, v24  }
0x119: {  	[tilespmem:v3+s30+$0x0] =	vst.idx.add.f32.msk $0xffff, v16  }
0x11a: {  	v19 =	vmul.f32 v23, v13;
	v11 =	vld.idx.msk [tilespmem:v12+s22+$0x0], $0xffff;
	v16 =	vmul.f32 v21, v8  }
0x11b: {  	v21 =	vld.idx.msk [tilespmem:v18+s22+$0x0], $0xffff;
	v22 =	vmul.f32 v22, v7  }
0x11c: {  	[tilespmem:v14+s31+$0x0] =	vst.idx.add.f32.msk $0xffff, v19  }
0x11d: {  	v19 =	vld.idx.msk [tilespmem:v17+s23+$0x0], $0xffff  }
0x11e: {  	[tilespmem:v6+s30+$0x0] =	vst.idx.add.f32.msk $0xffff, v16  }
0x11f: {  	[tilespmem:v20+s30+$0x0] =	vst.idx.add.f32.msk $0xffff, v22  }
0x120: {  	v11 =	vmul.f32 v11, v10;
	v16 =	vld.idx.msk [tilespmem:v1+s22+$0x0], $0xffff  }
0x121: {  	v21 =	vmul.f32 v21, v9;
	v22 =	vld.idx.msk [tilespmem:v2+s22+$0x0], $0xffff  }
0x122: {  	[tilespmem:v4+s31+$0x0] =	vst.idx.add.f32.msk $0xffff, v11  }
0x123: {  	v11 =	vmul.f32 v19, v13;
	[tilespmem:v3+s31+$0x0] =	vst.idx.add.f32.msk $0xffff, v21  }
0x124: {  	v19 =	vld.idx.msk [tilespmem:v12+s23+$0x0], $0xffff  }
0x125: {  	[tilespmem:v14+s0+$0x0] =	vst.idx.add.f32.msk $0xffff, v11  }
0x126: {  	v11 =	vmul.f32 v16, v8;
	v16 =	vld.idx.msk [tilespmem:v17+s24+$0x0], $0xffff  }
0x127: {  	v21 =	vmul.f32 v22, v7;
	v17 =	vld.idx.msk [tilespmem:v18+s23+$0x0], $0xffff  }
0x128: {  	[tilespmem:v6+s31+$0x0] =	vst.idx.add.f32.msk $0xffff, v11  }
0x129: {  	[tilespmem:v20+s31+$0x0] =	vst.idx.add.f32.msk $0xffff, v21  }
0x12a: {  	v11 =	vmul.f32 v19, v10;
	v19 =	vld.idx.msk [tilespmem:v1+s23+$0x0], $0xffff  }
0x12b: {  	v21 =	vld.idx.msk [tilespmem:v2+s23+$0x0], $0xffff  }
0x12c: {  	v13 =	vmul.f32 v16, v13;
	[tilespmem:v4+s0+$0x0] =	vst.idx.add.f32.msk $0xffff, v11  }
0x12d: {  	v11 =	vld.idx.msk [tilespmem:v12+s24+$0x0], $0xffff;
	v12 =	vmul.f32 v17, v9  }
.Ltmp2:
0x12e: {  	[tilespmem:v14+s3+$0x0] =	vst.idx.add.f32.msk $0xffff, v13;
	(pc) =	sbr.rel @p0 .LBB2_7-.Ltmp2, $4  }
0x12f: {  	[tilespmem:v3+s0+$0x0] =	vst.idx.add.f32.msk $0xffff, v12  }
0x130: {  	v14 =	vmul.f32 v19, v8;
	v12 =	vld.idx.msk [tilespmem:v18+s24+$0x0], $0xffff  }
0x131: {  	v13 =	vmul.f32 v21, v7;
	[tilespmem:v5+s3+$0x0] =	vst.idx.add.f32.msk $0xffff, v15;
	v5 =	vmov v20  }
0x132: {  	s8 =	sadd.s32 $0x50, s8;
	[tilespmem:v6+s0+$0x0] =	vst.idx.add.f32.msk $0xffff, v14  }
0x133: {  	_ =	sdelay $0x3  }
0x134: {  	[tilespmem:v5+s0+$0x0] =	vst.idx.add.f32.msk $0xffff, v13  }
0x135: {  	v1 =	vld.idx.msk [tilespmem:v1+s24+$0x0], $0xffff  }
0x136: {  	v2 =	vld.idx.msk [tilespmem:v2+s24+$0x0], $0xffff  }
0x137: {  	s5 =	sadd.s32 $0x1, s5  }
0x138: {  	v10 =	vmul.f32 v11, v10;
	p0 =	sne.s32 s5, $0xA  }
.Ltmp3:
0x139: {  	v9 =	vmul.f32 v12, v9;
	(pc) =	sbr.rel @p0 .LBB2_4-.Ltmp3, $4  }
0x13a: {  	[tilespmem:v4+s3+$0x0] =	vst.idx.add.f32.msk $0xffff, v10;
	v1 =	vmul.f32 v1, v8  }
0x13b: {  	[tilespmem:v3+s3+$0x0] =	vst.idx.add.f32.msk $0xffff, v9;
	v2 =	vmul.f32 v2, v7  }
0x13c: {  	[tilespmem:v6+s3+$0x0] =	vst.idx.add.f32.msk $0xffff, v1  }
0x13d: {  	[tilespmem:v5+s3+$0x0] =	vst.idx.add.f32.msk $0xffff, v2  }
0x13e: {  	[hbm4b:s13+s20] =	stream.strided.scatter [tilespmem:s30], [sflag:$0x1], $0x2780, s21, s20, $0x38;
	[tilespmem:$0x1BA00] =	vst v63  }
0x13f: {  	_ = 	snop  }
0x140: {  	[hbm4b:s14+s20] =	stream.strided.scatter [tilespmem:s31], [sflag:$0x1], $0x2780, s21, s20, $0x38;
	[tilespmem:$0x1BA00] =	vst v63  }
0x141: {  	_ = 	snop  }
0x142: {  	[hbm4b:s15+s20] =	stream.strided.scatter [tilespmem:s0], [sflag:$0x1], $0x2780, s21, s20, $0x38;
	[tilespmem:$0x1BA00] =	vst v63  }
0x143: {  	_ = 	snop  }
0x144: {  	[hbm4b:s16+s20] =	stream.strided.scatter [tilespmem:s3], [sflag:$0x1], $0x2780, s21, s20, $0x38;
	[tilespmem:$0x1BA00] =	vst v63  }
0x145: {  	_ =	swait.ge [sflag:s25], $0x2780  }
0x146: {  	[sflag:s25] =	ssyncset.done $0x0  }
0x147: {  	[sflag:s25] =	ssyncadd.s32 $0xFFFFD880  }
0x148: {  	_ =	swait.ge [sflag:s25], $0x2780  }
0x149: {  	[sflag:s25] =	ssyncset.done $0x0  }
0x14a: {  	s19 =	sadd.s32 $0x1, s19;
	[sflag:s25] =	ssyncadd.s32 $0xFFFFD880  }
0x14b: {  	p0 =	sne.s32 s19, s17;
	_ =	swait.ge [sflag:s25], $0x2780  }
.Ltmp4:
0x14c: {  	[sflag:s25] =	ssyncset.done $0x0;
	(pc) =	sbr.rel @p0 .LBB2_1-.Ltmp4, $4  }
0x14d: {  	[sflag:s25] =	ssyncadd.s32 $0xFFFFD880  }
0x14e: {  	_ =	swait.ge [sflag:s25], $0x2780  }
0x14f: {  	[sflag:s25] =	ssyncset.done $0x0  }
0x150: {  	[sflag:s25] =	ssyncadd.s32 $0xFFFFD880  }
0x151: {  	_ =	sfence.sel $0x180000  }
0x152: {  	[bflag:$0x0] =	sbarrier.arrive $0xFFFF  }
0x153: {  	_ =	strace $0x90000056  }
0x154: {  	s0 =	stileid.u32;
	[bflag:$0x2] =	sbarrier.arrive $0xFFFF  }
0x155: {  	p0 =	sne.s32 s0, $0x0;
	s0 =	rddreg [dreg:$0x2]  }
0x156: {  	s0 =	sadd.s32 @!p0 $0x100000, s0  }
0x157: {  	[sflag:s0] =	ssyncadd.tile.s32 @!p0 $0x1;
	_ =	shalt  }
.Lfunc_end2:
_tile_overlayer_lowered:
.L_overlay_start_2:
0x158: {  	(tag) =	ssettag $0x2  }
0x159: {  	s0 =	rddreg [dreg:$0x0];
	s2 =	stileid.u32  }
0x15a: {  	s1 =	rddreg [dreg:$0x1];
	p0 =	sne.s32 s2, $0x0  }
0x15b: {  	s3 =	rddreg [dreg:$0x2];
	[bflag:$0x3] =	sbarrier.arrive $0xFFFF;
	s2 =	simm.s32 @!p0 $0x1C04  }
0x15c: {  	[timem:s3], [sflag:s2] =	dma.local @!p0 [hbm:s0], s1  }
0x15d: {  	s0 =	simm.s32 @!p0 $0x4  }
0x15e: {  	_ =	swait.ge @!p0 [sflag:s0], s1  }
0x15f: {  	s1 =	ssub.s32 @!p0 $0x0, s1;
	[sflag:s0] =	ssyncset.done @!p0 $0x0  }
0x160: {  	[sflag:s0] =	ssyncadd.s32 @!p0 s1  }
0x161: {  	[bflag:$0x3] =	sbarrier.arrive $0xFFFF  }
0x162: {  	_ =	shalt  }

</sc_bundles>
